<compile_context>
chip_gen: v7x
topology: tpu7x:2x2x1
jax: 0.10.2.dev20260603
libtpu: 0.0.44.dev20260713+nightly
codegen_flags: <defaults>
</compile_context>

<pallas_src>
import jax
import jax.numpy as jnp
from jax import lax
from jax.experimental import pallas as pl
from jax.experimental.pallas import tpu as pltpu
from jax.experimental.pallas import tpu_sc as plsc

N = 50000
K = 32
NC, NS = 2, 16
NW = NC * NS
KB = 8
NODES_W = 6144
E_C = 384
CHUNKS = NODES_W // E_C
MAIN_N = 8 * NODES_W
FULL_T0 = MAIN_N // 128
N_FULL_T = 6
TAIL_N = FULL_T0 * 128 + N_FULL_T * 128
TAIL_LEN = N - TAIL_N
VEC = 16


def _cols16(c_v, lt_v, idx_v, out_v, off, nb, clamp=False):
    i = nb + off + lax.iota(jnp.int32, VEC)
    ci = c_v[pl.ds(nb + off, VEC)]
    for r in range(KB):
        j = idx_v[r, pl.ds(off, VEC)]
        if clamp:
            j = jnp.clip(j, 0, N - 1)
        cj = plsc.load_gather(c_v, [j])
        eq = ci == cj
        di = j - i
        ad = jnp.abs(di)
        lnv = plsc.load_gather(lt_v, [ad])
        sgn = jnp.sign(di.astype(jnp.float32))
        out_v[0, r, pl.ds(off, VEC)] = jnp.where(eq, 0.0, 1.0)
        out_v[1, r, pl.ds(off, VEC)] = jnp.where(eq, lnv, 0.0)
        out_v[2, r, pl.ds(off, VEC)] = jnp.where(eq, sgn, 0.0)


def _sc_body(edge_hbm, c_hbm, lt_hbm, out_hbm,
             c_v, lt_v, idx0, idx1, out0, out1,
             sem_c, sem_lt, si0, si1, so0, so1):
    wid = lax.axis_index("s") * NC + lax.axis_index("c")
    kb8 = pl.multiple_of((wid & 3) * KB, KB)
    base_n = (wid >> 2) * NODES_W
    idx_bufs, out_bufs = (idx0, idx1), (out0, out1)
    si, so = (si0, si1), (so0, so1)

    def in_slice(nb, cols=E_C):
        return edge_hbm.at[pl.ds(kb8, KB), pl.ds(pl.multiple_of(nb, 128), cols)]

    def out_slice(nb, cols=E_C):
        return out_hbm.at[:, pl.ds(kb8, KB), pl.ds(pl.multiple_of(nb, 128), cols)]

    c_cp = pltpu.async_copy(c_hbm, c_v.at[pl.ds(0, N)], sem_c)
    lt_cp = pltpu.async_copy(lt_hbm, lt_v.at[pl.ds(0, N)], sem_lt)
    pltpu.async_copy(in_slice(base_n), idx0, si0)
    pltpu.async_copy(in_slice(base_n + E_C), idx1, si1)
    c_cp.wait()
    lt_cp.wait()

    def ring(g, _):
        for b in (0, 1):
            ch = 2 * g + b
            nb = base_n + ch * E_C
            idx_v, out_v = idx_bufs[b], out_bufs[b]
            pltpu.make_async_copy(in_slice(nb), idx_v, si[b]).wait()

            @pl.when(g > 0)
            def _():
                pltpu.make_async_copy(out_v, out_slice(nb), so[b]).wait()

            @plsc.parallel_loop(0, E_C, step=VEC, unroll=2)
            def _col(off):
                _cols16(c_v, lt_v, idx_v, out_v, off, nb)

            pltpu.async_copy(out_v, out_slice(nb), so[b])

            @pl.when(ch + 2 < CHUNKS)
            def _():
                pltpu.async_copy(
                    in_slice(base_n + (ch + 2) * E_C), idx_v, si[b])
        return 0

    lax.fori_loop(0, CHUNKS // 2, ring, 0)
    for b in (0, 1):
        nb = base_n + (CHUNKS - 2 + b) * E_C
        pltpu.make_async_copy(out_bufs[b], out_slice(nb), so[b]).wait()

    @pl.when(wid < 4 * N_FULL_T)
    def _extra():
        nb = (FULL_T0 + (wid >> 2)) * 128
        pltpu.sync_copy(in_slice(nb, 128), idx0.at[:, pl.ds(0, 128)])

        @plsc.parallel_loop(0, 128, step=VEC, unroll=2)
        def _col(off):
            _cols16(c_v, lt_v, idx0, out0, off, nb)

        pltpu.sync_copy(out0.at[:, :, pl.ds(0, 128)], out_slice(nb, 128))

    @pl.when((wid >= 28) & (wid < 32))
    def _tail():
        kb8_t = pl.multiple_of((wid - 28) * KB, KB)
        in_ref = edge_hbm.at[pl.ds(kb8_t, KB),
                             pl.ds(pl.multiple_of(TAIL_N, 128), 128)]
        pltpu.sync_copy(in_ref, idx0.at[:, pl.ds(0, 128)])

        @plsc.parallel_loop(0, 128, step=VEC, unroll=2)
        def _col(off):
            _cols16(c_v, lt_v, idx0, out0, off, TAIL_N, clamp=True)

        out_ref = out_hbm.at[:, pl.ds(kb8_t, KB),
                             pl.ds(pl.multiple_of(TAIL_N, 128), 128)]
        pltpu.sync_copy(out0.at[:, :, pl.ds(0, 128)], out_ref)


@jax.jit
def _edge_field(edge_t, c_flat):
    log_tab = jnp.log(jnp.arange(N, dtype=jnp.float32) + 1.0)
    mesh = plsc.VectorSubcoreMesh(
        core_axis_name="c", subcore_axis_name="s",
        num_cores=NC, num_subcores=NS)
    run = pl.kernel(
        _sc_body,
        out_type=jax.ShapeDtypeStruct((3, K, N), jnp.float32),
        mesh=mesh,
        scratch_types=[
            pltpu.VMEM((N + 48,), jnp.int32),
            pltpu.VMEM((N + 48,), jnp.float32),
            pltpu.VMEM((KB, E_C), jnp.int32),
            pltpu.VMEM((KB, E_C), jnp.int32),
            pltpu.VMEM((3, KB, E_C), jnp.float32),
            pltpu.VMEM((3, KB, E_C), jnp.float32),
            pltpu.SemaphoreType.DMA,
            pltpu.SemaphoreType.DMA,
            pltpu.SemaphoreType.DMA,
            pltpu.SemaphoreType.DMA,
            pltpu.SemaphoreType.DMA,
            pltpu.SemaphoreType.DMA,
        ],
        compiler_params=pltpu.CompilerParams(needs_layout_passes=False),
    )
    return run(edge_t, c_flat, log_tab)


def kernel(X, edge_idx, C):
    del X
    edge_t = jnp.transpose(edge_idx[0], (1, 0))
    out_t = _edge_field(edge_t, C.reshape(N))
    return jnp.transpose(out_t, (2, 1, 0))[None]

# --- scband reference (transcript-rebuilt; emitter-appended) ---
"""Pipeline reference for scband-edge-distance-field-23759759081733 (READ-ONLY COPY).

The authoritative reference and input builder live on the scoring server;
editing this copy changes nothing except your own understanding.
"""

import jax, jax.numpy as jnp
import numpy as np

def setup_inputs(seed: int = 0) -> dict:
    key = jax.random.key(seed)
    k1, k2, k3 = jax.random.split(key, 3)
    X = jax.random.normal(k1, (1, 50000, 4, 3), dtype=jnp.float32)
    edge_idx = jax.random.randint(k2, (1, 50000, 32), 0, 50000, dtype=jnp.int64 if jax.config.jax_enable_x64 else jnp.int32).astype(jnp.int32)
    C = jax.random.randint(k3, (1, 50000), 0, 8, dtype=jnp.int32)
    return {"X": X, "edge_idx": edge_idx, "C": C}

def collect_neighbors(node_h, edge_idx):
    # node_h: (B, N, d), edge_idx: (B, N, K) -> (B, N, K, d)
    B, N, K = edge_idx.shape
    d = node_h.shape[-1]
    flat_idx = edge_idx.reshape(B, N * K)
    gathered = jnp.take_along_axis(node_h, flat_idx[:, :, None], axis=1)
    return gathered.reshape(B, N, K, d)

def reference(X, edge_idx, C):
    field_i = C[:, :, None]  # (B, N, 1)
    field_j = collect_neighbors(field_i, edge_idx)[..., 0]  # (B, N, K)
    is_interface = jnp.not_equal(field_i, field_j).astype(jnp.float32)
    N = edge_idx.shape[1]
    residue_i = jnp.arange(N).reshape(1, -1, 1)
    residue_j = edge_idx
    D_signed = (residue_j - residue_i).astype(jnp.float32)
    D_residue = jnp.abs(D_signed)
    D_intra = (1.0 - is_interface) * jnp.log(D_residue + 1.0)
    D_intra_sign = (1.0 - is_interface) * jnp.sign(D_signed)
    edge_h = jnp.stack([is_interface, D_intra, D_intra_sign], axis=-1)
    return edge_h

if __name__ == "__main__":
    import jax
    _d = setup_inputs()
    print(jax.jit(kernel)(*tuple(_d.values())))

</pallas_src>

<mosaic_0001>
#map = affine_map<(d0, d1) -> (0, 0)>
#map1 = affine_map<(d0, d1) -> (0)>
#map2 = affine_map<(d0, d1) -> (0, 0, 0)>
module attributes {stable_mosaic.version = 14 : i64} {
  func.func @_sc_body(%arg0: i32, %arg1: i32, %arg2: memref<32x50000xi32, #tpu.memory_space<hbm>>, %arg3: memref<50000xi32, #tpu.memory_space<hbm>>, %arg4: memref<50000xf32, #tpu.memory_space<hbm>>, %arg5: memref<3x32x50000xf32, #tpu.memory_space<hbm>>, %arg6: memref<50048xi32, #tpu.memory_space<vmem>>, %arg7: memref<50048xf32, #tpu.memory_space<vmem>>, %arg8: memref<8x384xi32, #tpu.memory_space<vmem>>, %arg9: memref<8x384xi32, #tpu.memory_space<vmem>>, %arg10: memref<3x8x384xf32, #tpu.memory_space<vmem>>, %arg11: memref<3x8x384xf32, #tpu.memory_space<vmem>>, %arg12: memref<!tpu.dma_semaphore, #tpu.memory_space<semaphore_mem>>, %arg13: memref<!tpu.dma_semaphore, #tpu.memory_space<semaphore_mem>>, %arg14: memref<!tpu.dma_semaphore, #tpu.memory_space<semaphore_mem>>, %arg15: memref<!tpu.dma_semaphore, #tpu.memory_space<semaphore_mem>>, %arg16: memref<!tpu.dma_semaphore, #tpu.memory_space<semaphore_mem>>, %arg17: memref<!tpu.dma_semaphore, #tpu.memory_space<semaphore_mem>>) attributes {dimension_semantics = [#tpu.dimension_semantics<core_parallel>, #tpu.dimension_semantics<subcore_parallel>], iteration_bounds = array<i64: 2, 16>, scalar_prefetch = 0 : i64, scratch_operands = 12 : i64, tpu.core_type = #tpu.core_type<sc_vector_subcore>, window_params = [{transform_indices = #map}, {transform_indices = #map1}, {transform_indices = #map1}, {transform_indices = #map2}]} {
    %mul3A = arith.constant 2 : i32
    %mul3A_0 = arith.muli %arg1, %mul3A : i32
    %add3A = arith.addi %mul3A_0, %arg0 : i32
    %and3A = arith.constant 3 : i32
    %and3A_1 = arith.andi %add3A, %and3A : i32
    %mul3A_2 = arith.constant 8 : i32
    %mul3A_3 = arith.muli %and3A_1, %mul3A_2 : i32
    %multiple_of3A = tpu.assume_multiple %mul3A_3, 8 : i32
    %shift_right_arithmetic3A = arith.constant 2 : i32
    %shift_right_arithmetic3A_4 = arith.shrsi %add3A, %shift_right_arithmetic3A : i32
    %mul3A_5 = arith.constant 6144 : i32
    %mul3A_6 = arith.muli %shift_right_arithmetic3A_4, %mul3A_5 : i32
    %dma_start3A = arith.constant 0 : i32
    %dma_start3A_7 = tpu.memref_slice %arg6[%dma_start3A] : memref<50048xi32, #tpu.memory_space<vmem>> -> memref<50000xi32, #tpu.memory_space<vmem>>
    %dma_start3A_8 = arith.constant 0 : i32
    %dma_start3A_9 = tpu.memref_slice %arg6[%dma_start3A_8] : memref<50048xi32, #tpu.memory_space<vmem>> -> memref<50000xi32, #tpu.memory_space<vmem>>
    tpu.enqueue_dma source(%arg3 : memref<50000xi32, #tpu.memory_space<hbm>>) target(%dma_start3A_9 : memref<50000xi32, #tpu.memory_space<vmem>>) target_semaphore(%arg12 : memref<!tpu.dma_semaphore, #tpu.memory_space<semaphore_mem>>)
    %dma_start3A_10 = arith.constant 0 : i32
    %dma_start3A_11 = tpu.memref_slice %arg7[%dma_start3A_10] : memref<50048xf32, #tpu.memory_space<vmem>> -> memref<50000xf32, #tpu.memory_space<vmem>>
    %dma_start3A_12 = arith.constant 0 : i32
    %dma_start3A_13 = tpu.memref_slice %arg7[%dma_start3A_12] : memref<50048xf32, #tpu.memory_space<vmem>> -> memref<50000xf32, #tpu.memory_space<vmem>>
    tpu.enqueue_dma source(%arg4 : memref<50000xf32, #tpu.memory_space<hbm>>) target(%dma_start3A_13 : memref<50000xf32, #tpu.memory_space<vmem>>) target_semaphore(%arg13 : memref<!tpu.dma_semaphore, #tpu.memory_space<semaphore_mem>>)
    %multiple_of3A_14 = tpu.assume_multiple %mul3A_6, 128 : i32
    %dma_start3A_15 = tpu.memref_slice %arg2[%multiple_of3A, %multiple_of3A_14] : memref<32x50000xi32, #tpu.memory_space<hbm>> -> memref<8x384xi32, #tpu.memory_space<hbm>>
    %dma_start3A_16 = tpu.memref_slice %arg2[%multiple_of3A, %multiple_of3A_14] : memref<32x50000xi32, #tpu.memory_space<hbm>> -> memref<8x384xi32, #tpu.memory_space<hbm>>
    tpu.enqueue_dma source(%dma_start3A_16 : memref<8x384xi32, #tpu.memory_space<hbm>>) target(%arg8 : memref<8x384xi32, #tpu.memory_space<vmem>>) target_semaphore(%arg14 : memref<!tpu.dma_semaphore, #tpu.memory_space<semaphore_mem>>)
    %add3A_17 = arith.constant 384 : i32
    %add3A_18 = arith.addi %mul3A_6, %add3A_17 : i32
    %multiple_of3A_19 = tpu.assume_multiple %add3A_18, 128 : i32
    %dma_start3A_20 = tpu.memref_slice %arg2[%multiple_of3A, %multiple_of3A_19] : memref<32x50000xi32, #tpu.memory_space<hbm>> -> memref<8x384xi32, #tpu.memory_space<hbm>>
    %dma_start3A_21 = tpu.memref_slice %arg2[%multiple_of3A, %multiple_of3A_19] : memref<32x50000xi32, #tpu.memory_space<hbm>> -> memref<8x384xi32, #tpu.memory_space<hbm>>
    tpu.enqueue_dma source(%dma_start3A_21 : memref<8x384xi32, #tpu.memory_space<hbm>>) target(%arg9 : memref<8x384xi32, #tpu.memory_space<vmem>>) target_semaphore(%arg15 : memref<!tpu.dma_semaphore, #tpu.memory_space<semaphore_mem>>)
    %dma_wait3A = arith.constant 0 : i32
    %dma_wait3A_22 = tpu.memref_slice %arg6[%dma_wait3A] : memref<50048xi32, #tpu.memory_space<vmem>> -> memref<50000xi32, #tpu.memory_space<vmem>>
    %dma_wait3A_23 = arith.constant 0 : i32
    %dma_wait3A_24 = tpu.memref_slice %arg6[%dma_wait3A_23] : memref<50048xi32, #tpu.memory_space<vmem>> -> memref<50000xi32, #tpu.memory_space<vmem>>
    tpu.wait_dma2 semaphore(%arg12 : memref<!tpu.dma_semaphore, #tpu.memory_space<semaphore_mem>>) src(%arg3 : memref<50000xi32, #tpu.memory_space<hbm>>) dst(%dma_wait3A_24 : memref<50000xi32, #tpu.memory_space<vmem>>)
    %dma_wait3A_25 = arith.constant 0 : i32
    %dma_wait3A_26 = tpu.memref_slice %arg7[%dma_wait3A_25] : memref<50048xf32, #tpu.memory_space<vmem>> -> memref<50000xf32, #tpu.memory_space<vmem>>
    %dma_wait3A_27 = arith.constant 0 : i32
    %dma_wait3A_28 = tpu.memref_slice %arg7[%dma_wait3A_27] : memref<50048xf32, #tpu.memory_space<vmem>> -> memref<50000xf32, #tpu.memory_space<vmem>>
    tpu.wait_dma2 semaphore(%arg13 : memref<!tpu.dma_semaphore, #tpu.memory_space<semaphore_mem>>) src(%arg4 : memref<50000xf32, #tpu.memory_space<hbm>>) dst(%dma_wait3A_28 : memref<50000xf32, #tpu.memory_space<vmem>>)
    %scan3A = arith.constant 0 : i32
    %scan3A_29 = arith.constant 0 : i32
    %scan3A_30 = arith.constant 8 : i32
    %scan3A_31 = arith.addi %scan3A_29, %scan3A_30 : i32
    %scan3A_32 = arith.constant 1 : i32
    %scan3A_33 = scf.for %scan3A_58 = %scan3A_29 to %scan3A_31 step %scan3A_32 iter_args(%scan3A_59 = %scan3A) -> (i32)  : i32 {
      %mul3A_60 = arith.constant 2 : i32
      %mul3A_61 = arith.muli %mul3A_60, %scan3A_58 : i32
      %add3A_62 = arith.constant 0 : i32
      %add3A_63 = arith.addi %mul3A_61, %add3A_62 : i32
      %mul3A_64 = arith.constant 384 : i32
      %mul3A_65 = arith.muli %add3A_63, %mul3A_64 : i32
      %add3A_66 = arith.addi %mul3A_6, %mul3A_65 : i32
      %multiple_of3A_67 = tpu.assume_multiple %add3A_66, 128 : i32
      %dma_wait3A_68 = tpu.memref_slice %arg2[%multiple_of3A, %multiple_of3A_67] : memref<32x50000xi32, #tpu.memory_space<hbm>> -> memref<8x384xi32, #tpu.memory_space<hbm>>
      %dma_wait3A_69 = tpu.memref_slice %arg2[%multiple_of3A, %multiple_of3A_67] : memref<32x50000xi32, #tpu.memory_space<hbm>> -> memref<8x384xi32, #tpu.memory_space<hbm>>
      tpu.wait_dma2 semaphore(%arg14 : memref<!tpu.dma_semaphore, #tpu.memory_space<semaphore_mem>>) src(%dma_wait3A_69 : memref<8x384xi32, #tpu.memory_space<hbm>>) dst(%arg8 : memref<8x384xi32, #tpu.memory_space<vmem>>)
      %gt3A = arith.constant 0 : i32
      %gt3A_70 = arith.cmpi sgt, %scan3A_58, %gt3A : i32
      %convert_element_type3A_71 = arith.extui %gt3A_70 : i1 to i32
      %cond3A_72 = arith.constant 0 : i32
      %cond3A_73 = arith.cmpi ne, %convert_element_type3A_71, %cond3A_72 : i32
      scf.if %cond3A_73 {
        %multiple_of3A_119 = tpu.assume_multiple %add3A_66, 128 : i32
        %dma_wait3A_120 = arith.constant 0 : i32
        %dma_wait3A_121 = tpu.memref_slice %arg5[%dma_wait3A_120, %multiple_of3A, %multiple_of3A_119] : memref<3x32x50000xf32, #tpu.memory_space<hbm>> -> memref<3x8x384xf32, #tpu.memory_space<hbm>>
        %dma_wait3A_122 = arith.constant 0 : i32
        %dma_wait3A_123 = tpu.memref_slice %arg5[%dma_wait3A_122, %multiple_of3A, %multiple_of3A_119] : memref<3x32x50000xf32, #tpu.memory_space<hbm>> -> memref<3x8x384xf32, #tpu.memory_space<hbm>>
        tpu.wait_dma2 semaphore(%arg16 : memref<!tpu.dma_semaphore, #tpu.memory_space<semaphore_mem>>) src(%arg10 : memref<3x8x384xf32, #tpu.memory_space<vmem>>) dst(%dma_wait3A_123 : memref<3x8x384xf32, #tpu.memory_space<hbm>>)
      } else {
      }
      %parallel_loop3A = arith.constant 0 : i32
      %parallel_loop3A_74 = arith.constant 384 : i32
      %parallel_loop3A_75 = arith.constant 16 : i32
      scf.for %parallel_loop3A_119 = %parallel_loop3A to %parallel_loop3A_74 step %parallel_loop3A_75  : i32 {
        %parallel_loop3A_120 = arith.addi %add3A_66, %parallel_loop3A_119 : i32
        %parallel_loop3A_121 = tpu.iota {dimensions = array<i32: 0>} : vector<16xi32>
        %parallel_loop3A_122 = vector.broadcast %parallel_loop3A_120 : i32 to vector<16xi32>
        %parallel_loop3A_123 = arith.addi %parallel_loop3A_122, %parallel_loop3A_121 : vector<16xi32>
        %parallel_loop3A_124 = arith.addi %add3A_66, %parallel_loop3A_119 : i32
        %parallel_loop3A_125 = arith.index_cast %parallel_loop3A_124 : i32 to index
        %parallel_loop3A_126 = tpu.vector_load %arg6[%parallel_loop3A_125] {strides = array<i32>} : memref<50048xi32, #tpu.memory_space<vmem>>, vector<16xi32>,
        %parallel_loop3A_127 = arith.constant 0 : i32
        %parallel_loop3A_128 = arith.index_cast %parallel_loop3A_127 : i32 to index
        %parallel_loop3A_129 = arith.index_cast %parallel_loop3A_119 : i32 to index
        %parallel_loop3A_130 = tpu.vector_load %arg8[%parallel_loop3A_128, %parallel_loop3A_129] {strides = array<i32>} : memref<8x384xi32, #tpu.memory_space<vmem>>, vector<16xi32>,
        %parallel_loop3A_131 = tpu.vector_load_idx %arg6[%parallel_loop3A_130] : memref<50048xi32, #tpu.memory_space<vmem>>[vector<16xi32>], vector<16xi32>,
        %parallel_loop3A_132 = arith.cmpi eq, %parallel_loop3A_126, %parallel_loop3A_131 : vector<16xi32>
        %parallel_loop3A_133 = arith.subi %parallel_loop3A_130, %parallel_loop3A_123 : vector<16xi32>
        %parallel_loop3A_134 = math.absi %parallel_loop3A_133 : vector<16xi32>
        %parallel_loop3A_135 = tpu.vector_load_idx %arg7[%parallel_loop3A_134] : memref<50048xf32, #tpu.memory_space<vmem>>[vector<16xi32>], vector<16xf32>,
        %parallel_loop3A_136 = arith.sitofp %parallel_loop3A_133 : vector<16xi32> to vector<16xf32>
        %parallel_loop3A_137 = tpu.bitcast %parallel_loop3A_136 : vector<16xf32> -> vector<16xi32>
        %parallel_loop3A_138 = arith.constant -2147483648 : i32
        %parallel_loop3A_139 = vector.broadcast %parallel_loop3A_138 : i32 to vector<16xi32>
        %parallel_loop3A_140 = arith.andi %parallel_loop3A_137, %parallel_loop3A_139 : vector<16xi32>
        %parallel_loop3A_141 = arith.constant 1065353216 : i32
        %parallel_loop3A_142 = vector.broadcast %parallel_loop3A_141 : i32 to vector<16xi32>
        %parallel_loop3A_143 = arith.ori %parallel_loop3A_142, %parallel_loop3A_140 : vector<16xi32>
        %parallel_loop3A_144 = tpu.bitcast %parallel_loop3A_143 : vector<16xi32> -> vector<16xf32>
        %parallel_loop3A_145 = math.absf %parallel_loop3A_136 : vector<16xf32>
        %parallel_loop3A_146 = arith.constant 0.000000e+00 : f32
        %parallel_loop3A_147 = vector.broadcast %parallel_loop3A_146 : f32 to vector<16xf32>
        %parallel_loop3A_148 = arith.cmpf ogt, %parallel_loop3A_145, %parallel_loop3A_147 : vector<16xf32>
        %parallel_loop3A_149 = arith.select %parallel_loop3A_148, %parallel_loop3A_144, %parallel_loop3A_136 : vector<16xi1>, vector<16xf32>
        %parallel_loop3A_150 = arith.constant 0.000000e+00 : f32
        %parallel_loop3A_151 = arith.constant 1.000000e+00 : f32
        %parallel_loop3A_152 = vector.broadcast %parallel_loop3A_150 : f32 to vector<16xf32>
        %parallel_loop3A_153 = vector.broadcast %parallel_loop3A_151 : f32 to vector<16xf32>
        %parallel_loop3A_154 = arith.select %parallel_loop3A_132, %parallel_loop3A_152, %parallel_loop3A_153 : vector<16xi1>, vector<16xf32>
        %parallel_loop3A_155 = arith.constant 0 : i32
        %parallel_loop3A_156 = arith.constant 0 : i32
        %parallel_loop3A_157 = arith.index_cast %parallel_loop3A_155 : i32 to index
        %parallel_loop3A_158 = arith.index_cast %parallel_loop3A_156 : i32 to index
        %parallel_loop3A_159 = arith.index_cast %parallel_loop3A_119 : i32 to index
        %parallel_loop3A_160 = tpu.vector_load %arg10[%parallel_loop3A_157, %parallel_loop3A_158, %parallel_loop3A_159] {strides = array<i32>} : memref<3x8x384xf32, #tpu.memory_space<vmem>>, vector<16xf32>,
        tpu.vector_store %arg10[%parallel_loop3A_157, %parallel_loop3A_158, %parallel_loop3A_159], %parallel_loop3A_154 {strides = array<i32>} : memref<3x8x384xf32, #tpu.memory_space<vmem>>, vector<16xf32>,
        %parallel_loop3A_161 = arith.constant 0.000000e+00 : f32
        %parallel_loop3A_162 = vector.broadcast %parallel_loop3A_161 : f32 to vector<16xf32>
        %parallel_loop3A_163 = arith.select %parallel_loop3A_132, %parallel_loop3A_135, %parallel_loop3A_162 : vector<16xi1>, vector<16xf32>
        %parallel_loop3A_164 = arith.constant 1 : i32
        %parallel_loop3A_165 = arith.constant 0 : i32
        %parallel_loop3A_166 = arith.index_cast %parallel_loop3A_164 : i32 to index
        %parallel_loop3A_167 = arith.index_cast %parallel_loop3A_165 : i32 to index
        %parallel_loop3A_168 = arith.index_cast %parallel_loop3A_119 : i32 to index
        %parallel_loop3A_169 = tpu.vector_load %arg10[%parallel_loop3A_166, %parallel_loop3A_167, %parallel_loop3A_168] {strides = array<i32>} : memref<3x8x384xf32, #tpu.memory_space<vmem>>, vector<16xf32>,
        tpu.vector_store %arg10[%parallel_loop3A_166, %parallel_loop3A_167, %parallel_loop3A_168], %parallel_loop3A_163 {strides = array<i32>} : memref<3x8x384xf32, #tpu.memory_space<vmem>>, vector<16xf32>,
        %parallel_loop3A_170 = arith.constant 0.000000e+00 : f32
        %parallel_loop3A_171 = vector.broadcast %parallel_loop3A_170 : f32 to vector<16xf32>
        %parallel_loop3A_172 = arith.select %parallel_loop3A_132, %parallel_loop3A_149, %parallel_loop3A_171 : vector<16xi1>, vector<16xf32>
        %parallel_loop3A_173 = arith.constant 2 : i32
        %parallel_loop3A_174 = arith.constant 0 : i32
        %parallel_loop3A_175 = arith.index_cast %parallel_loop3A_173 : i32 to index
        %parallel_loop3A_176 = arith.index_cast %parallel_loop3A_174 : i32 to index
        %parallel_loop3A_177 = arith.index_cast %parallel_loop3A_119 : i32 to index
        %parallel_loop3A_178 = tpu.vector_load %arg10[%parallel_loop3A_175, %parallel_loop3A_176, %parallel_loop3A_177] {strides = array<i32>} : memref<3x8x384xf32, #tpu.memory_space<vmem>>, vector<16xf32>,
        tpu.vector_store %arg10[%parallel_loop3A_175, %parallel_loop3A_176, %parallel_loop3A_177], %parallel_loop3A_172 {strides = array<i32>} : memref<3x8x384xf32, #tpu.memory_space<vmem>>, vector<16xf32>,
        %parallel_loop3A_179 = arith.constant 1 : i32
        %parallel_loop3A_180 = arith.index_cast %parallel_loop3A_179 : i32 to index
        %parallel_loop3A_181 = arith.index_cast %parallel_loop3A_119 : i32 to index
        %parallel_loop3A_182 = tpu.vector_load %arg8[%parallel_loop3A_180, %parallel_loop3A_181] {strides = array<i32>} : memref<8x384xi32, #tpu.memory_space<vmem>>, vector<16xi32>,
        %parallel_loop3A_183 = tpu.vector_load_idx %arg6[%parallel_loop3A_182] : memref<50048xi32, #tpu.memory_space<vmem>>[vector<16xi32>], vector<16xi32>,
        %parallel_loop3A_184 = arith.cmpi eq, %parallel_loop3A_126, %parallel_loop3A_183 : vector<16xi32>
        %parallel_loop3A_185 = arith.subi %parallel_loop3A_182, %parallel_loop3A_123 : vector<16xi32>
        %parallel_loop3A_186 = math.absi %parallel_loop3A_185 : vector<16xi32>
        %parallel_loop3A_187 = tpu.vector_load_idx %arg7[%parallel_loop3A_186] : memref<50048xf32, #tpu.memory_space<vmem>>[vector<16xi32>], vector<16xf32>,
        %parallel_loop3A_188 = arith.sitofp %parallel_loop3A_185 : vector<16xi32> to vector<16xf32>
        %parallel_loop3A_189 = tpu.bitcast %parallel_loop3A_188 : vector<16xf32> -> vector<16xi32>
        %parallel_loop3A_190 = arith.constant -2147483648 : i32
        %parallel_loop3A_191 = vector.broadcast %parallel_loop3A_190 : i32 to vector<16xi32>
        %parallel_loop3A_192 = arith.andi %parallel_loop3A_189, %parallel_loop3A_191 : vector<16xi32>
        %parallel_loop3A_193 = arith.constant 1065353216 : i32
        %parallel_loop3A_194 = vector.broadcast %parallel_loop3A_193 : i32 to vector<16xi32>
        %parallel_loop3A_195 = arith.ori %parallel_loop3A_194, %parallel_loop3A_192 : vector<16xi32>
        %parallel_loop3A_196 = tpu.bitcast %parallel_loop3A_195 : vector<16xi32> -> vector<16xf32>
        %parallel_loop3A_197 = math.absf %parallel_loop3A_188 : vector<16xf32>
        %parallel_loop3A_198 = arith.constant 0.000000e+00 : f32
        %parallel_loop3A_199 = vector.broadcast %parallel_loop3A_198 : f32 to vector<16xf32>
        %parallel_loop3A_200 = arith.cmpf ogt, %parallel_loop3A_197, %parallel_loop3A_199 : vector<16xf32>
        %parallel_loop3A_201 = arith.select %parallel_loop3A_200, %parallel_loop3A_196, %parallel_loop3A_188 : vector<16xi1>, vector<16xf32>
        %parallel_loop3A_202 = arith.constant 0.000000e+00 : f32
        %parallel_loop3A_203 = arith.constant 1.000000e+00 : f32
        %parallel_loop3A_204 = vector.broadcast %parallel_loop3A_202 : f32 to vector<16xf32>
        %parallel_loop3A_205 = vector.broadcast %parallel_loop3A_203 : f32 to vector<16xf32>
        %parallel_loop3A_206 = arith.select %parallel_loop3A_184, %parallel_loop3A_204, %parallel_loop3A_205 : vector<16xi1>, vector<16xf32>
        %parallel_loop3A_207 = arith.constant 0 : i32
        %parallel_loop3A_208 = arith.constant 1 : i32
        %parallel_loop3A_209 = arith.index_cast %parallel_loop3A_207 : i32 to index
        %parallel_loop3A_210 = arith.index_cast %parallel_loop3A_208 : i32 to index
        %parallel_loop3A_211 = arith.index_cast %parallel_loop3A_119 : i32 to index
        %parallel_loop3A_212 = tpu.vector_load %arg10[%parallel_loop3A_209, %parallel_loop3A_210, %parallel_loop3A_211] {strides = array<i32>} : memref<3x8x384xf32, #tpu.memory_space<vmem>>, vector<16xf32>,
        tpu.vector_store %arg10[%parallel_loop3A_209, %parallel_loop3A_210, %parallel_loop3A_211], %parallel_loop3A_206 {strides = array<i32>} : memref<3x8x384xf32, #tpu.memory_space<vmem>>, vector<16xf32>,
        %parallel_loop3A_213 = arith.constant 0.000000e+00 : f32
        %parallel_loop3A_214 = vector.broadcast %parallel_loop3A_213 : f32 to vector<16xf32>
        %parallel_loop3A_215 = arith.select %parallel_loop3A_184, %parallel_loop3A_187, %parallel_loop3A_214 : vector<16xi1>, vector<16xf32>
        %parallel_loop3A_216 = arith.constant 1 : i32
        %parallel_loop3A_217 = arith.constant 1 : i32
        %parallel_loop3A_218 = arith.index_cast %parallel_loop3A_216 : i32 to index
        %parallel_loop3A_219 = arith.index_cast %parallel_loop3A_217 : i32 to index
        %parallel_loop3A_220 = arith.index_cast %parallel_loop3A_119 : i32 to index
        %parallel_loop3A_221 = tpu.vector_load %arg10[%parallel_loop3A_218, %parallel_loop3A_219, %parallel_loop3A_220] {strides = array<i32>} : memref<3x8x384xf32, #tpu.memory_space<vmem>>, vector<16xf32>,
        tpu.vector_store %arg10[%parallel_loop3A_218, %parallel_loop3A_219, %parallel_loop3A_220], %parallel_loop3A_215 {strides = array<i32>} : memref<3x8x384xf32, #tpu.memory_space<vmem>>, vector<16xf32>,
        %parallel_loop3A_222 = arith.constant 0.000000e+00 : f32
        %parallel_loop3A_223 = vector.broadcast %parallel_loop3A_222 : f32 to vector<16xf32>
        %parallel_loop3A_224 = arith.select %parallel_loop3A_184, %parallel_loop3A_201, %parallel_loop3A_223 : vector<16xi1>, vector<16xf32>
        %parallel_loop3A_225 = arith.constant 2 : i32
        %parallel_loop3A_226 = arith.constant 1 : i32
        %parallel_loop3A_227 = arith.index_cast %parallel_loop3A_225 : i32 to index
        %parallel_loop3A_228 = arith.index_cast %parallel_loop3A_226 : i32 to index
        %parallel_loop3A_229 = arith.index_cast %parallel_loop3A_119 : i32 to index
        %parallel_loop3A_230 = tpu.vector_load %arg10[%parallel_loop3A_227, %parallel_loop3A_228, %parallel_loop3A_229] {strides = array<i32>} : memref<3x8x384xf32, #tpu.memory_space<vmem>>, vector<16xf32>,
        tpu.vector_store %arg10[%parallel_loop3A_227, %parallel_loop3A_228, %parallel_loop3A_229], %parallel_loop3A_224 {strides = array<i32>} : memref<3x8x384xf32, #tpu.memory_space<vmem>>, vector<16xf32>,
        %parallel_loop3A_231 = arith.constant 2 : i32
        %parallel_loop3A_232 = arith.index_cast %parallel_loop3A_231 : i32 to index
        %parallel_loop3A_233 = arith.index_cast %parallel_loop3A_119 : i32 to index
        %parallel_loop3A_234 = tpu.vector_load %arg8[%parallel_loop3A_232, %parallel_loop3A_233] {strides = array<i32>} : memref<8x384xi32, #tpu.memory_space<vmem>>, vector<16xi32>,
        %parallel_loop3A_235 = tpu.vector_load_idx %arg6[%parallel_loop3A_234] : memref<50048xi32, #tpu.memory_space<vmem>>[vector<16xi32>], vector<16xi32>,
        %parallel_loop3A_236 = arith.cmpi eq, %parallel_loop3A_126, %parallel_loop3A_235 : vector<16xi32>
        %parallel_loop3A_237 = arith.subi %parallel_loop3A_234, %parallel_loop3A_123 : vector<16xi32>
        %parallel_loop3A_238 = math.absi %parallel_loop3A_237 : vector<16xi32>
        %parallel_loop3A_239 = tpu.vector_load_idx %arg7[%parallel_loop3A_238] : memref<50048xf32, #tpu.memory_space<vmem>>[vector<16xi32>], vector<16xf32>,
        %parallel_loop3A_240 = arith.sitofp %parallel_loop3A_237 : vector<16xi32> to vector<16xf32>
        %parallel_loop3A_241 = tpu.bitcast %parallel_loop3A_240 : vector<16xf32> -> vector<16xi32>
        %parallel_loop3A_242 = arith.constant -2147483648 : i32
        %parallel_loop3A_243 = vector.broadcast %parallel_loop3A_242 : i32 to vector<16xi32>
        %parallel_loop3A_244 = arith.andi %parallel_loop3A_241, %parallel_loop3A_243 : vector<16xi32>
        %parallel_loop3A_245 = arith.constant 1065353216 : i32
        %parallel_loop3A_246 = vector.broadcast %parallel_loop3A_245 : i32 to vector<16xi32>
        %parallel_loop3A_247 = arith.ori %parallel_loop3A_246, %parallel_loop3A_244 : vector<16xi32>
        %parallel_loop3A_248 = tpu.bitcast %parallel_loop3A_247 : vector<16xi32> -> vector<16xf32>
        %parallel_loop3A_249 = math.absf %parallel_loop3A_240 : vector<16xf32>
        %parallel_loop3A_250 = arith.constant 0.000000e+00 : f32
        %parallel_loop3A_251 = vector.broadcast %parallel_loop3A_250 : f32 to vector<16xf32>
        %parallel_loop3A_252 = arith.cmpf ogt, %parallel_loop3A_249, %parallel_loop3A_251 : vector<16xf32>
        %parallel_loop3A_253 = arith.select %parallel_loop3A_252, %parallel_loop3A_248, %parallel_loop3A_240 : vector<16xi1>, vector<16xf32>
        %parallel_loop3A_254 = arith.constant 0.000000e+00 : f32
        %parallel_loop3A_255 = arith.constant 1.000000e+00 : f32
        %parallel_loop3A_256 = vector.broadcast %parallel_loop3A_254 : f32 to vector<16xf32>
        %parallel_loop3A_257 = vector.broadcast %parallel_loop3A_255 : f32 to vector<16xf32>
        %parallel_loop3A_258 = arith.select %parallel_loop3A_236, %parallel_loop3A_256, %parallel_loop3A_257 : vector<16xi1>, vector<16xf32>
        %parallel_loop3A_259 = arith.constant 0 : i32
        %parallel_loop3A_260 = arith.constant 2 : i32
        %parallel_loop3A_261 = arith.index_cast %parallel_loop3A_259 : i32 to index
        %parallel_loop3A_262 = arith.index_cast %parallel_loop3A_260 : i32 to index
        %parallel_loop3A_263 = arith.index_cast %parallel_loop3A_119 : i32 to index
        %parallel_loop3A_264 = tpu.vector_load %arg10[%parallel_loop3A_261, %parallel_loop3A_262, %parallel_loop3A_263] {strides = array<i32>} : memref<3x8x384xf32, #tpu.memory_space<vmem>>, vector<16xf32>,
        tpu.vector_store %arg10[%parallel_loop3A_261, %parallel_loop3A_262, %parallel_loop3A_263], %parallel_loop3A_258 {strides = array<i32>} : memref<3x8x384xf32, #tpu.memory_space<vmem>>, vector<16xf32>,
        %parallel_loop3A_265 = arith.constant 0.000000e+00 : f32
        %parallel_loop3A_266 = vector.broadcast %parallel_loop3A_265 : f32 to vector<16xf32>
        %parallel_loop3A_267 = arith.select %parallel_loop3A_236, %parallel_loop3A_239, %parallel_loop3A_266 : vector<16xi1>, vector<16xf32>
        %parallel_loop3A_268 = arith.constant 1 : i32
        %parallel_loop3A_269 = arith.constant 2 : i32
        %parallel_loop3A_270 = arith.index_cast %parallel_loop3A_268 : i32 to index
        %parallel_loop3A_271 = arith.index_cast %parallel_loop3A_269 : i32 to index
        %parallel_loop3A_272 = arith.index_cast %parallel_loop3A_119 : i32 to index
        %parallel_loop3A_273 = tpu.vector_load %arg10[%parallel_loop3A_270, %parallel_loop3A_271, %parallel_loop3A_272] {strides = array<i32>} : memref<3x8x384xf32, #tpu.memory_space<vmem>>, vector<16xf32>,
        tpu.vector_store %arg10[%parallel_loop3A_270, %parallel_loop3A_271, %parallel_loop3A_272], %parallel_loop3A_267 {strides = array<i32>} : memref<3x8x384xf32, #tpu.memory_space<vmem>>, vector<16xf32>,
        %parallel_loop3A_274 = arith.constant 0.000000e+00 : f32
        %parallel_loop3A_275 = vector.broadcast %parallel_loop3A_274 : f32 to vector<16xf32>
        %parallel_loop3A_276 = arith.select %parallel_loop3A_236, %parallel_loop3A_253, %parallel_loop3A_275 : vector<16xi1>, vector<16xf32>
        %parallel_loop3A_277 = arith.constant 2 : i32
        %parallel_loop3A_278 = arith.constant 2 : i32
        %parallel_loop3A_279 = arith.index_cast %parallel_loop3A_277 : i32 to index
        %parallel_loop3A_280 = arith.index_cast %parallel_loop3A_278 : i32 to index
        %parallel_loop3A_281 = arith.index_cast %parallel_loop3A_119 : i32 to index
        %parallel_loop3A_282 = tpu.vector_load %arg10[%parallel_loop3A_279, %parallel_loop3A_280, %parallel_loop3A_281] {strides = array<i32>} : memref<3x8x384xf32, #tpu.memory_space<vmem>>, vector<16xf32>,
        tpu.vector_store %arg10[%parallel_loop3A_279, %parallel_loop3A_280, %parallel_loop3A_281], %parallel_loop3A_276 {strides = array<i32>} : memref<3x8x384xf32, #tpu.memory_space<vmem>>, vector<16xf32>,
        %parallel_loop3A_283 = arith.constant 3 : i32
        %parallel_loop3A_284 = arith.index_cast %parallel_loop3A_283 : i32 to index
        %parallel_loop3A_285 = arith.index_cast %parallel_loop3A_119 : i32 to index
        %parallel_loop3A_286 = tpu.vector_load %arg8[%parallel_loop3A_284, %parallel_loop3A_285] {strides = array<i32>} : memref<8x384xi32, #tpu.memory_space<vmem>>, vector<16xi32>,
        %parallel_loop3A_287 = tpu.vector_load_idx %arg6[%parallel_loop3A_286] : memref<50048xi32, #tpu.memory_space<vmem>>[vector<16xi32>], vector<16xi32>,
        %parallel_loop3A_288 = arith.cmpi eq, %parallel_loop3A_126, %parallel_loop3A_287 : vector<16xi32>
        %parallel_loop3A_289 = arith.subi %parallel_loop3A_286, %parallel_loop3A_123 : vector<16xi32>
        %parallel_loop3A_290 = math.absi %parallel_loop3A_289 : vector<16xi32>
        %parallel_loop3A_291 = tpu.vector_load_idx %arg7[%parallel_loop3A_290] : memref<50048xf32, #tpu.memory_space<vmem>>[vector<16xi32>], vector<16xf32>,
        %parallel_loop3A_292 = arith.sitofp %parallel_loop3A_289 : vector<16xi32> to vector<16xf32>
        %parallel_loop3A_293 = tpu.bitcast %parallel_loop3A_292 : vector<16xf32> -> vector<16xi32>
        %parallel_loop3A_294 = arith.constant -2147483648 : i32
        %parallel_loop3A_295 = vector.broadcast %parallel_loop3A_294 : i32 to vector<16xi32>
        %parallel_loop3A_296 = arith.andi %parallel_loop3A_293, %parallel_loop3A_295 : vector<16xi32>
        %parallel_loop3A_297 = arith.constant 1065353216 : i32
        %parallel_loop3A_298 = vector.broadcast %parallel_loop3A_297 : i32 to vector<16xi32>
        %parallel_loop3A_299 = arith.ori %parallel_loop3A_298, %parallel_loop3A_296 : vector<16xi32>
        %parallel_loop3A_300 = tpu.bitcast %parallel_loop3A_299 : vector<16xi32> -> vector<16xf32>
        %parallel_loop3A_301 = math.absf %parallel_loop3A_292 : vector<16xf32>
        %parallel_loop3A_302 = arith.constant 0.000000e+00 : f32
        %parallel_loop3A_303 = vector.broadcast %parallel_loop3A_302 : f32 to vector<16xf32>
        %parallel_loop3A_304 = arith.cmpf ogt, %parallel_loop3A_301, %parallel_loop3A_303 : vector<16xf32>
        %parallel_loop3A_305 = arith.select %parallel_loop3A_304, %parallel_loop3A_300, %parallel_loop3A_292 : vector<16xi1>, vector<16xf32>
        %parallel_loop3A_306 = arith.constant 0.000000e+00 : f32
        %parallel_loop3A_307 = arith.constant 1.000000e+00 : f32
        %parallel_loop3A_308 = vector.broadcast %parallel_loop3A_306 : f32 to vector<16xf32>
        %parallel_loop3A_309 = vector.broadcast %parallel_loop3A_307 : f32 to vector<16xf32>
        %parallel_loop3A_310 = arith.select %parallel_loop3A_288, %parallel_loop3A_308, %parallel_loop3A_309 : vector<16xi1>, vector<16xf32>
        %parallel_loop3A_311 = arith.constant 0 : i32
        %parallel_loop3A_312 = arith.constant 3 : i32
        %parallel_loop3A_313 = arith.index_cast %parallel_loop3A_311 : i32 to index
        %parallel_loop3A_314 = arith.index_cast %parallel_loop3A_312 : i32 to index
        %parallel_loop3A_315 = arith.index_cast %parallel_loop3A_119 : i32 to index
        %parallel_loop3A_316 = tpu.vector_load %arg10[%parallel_loop3A_313, %parallel_loop3A_314, %parallel_loop3A_315] {strides = array<i32>} : memref<3x8x384xf32, #tpu.memory_space<vmem>>, vector<16xf32>,
        tpu.vector_store %arg10[%parallel_loop3A_313, %parallel_loop3A_314, %parallel_loop3A_315], %parallel_loop3A_310 {strides = array<i32>} : memref<3x8x384xf32, #tpu.memory_space<vmem>>, vector<16xf32>,
        %parallel_loop3A_317 = arith.constant 0.000000e+00 : f32
        %parallel_loop3A_318 = vector.broadcast %parallel_loop3A_317 : f32 to vector<16xf32>
        %parallel_loop3A_319 = arith.select %parallel_loop3A_288, %parallel_loop3A_291, %parallel_loop3A_318 : vector<16xi1>, vector<16xf32>
        %parallel_loop3A_320 = arith.constant 1 : i32
        %parallel_loop3A_321 = arith.constant 3 : i32
        %parallel_loop3A_322 = arith.index_cast %parallel_loop3A_320 : i32 to index
        %parallel_loop3A_323 = arith.index_cast %parallel_loop3A_321 : i32 to index
        %parallel_loop3A_324 = arith.index_cast %parallel_loop3A_119 : i32 to index
        %parallel_loop3A_325 = tpu.vector_load %arg10[%parallel_loop3A_322, %parallel_loop3A_323, %parallel_loop3A_324] {strides = array<i32>} : memref<3x8x384xf32, #tpu.memory_space<vmem>>, vector<16xf32>,
        tpu.vector_store %arg10[%parallel_loop3A_322, %parallel_loop3A_323, %parallel_loop3A_324], %parallel_loop3A_319 {strides = array<i32>} : memref<3x8x384xf32, #tpu.memory_space<vmem>>, vector<16xf32>,
        %parallel_loop3A_326 = arith.constant 0.000000e+00 : f32
        %parallel_loop3A_327 = vector.broadcast %parallel_loop3A_326 : f32 to vector<16xf32>
        %parallel_loop3A_328 = arith.select %parallel_loop3A_288, %parallel_loop3A_305, %parallel_loop3A_327 : vector<16xi1>, vector<16xf32>
        %parallel_loop3A_329 = arith.constant 2 : i32
        %parallel_loop3A_330 = arith.constant 3 : i32
        %parallel_loop3A_331 = arith.index_cast %parallel_loop3A_329 : i32 to index
        %parallel_loop3A_332 = arith.index_cast %parallel_loop3A_330 : i32 to index
        %parallel_loop3A_333 = arith.index_cast %parallel_loop3A_119 : i32 to index
        %parallel_loop3A_334 = tpu.vector_load %arg10[%parallel_loop3A_331, %parallel_loop3A_332, %parallel_loop3A_333] {strides = array<i32>} : memref<3x8x384xf32, #tpu.memory_space<vmem>>, vector<16xf32>,
        tpu.vector_store %arg10[%parallel_loop3A_331, %parallel_loop3A_332, %parallel_loop3A_333], %parallel_loop3A_328 {strides = array<i32>} : memref<3x8x384xf32, #tpu.memory_space<vmem>>, vector<16xf32>,
        %parallel_loop3A_335 = arith.constant 4 : i32
        %parallel_loop3A_336 = arith.index_cast %parallel_loop3A_335 : i32 to index
        %parallel_loop3A_337 = arith.index_cast %parallel_loop3A_119 : i32 to index
        %parallel_loop3A_338 = tpu.vector_load %arg8[%parallel_loop3A_336, %parallel_loop3A_337] {strides = array<i32>} : memref<8x384xi32, #tpu.memory_space<vmem>>, vector<16xi32>,
        %parallel_loop3A_339 = tpu.vector_load_idx %arg6[%parallel_loop3A_338] : memref<50048xi32, #tpu.memory_space<vmem>>[vector<16xi32>], vector<16xi32>,
        %parallel_loop3A_340 = arith.cmpi eq, %parallel_loop3A_126, %parallel_loop3A_339 : vector<16xi32>
        %parallel_loop3A_341 = arith.subi %parallel_loop3A_338, %parallel_loop3A_123 : vector<16xi32>
        %parallel_loop3A_342 = math.absi %parallel_loop3A_341 : vector<16xi32>
        %parallel_loop3A_343 = tpu.vector_load_idx %arg7[%parallel_loop3A_342] : memref<50048xf32, #tpu.memory_space<vmem>>[vector<16xi32>], vector<16xf32>,
        %parallel_loop3A_344 = arith.sitofp %parallel_loop3A_341 : vector<16xi32> to vector<16xf32>
        %parallel_loop3A_345 = tpu.bitcast %parallel_loop3A_344 : vector<16xf32> -> vector<16xi32>
        %parallel_loop3A_346 = arith.constant -2147483648 : i32
        %parallel_loop3A_347 = vector.broadcast %parallel_loop3A_346 : i32 to vector<16xi32>
        %parallel_loop3A_348 = arith.andi %parallel_loop3A_345, %parallel_loop3A_347 : vector<16xi32>
        %parallel_loop3A_349 = arith.constant 1065353216 : i32
        %parallel_loop3A_350 = vector.broadcast %parallel_loop3A_349 : i32 to vector<16xi32>
        %parallel_loop3A_351 = arith.ori %parallel_loop3A_350, %parallel_loop3A_348 : vector<16xi32>
        %parallel_loop3A_352 = tpu.bitcast %parallel_loop3A_351 : vector<16xi32> -> vector<16xf32>
        %parallel_loop3A_353 = math.absf %parallel_loop3A_344 : vector<16xf32>
        %parallel_loop3A_354 = arith.constant 0.000000e+00 : f32
        %parallel_loop3A_355 = vector.broadcast %parallel_loop3A_354 : f32 to vector<16xf32>
        %parallel_loop3A_356 = arith.cmpf ogt, %parallel_loop3A_353, %parallel_loop3A_355 : vector<16xf32>
        %parallel_loop3A_357 = arith.select %parallel_loop3A_356, %parallel_loop3A_352, %parallel_loop3A_344 : vector<16xi1>, vector<16xf32>
        %parallel_loop3A_358 = arith.constant 0.000000e+00 : f32
        %parallel_loop3A_359 = arith.constant 1.000000e+00 : f32
        %parallel_loop3A_360 = vector.broadcast %parallel_loop3A_358 : f32 to vector<16xf32>
        %parallel_loop3A_361 = vector.broadcast %parallel_loop3A_359 : f32 to vector<16xf32>
        %parallel_loop3A_362 = arith.select %parallel_loop3A_340, %parallel_loop3A_360, %parallel_loop3A_361 : vector<16xi1>, vector<16xf32>
        %parallel_loop3A_363 = arith.constant 0 : i32
        %parallel_loop3A_364 = arith.constant 4 : i32
        %parallel_loop3A_365 = arith.index_cast %parallel_loop3A_363 : i32 to index
        %parallel_loop3A_366 = arith.index_cast %parallel_loop3A_364 : i32 to index
        %parallel_loop3A_367 = arith.index_cast %parallel_loop3A_119 : i32 to index
        %parallel_loop3A_368 = tpu.vector_load %arg10[%parallel_loop3A_365, %parallel_loop3A_366, %parallel_loop3A_367] {strides = array<i32>} : memref<3x8x384xf32, #tpu.memory_space<vmem>>, vector<16xf32>,
        tpu.vector_store %arg10[%parallel_loop3A_365, %parallel_loop3A_366, %parallel_loop3A_367], %parallel_loop3A_362 {strides = array<i32>} : memref<3x8x384xf32, #tpu.memory_space<vmem>>, vector<16xf32>,
        %parallel_loop3A_369 = arith.constant 0.000000e+00 : f32
        %parallel_loop3A_370 = vector.broadcast %parallel_loop3A_369 : f32 to vector<16xf32>
        %parallel_loop3A_371 = arith.select %parallel_loop3A_340, %parallel_loop3A_343, %parallel_loop3A_370 : vector<16xi1>, vector<16xf32>
        %parallel_loop3A_372 = arith.constant 1 : i32
        %parallel_loop3A_373 = arith.constant 4 : i32
        %parallel_loop3A_374 = arith.index_cast %parallel_loop3A_372 : i32 to index
        %parallel_loop3A_375 = arith.index_cast %parallel_loop3A_373 : i32 to index
        %parallel_loop3A_376 = arith.index_cast %parallel_loop3A_119 : i32 to index
        %parallel_loop3A_377 = tpu.vector_load %arg10[%parallel_loop3A_374, %parallel_loop3A_375, %parallel_loop3A_376] {strides = array<i32>} : memref<3x8x384xf32, #tpu.memory_space<vmem>>, vector<16xf32>,
        tpu.vector_store %arg10[%parallel_loop3A_374, %parallel_loop3A_375, %parallel_loop3A_376], %parallel_loop3A_371 {strides = array<i32>} : memref<3x8x384xf32, #tpu.memory_space<vmem>>, vector<16xf32>,
        %parallel_loop3A_378 = arith.constant 0.000000e+00 : f32
        %parallel_loop3A_379 = vector.broadcast %parallel_loop3A_378 : f32 to vector<16xf32>
        %parallel_loop3A_380 = arith.select %parallel_loop3A_340, %parallel_loop3A_357, %parallel_loop3A_379 : vector<16xi1>, vector<16xf32>
        %parallel_loop3A_381 = arith.constant 2 : i32
        %parallel_loop3A_382 = arith.constant 4 : i32
        %parallel_loop3A_383 = arith.index_cast %parallel_loop3A_381 : i32 to index
        %parallel_loop3A_384 = arith.index_cast %parallel_loop3A_382 : i32 to index
        %parallel_loop3A_385 = arith.index_cast %parallel_loop3A_119 : i32 to index
        %parallel_loop3A_386 = tpu.vector_load %arg10[%parallel_loop3A_383, %parallel_loop3A_384, %parallel_loop3A_385] {strides = array<i32>} : memref<3x8x384xf32, #tpu.memory_space<vmem>>, vector<16xf32>,
        tpu.vector_store %arg10[%parallel_loop3A_383, %parallel_loop3A_384, %parallel_loop3A_385], %parallel_loop3A_380 {strides = array<i32>} : memref<3x8x384xf32, #tpu.memory_space<vmem>>, vector<16xf32>,
        %parallel_loop3A_387 = arith.constant 5 : i32
        %parallel_loop3A_388 = arith.index_cast %parallel_loop3A_387 : i32 to index
        %parallel_loop3A_389 = arith.index_cast %parallel_loop3A_119 : i32 to index
        %parallel_loop3A_390 = tpu.vector_load %arg8[%parallel_loop3A_388, %parallel_loop3A_389] {strides = array<i32>} : memref<8x384xi32, #tpu.memory_space<vmem>>, vector<16xi32>,
        %parallel_loop3A_391 = tpu.vector_load_idx %arg6[%parallel_loop3A_390] : memref<50048xi32, #tpu.memory_space<vmem>>[vector<16xi32>], vector<16xi32>,
        %parallel_loop3A_392 = arith.cmpi eq, %parallel_loop3A_126, %parallel_loop3A_391 : vector<16xi32>
        %parallel_loop3A_393 = arith.subi %parallel_loop3A_390, %parallel_loop3A_123 : vector<16xi32>
        %parallel_loop3A_394 = math.absi %parallel_loop3A_393 : vector<16xi32>
        %parallel_loop3A_395 = tpu.vector_load_idx %arg7[%parallel_loop3A_394] : memref<50048xf32, #tpu.memory_space<vmem>>[vector<16xi32>], vector<16xf32>,
        %parallel_loop3A_396 = arith.sitofp %parallel_loop3A_393 : vector<16xi32> to vector<16xf32>
        %parallel_loop3A_397 = tpu.bitcast %parallel_loop3A_396 : vector<16xf32> -> vector<16xi32>
        %parallel_loop3A_398 = arith.constant -2147483648 : i32
        %parallel_loop3A_399 = vector.broadcast %parallel_loop3A_398 : i32 to vector<16xi32>
        %parallel_loop3A_400 = arith.andi %parallel_loop3A_397, %parallel_loop3A_399 : vector<16xi32>
        %parallel_loop3A_401 = arith.constant 1065353216 : i32
        %parallel_loop3A_402 = vector.broadcast %parallel_loop3A_401 : i32 to vector<16xi32>
        %parallel_loop3A_403 = arith.ori %parallel_loop3A_402, %parallel_loop3A_400 : vector<16xi32>
        %parallel_loop3A_404 = tpu.bitcast %parallel_loop3A_403 : vector<16xi32> -> vector<16xf32>
        %parallel_loop3A_405 = math.absf %parallel_loop3A_396 : vector<16xf32>
        %parallel_loop3A_406 = arith.constant 0.000000e+00 : f32
        %parallel_loop3A_407 = vector.broadcast %parallel_loop3A_406 : f32 to vector<16xf32>
        %parallel_loop3A_408 = arith.cmpf ogt, %parallel_loop3A_405, %parallel_loop3A_407 : vector<16xf32>
        %parallel_loop3A_409 = arith.select %parallel_loop3A_408, %parallel_loop3A_404, %parallel_loop3A_396 : vector<16xi1>, vector<16xf32>
        %parallel_loop3A_410 = arith.constant 0.000000e+00 : f32
        %parallel_loop3A_411 = arith.constant 1.000000e+00 : f32
        %parallel_loop3A_412 = vector.broadcast %parallel_loop3A_410 : f32 to vector<16xf32>
        %parallel_loop3A_413 = vector.broadcast %parallel_loop3A_411 : f32 to vector<16xf32>
        %parallel_loop3A_414 = arith.select %parallel_loop3A_392, %parallel_loop3A_412, %parallel_loop3A_413 : vector<16xi1>, vector<16xf32>
        %parallel_loop3A_415 = arith.constant 0 : i32
        %parallel_loop3A_416 = arith.constant 5 : i32
        %parallel_loop3A_417 = arith.index_cast %parallel_loop3A_415 : i32 to index
        %parallel_loop3A_418 = arith.index_cast %parallel_loop3A_416 : i32 to index
        %parallel_loop3A_419 = arith.index_cast %parallel_loop3A_119 : i32 to index
        %parallel_loop3A_420 = tpu.vector_load %arg10[%parallel_loop3A_417, %parallel_loop3A_418, %parallel_loop3A_419] {strides = array<i32>} : memref<3x8x384xf32, #tpu.memory_space<vmem>>, vector<16xf32>,
        tpu.vector_store %arg10[%parallel_loop3A_417, %parallel_loop3A_418, %parallel_loop3A_419], %parallel_loop3A_414 {strides = array<i32>} : memref<3x8x384xf32, #tpu.memory_space<vmem>>, vector<16xf32>,
        %parallel_loop3A_421 = arith.constant 0.000000e+00 : f32
        %parallel_loop3A_422 = vector.broadcast %parallel_loop3A_421 : f32 to vector<16xf32>
        %parallel_loop3A_423 = arith.select %parallel_loop3A_392, %parallel_loop3A_395, %parallel_loop3A_422 : vector<16xi1>, vector<16xf32>
        %parallel_loop3A_424 = arith.constant 1 : i32
        %parallel_loop3A_425 = arith.constant 5 : i32
        %parallel_loop3A_426 = arith.index_cast %parallel_loop3A_424 : i32 to index
        %parallel_loop3A_427 = arith.index_cast %parallel_loop3A_425 : i32 to index
        %parallel_loop3A_428 = arith.index_cast %parallel_loop3A_119 : i32 to index
        %parallel_loop3A_429 = tpu.vector_load %arg10[%parallel_loop3A_426, %parallel_loop3A_427, %parallel_loop3A_428] {strides = array<i32>} : memref<3x8x384xf32, #tpu.memory_space<vmem>>, vector<16xf32>,
        tpu.vector_store %arg10[%parallel_loop3A_426, %parallel_loop3A_427, %parallel_loop3A_428], %parallel_loop3A_423 {strides = array<i32>} : memref<3x8x384xf32, #tpu.memory_space<vmem>>, vector<16xf32>,
        %parallel_loop3A_430 = arith.constant 0.000000e+00 : f32
        %parallel_loop3A_431 = vector.broadcast %parallel_loop3A_430 : f32 to vector<16xf32>
        %parallel_loop3A_432 = arith.select %parallel_loop3A_392, %parallel_loop3A_409, %parallel_loop3A_431 : vector<16xi1>, vector<16xf32>
        %parallel_loop3A_433 = arith.constant 2 : i32
        %parallel_loop3A_434 = arith.constant 5 : i32
        %parallel_loop3A_435 = arith.index_cast %parallel_loop3A_433 : i32 to index
        %parallel_loop3A_436 = arith.index_cast %parallel_loop3A_434 : i32 to index
        %parallel_loop3A_437 = arith.index_cast %parallel_loop3A_119 : i32 to index
        %parallel_loop3A_438 = tpu.vector_load %arg10[%parallel_loop3A_435, %parallel_loop3A_436, %parallel_loop3A_437] {strides = array<i32>} : memref<3x8x384xf32, #tpu.memory_space<vmem>>, vector<16xf32>,
        tpu.vector_store %arg10[%parallel_loop3A_435, %parallel_loop3A_436, %parallel_loop3A_437], %parallel_loop3A_432 {strides = array<i32>} : memref<3x8x384xf32, #tpu.memory_space<vmem>>, vector<16xf32>,
        %parallel_loop3A_439 = arith.constant 6 : i32
        %parallel_loop3A_440 = arith.index_cast %parallel_loop3A_439 : i32 to index
        %parallel_loop3A_441 = arith.index_cast %parallel_loop3A_119 : i32 to index
        %parallel_loop3A_442 = tpu.vector_load %arg8[%parallel_loop3A_440, %parallel_loop3A_441] {strides = array<i32>} : memref<8x384xi32, #tpu.memory_space<vmem>>, vector<16xi32>,
        %parallel_loop3A_443 = tpu.vector_load_idx %arg6[%parallel_loop3A_442] : memref<50048xi32, #tpu.memory_space<vmem>>[vector<16xi32>], vector<16xi32>,
        %parallel_loop3A_444 = arith.cmpi eq, %parallel_loop3A_126, %parallel_loop3A_443 : vector<16xi32>
        %parallel_loop3A_445 = arith.subi %parallel_loop3A_442, %parallel_loop3A_123 : vector<16xi32>
        %parallel_loop3A_446 = math.absi %parallel_loop3A_445 : vector<16xi32>
        %parallel_loop3A_447 = tpu.vector_load_idx %arg7[%parallel_loop3A_446] : memref<50048xf32, #tpu.memory_space<vmem>>[vector<16xi32>], vector<16xf32>,
        %parallel_loop3A_448 = arith.sitofp %parallel_loop3A_445 : vector<16xi32> to vector<16xf32>
        %parallel_loop3A_449 = tpu.bitcast %parallel_loop3A_448 : vector<16xf32> -> vector<16xi32>
        %parallel_loop3A_450 = arith.constant -2147483648 : i32
        %parallel_loop3A_451 = vector.broadcast %parallel_loop3A_450 : i32 to vector<16xi32>
        %parallel_loop3A_452 = arith.andi %parallel_loop3A_449, %parallel_loop3A_451 : vector<16xi32>
        %parallel_loop3A_453 = arith.constant 1065353216 : i32
        %parallel_loop3A_454 = vector.broadcast %parallel_loop3A_453 : i32 to vector<16xi32>
        %parallel_loop3A_455 = arith.ori %parallel_loop3A_454, %parallel_loop3A_452 : vector<16xi32>
        %parallel_loop3A_456 = tpu.bitcast %parallel_loop3A_455 : vector<16xi32> -> vector<16xf32>
        %parallel_loop3A_457 = math.absf %parallel_loop3A_448 : vector<16xf32>
        %parallel_loop3A_458 = arith.constant 0.000000e+00 : f32
        %parallel_loop3A_459 = vector.broadcast %parallel_loop3A_458 : f32 to vector<16xf32>
        %parallel_loop3A_460 = arith.cmpf ogt, %parallel_loop3A_457, %parallel_loop3A_459 : vector<16xf32>
        %parallel_loop3A_461 = arith.select %parallel_loop3A_460, %parallel_loop3A_456, %parallel_loop3A_448 : vector<16xi1>, vector<16xf32>
        %parallel_loop3A_462 = arith.constant 0.000000e+00 : f32
        %parallel_loop3A_463 = arith.constant 1.000000e+00 : f32
        %parallel_loop3A_464 = vector.broadcast %parallel_loop3A_462 : f32 to vector<16xf32>
        %parallel_loop3A_465 = vector.broadcast %parallel_loop3A_463 : f32 to vector<16xf32>
        %parallel_loop3A_466 = arith.select %parallel_loop3A_444, %parallel_loop3A_464, %parallel_loop3A_465 : vector<16xi1>, vector<16xf32>
        %parallel_loop3A_467 = arith.constant 0 : i32
        %parallel_loop3A_468 = arith.constant 6 : i32
        %parallel_loop3A_469 = arith.index_cast %parallel_loop3A_467 : i32 to index
        %parallel_loop3A_470 = arith.index_cast %parallel_loop3A_468 : i32 to index
        %parallel_loop3A_471 = arith.index_cast %parallel_loop3A_119 : i32 to index
        %parallel_loop3A_472 = tpu.vector_load %arg10[%parallel_loop3A_469, %parallel_loop3A_470, %parallel_loop3A_471] {strides = array<i32>} : memref<3x8x384xf32, #tpu.memory_space<vmem>>, vector<16xf32>,
        tpu.vector_store %arg10[%parallel_loop3A_469, %parallel_loop3A_470, %parallel_loop3A_471], %parallel_loop3A_466 {strides = array<i32>} : memref<3x8x384xf32, #tpu.memory_space<vmem>>, vector<16xf32>,
        %parallel_loop3A_473 = arith.constant 0.000000e+00 : f32
        %parallel_loop3A_474 = vector.broadcast %parallel_loop3A_473 : f32 to vector<16xf32>
        %parallel_loop3A_475 = arith.select %parallel_loop3A_444, %parallel_loop3A_447, %parallel_loop3A_474 : vector<16xi1>, vector<16xf32>
        %parallel_loop3A_476 = arith.constant 1 : i32
        %parallel_loop3A_477 = arith.constant 6 : i32
        %parallel_loop3A_478 = arith.index_cast %parallel_loop3A_476 : i32 to index
        %parallel_loop3A_479 = arith.index_cast %parallel_loop3A_477 : i32 to index
        %parallel_loop3A_480 = arith.index_cast %parallel_loop3A_119 : i32 to index
        %parallel_loop3A_481 = tpu.vector_load %arg10[%parallel_loop3A_478, %parallel_loop3A_479, %parallel_loop3A_480] {strides = array<i32>} : memref<3x8x384xf32, #tpu.memory_space<vmem>>, vector<16xf32>,
        tpu.vector_store %arg10[%parallel_loop3A_478, %parallel_loop3A_479, %parallel_loop3A_480], %parallel_loop3A_475 {strides = array<i32>} : memref<3x8x384xf32, #tpu.memory_space<vmem>>, vector<16xf32>,
        %parallel_loop3A_482 = arith.constant 0.000000e+00 : f32
        %parallel_loop3A_483 = vector.broadcast %parallel_loop3A_482 : f32 to vector<16xf32>
        %parallel_loop3A_484 = arith.select %parallel_loop3A_444, %parallel_loop3A_461, %parallel_loop3A_483 : vector<16xi1>, vector<16xf32>
        %parallel_loop3A_485 = arith.constant 2 : i32
        %parallel_loop3A_486 = arith.constant 6 : i32
        %parallel_loop3A_487 = arith.index_cast %parallel_loop3A_485 : i32 to index
        %parallel_loop3A_488 = arith.index_cast %parallel_loop3A_486 : i32 to index
        %parallel_loop3A_489 = arith.index_cast %parallel_loop3A_119 : i32 to index
        %parallel_loop3A_490 = tpu.vector_load %arg10[%parallel_loop3A_487, %parallel_loop3A_488, %parallel_loop3A_489] {strides = array<i32>} : memref<3x8x384xf32, #tpu.memory_space<vmem>>, vector<16xf32>,
        tpu.vector_store %arg10[%parallel_loop3A_487, %parallel_loop3A_488, %parallel_loop3A_489], %parallel_loop3A_484 {strides = array<i32>} : memref<3x8x384xf32, #tpu.memory_space<vmem>>, vector<16xf32>,
        %parallel_loop3A_491 = arith.constant 7 : i32
        %parallel_loop3A_492 = arith.index_cast %parallel_loop3A_491 : i32 to index
        %parallel_loop3A_493 = arith.index_cast %parallel_loop3A_119 : i32 to index
        %parallel_loop3A_494 = tpu.vector_load %arg8[%parallel_loop3A_492, %parallel_loop3A_493] {strides = array<i32>} : memref<8x384xi32, #tpu.memory_space<vmem>>, vector<16xi32>,
        %parallel_loop3A_495 = tpu.vector_load_idx %arg6[%parallel_loop3A_494] : memref<50048xi32, #tpu.memory_space<vmem>>[vector<16xi32>], vector<16xi32>,
        %parallel_loop3A_496 = arith.cmpi eq, %parallel_loop3A_126, %parallel_loop3A_495 : vector<16xi32>
        %parallel_loop3A_497 = arith.subi %parallel_loop3A_494, %parallel_loop3A_123 : vector<16xi32>
        %parallel_loop3A_498 = math.absi %parallel_loop3A_497 : vector<16xi32>
        %parallel_loop3A_499 = tpu.vector_load_idx %arg7[%parallel_loop3A_498] : memref<50048xf32, #tpu.memory_space<vmem>>[vector<16xi32>], vector<16xf32>,
        %parallel_loop3A_500 = arith.sitofp %parallel_loop3A_497 : vector<16xi32> to vector<16xf32>
        %parallel_loop3A_501 = tpu.bitcast %parallel_loop3A_500 : vector<16xf32> -> vector<16xi32>
        %parallel_loop3A_502 = arith.constant -2147483648 : i32
        %parallel_loop3A_503 = vector.broadcast %parallel_loop3A_502 : i32 to vector<16xi32>
        %parallel_loop3A_504 = arith.andi %parallel_loop3A_501, %parallel_loop3A_503 : vector<16xi32>
        %parallel_loop3A_505 = arith.constant 1065353216 : i32
        %parallel_loop3A_506 = vector.broadcast %parallel_loop3A_505 : i32 to vector<16xi32>
        %parallel_loop3A_507 = arith.ori %parallel_loop3A_506, %parallel_loop3A_504 : vector<16xi32>
        %parallel_loop3A_508 = tpu.bitcast %parallel_loop3A_507 : vector<16xi32> -> vector<16xf32>
        %parallel_loop3A_509 = math.absf %parallel_loop3A_500 : vector<16xf32>
        %parallel_loop3A_510 = arith.constant 0.000000e+00 : f32
        %parallel_loop3A_511 = vector.broadcast %parallel_loop3A_510 : f32 to vector<16xf32>
        %parallel_loop3A_512 = arith.cmpf ogt, %parallel_loop3A_509, %parallel_loop3A_511 : vector<16xf32>
        %parallel_loop3A_513 = arith.select %parallel_loop3A_512, %parallel_loop3A_508, %parallel_loop3A_500 : vector<16xi1>, vector<16xf32>
        %parallel_loop3A_514 = arith.constant 0.000000e+00 : f32
        %parallel_loop3A_515 = arith.constant 1.000000e+00 : f32
        %parallel_loop3A_516 = vector.broadcast %parallel_loop3A_514 : f32 to vector<16xf32>
        %parallel_loop3A_517 = vector.broadcast %parallel_loop3A_515 : f32 to vector<16xf32>
        %parallel_loop3A_518 = arith.select %parallel_loop3A_496, %parallel_loop3A_516, %parallel_loop3A_517 : vector<16xi1>, vector<16xf32>
        %parallel_loop3A_519 = arith.constant 0 : i32
        %parallel_loop3A_520 = arith.constant 7 : i32
        %parallel_loop3A_521 = arith.index_cast %parallel_loop3A_519 : i32 to index
        %parallel_loop3A_522 = arith.index_cast %parallel_loop3A_520 : i32 to index
        %parallel_loop3A_523 = arith.index_cast %parallel_loop3A_119 : i32 to index
        %parallel_loop3A_524 = tpu.vector_load %arg10[%parallel_loop3A_521, %parallel_loop3A_522, %parallel_loop3A_523] {strides = array<i32>} : memref<3x8x384xf32, #tpu.memory_space<vmem>>, vector<16xf32>,
        tpu.vector_store %arg10[%parallel_loop3A_521, %parallel_loop3A_522, %parallel_loop3A_523], %parallel_loop3A_518 {strides = array<i32>} : memref<3x8x384xf32, #tpu.memory_space<vmem>>, vector<16xf32>,
        %parallel_loop3A_525 = arith.constant 0.000000e+00 : f32
        %parallel_loop3A_526 = vector.broadcast %parallel_loop3A_525 : f32 to vector<16xf32>
        %parallel_loop3A_527 = arith.select %parallel_loop3A_496, %parallel_loop3A_499, %parallel_loop3A_526 : vector<16xi1>, vector<16xf32>
        %parallel_loop3A_528 = arith.constant 1 : i32
        %parallel_loop3A_529 = arith.constant 7 : i32
        %parallel_loop3A_530 = arith.index_cast %parallel_loop3A_528 : i32 to index
        %parallel_loop3A_531 = arith.index_cast %parallel_loop3A_529 : i32 to index
        %parallel_loop3A_532 = arith.index_cast %parallel_loop3A_119 : i32 to index
        %parallel_loop3A_533 = tpu.vector_load %arg10[%parallel_loop3A_530, %parallel_loop3A_531, %parallel_loop3A_532] {strides = array<i32>} : memref<3x8x384xf32, #tpu.memory_space<vmem>>, vector<16xf32>,
        tpu.vector_store %arg10[%parallel_loop3A_530, %parallel_loop3A_531, %parallel_loop3A_532], %parallel_loop3A_527 {strides = array<i32>} : memref<3x8x384xf32, #tpu.memory_space<vmem>>, vector<16xf32>,
        %parallel_loop3A_534 = arith.constant 0.000000e+00 : f32
        %parallel_loop3A_535 = vector.broadcast %parallel_loop3A_534 : f32 to vector<16xf32>
        %parallel_loop3A_536 = arith.select %parallel_loop3A_496, %parallel_loop3A_513, %parallel_loop3A_535 : vector<16xi1>, vector<16xf32>
        %parallel_loop3A_537 = arith.constant 2 : i32
        %parallel_loop3A_538 = arith.constant 7 : i32
        %parallel_loop3A_539 = arith.index_cast %parallel_loop3A_537 : i32 to index
        %parallel_loop3A_540 = arith.index_cast %parallel_loop3A_538 : i32 to index
        %parallel_loop3A_541 = arith.index_cast %parallel_loop3A_119 : i32 to index
        %parallel_loop3A_542 = tpu.vector_load %arg10[%parallel_loop3A_539, %parallel_loop3A_540, %parallel_loop3A_541] {strides = array<i32>} : memref<3x8x384xf32, #tpu.memory_space<vmem>>, vector<16xf32>,
        tpu.vector_store %arg10[%parallel_loop3A_539, %parallel_loop3A_540, %parallel_loop3A_541], %parallel_loop3A_536 {strides = array<i32>} : memref<3x8x384xf32, #tpu.memory_space<vmem>>, vector<16xf32>,
      } {sc.loop_unroll_factor = 2 : i64, sc.parallel_access}
      %multiple_of3A_76 = tpu.assume_multiple %add3A_66, 128 : i32
      %dma_start3A_77 = arith.constant 0 : i32
      %dma_start3A_78 = tpu.memref_slice %arg5[%dma_start3A_77, %multiple_of3A, %multiple_of3A_76] : memref<3x32x50000xf32, #tpu.memory_space<hbm>> -> memref<3x8x384xf32, #tpu.memory_space<hbm>>
      %dma_start3A_79 = arith.constant 0 : i32
      %dma_start3A_80 = tpu.memref_slice %arg5[%dma_start3A_79, %multiple_of3A, %multiple_of3A_76] : memref<3x32x50000xf32, #tpu.memory_space<hbm>> -> memref<3x8x384xf32, #tpu.memory_space<hbm>>
      tpu.enqueue_dma source(%arg10 : memref<3x8x384xf32, #tpu.memory_space<vmem>>) target(%dma_start3A_80 : memref<3x8x384xf32, #tpu.memory_space<hbm>>) target_semaphore(%arg16 : memref<!tpu.dma_semaphore, #tpu.memory_space<semaphore_mem>>)
      %add3A_81 = arith.constant 2 : i32
      %add3A_82 = arith.addi %add3A_63, %add3A_81 : i32
      %lt3A_83 = arith.constant 16 : i32
      %lt3A_84 = arith.cmpi slt, %add3A_82, %lt3A_83 : i32
      %convert_element_type3A_85 = arith.extui %lt3A_84 : i1 to i32
      %cond3A_86 = arith.constant 0 : i32
      %cond3A_87 = arith.cmpi ne, %convert_element_type3A_85, %cond3A_86 : i32
      scf.if %cond3A_87 {
        %add3A_119 = arith.constant 2 : i32
        %add3A_120 = arith.addi %add3A_63, %add3A_119 : i32
        %mul3A_121 = arith.constant 384 : i32
        %mul3A_122 = arith.muli %add3A_120, %mul3A_121 : i32
        %add3A_123 = arith.addi %mul3A_6, %mul3A_122 : i32
        %multiple_of3A_124 = tpu.assume_multiple %add3A_123, 128 : i32
        %dma_start3A_125 = tpu.memref_slice %arg2[%multiple_of3A, %multiple_of3A_124] : memref<32x50000xi32, #tpu.memory_space<hbm>> -> memref<8x384xi32, #tpu.memory_space<hbm>>
        %dma_start3A_126 = tpu.memref_slice %arg2[%multiple_of3A, %multiple_of3A_124] : memref<32x50000xi32, #tpu.memory_space<hbm>> -> memref<8x384xi32, #tpu.memory_space<hbm>>
        tpu.enqueue_dma source(%dma_start3A_126 : memref<8x384xi32, #tpu.memory_space<hbm>>) target(%arg8 : memref<8x384xi32, #tpu.memory_space<vmem>>) target_semaphore(%arg14 : memref<!tpu.dma_semaphore, #tpu.memory_space<semaphore_mem>>)
      } else {
      }
      %mul3A_88 = arith.constant 2 : i32
      %mul3A_89 = arith.muli %mul3A_88, %scan3A_58 : i32
      %add3A_90 = arith.constant 1 : i32
      %add3A_91 = arith.addi %mul3A_89, %add3A_90 : i32
      %mul3A_92 = arith.constant 384 : i32
      %mul3A_93 = arith.muli %add3A_91, %mul3A_92 : i32
      %add3A_94 = arith.addi %mul3A_6, %mul3A_93 : i32
      %multiple_of3A_95 = tpu.assume_multiple %add3A_94, 128 : i32
      %dma_wait3A_96 = tpu.memref_slice %arg2[%multiple_of3A, %multiple_of3A_95] : memref<32x50000xi32, #tpu.memory_space<hbm>> -> memref<8x384xi32, #tpu.memory_space<hbm>>
      %dma_wait3A_97 = tpu.memref_slice %arg2[%multiple_of3A, %multiple_of3A_95] : memref<32x50000xi32, #tpu.memory_space<hbm>> -> memref<8x384xi32, #tpu.memory_space<hbm>>
      tpu.wait_dma2 semaphore(%arg15 : memref<!tpu.dma_semaphore, #tpu.memory_space<semaphore_mem>>) src(%dma_wait3A_97 : memref<8x384xi32, #tpu.memory_space<hbm>>) dst(%arg9 : memref<8x384xi32, #tpu.memory_space<vmem>>)
      %gt3A_98 = arith.constant 0 : i32
      %gt3A_99 = arith.cmpi sgt, %scan3A_58, %gt3A_98 : i32
      %convert_element_type3A_100 = arith.extui %gt3A_99 : i1 to i32
      %cond3A_101 = arith.constant 0 : i32
      %cond3A_102 = arith.cmpi ne, %convert_element_type3A_100, %cond3A_101 : i32
      scf.if %cond3A_102 {
        %multiple_of3A_119 = tpu.assume_multiple %add3A_94, 128 : i32
        %dma_wait3A_120 = arith.constant 0 : i32
        %dma_wait3A_121 = tpu.memref_slice %arg5[%dma_wait3A_120, %multiple_of3A, %multiple_of3A_119] : memref<3x32x50000xf32, #tpu.memory_space<hbm>> -> memref<3x8x384xf32, #tpu.memory_space<hbm>>
        %dma_wait3A_122 = arith.constant 0 : i32
        %dma_wait3A_123 = tpu.memref_slice %arg5[%dma_wait3A_122, %multiple_of3A, %multiple_of3A_119] : memref<3x32x50000xf32, #tpu.memory_space<hbm>> -> memref<3x8x384xf32, #tpu.memory_space<hbm>>
        tpu.wait_dma2 semaphore(%arg17 : memref<!tpu.dma_semaphore, #tpu.memory_space<semaphore_mem>>) src(%arg11 : memref<3x8x384xf32, #tpu.memory_space<vmem>>) dst(%dma_wait3A_123 : memref<3x8x384xf32, #tpu.memory_space<hbm>>)
      } else {
      }
      %parallel_loop3A_103 = arith.constant 0 : i32
      %parallel_loop3A_104 = arith.constant 384 : i32
      %parallel_loop3A_105 = arith.constant 16 : i32
      scf.for %parallel_loop3A_119 = %parallel_loop3A_103 to %parallel_loop3A_104 step %parallel_loop3A_105  : i32 {
        %parallel_loop3A_120 = arith.addi %add3A_94, %parallel_loop3A_119 : i32
        %parallel_loop3A_121 = tpu.iota {dimensions = array<i32: 0>} : vector<16xi32>
        %parallel_loop3A_122 = vector.broadcast %parallel_loop3A_120 : i32 to vector<16xi32>
        %parallel_loop3A_123 = arith.addi %parallel_loop3A_122, %parallel_loop3A_121 : vector<16xi32>
        %parallel_loop3A_124 = arith.addi %add3A_94, %parallel_loop3A_119 : i32
        %parallel_loop3A_125 = arith.index_cast %parallel_loop3A_124 : i32 to index
        %parallel_loop3A_126 = tpu.vector_load %arg6[%parallel_loop3A_125] {strides = array<i32>} : memref<50048xi32, #tpu.memory_space<vmem>>, vector<16xi32>,
        %parallel_loop3A_127 = arith.constant 0 : i32
        %parallel_loop3A_128 = arith.index_cast %parallel_loop3A_127 : i32 to index
        %parallel_loop3A_129 = arith.index_cast %parallel_loop3A_119 : i32 to index
        %parallel_loop3A_130 = tpu.vector_load %arg9[%parallel_loop3A_128, %parallel_loop3A_129] {strides = array<i32>} : memref<8x384xi32, #tpu.memory_space<vmem>>, vector<16xi32>,
        %parallel_loop3A_131 = tpu.vector_load_idx %arg6[%parallel_loop3A_130] : memref<50048xi32, #tpu.memory_space<vmem>>[vector<16xi32>], vector<16xi32>,
        %parallel_loop3A_132 = arith.cmpi eq, %parallel_loop3A_126, %parallel_loop3A_131 : vector<16xi32>
        %parallel_loop3A_133 = arith.subi %parallel_loop3A_130, %parallel_loop3A_123 : vector<16xi32>
        %parallel_loop3A_134 = math.absi %parallel_loop3A_133 : vector<16xi32>
        %parallel_loop3A_135 = tpu.vector_load_idx %arg7[%parallel_loop3A_134] : memref<50048xf32, #tpu.memory_space<vmem>>[vector<16xi32>], vector<16xf32>,
        %parallel_loop3A_136 = arith.sitofp %parallel_loop3A_133 : vector<16xi32> to vector<16xf32>
        %parallel_loop3A_137 = tpu.bitcast %parallel_loop3A_136 : vector<16xf32> -> vector<16xi32>
        %parallel_loop3A_138 = arith.constant -2147483648 : i32
        %parallel_loop3A_139 = vector.broadcast %parallel_loop3A_138 : i32 to vector<16xi32>
        %parallel_loop3A_140 = arith.andi %parallel_loop3A_137, %parallel_loop3A_139 : vector<16xi32>
        %parallel_loop3A_141 = arith.constant 1065353216 : i32
        %parallel_loop3A_142 = vector.broadcast %parallel_loop3A_141 : i32 to vector<16xi32>
        %parallel_loop3A_143 = arith.ori %parallel_loop3A_142, %parallel_loop3A_140 : vector<16xi32>
        %parallel_loop3A_144 = tpu.bitcast %parallel_loop3A_143 : vector<16xi32> -> vector<16xf32>
        %parallel_loop3A_145 = math.absf %parallel_loop3A_136 : vector<16xf32>
        %parallel_loop3A_146 = arith.constant 0.000000e+00 : f32
        %parallel_loop3A_147 = vector.broadcast %parallel_loop3A_146 : f32 to vector<16xf32>
        %parallel_loop3A_148 = arith.cmpf ogt, %parallel_loop3A_145, %parallel_loop3A_147 : vector<16xf32>
        %parallel_loop3A_149 = arith.select %parallel_loop3A_148, %parallel_loop3A_144, %parallel_loop3A_136 : vector<16xi1>, vector<16xf32>
        %parallel_loop3A_150 = arith.constant 0.000000e+00 : f32
        %parallel_loop3A_151 = arith.constant 1.000000e+00 : f32
        %parallel_loop3A_152 = vector.broadcast %parallel_loop3A_150 : f32 to vector<16xf32>
        %parallel_loop3A_153 = vector.broadcast %parallel_loop3A_151 : f32 to vector<16xf32>
        %parallel_loop3A_154 = arith.select %parallel_loop3A_132, %parallel_loop3A_152, %parallel_loop3A_153 : vector<16xi1>, vector<16xf32>
        %parallel_loop3A_155 = arith.constant 0 : i32
        %parallel_loop3A_156 = arith.constant 0 : i32
        %parallel_loop3A_157 = arith.index_cast %parallel_loop3A_155 : i32 to index
        %parallel_loop3A_158 = arith.index_cast %parallel_loop3A_156 : i32 to index
        %parallel_loop3A_159 = arith.index_cast %parallel_loop3A_119 : i32 to index
        %parallel_loop3A_160 = tpu.vector_load %arg11[%parallel_loop3A_157, %parallel_loop3A_158, %parallel_loop3A_159] {strides = array<i32>} : memref<3x8x384xf32, #tpu.memory_space<vmem>>, vector<16xf32>,
        tpu.vector_store %arg11[%parallel_loop3A_157, %parallel_loop3A_158, %parallel_loop3A_159], %parallel_loop3A_154 {strides = array<i32>} : memref<3x8x384xf32, #tpu.memory_space<vmem>>, vector<16xf32>,
        %parallel_loop3A_161 = arith.constant 0.000000e+00 : f32
        %parallel_loop3A_162 = vector.broadcast %parallel_loop3A_161 : f32 to vector<16xf32>
        %parallel_loop3A_163 = arith.select %parallel_loop3A_132, %parallel_loop3A_135, %parallel_loop3A_162 : vector<16xi1>, vector<16xf32>
        %parallel_loop3A_164 = arith.constant 1 : i32
        %parallel_loop3A_165 = arith.constant 0 : i32
        %parallel_loop3A_166 = arith.index_cast %parallel_loop3A_164 : i32 to index
        %parallel_loop3A_167 = arith.index_cast %parallel_loop3A_165 : i32 to index
        %parallel_loop3A_168 = arith.index_cast %parallel_loop3A_119 : i32 to index
        %parallel_loop3A_169 = tpu.vector_load %arg11[%parallel_loop3A_166, %parallel_loop3A_167, %parallel_loop3A_168] {strides = array<i32>} : memref<3x8x384xf32, #tpu.memory_space<vmem>>, vector<16xf32>,
        tpu.vector_store %arg11[%parallel_loop3A_166, %parallel_loop3A_167, %parallel_loop3A_168], %parallel_loop3A_163 {strides = array<i32>} : memref<3x8x384xf32, #tpu.memory_space<vmem>>, vector<16xf32>,
        %parallel_loop3A_170 = arith.constant 0.000000e+00 : f32
        %parallel_loop3A_171 = vector.broadcast %parallel_loop3A_170 : f32 to vector<16xf32>
        %parallel_loop3A_172 = arith.select %parallel_loop3A_132, %parallel_loop3A_149, %parallel_loop3A_171 : vector<16xi1>, vector<16xf32>
        %parallel_loop3A_173 = arith.constant 2 : i32
        %parallel_loop3A_174 = arith.constant 0 : i32
        %parallel_loop3A_175 = arith.index_cast %parallel_loop3A_173 : i32 to index
        %parallel_loop3A_176 = arith.index_cast %parallel_loop3A_174 : i32 to index
        %parallel_loop3A_177 = arith.index_cast %parallel_loop3A_119 : i32 to index
        %parallel_loop3A_178 = tpu.vector_load %arg11[%parallel_loop3A_175, %parallel_loop3A_176, %parallel_loop3A_177] {strides = array<i32>} : memref<3x8x384xf32, #tpu.memory_space<vmem>>, vector<16xf32>,
        tpu.vector_store %arg11[%parallel_loop3A_175, %parallel_loop3A_176, %parallel_loop3A_177], %parallel_loop3A_172 {strides = array<i32>} : memref<3x8x384xf32, #tpu.memory_space<vmem>>, vector<16xf32>,
        %parallel_loop3A_179 = arith.constant 1 : i32
        %parallel_loop3A_180 = arith.index_cast %parallel_loop3A_179 : i32 to index
        %parallel_loop3A_181 = arith.index_cast %parallel_loop3A_119 : i32 to index
        %parallel_loop3A_182 = tpu.vector_load %arg9[%parallel_loop3A_180, %parallel_loop3A_181] {strides = array<i32>} : memref<8x384xi32, #tpu.memory_space<vmem>>, vector<16xi32>,
        %parallel_loop3A_183 = tpu.vector_load_idx %arg6[%parallel_loop3A_182] : memref<50048xi32, #tpu.memory_space<vmem>>[vector<16xi32>], vector<16xi32>,
        %parallel_loop3A_184 = arith.cmpi eq, %parallel_loop3A_126, %parallel_loop3A_183 : vector<16xi32>
        %parallel_loop3A_185 = arith.subi %parallel_loop3A_182, %parallel_loop3A_123 : vector<16xi32>
        %parallel_loop3A_186 = math.absi %parallel_loop3A_185 : vector<16xi32>
        %parallel_loop3A_187 = tpu.vector_load_idx %arg7[%parallel_loop3A_186] : memref<50048xf32, #tpu.memory_space<vmem>>[vector<16xi32>], vector<16xf32>,
        %parallel_loop3A_188 = arith.sitofp %parallel_loop3A_185 : vector<16xi32> to vector<16xf32>
        %parallel_loop3A_189 = tpu.bitcast %parallel_loop3A_188 : vector<16xf32> -> vector<16xi32>
        %parallel_loop3A_190 = arith.constant -2147483648 : i32
        %parallel_loop3A_191 = vector.broadcast %parallel_loop3A_190 : i32 to vector<16xi32>
        %parallel_loop3A_192 = arith.andi %parallel_loop3A_189, %parallel_loop3A_191 : vector<16xi32>
        %parallel_loop3A_193 = arith.constant 1065353216 : i32
        %parallel_loop3A_194 = vector.broadcast %parallel_loop3A_193 : i32 to vector<16xi32>
        %parallel_loop3A_195 = arith.ori %parallel_loop3A_194, %parallel_loop3A_192 : vector<16xi32>
        %parallel_loop3A_196 = tpu.bitcast %parallel_loop3A_195 : vector<16xi32> -> vector<16xf32>
        %parallel_loop3A_197 = math.absf %parallel_loop3A_188 : vector<16xf32>
        %parallel_loop3A_198 = arith.constant 0.000000e+00 : f32
        %parallel_loop3A_199 = vector.broadcast %parallel_loop3A_198 : f32 to vector<16xf32>
        %parallel_loop3A_200 = arith.cmpf ogt, %parallel_loop3A_197, %parallel_loop3A_199 : vector<16xf32>
        %parallel_loop3A_201 = arith.select %parallel_loop3A_200, %parallel_loop3A_196, %parallel_loop3A_188 : vector<16xi1>, vector<16xf32>
        %parallel_loop3A_202 = arith.constant 0.000000e+00 : f32
        %parallel_loop3A_203 = arith.constant 1.000000e+00 : f32
        %parallel_loop3A_204 = vector.broadcast %parallel_loop3A_202 : f32 to vector<16xf32>
        %parallel_loop3A_205 = vector.broadcast %parallel_loop3A_203 : f32 to vector<16xf32>
        %parallel_loop3A_206 = arith.select %parallel_loop3A_184, %parallel_loop3A_204, %parallel_loop3A_205 : vector<16xi1>, vector<16xf32>
        %parallel_loop3A_207 = arith.constant 0 : i32
        %parallel_loop3A_208 = arith.constant 1 : i32
        %parallel_loop3A_209 = arith.index_cast %parallel_loop3A_207 : i32 to index
        %parallel_loop3A_210 = arith.index_cast %parallel_loop3A_208 : i32 to index
        %parallel_loop3A_211 = arith.index_cast %parallel_loop3A_119 : i32 to index
        %parallel_loop3A_212 = tpu.vector_load %arg11[%parallel_loop3A_209, %parallel_loop3A_210, %parallel_loop3A_211] {strides = array<i32>} : memref<3x8x384xf32, #tpu.memory_space<vmem>>, vector<16xf32>,
        tpu.vector_store %arg11[%parallel_loop3A_209, %parallel_loop3A_210, %parallel_loop3A_211], %parallel_loop3A_206 {strides = array<i32>} : memref<3x8x384xf32, #tpu.memory_space<vmem>>, vector<16xf32>,
        %parallel_loop3A_213 = arith.constant 0.000000e+00 : f32
        %parallel_loop3A_214 = vector.broadcast %parallel_loop3A_213 : f32 to vector<16xf32>
        %parallel_loop3A_215 = arith.select %parallel_loop3A_184, %parallel_loop3A_187, %parallel_loop3A_214 : vector<16xi1>, vector<16xf32>
        %parallel_loop3A_216 = arith.constant 1 : i32
        %parallel_loop3A_217 = arith.constant 1 : i32
        %parallel_loop3A_218 = arith.index_cast %parallel_loop3A_216 : i32 to index
        %parallel_loop3A_219 = arith.index_cast %parallel_loop3A_217 : i32 to index
        %parallel_loop3A_220 = arith.index_cast %parallel_loop3A_119 : i32 to index
        %parallel_loop3A_221 = tpu.vector_load %arg11[%parallel_loop3A_218, %parallel_loop3A_219, %parallel_loop3A_220] {strides = array<i32>} : memref<3x8x384xf32, #tpu.memory_space<vmem>>, vector<16xf32>,
        tpu.vector_store %arg11[%parallel_loop3A_218, %parallel_loop3A_219, %parallel_loop3A_220], %parallel_loop3A_215 {strides = array<i32>} : memref<3x8x384xf32, #tpu.memory_space<vmem>>, vector<16xf32>,
        %parallel_loop3A_222 = arith.constant 0.000000e+00 : f32
        %parallel_loop3A_223 = vector.broadcast %parallel_loop3A_222 : f32 to vector<16xf32>
        %parallel_loop3A_224 = arith.select %parallel_loop3A_184, %parallel_loop3A_201, %parallel_loop3A_223 : vector<16xi1>, vector<16xf32>
        %parallel_loop3A_225 = arith.constant 2 : i32
        %parallel_loop3A_226 = arith.constant 1 : i32
        %parallel_loop3A_227 = arith.index_cast %parallel_loop3A_225 : i32 to index
        %parallel_loop3A_228 = arith.index_cast %parallel_loop3A_226 : i32 to index
        %parallel_loop3A_229 = arith.index_cast %parallel_loop3A_119 : i32 to index
        %parallel_loop3A_230 = tpu.vector_load %arg11[%parallel_loop3A_227, %parallel_loop3A_228, %parallel_loop3A_229] {strides = array<i32>} : memref<3x8x384xf32, #tpu.memory_space<vmem>>, vector<16xf32>,
        tpu.vector_store %arg11[%parallel_loop3A_227, %parallel_loop3A_228, %parallel_loop3A_229], %parallel_loop3A_224 {strides = array<i32>} : memref<3x8x384xf32, #tpu.memory_space<vmem>>, vector<16xf32>,
        %parallel_loop3A_231 = arith.constant 2 : i32
        %parallel_loop3A_232 = arith.index_cast %parallel_loop3A_231 : i32 to index
        %parallel_loop3A_233 = arith.index_cast %parallel_loop3A_119 : i32 to index
        %parallel_loop3A_234 = tpu.vector_load %arg9[%parallel_loop3A_232, %parallel_loop3A_233] {strides = array<i32>} : memref<8x384xi32, #tpu.memory_space<vmem>>, vector<16xi32>,
        %parallel_loop3A_235 = tpu.vector_load_idx %arg6[%parallel_loop3A_234] : memref<50048xi32, #tpu.memory_space<vmem>>[vector<16xi32>], vector<16xi32>,
        %parallel_loop3A_236 = arith.cmpi eq, %parallel_loop3A_126, %parallel_loop3A_235 : vector<16xi32>
        %parallel_loop3A_237 = arith.subi %parallel_loop3A_234, %parallel_loop3A_123 : vector<16xi32>
        %parallel_loop3A_238 = math.absi %parallel_loop3A_237 : vector<16xi32>
        %parallel_loop3A_239 = tpu.vector_load_idx %arg7[%parallel_loop3A_238] : memref<50048xf32, #tpu.memory_space<vmem>>[vector<16xi32>], vector<16xf32>,
        %parallel_loop3A_240 = arith.sitofp %parallel_loop3A_237 : vector<16xi32> to vector<16xf32>
        %parallel_loop3A_241 = tpu.bitcast %parallel_loop3A_240 : vector<16xf32> -> vector<16xi32>
        %parallel_loop3A_242 = arith.constant -2147483648 : i32
        %parallel_loop3A_243 = vector.broadcast %parallel_loop3A_242 : i32 to vector<16xi32>
        %parallel_loop3A_244 = arith.andi %parallel_loop3A_241, %parallel_loop3A_243 : vector<16xi32>
        %parallel_loop3A_245 = arith.constant 1065353216 : i32
        %parallel_loop3A_246 = vector.broadcast %parallel_loop3A_245 : i32 to vector<16xi32>
        %parallel_loop3A_247 = arith.ori %parallel_loop3A_246, %parallel_loop3A_244 : vector<16xi32>
        %parallel_loop3A_248 = tpu.bitcast %parallel_loop3A_247 : vector<16xi32> -> vector<16xf32>
        %parallel_loop3A_249 = math.absf %parallel_loop3A_240 : vector<16xf32>
        %parallel_loop3A_250 = arith.constant 0.000000e+00 : f32
        %parallel_loop3A_251 = vector.broadcast %parallel_loop3A_250 : f32 to vector<16xf32>
        %parallel_loop3A_252 = arith.cmpf ogt, %parallel_loop3A_249, %parallel_loop3A_251 : vector<16xf32>
        %parallel_loop3A_253 = arith.select %parallel_loop3A_252, %parallel_loop3A_248, %parallel_loop3A_240 : vector<16xi1>, vector<16xf32>
        %parallel_loop3A_254 = arith.constant 0.000000e+00 : f32
        %parallel_loop3A_255 = arith.constant 1.000000e+00 : f32
        %parallel_loop3A_256 = vector.broadcast %parallel_loop3A_254 : f32 to vector<16xf32>
        %parallel_loop3A_257 = vector.broadcast %parallel_loop3A_255 : f32 to vector<16xf32>
        %parallel_loop3A_258 = arith.select %parallel_loop3A_236, %parallel_loop3A_256, %parallel_loop3A_257 : vector<16xi1>, vector<16xf32>
        %parallel_loop3A_259 = arith.constant 0 : i32
        %parallel_loop3A_260 = arith.constant 2 : i32
        %parallel_loop3A_261 = arith.index_cast %parallel_loop3A_259 : i32 to index
        %parallel_loop3A_262 = arith.index_cast %parallel_loop3A_260 : i32 to index
        %parallel_loop3A_263 = arith.index_cast %parallel_loop3A_119 : i32 to index
        %parallel_loop3A_264 = tpu.vector_load %arg11[%parallel_loop3A_261, %parallel_loop3A_262, %parallel_loop3A_263] {strides = array<i32>} : memref<3x8x384xf32, #tpu.memory_space<vmem>>, vector<16xf32>,
        tpu.vector_store %arg11[%parallel_loop3A_261, %parallel_loop3A_262, %parallel_loop3A_263], %parallel_loop3A_258 {strides = array<i32>} : memref<3x8x384xf32, #tpu.memory_space<vmem>>, vector<16xf32>,
        %parallel_loop3A_265 = arith.constant 0.000000e+00 : f32
        %parallel_loop3A_266 = vector.broadcast %parallel_loop3A_265 : f32 to vector<16xf32>
        %parallel_loop3A_267 = arith.select %parallel_loop3A_236, %parallel_loop3A_239, %parallel_loop3A_266 : vector<16xi1>, vector<16xf32>
        %parallel_loop3A_268 = arith.constant 1 : i32
        %parallel_loop3A_269 = arith.constant 2 : i32
        %parallel_loop3A_270 = arith.index_cast %parallel_loop3A_268 : i32 to index
        %parallel_loop3A_271 = arith.index_cast %parallel_loop3A_269 : i32 to index
        %parallel_loop3A_272 = arith.index_cast %parallel_loop3A_119 : i32 to index
        %parallel_loop3A_273 = tpu.vector_load %arg11[%parallel_loop3A_270, %parallel_loop3A_271, %parallel_loop3A_272] {strides = array<i32>} : memref<3x8x384xf32, #tpu.memory_space<vmem>>, vector<16xf32>,
        tpu.vector_store %arg11[%parallel_loop3A_270, %parallel_loop3A_271, %parallel_loop3A_272], %parallel_loop3A_267 {strides = array<i32>} : memref<3x8x384xf32, #tpu.memory_space<vmem>>, vector<16xf32>,
        %parallel_loop3A_274 = arith.constant 0.000000e+00 : f32
        %parallel_loop3A_275 = vector.broadcast %parallel_loop3A_274 : f32 to vector<16xf32>
        %parallel_loop3A_276 = arith.select %parallel_loop3A_236, %parallel_loop3A_253, %parallel_loop3A_275 : vector<16xi1>, vector<16xf32>
        %parallel_loop3A_277 = arith.constant 2 : i32
        %parallel_loop3A_278 = arith.constant 2 : i32
        %parallel_loop3A_279 = arith.index_cast %parallel_loop3A_277 : i32 to index
        %parallel_loop3A_280 = arith.index_cast %parallel_loop3A_278 : i32 to index
        %parallel_loop3A_281 = arith.index_cast %parallel_loop3A_119 : i32 to index
        %parallel_loop3A_282 = tpu.vector_load %arg11[%parallel_loop3A_279, %parallel_loop3A_280, %parallel_loop3A_281] {strides = array<i32>} : memref<3x8x384xf32, #tpu.memory_space<vmem>>, vector<16xf32>,
        tpu.vector_store %arg11[%parallel_loop3A_279, %parallel_loop3A_280, %parallel_loop3A_281], %parallel_loop3A_276 {strides = array<i32>} : memref<3x8x384xf32, #tpu.memory_space<vmem>>, vector<16xf32>,
        %parallel_loop3A_283 = arith.constant 3 : i32
        %parallel_loop3A_284 = arith.index_cast %parallel_loop3A_283 : i32 to index
        %parallel_loop3A_285 = arith.index_cast %parallel_loop3A_119 : i32 to index
        %parallel_loop3A_286 = tpu.vector_load %arg9[%parallel_loop3A_284, %parallel_loop3A_285] {strides = array<i32>} : memref<8x384xi32, #tpu.memory_space<vmem>>, vector<16xi32>,
        %parallel_loop3A_287 = tpu.vector_load_idx %arg6[%parallel_loop3A_286] : memref<50048xi32, #tpu.memory_space<vmem>>[vector<16xi32>], vector<16xi32>,
        %parallel_loop3A_288 = arith.cmpi eq, %parallel_loop3A_126, %parallel_loop3A_287 : vector<16xi32>
        %parallel_loop3A_289 = arith.subi %parallel_loop3A_286, %parallel_loop3A_123 : vector<16xi32>
        %parallel_loop3A_290 = math.absi %parallel_loop3A_289 : vector<16xi32>
        %parallel_loop3A_291 = tpu.vector_load_idx %arg7[%parallel_loop3A_290] : memref<50048xf32, #tpu.memory_space<vmem>>[vector<16xi32>], vector<16xf32>,
        %parallel_loop3A_292 = arith.sitofp %parallel_loop3A_289 : vector<16xi32> to vector<16xf32>
        %parallel_loop3A_293 = tpu.bitcast %parallel_loop3A_292 : vector<16xf32> -> vector<16xi32>
        %parallel_loop3A_294 = arith.constant -2147483648 : i32
        %parallel_loop3A_295 = vector.broadcast %parallel_loop3A_294 : i32 to vector<16xi32>
        %parallel_loop3A_296 = arith.andi %parallel_loop3A_293, %parallel_loop3A_295 : vector<16xi32>
        %parallel_loop3A_297 = arith.constant 1065353216 : i32
        %parallel_loop3A_298 = vector.broadcast %parallel_loop3A_297 : i32 to vector<16xi32>
        %parallel_loop3A_299 = arith.ori %parallel_loop3A_298, %parallel_loop3A_296 : vector<16xi32>
        %parallel_loop3A_300 = tpu.bitcast %parallel_loop3A_299 : vector<16xi32> -> vector<16xf32>
        %parallel_loop3A_301 = math.absf %parallel_loop3A_292 : vector<16xf32>
        %parallel_loop3A_302 = arith.constant 0.000000e+00 : f32
        %parallel_loop3A_303 = vector.broadcast %parallel_loop3A_302 : f32 to vector<16xf32>
        %parallel_loop3A_304 = arith.cmpf ogt, %parallel_loop3A_301, %parallel_loop3A_303 : vector<16xf32>
        %parallel_loop3A_305 = arith.select %parallel_loop3A_304, %parallel_loop3A_300, %parallel_loop3A_292 : vector<16xi1>, vector<16xf32>
        %parallel_loop3A_306 = arith.constant 0.000000e+00 : f32
        %parallel_loop3A_307 = arith.constant 1.000000e+00 : f32
        %parallel_loop3A_308 = vector.broadcast %parallel_loop3A_306 : f32 to vector<16xf32>
        %parallel_loop3A_309 = vector.broadcast %parallel_loop3A_307 : f32 to vector<16xf32>
        %parallel_loop3A_310 = arith.select %parallel_loop3A_288, %parallel_loop3A_308, %parallel_loop3A_309 : vector<16xi1>, vector<16xf32>
        %parallel_loop3A_311 = arith.constant 0 : i32
        %parallel_loop3A_312 = arith.constant 3 : i32
        %parallel_loop3A_313 = arith.index_cast %parallel_loop3A_311 : i32 to index
        %parallel_loop3A_314 = arith.index_cast %parallel_loop3A_312 : i32 to index
        %parallel_loop3A_315 = arith.index_cast %parallel_loop3A_119 : i32 to index
        %parallel_loop3A_316 = tpu.vector_load %arg11[%parallel_loop3A_313, %parallel_loop3A_314, %parallel_loop3A_315] {strides = array<i32>} : memref<3x8x384xf32, #tpu.memory_space<vmem>>, vector<16xf32>,
        tpu.vector_store %arg11[%parallel_loop3A_313, %parallel_loop3A_314, %parallel_loop3A_315], %parallel_loop3A_310 {strides = array<i32>} : memref<3x8x384xf32, #tpu.memory_space<vmem>>, vector<16xf32>,
        %parallel_loop3A_317 = arith.constant 0.000000e+00 : f32
        %parallel_loop3A_318 = vector.broadcast %parallel_loop3A_317 : f32 to vector<16xf32>
        %parallel_loop3A_319 = arith.select %parallel_loop3A_288, %parallel_loop3A_291, %parallel_loop3A_318 : vector<16xi1>, vector<16xf32>
        %parallel_loop3A_320 = arith.constant 1 : i32
        %parallel_loop3A_321 = arith.constant 3 : i32
        %parallel_loop3A_322 = arith.index_cast %parallel_loop3A_320 : i32 to index
        %parallel_loop3A_323 = arith.index_cast %parallel_loop3A_321 : i32 to index
        %parallel_loop3A_324 = arith.index_cast %parallel_loop3A_119 : i32 to index
        %parallel_loop3A_325 = tpu.vector_load %arg11[%parallel_loop3A_322, %parallel_loop3A_323, %parallel_loop3A_324] {strides = array<i32>} : memref<3x8x384xf32, #tpu.memory_space<vmem>>, vector<16xf32>,
        tpu.vector_store %arg11[%parallel_loop3A_322, %parallel_loop3A_323, %parallel_loop3A_324], %parallel_loop3A_319 {strides = array<i32>} : memref<3x8x384xf32, #tpu.memory_space<vmem>>, vector<16xf32>,
        %parallel_loop3A_326 = arith.constant 0.000000e+00 : f32
        %parallel_loop3A_327 = vector.broadcast %parallel_loop3A_326 : f32 to vector<16xf32>
        %parallel_loop3A_328 = arith.select %parallel_loop3A_288, %parallel_loop3A_305, %parallel_loop3A_327 : vector<16xi1>, vector<16xf32>
        %parallel_loop3A_329 = arith.constant 2 : i32
        %parallel_loop3A_330 = arith.constant 3 : i32
        %parallel_loop3A_331 = arith.index_cast %parallel_loop3A_329 : i32 to index
        %parallel_loop3A_332 = arith.index_cast %parallel_loop3A_330 : i32 to index
        %parallel_loop3A_333 = arith.index_cast %parallel_loop3A_119 : i32 to index
        %parallel_loop3A_334 = tpu.vector_load %arg11[%parallel_loop3A_331, %parallel_loop3A_332, %parallel_loop3A_333] {strides = array<i32>} : memref<3x8x384xf32, #tpu.memory_space<vmem>>, vector<16xf32>,
        tpu.vector_store %arg11[%parallel_loop3A_331, %parallel_loop3A_332, %parallel_loop3A_333], %parallel_loop3A_328 {strides = array<i32>} : memref<3x8x384xf32, #tpu.memory_space<vmem>>, vector<16xf32>,
        %parallel_loop3A_335 = arith.constant 4 : i32
        %parallel_loop3A_336 = arith.index_cast %parallel_loop3A_335 : i32 to index
        %parallel_loop3A_337 = arith.index_cast %parallel_loop3A_119 : i32 to index
        %parallel_loop3A_338 = tpu.vector_load %arg9[%parallel_loop3A_336, %parallel_loop3A_337] {strides = array<i32>} : memref<8x384xi32, #tpu.memory_space<vmem>>, vector<16xi32>,
        %parallel_loop3A_339 = tpu.vector_load_idx %arg6[%parallel_loop3A_338] : memref<50048xi32, #tpu.memory_space<vmem>>[vector<16xi32>], vector<16xi32>,
        %parallel_loop3A_340 = arith.cmpi eq, %parallel_loop3A_126, %parallel_loop3A_339 : vector<16xi32>
        %parallel_loop3A_341 = arith.subi %parallel_loop3A_338, %parallel_loop3A_123 : vector<16xi32>
        %parallel_loop3A_342 = math.absi %parallel_loop3A_341 : vector<16xi32>
        %parallel_loop3A_343 = tpu.vector_load_idx %arg7[%parallel_loop3A_342] : memref<50048xf32, #tpu.memory_space<vmem>>[vector<16xi32>], vector<16xf32>,
        %parallel_loop3A_344 = arith.sitofp %parallel_loop3A_341 : vector<16xi32> to vector<16xf32>
        %parallel_loop3A_345 = tpu.bitcast %parallel_loop3A_344 : vector<16xf32> -> vector<16xi32>
        %parallel_loop3A_346 = arith.constant -2147483648 : i32
        %parallel_loop3A_347 = vector.broadcast %parallel_loop3A_346 : i32 to vector<16xi32>
        %parallel_loop3A_348 = arith.andi %parallel_loop3A_345, %parallel_loop3A_347 : vector<16xi32>
        %parallel_loop3A_349 = arith.constant 1065353216 : i32
        %parallel_loop3A_350 = vector.broadcast %parallel_loop3A_349 : i32 to vector<16xi32>
        %parallel_loop3A_351 = arith.ori %parallel_loop3A_350, %parallel_loop3A_348 : vector<16xi32>
        %parallel_loop3A_352 = tpu.bitcast %parallel_loop3A_351 : vector<16xi32> -> vector<16xf32>
        %parallel_loop3A_353 = math.absf %parallel_loop3A_344 : vector<16xf32>
        %parallel_loop3A_354 = arith.constant 0.000000e+00 : f32
        %parallel_loop3A_355 = vector.broadcast %parallel_loop3A_354 : f32 to vector<16xf32>
        %parallel_loop3A_356 = arith.cmpf ogt, %parallel_loop3A_353, %parallel_loop3A_355 : vector<16xf32>
        %parallel_loop3A_357 = arith.select %parallel_loop3A_356, %parallel_loop3A_352, %parallel_loop3A_344 : vector<16xi1>, vector<16xf32>
        %parallel_loop3A_358 = arith.constant 0.000000e+00 : f32
        %parallel_loop3A_359 = arith.constant 1.000000e+00 : f32
        %parallel_loop3A_360 = vector.broadcast %parallel_loop3A_358 : f32 to vector<16xf32>
        %parallel_loop3A_361 = vector.broadcast %parallel_loop3A_359 : f32 to vector<16xf32>
        %parallel_loop3A_362 = arith.select %parallel_loop3A_340, %parallel_loop3A_360, %parallel_loop3A_361 : vector<16xi1>, vector<16xf32>
        %parallel_loop3A_363 = arith.constant 0 : i32
        %parallel_loop3A_364 = arith.constant 4 : i32
        %parallel_loop3A_365 = arith.index_cast %parallel_loop3A_363 : i32 to index
        %parallel_loop3A_366 = arith.index_cast %parallel_loop3A_364 : i32 to index
        %parallel_loop3A_367 = arith.index_cast %parallel_loop3A_119 : i32 to index
        %parallel_loop3A_368 = tpu.vector_load %arg11[%parallel_loop3A_365, %parallel_loop3A_366, %parallel_loop3A_367] {strides = array<i32>} : memref<3x8x384xf32, #tpu.memory_space<vmem>>, vector<16xf32>,
        tpu.vector_store %arg11[%parallel_loop3A_365, %parallel_loop3A_366, %parallel_loop3A_367], %parallel_loop3A_362 {strides = array<i32>} : memref<3x8x384xf32, #tpu.memory_space<vmem>>, vector<16xf32>,
        %parallel_loop3A_369 = arith.constant 0.000000e+00 : f32
        %parallel_loop3A_370 = vector.broadcast %parallel_loop3A_369 : f32 to vector<16xf32>
        %parallel_loop3A_371 = arith.select %parallel_loop3A_340, %parallel_loop3A_343, %parallel_loop3A_370 : vector<16xi1>, vector<16xf32>
        %parallel_loop3A_372 = arith.constant 1 : i32
        %parallel_loop3A_373 = arith.constant 4 : i32
        %parallel_loop3A_374 = arith.index_cast %parallel_loop3A_372 : i32 to index
        %parallel_loop3A_375 = arith.index_cast %parallel_loop3A_373 : i32 to index
        %parallel_loop3A_376 = arith.index_cast %parallel_loop3A_119 : i32 to index
        %parallel_loop3A_377 = tpu.vector_load %arg11[%parallel_loop3A_374, %parallel_loop3A_375, %parallel_loop3A_376] {strides = array<i32>} : memref<3x8x384xf32, #tpu.memory_space<vmem>>, vector<16xf32>,
        tpu.vector_store %arg11[%parallel_loop3A_374, %parallel_loop3A_375, %parallel_loop3A_376], %parallel_loop3A_371 {strides = array<i32>} : memref<3x8x384xf32, #tpu.memory_space<vmem>>, vector<16xf32>,
        %parallel_loop3A_378 = arith.constant 0.000000e+00 : f32
        %parallel_loop3A_379 = vector.broadcast %parallel_loop3A_378 : f32 to vector<16xf32>
        %parallel_loop3A_380 = arith.select %parallel_loop3A_340, %parallel_loop3A_357, %parallel_loop3A_379 : vector<16xi1>, vector<16xf32>
        %parallel_loop3A_381 = arith.constant 2 : i32
        %parallel_loop3A_382 = arith.constant 4 : i32
        %parallel_loop3A_383 = arith.index_cast %parallel_loop3A_381 : i32 to index
        %parallel_loop3A_384 = arith.index_cast %parallel_loop3A_382 : i32 to index
        %parallel_loop3A_385 = arith.index_cast %parallel_loop3A_119 : i32 to index
        %parallel_loop3A_386 = tpu.vector_load %arg11[%parallel_loop3A_383, %parallel_loop3A_384, %parallel_loop3A_385] {strides = array<i32>} : memref<3x8x384xf32, #tpu.memory_space<vmem>>, vector<16xf32>,
        tpu.vector_store %arg11[%parallel_loop3A_383, %parallel_loop3A_384, %parallel_loop3A_385], %parallel_loop3A_380 {strides = array<i32>} : memref<3x8x384xf32, #tpu.memory_space<vmem>>, vector<16xf32>,
        %parallel_loop3A_387 = arith.constant 5 : i32
        %parallel_loop3A_388 = arith.index_cast %parallel_loop3A_387 : i32 to index
        %parallel_loop3A_389 = arith.index_cast %parallel_loop3A_119 : i32 to index
        %parallel_loop3A_390 = tpu.vector_load %arg9[%parallel_loop3A_388, %parallel_loop3A_389] {strides = array<i32>} : memref<8x384xi32, #tpu.memory_space<vmem>>, vector<16xi32>,
        %parallel_loop3A_391 = tpu.vector_load_idx %arg6[%parallel_loop3A_390] : memref<50048xi32, #tpu.memory_space<vmem>>[vector<16xi32>], vector<16xi32>,
        %parallel_loop3A_392 = arith.cmpi eq, %parallel_loop3A_126, %parallel_loop3A_391 : vector<16xi32>
        %parallel_loop3A_393 = arith.subi %parallel_loop3A_390, %parallel_loop3A_123 : vector<16xi32>
        %parallel_loop3A_394 = math.absi %parallel_loop3A_393 : vector<16xi32>
        %parallel_loop3A_395 = tpu.vector_load_idx %arg7[%parallel_loop3A_394] : memref<50048xf32, #tpu.memory_space<vmem>>[vector<16xi32>], vector<16xf32>,
        %parallel_loop3A_396 = arith.sitofp %parallel_loop3A_393 : vector<16xi32> to vector<16xf32>
        %parallel_loop3A_397 = tpu.bitcast %parallel_loop3A_396 : vector<16xf32> -> vector<16xi32>
        %parallel_loop3A_398 = arith.constant -2147483648 : i32
        %parallel_loop3A_399 = vector.broadcast %parallel_loop3A_398 : i32 to vector<16xi32>
        %parallel_loop3A_400 = arith.andi %parallel_loop3A_397, %parallel_loop3A_399 : vector<16xi32>
        %parallel_loop3A_401 = arith.constant 1065353216 : i32
        %parallel_loop3A_402 = vector.broadcast %parallel_loop3A_401 : i32 to vector<16xi32>
        %parallel_loop3A_403 = arith.ori %parallel_loop3A_402, %parallel_loop3A_400 : vector<16xi32>
        %parallel_loop3A_404 = tpu.bitcast %parallel_loop3A_403 : vector<16xi32> -> vector<16xf32>
        %parallel_loop3A_405 = math.absf %parallel_loop3A_396 : vector<16xf32>
        %parallel_loop3A_406 = arith.constant 0.000000e+00 : f32
        %parallel_loop3A_407 = vector.broadcast %parallel_loop3A_406 : f32 to vector<16xf32>
        %parallel_loop3A_408 = arith.cmpf ogt, %parallel_loop3A_405, %parallel_loop3A_407 : vector<16xf32>
        %parallel_loop3A_409 = arith.select %parallel_loop3A_408, %parallel_loop3A_404, %parallel_loop3A_396 : vector<16xi1>, vector<16xf32>
        %parallel_loop3A_410 = arith.constant 0.000000e+00 : f32
        %parallel_loop3A_411 = arith.constant 1.000000e+00 : f32
        %parallel_loop3A_412 = vector.broadcast %parallel_loop3A_410 : f32 to vector<16xf32>
        %parallel_loop3A_413 = vector.broadcast %parallel_loop3A_411 : f32 to vector<16xf32>
        %parallel_loop3A_414 = arith.select %parallel_loop3A_392, %parallel_loop3A_412, %parallel_loop3A_413 : vector<16xi1>, vector<16xf32>
        %parallel_loop3A_415 = arith.constant 0 : i32
        %parallel_loop3A_416 = arith.constant 5 : i32
        %parallel_loop3A_417 = arith.index_cast %parallel_loop3A_415 : i32 to index
        %parallel_loop3A_418 = arith.index_cast %parallel_loop3A_416 : i32 to index
        %parallel_loop3A_419 = arith.index_cast %parallel_loop3A_119 : i32 to index
        %parallel_loop3A_420 = tpu.vector_load %arg11[%parallel_loop3A_417, %parallel_loop3A_418, %parallel_loop3A_419] {strides = array<i32>} : memref<3x8x384xf32, #tpu.memory_space<vmem>>, vector<16xf32>,
        tpu.vector_store %arg11[%parallel_loop3A_417, %parallel_loop3A_418, %parallel_loop3A_419], %parallel_loop3A_414 {strides = array<i32>} : memref<3x8x384xf32, #tpu.memory_space<vmem>>, vector<16xf32>,
        %parallel_loop3A_421 = arith.constant 0.000000e+00 : f32
        %parallel_loop3A_422 = vector.broadcast %parallel_loop3A_421 : f32 to vector<16xf32>
        %parallel_loop3A_423 = arith.select %parallel_loop3A_392, %parallel_loop3A_395, %parallel_loop3A_422 : vector<16xi1>, vector<16xf32>
        %parallel_loop3A_424 = arith.constant 1 : i32
        %parallel_loop3A_425 = arith.constant 5 : i32
        %parallel_loop3A_426 = arith.index_cast %parallel_loop3A_424 : i32 to index
        %parallel_loop3A_427 = arith.index_cast %parallel_loop3A_425 : i32 to index
        %parallel_loop3A_428 = arith.index_cast %parallel_loop3A_119 : i32 to index
        %parallel_loop3A_429 = tpu.vector_load %arg11[%parallel_loop3A_426, %parallel_loop3A_427, %parallel_loop3A_428] {strides = array<i32>} : memref<3x8x384xf32, #tpu.memory_space<vmem>>, vector<16xf32>,
        tpu.vector_store %arg11[%parallel_loop3A_426, %parallel_loop3A_427, %parallel_loop3A_428], %parallel_loop3A_423 {strides = array<i32>} : memref<3x8x384xf32, #tpu.memory_space<vmem>>, vector<16xf32>,
        %parallel_loop3A_430 = arith.constant 0.000000e+00 : f32
        %parallel_loop3A_431 = vector.broadcast %parallel_loop3A_430 : f32 to vector<16xf32>
        %parallel_loop3A_432 = arith.select %parallel_loop3A_392, %parallel_loop3A_409, %parallel_loop3A_431 : vector<16xi1>, vector<16xf32>
        %parallel_loop3A_433 = arith.constant 2 : i32
        %parallel_loop3A_434 = arith.constant 5 : i32
        %parallel_loop3A_435 = arith.index_cast %parallel_loop3A_433 : i32 to index
        %parallel_loop3A_436 = arith.index_cast %parallel_loop3A_434 : i32 to index
        %parallel_loop3A_437 = arith.index_cast %parallel_loop3A_119 : i32 to index
        %parallel_loop3A_438 = tpu.vector_load %arg11[%parallel_loop3A_435, %parallel_loop3A_436, %parallel_loop3A_437] {strides = array<i32>} : memref<3x8x384xf32, #tpu.memory_space<vmem>>, vector<16xf32>,
        tpu.vector_store %arg11[%parallel_loop3A_435, %parallel_loop3A_436, %parallel_loop3A_437], %parallel_loop3A_432 {strides = array<i32>} : memref<3x8x384xf32, #tpu.memory_space<vmem>>, vector<16xf32>,
        %parallel_loop3A_439 = arith.constant 6 : i32
        %parallel_loop3A_440 = arith.index_cast %parallel_loop3A_439 : i32 to index
        %parallel_loop3A_441 = arith.index_cast %parallel_loop3A_119 : i32 to index
        %parallel_loop3A_442 = tpu.vector_load %arg9[%parallel_loop3A_440, %parallel_loop3A_441] {strides = array<i32>} : memref<8x384xi32, #tpu.memory_space<vmem>>, vector<16xi32>,
        %parallel_loop3A_443 = tpu.vector_load_idx %arg6[%parallel_loop3A_442] : memref<50048xi32, #tpu.memory_space<vmem>>[vector<16xi32>], vector<16xi32>,
        %parallel_loop3A_444 = arith.cmpi eq, %parallel_loop3A_126, %parallel_loop3A_443 : vector<16xi32>
        %parallel_loop3A_445 = arith.subi %parallel_loop3A_442, %parallel_loop3A_123 : vector<16xi32>
        %parallel_loop3A_446 = math.absi %parallel_loop3A_445 : vector<16xi32>
        %parallel_loop3A_447 = tpu.vector_load_idx %arg7[%parallel_loop3A_446] : memref<50048xf32, #tpu.memory_space<vmem>>[vector<16xi32>], vector<16xf32>,
        %parallel_loop3A_448 = arith.sitofp %parallel_loop3A_445 : vector<16xi32> to vector<16xf32>
        %parallel_loop3A_449 = tpu.bitcast %parallel_loop3A_448 : vector<16xf32> -> vector<16xi32>
        %parallel_loop3A_450 = arith.constant -2147483648 : i32
        %parallel_loop3A_451 = vector.broadcast %parallel_loop3A_450 : i32 to vector<16xi32>
        %parallel_loop3A_452 = arith.andi %parallel_loop3A_449, %parallel_loop3A_451 : vector<16xi32>
        %parallel_loop3A_453 = arith.constant 1065353216 : i32
        %parallel_loop3A_454 = vector.broadcast %parallel_loop3A_453 : i32 to vector<16xi32>
        %parallel_loop3A_455 = arith.ori %parallel_loop3A_454, %parallel_loop3A_452 : vector<16xi32>
        %parallel_loop3A_456 = tpu.bitcast %parallel_loop3A_455 : vector<16xi32> -> vector<16xf32>
        %parallel_loop3A_457 = math.absf %parallel_loop3A_448 : vector<16xf32>
        %parallel_loop3A_458 = arith.constant 0.000000e+00 : f32
        %parallel_loop3A_459 = vector.broadcast %parallel_loop3A_458 : f32 to vector<16xf32>
        %parallel_loop3A_460 = arith.cmpf ogt, %parallel_loop3A_457, %parallel_loop3A_459 : vector<16xf32>
        %parallel_loop3A_461 = arith.select %parallel_loop3A_460, %parallel_loop3A_456, %parallel_loop3A_448 : vector<16xi1>, vector<16xf32>
        %parallel_loop3A_462 = arith.constant 0.000000e+00 : f32
        %parallel_loop3A_463 = arith.constant 1.000000e+00 : f32
        %parallel_loop3A_464 = vector.broadcast %parallel_loop3A_462 : f32 to vector<16xf32>
        %parallel_loop3A_465 = vector.broadcast %parallel_loop3A_463 : f32 to vector<16xf32>
        %parallel_loop3A_466 = arith.select %parallel_loop3A_444, %parallel_loop3A_464, %parallel_loop3A_465 : vector<16xi1>, vector<16xf32>
        %parallel_loop3A_467 = arith.constant 0 : i32
        %parallel_loop3A_468 = arith.constant 6 : i32
        %parallel_loop3A_469 = arith.index_cast %parallel_loop3A_467 : i32 to index
        %parallel_loop3A_470 = arith.index_cast %parallel_loop3A_468 : i32 to index
        %parallel_loop3A_471 = arith.index_cast %parallel_loop3A_119 : i32 to index
        %parallel_loop3A_472 = tpu.vector_load %arg11[%parallel_loop3A_469, %parallel_loop3A_470, %parallel_loop3A_471] {strides = array<i32>} : memref<3x8x384xf32, #tpu.memory_space<vmem>>, vector<16xf32>,
        tpu.vector_store %arg11[%parallel_loop3A_469, %parallel_loop3A_470, %parallel_loop3A_471], %parallel_loop3A_466 {strides = array<i32>} : memref<3x8x384xf32, #tpu.memory_space<vmem>>, vector<16xf32>,
        %parallel_loop3A_473 = arith.constant 0.000000e+00 : f32
        %parallel_loop3A_474 = vector.broadcast %parallel_loop3A_473 : f32 to vector<16xf32>
        %parallel_loop3A_475 = arith.select %parallel_loop3A_444, %parallel_loop3A_447, %parallel_loop3A_474 : vector<16xi1>, vector<16xf32>
        %parallel_loop3A_476 = arith.constant 1 : i32
        %parallel_loop3A_477 = arith.constant 6 : i32
        %parallel_loop3A_478 = arith.index_cast %parallel_loop3A_476 : i32 to index
        %parallel_loop3A_479 = arith.index_cast %parallel_loop3A_477 : i32 to index
        %parallel_loop3A_480 = arith.index_cast %parallel_loop3A_119 : i32 to index
        %parallel_loop3A_481 = tpu.vector_load %arg11[%parallel_loop3A_478, %parallel_loop3A_479, %parallel_loop3A_480] {strides = array<i32>} : memref<3x8x384xf32, #tpu.memory_space<vmem>>, vector<16xf32>,
        tpu.vector_store %arg11[%parallel_loop3A_478, %parallel_loop3A_479, %parallel_loop3A_480], %parallel_loop3A_475 {strides = array<i32>} : memref<3x8x384xf32, #tpu.memory_space<vmem>>, vector<16xf32>,
        %parallel_loop3A_482 = arith.constant 0.000000e+00 : f32
        %parallel_loop3A_483 = vector.broadcast %parallel_loop3A_482 : f32 to vector<16xf32>
        %parallel_loop3A_484 = arith.select %parallel_loop3A_444, %parallel_loop3A_461, %parallel_loop3A_483 : vector<16xi1>, vector<16xf32>
        %parallel_loop3A_485 = arith.constant 2 : i32
        %parallel_loop3A_486 = arith.constant 6 : i32
        %parallel_loop3A_487 = arith.index_cast %parallel_loop3A_485 : i32 to index
        %parallel_loop3A_488 = arith.index_cast %parallel_loop3A_486 : i32 to index
        %parallel_loop3A_489 = arith.index_cast %parallel_loop3A_119 : i32 to index
        %parallel_loop3A_490 = tpu.vector_load %arg11[%parallel_loop3A_487, %parallel_loop3A_488, %parallel_loop3A_489] {strides = array<i32>} : memref<3x8x384xf32, #tpu.memory_space<vmem>>, vector<16xf32>,
        tpu.vector_store %arg11[%parallel_loop3A_487, %parallel_loop3A_488, %parallel_loop3A_489], %parallel_loop3A_484 {strides = array<i32>} : memref<3x8x384xf32, #tpu.memory_space<vmem>>, vector<16xf32>,
        %parallel_loop3A_491 = arith.constant 7 : i32
        %parallel_loop3A_492 = arith.index_cast %parallel_loop3A_491 : i32 to index
        %parallel_loop3A_493 = arith.index_cast %parallel_loop3A_119 : i32 to index
        %parallel_loop3A_494 = tpu.vector_load %arg9[%parallel_loop3A_492, %parallel_loop3A_493] {strides = array<i32>} : memref<8x384xi32, #tpu.memory_space<vmem>>, vector<16xi32>,
        %parallel_loop3A_495 = tpu.vector_load_idx %arg6[%parallel_loop3A_494] : memref<50048xi32, #tpu.memory_space<vmem>>[vector<16xi32>], vector<16xi32>,
        %parallel_loop3A_496 = arith.cmpi eq, %parallel_loop3A_126, %parallel_loop3A_495 : vector<16xi32>
        %parallel_loop3A_497 = arith.subi %parallel_loop3A_494, %parallel_loop3A_123 : vector<16xi32>
        %parallel_loop3A_498 = math.absi %parallel_loop3A_497 : vector<16xi32>
        %parallel_loop3A_499 = tpu.vector_load_idx %arg7[%parallel_loop3A_498] : memref<50048xf32, #tpu.memory_space<vmem>>[vector<16xi32>], vector<16xf32>,
        %parallel_loop3A_500 = arith.sitofp %parallel_loop3A_497 : vector<16xi32> to vector<16xf32>
        %parallel_loop3A_501 = tpu.bitcast %parallel_loop3A_500 : vector<16xf32> -> vector<16xi32>
        %parallel_loop3A_502 = arith.constant -2147483648 : i32
        %parallel_loop3A_503 = vector.broadcast %parallel_loop3A_502 : i32 to vector<16xi32>
        %parallel_loop3A_504 = arith.andi %parallel_loop3A_501, %parallel_loop3A_503 : vector<16xi32>
        %parallel_loop3A_505 = arith.constant 1065353216 : i32
        %parallel_loop3A_506 = vector.broadcast %parallel_loop3A_505 : i32 to vector<16xi32>
        %parallel_loop3A_507 = arith.ori %parallel_loop3A_506, %parallel_loop3A_504 : vector<16xi32>
        %parallel_loop3A_508 = tpu.bitcast %parallel_loop3A_507 : vector<16xi32> -> vector<16xf32>
        %parallel_loop3A_509 = math.absf %parallel_loop3A_500 : vector<16xf32>
        %parallel_loop3A_510 = arith.constant 0.000000e+00 : f32
        %parallel_loop3A_511 = vector.broadcast %parallel_loop3A_510 : f32 to vector<16xf32>
        %parallel_loop3A_512 = arith.cmpf ogt, %parallel_loop3A_509, %parallel_loop3A_511 : vector<16xf32>
        %parallel_loop3A_513 = arith.select %parallel_loop3A_512, %parallel_loop3A_508, %parallel_loop3A_500 : vector<16xi1>, vector<16xf32>
        %parallel_loop3A_514 = arith.constant 0.000000e+00 : f32
        %parallel_loop3A_515 = arith.constant 1.000000e+00 : f32
        %parallel_loop3A_516 = vector.broadcast %parallel_loop3A_514 : f32 to vector<16xf32>
        %parallel_loop3A_517 = vector.broadcast %parallel_loop3A_515 : f32 to vector<16xf32>
        %parallel_loop3A_518 = arith.select %parallel_loop3A_496, %parallel_loop3A_516, %parallel_loop3A_517 : vector<16xi1>, vector<16xf32>
        %parallel_loop3A_519 = arith.constant 0 : i32
        %parallel_loop3A_520 = arith.constant 7 : i32
        %parallel_loop3A_521 = arith.index_cast %parallel_loop3A_519 : i32 to index
        %parallel_loop3A_522 = arith.index_cast %parallel_loop3A_520 : i32 to index
        %parallel_loop3A_523 = arith.index_cast %parallel_loop3A_119 : i32 to index
        %parallel_loop3A_524 = tpu.vector_load %arg11[%parallel_loop3A_521, %parallel_loop3A_522, %parallel_loop3A_523] {strides = array<i32>} : memref<3x8x384xf32, #tpu.memory_space<vmem>>, vector<16xf32>,
        tpu.vector_store %arg11[%parallel_loop3A_521, %parallel_loop3A_522, %parallel_loop3A_523], %parallel_loop3A_518 {strides = array<i32>} : memref<3x8x384xf32, #tpu.memory_space<vmem>>, vector<16xf32>,
        %parallel_loop3A_525 = arith.constant 0.000000e+00 : f32
        %parallel_loop3A_526 = vector.broadcast %parallel_loop3A_525 : f32 to vector<16xf32>
        %parallel_loop3A_527 = arith.select %parallel_loop3A_496, %parallel_loop3A_499, %parallel_loop3A_526 : vector<16xi1>, vector<16xf32>
        %parallel_loop3A_528 = arith.constant 1 : i32
        %parallel_loop3A_529 = arith.constant 7 : i32
        %parallel_loop3A_530 = arith.index_cast %parallel_loop3A_528 : i32 to index
        %parallel_loop3A_531 = arith.index_cast %parallel_loop3A_529 : i32 to index
        %parallel_loop3A_532 = arith.index_cast %parallel_loop3A_119 : i32 to index
        %parallel_loop3A_533 = tpu.vector_load %arg11[%parallel_loop3A_530, %parallel_loop3A_531, %parallel_loop3A_532] {strides = array<i32>} : memref<3x8x384xf32, #tpu.memory_space<vmem>>, vector<16xf32>,
        tpu.vector_store %arg11[%parallel_loop3A_530, %parallel_loop3A_531, %parallel_loop3A_532], %parallel_loop3A_527 {strides = array<i32>} : memref<3x8x384xf32, #tpu.memory_space<vmem>>, vector<16xf32>,
        %parallel_loop3A_534 = arith.constant 0.000000e+00 : f32
        %parallel_loop3A_535 = vector.broadcast %parallel_loop3A_534 : f32 to vector<16xf32>
        %parallel_loop3A_536 = arith.select %parallel_loop3A_496, %parallel_loop3A_513, %parallel_loop3A_535 : vector<16xi1>, vector<16xf32>
        %parallel_loop3A_537 = arith.constant 2 : i32
        %parallel_loop3A_538 = arith.constant 7 : i32
        %parallel_loop3A_539 = arith.index_cast %parallel_loop3A_537 : i32 to index
        %parallel_loop3A_540 = arith.index_cast %parallel_loop3A_538 : i32 to index
        %parallel_loop3A_541 = arith.index_cast %parallel_loop3A_119 : i32 to index
        %parallel_loop3A_542 = tpu.vector_load %arg11[%parallel_loop3A_539, %parallel_loop3A_540, %parallel_loop3A_541] {strides = array<i32>} : memref<3x8x384xf32, #tpu.memory_space<vmem>>, vector<16xf32>,
        tpu.vector_store %arg11[%parallel_loop3A_539, %parallel_loop3A_540, %parallel_loop3A_541], %parallel_loop3A_536 {strides = array<i32>} : memref<3x8x384xf32, #tpu.memory_space<vmem>>, vector<16xf32>,
      } {sc.loop_unroll_factor = 2 : i64, sc.parallel_access}
      %multiple_of3A_106 = tpu.assume_multiple %add3A_94, 128 : i32
      %dma_start3A_107 = arith.constant 0 : i32
      %dma_start3A_108 = tpu.memref_slice %arg5[%dma_start3A_107, %multiple_of3A, %multiple_of3A_106] : memref<3x32x50000xf32, #tpu.memory_space<hbm>> -> memref<3x8x384xf32, #tpu.memory_space<hbm>>
      %dma_start3A_109 = arith.constant 0 : i32
      %dma_start3A_110 = tpu.memref_slice %arg5[%dma_start3A_109, %multiple_of3A, %multiple_of3A_106] : memref<3x32x50000xf32, #tpu.memory_space<hbm>> -> memref<3x8x384xf32, #tpu.memory_space<hbm>>
      tpu.enqueue_dma source(%arg11 : memref<3x8x384xf32, #tpu.memory_space<vmem>>) target(%dma_start3A_110 : memref<3x8x384xf32, #tpu.memory_space<hbm>>) target_semaphore(%arg17 : memref<!tpu.dma_semaphore, #tpu.memory_space<semaphore_mem>>)
      %add3A_111 = arith.constant 2 : i32
      %add3A_112 = arith.addi %add3A_91, %add3A_111 : i32
      %lt3A_113 = arith.constant 16 : i32
      %lt3A_114 = arith.cmpi slt, %add3A_112, %lt3A_113 : i32
      %convert_element_type3A_115 = arith.extui %lt3A_114 : i1 to i32
      %cond3A_116 = arith.constant 0 : i32
      %cond3A_117 = arith.cmpi ne, %convert_element_type3A_115, %cond3A_116 : i32
      scf.if %cond3A_117 {
        %add3A_119 = arith.constant 2 : i32
        %add3A_120 = arith.addi %add3A_91, %add3A_119 : i32
        %mul3A_121 = arith.constant 384 : i32
        %mul3A_122 = arith.muli %add3A_120, %mul3A_121 : i32
        %add3A_123 = arith.addi %mul3A_6, %mul3A_122 : i32
        %multiple_of3A_124 = tpu.assume_multiple %add3A_123, 128 : i32
        %dma_start3A_125 = tpu.memref_slice %arg2[%multiple_of3A, %multiple_of3A_124] : memref<32x50000xi32, #tpu.memory_space<hbm>> -> memref<8x384xi32, #tpu.memory_space<hbm>>
        %dma_start3A_126 = tpu.memref_slice %arg2[%multiple_of3A, %multiple_of3A_124] : memref<32x50000xi32, #tpu.memory_space<hbm>> -> memref<8x384xi32, #tpu.memory_space<hbm>>
        tpu.enqueue_dma source(%dma_start3A_126 : memref<8x384xi32, #tpu.memory_space<hbm>>) target(%arg9 : memref<8x384xi32, #tpu.memory_space<vmem>>) target_semaphore(%arg15 : memref<!tpu.dma_semaphore, #tpu.memory_space<semaphore_mem>>)
      } else {
      }
      %scan3A_118 = arith.constant 0 : i32
      scf.yield %scan3A_118 : i32
    }
    %scan3A_34 = arith.constant 8 : i32
    %add3A_35 = arith.constant 5376 : i32
    %add3A_36 = arith.addi %mul3A_6, %add3A_35 : i32
    %multiple_of3A_37 = tpu.assume_multiple %add3A_36, 128 : i32
    %dma_wait3A_38 = arith.constant 0 : i32
    %dma_wait3A_39 = tpu.memref_slice %arg5[%dma_wait3A_38, %multiple_of3A, %multiple_of3A_37] : memref<3x32x50000xf32, #tpu.memory_space<hbm>> -> memref<3x8x384xf32, #tpu.memory_space<hbm>>
    %dma_wait3A_40 = arith.constant 0 : i32
    %dma_wait3A_41 = tpu.memref_slice %arg5[%dma_wait3A_40, %multiple_of3A, %multiple_of3A_37] : memref<3x32x50000xf32, #tpu.memory_space<hbm>> -> memref<3x8x384xf32, #tpu.memory_space<hbm>>
    tpu.wait_dma2 semaphore(%arg16 : memref<!tpu.dma_semaphore, #tpu.memory_space<semaphore_mem>>) src(%arg10 : memref<3x8x384xf32, #tpu.memory_space<vmem>>) dst(%dma_wait3A_41 : memref<3x8x384xf32, #tpu.memory_space<hbm>>)
    %add3A_42 = arith.constant 5760 : i32
    %add3A_43 = arith.addi %mul3A_6, %add3A_42 : i32
    %multiple_of3A_44 = tpu.assume_multiple %add3A_43, 128 : i32
    %dma_wait3A_45 = arith.constant 0 : i32
    %dma_wait3A_46 = tpu.memref_slice %arg5[%dma_wait3A_45, %multiple_of3A, %multiple_of3A_44] : memref<3x32x50000xf32, #tpu.memory_space<hbm>> -> memref<3x8x384xf32, #tpu.memory_space<hbm>>
    %dma_wait3A_47 = arith.constant 0 : i32
    %dma_wait3A_48 = tpu.memref_slice %arg5[%dma_wait3A_47, %multiple_of3A, %multiple_of3A_44] : memref<3x32x50000xf32, #tpu.memory_space<hbm>> -> memref<3x8x384xf32, #tpu.memory_space<hbm>>
    tpu.wait_dma2 semaphore(%arg17 : memref<!tpu.dma_semaphore, #tpu.memory_space<semaphore_mem>>) src(%arg11 : memref<3x8x384xf32, #tpu.memory_space<vmem>>) dst(%dma_wait3A_48 : memref<3x8x384xf32, #tpu.memory_space<hbm>>)
    %lt3A = arith.constant 24 : i32
    %lt3A_49 = arith.cmpi slt, %add3A, %lt3A : i32
    %convert_element_type3A = arith.extui %lt3A_49 : i1 to i32
    %cond3A = arith.constant 0 : i32
    %cond3A_50 = arith.cmpi ne, %convert_element_type3A, %cond3A : i32
    scf.if %cond3A_50 {
      %shift_right_arithmetic3A_58 = arith.constant 2 : i32
      %shift_right_arithmetic3A_59 = arith.shrsi %add3A, %shift_right_arithmetic3A_58 : i32
      %add3A_60 = arith.constant 384 : i32
      %add3A_61 = arith.addi %add3A_60, %shift_right_arithmetic3A_59 : i32
      %mul3A_62 = arith.constant 128 : i32
      %mul3A_63 = arith.muli %add3A_61, %mul3A_62 : i32
      %multiple_of3A_64 = tpu.assume_multiple %mul3A_63, 128 : i32
      "tpu.region"() ({
        %run_scoped3A = tpu.sem_alloc : memref<!tpu.dma_semaphore, #tpu.memory_space<semaphore_mem>>
        %dma_start3A_68 = arith.constant 0 : i32
        %dma_start3A_69 = arith.constant 0 : i32
        %dma_start3A_70 = tpu.memref_slice %arg8[%dma_start3A_68, %dma_start3A_69] : memref<8x384xi32, #tpu.memory_space<vmem>> -> memref<8x128xi32, #tpu.memory_space<vmem>>
        %dma_start3A_71 = tpu.memref_slice %arg2[%multiple_of3A, %multiple_of3A_64] : memref<32x50000xi32, #tpu.memory_space<hbm>> -> memref<8x128xi32, #tpu.memory_space<hbm>>
        %dma_start3A_72 = arith.constant 0 : i32
        %dma_start3A_73 = arith.constant 0 : i32
        %dma_start3A_74 = tpu.memref_slice %arg8[%dma_start3A_72, %dma_start3A_73] : memref<8x384xi32, #tpu.memory_space<vmem>> -> memref<8x128xi32, #tpu.memory_space<vmem>>
        %dma_start3A_75 = tpu.memref_slice %arg2[%multiple_of3A, %multiple_of3A_64] : memref<32x50000xi32, #tpu.memory_space<hbm>> -> memref<8x128xi32, #tpu.memory_space<hbm>>
        tpu.enqueue_dma source(%dma_start3A_75 : memref<8x128xi32, #tpu.memory_space<hbm>>) target(%dma_start3A_74 : memref<8x128xi32, #tpu.memory_space<vmem>>) target_semaphore(%run_scoped3A : memref<!tpu.dma_semaphore, #tpu.memory_space<semaphore_mem>>)
        %dma_wait3A_76 = arith.constant 0 : i32
        %dma_wait3A_77 = arith.constant 0 : i32
        %dma_wait3A_78 = tpu.memref_slice %arg8[%dma_wait3A_76, %dma_wait3A_77] : memref<8x384xi32, #tpu.memory_space<vmem>> -> memref<8x128xi32, #tpu.memory_space<vmem>>
        %dma_wait3A_79 = tpu.memref_slice %arg2[%multiple_of3A, %multiple_of3A_64] : memref<32x50000xi32, #tpu.memory_space<hbm>> -> memref<8x128xi32, #tpu.memory_space<hbm>>
        %dma_wait3A_80 = arith.constant 0 : i32
        %dma_wait3A_81 = arith.constant 0 : i32
        %dma_wait3A_82 = tpu.memref_slice %arg8[%dma_wait3A_80, %dma_wait3A_81] : memref<8x384xi32, #tpu.memory_space<vmem>> -> memref<8x128xi32, #tpu.memory_space<vmem>>
        %dma_wait3A_83 = tpu.memref_slice %arg2[%multiple_of3A, %multiple_of3A_64] : memref<32x50000xi32, #tpu.memory_space<hbm>> -> memref<8x128xi32, #tpu.memory_space<hbm>>
        tpu.wait_dma2 semaphore(%run_scoped3A : memref<!tpu.dma_semaphore, #tpu.memory_space<semaphore_mem>>) src(%dma_wait3A_83 : memref<8x128xi32, #tpu.memory_space<hbm>>) dst(%dma_wait3A_82 : memref<8x128xi32, #tpu.memory_space<vmem>>)
        tpu.yield
      }) : () -> ()
      %parallel_loop3A = arith.constant 0 : i32
      %parallel_loop3A_65 = arith.constant 128 : i32
      %parallel_loop3A_66 = arith.constant 16 : i32
      scf.for %parallel_loop3A_68 = %parallel_loop3A to %parallel_loop3A_65 step %parallel_loop3A_66  : i32 {
        %parallel_loop3A_69 = arith.addi %mul3A_63, %parallel_loop3A_68 : i32
        %parallel_loop3A_70 = tpu.iota {dimensions = array<i32: 0>} : vector<16xi32>
        %parallel_loop3A_71 = vector.broadcast %parallel_loop3A_69 : i32 to vector<16xi32>
        %parallel_loop3A_72 = arith.addi %parallel_loop3A_71, %parallel_loop3A_70 : vector<16xi32>
        %parallel_loop3A_73 = arith.addi %mul3A_63, %parallel_loop3A_68 : i32
        %parallel_loop3A_74 = arith.index_cast %parallel_loop3A_73 : i32 to index
        %parallel_loop3A_75 = tpu.vector_load %arg6[%parallel_loop3A_74] {strides = array<i32>} : memref<50048xi32, #tpu.memory_space<vmem>>, vector<16xi32>,
        %parallel_loop3A_76 = arith.constant 0 : i32
        %parallel_loop3A_77 = arith.index_cast %parallel_loop3A_76 : i32 to index
        %parallel_loop3A_78 = arith.index_cast %parallel_loop3A_68 : i32 to index
        %parallel_loop3A_79 = tpu.vector_load %arg8[%parallel_loop3A_77, %parallel_loop3A_78] {strides = array<i32>} : memref<8x384xi32, #tpu.memory_space<vmem>>, vector<16xi32>,
        %parallel_loop3A_80 = tpu.vector_load_idx %arg6[%parallel_loop3A_79] : memref<50048xi32, #tpu.memory_space<vmem>>[vector<16xi32>], vector<16xi32>,
        %parallel_loop3A_81 = arith.cmpi eq, %parallel_loop3A_75, %parallel_loop3A_80 : vector<16xi32>
        %parallel_loop3A_82 = arith.subi %parallel_loop3A_79, %parallel_loop3A_72 : vector<16xi32>
        %parallel_loop3A_83 = math.absi %parallel_loop3A_82 : vector<16xi32>
        %parallel_loop3A_84 = tpu.vector_load_idx %arg7[%parallel_loop3A_83] : memref<50048xf32, #tpu.memory_space<vmem>>[vector<16xi32>], vector<16xf32>,
        %parallel_loop3A_85 = arith.sitofp %parallel_loop3A_82 : vector<16xi32> to vector<16xf32>
        %parallel_loop3A_86 = tpu.bitcast %parallel_loop3A_85 : vector<16xf32> -> vector<16xi32>
        %parallel_loop3A_87 = arith.constant -2147483648 : i32
        %parallel_loop3A_88 = vector.broadcast %parallel_loop3A_87 : i32 to vector<16xi32>
        %parallel_loop3A_89 = arith.andi %parallel_loop3A_86, %parallel_loop3A_88 : vector<16xi32>
        %parallel_loop3A_90 = arith.constant 1065353216 : i32
        %parallel_loop3A_91 = vector.broadcast %parallel_loop3A_90 : i32 to vector<16xi32>
        %parallel_loop3A_92 = arith.ori %parallel_loop3A_91, %parallel_loop3A_89 : vector<16xi32>
        %parallel_loop3A_93 = tpu.bitcast %parallel_loop3A_92 : vector<16xi32> -> vector<16xf32>
        %parallel_loop3A_94 = math.absf %parallel_loop3A_85 : vector<16xf32>
        %parallel_loop3A_95 = arith.constant 0.000000e+00 : f32
        %parallel_loop3A_96 = vector.broadcast %parallel_loop3A_95 : f32 to vector<16xf32>
        %parallel_loop3A_97 = arith.cmpf ogt, %parallel_loop3A_94, %parallel_loop3A_96 : vector<16xf32>
        %parallel_loop3A_98 = arith.select %parallel_loop3A_97, %parallel_loop3A_93, %parallel_loop3A_85 : vector<16xi1>, vector<16xf32>
        %parallel_loop3A_99 = arith.constant 0.000000e+00 : f32
        %parallel_loop3A_100 = arith.constant 1.000000e+00 : f32
        %parallel_loop3A_101 = vector.broadcast %parallel_loop3A_99 : f32 to vector<16xf32>
        %parallel_loop3A_102 = vector.broadcast %parallel_loop3A_100 : f32 to vector<16xf32>
        %parallel_loop3A_103 = arith.select %parallel_loop3A_81, %parallel_loop3A_101, %parallel_loop3A_102 : vector<16xi1>, vector<16xf32>
        %parallel_loop3A_104 = arith.constant 0 : i32
        %parallel_loop3A_105 = arith.constant 0 : i32
        %parallel_loop3A_106 = arith.index_cast %parallel_loop3A_104 : i32 to index
        %parallel_loop3A_107 = arith.index_cast %parallel_loop3A_105 : i32 to index
        %parallel_loop3A_108 = arith.index_cast %parallel_loop3A_68 : i32 to index
        %parallel_loop3A_109 = tpu.vector_load %arg10[%parallel_loop3A_106, %parallel_loop3A_107, %parallel_loop3A_108] {strides = array<i32>} : memref<3x8x384xf32, #tpu.memory_space<vmem>>, vector<16xf32>,
        tpu.vector_store %arg10[%parallel_loop3A_106, %parallel_loop3A_107, %parallel_loop3A_108], %parallel_loop3A_103 {strides = array<i32>} : memref<3x8x384xf32, #tpu.memory_space<vmem>>, vector<16xf32>,
        %parallel_loop3A_110 = arith.constant 0.000000e+00 : f32
        %parallel_loop3A_111 = vector.broadcast %parallel_loop3A_110 : f32 to vector<16xf32>
        %parallel_loop3A_112 = arith.select %parallel_loop3A_81, %parallel_loop3A_84, %parallel_loop3A_111 : vector<16xi1>, vector<16xf32>
        %parallel_loop3A_113 = arith.constant 1 : i32
        %parallel_loop3A_114 = arith.constant 0 : i32
        %parallel_loop3A_115 = arith.index_cast %parallel_loop3A_113 : i32 to index
        %parallel_loop3A_116 = arith.index_cast %parallel_loop3A_114 : i32 to index
        %parallel_loop3A_117 = arith.index_cast %parallel_loop3A_68 : i32 to index
        %parallel_loop3A_118 = tpu.vector_load %arg10[%parallel_loop3A_115, %parallel_loop3A_116, %parallel_loop3A_117] {strides = array<i32>} : memref<3x8x384xf32, #tpu.memory_space<vmem>>, vector<16xf32>,
        tpu.vector_store %arg10[%parallel_loop3A_115, %parallel_loop3A_116, %parallel_loop3A_117], %parallel_loop3A_112 {strides = array<i32>} : memref<3x8x384xf32, #tpu.memory_space<vmem>>, vector<16xf32>,
        %parallel_loop3A_119 = arith.constant 0.000000e+00 : f32
        %parallel_loop3A_120 = vector.broadcast %parallel_loop3A_119 : f32 to vector<16xf32>
        %parallel_loop3A_121 = arith.select %parallel_loop3A_81, %parallel_loop3A_98, %parallel_loop3A_120 : vector<16xi1>, vector<16xf32>
        %parallel_loop3A_122 = arith.constant 2 : i32
        %parallel_loop3A_123 = arith.constant 0 : i32
        %parallel_loop3A_124 = arith.index_cast %parallel_loop3A_122 : i32 to index
        %parallel_loop3A_125 = arith.index_cast %parallel_loop3A_123 : i32 to index
        %parallel_loop3A_126 = arith.index_cast %parallel_loop3A_68 : i32 to index
        %parallel_loop3A_127 = tpu.vector_load %arg10[%parallel_loop3A_124, %parallel_loop3A_125, %parallel_loop3A_126] {strides = array<i32>} : memref<3x8x384xf32, #tpu.memory_space<vmem>>, vector<16xf32>,
        tpu.vector_store %arg10[%parallel_loop3A_124, %parallel_loop3A_125, %parallel_loop3A_126], %parallel_loop3A_121 {strides = array<i32>} : memref<3x8x384xf32, #tpu.memory_space<vmem>>, vector<16xf32>,
        %parallel_loop3A_128 = arith.constant 1 : i32
        %parallel_loop3A_129 = arith.index_cast %parallel_loop3A_128 : i32 to index
        %parallel_loop3A_130 = arith.index_cast %parallel_loop3A_68 : i32 to index
        %parallel_loop3A_131 = tpu.vector_load %arg8[%parallel_loop3A_129, %parallel_loop3A_130] {strides = array<i32>} : memref<8x384xi32, #tpu.memory_space<vmem>>, vector<16xi32>,
        %parallel_loop3A_132 = tpu.vector_load_idx %arg6[%parallel_loop3A_131] : memref<50048xi32, #tpu.memory_space<vmem>>[vector<16xi32>], vector<16xi32>,
        %parallel_loop3A_133 = arith.cmpi eq, %parallel_loop3A_75, %parallel_loop3A_132 : vector<16xi32>
        %parallel_loop3A_134 = arith.subi %parallel_loop3A_131, %parallel_loop3A_72 : vector<16xi32>
        %parallel_loop3A_135 = math.absi %parallel_loop3A_134 : vector<16xi32>
        %parallel_loop3A_136 = tpu.vector_load_idx %arg7[%parallel_loop3A_135] : memref<50048xf32, #tpu.memory_space<vmem>>[vector<16xi32>], vector<16xf32>,
        %parallel_loop3A_137 = arith.sitofp %parallel_loop3A_134 : vector<16xi32> to vector<16xf32>
        %parallel_loop3A_138 = tpu.bitcast %parallel_loop3A_137 : vector<16xf32> -> vector<16xi32>
        %parallel_loop3A_139 = arith.constant -2147483648 : i32
        %parallel_loop3A_140 = vector.broadcast %parallel_loop3A_139 : i32 to vector<16xi32>
        %parallel_loop3A_141 = arith.andi %parallel_loop3A_138, %parallel_loop3A_140 : vector<16xi32>
        %parallel_loop3A_142 = arith.constant 1065353216 : i32
        %parallel_loop3A_143 = vector.broadcast %parallel_loop3A_142 : i32 to vector<16xi32>
        %parallel_loop3A_144 = arith.ori %parallel_loop3A_143, %parallel_loop3A_141 : vector<16xi32>
        %parallel_loop3A_145 = tpu.bitcast %parallel_loop3A_144 : vector<16xi32> -> vector<16xf32>
        %parallel_loop3A_146 = math.absf %parallel_loop3A_137 : vector<16xf32>
        %parallel_loop3A_147 = arith.constant 0.000000e+00 : f32
        %parallel_loop3A_148 = vector.broadcast %parallel_loop3A_147 : f32 to vector<16xf32>
        %parallel_loop3A_149 = arith.cmpf ogt, %parallel_loop3A_146, %parallel_loop3A_148 : vector<16xf32>
        %parallel_loop3A_150 = arith.select %parallel_loop3A_149, %parallel_loop3A_145, %parallel_loop3A_137 : vector<16xi1>, vector<16xf32>
        %parallel_loop3A_151 = arith.constant 0.000000e+00 : f32
        %parallel_loop3A_152 = arith.constant 1.000000e+00 : f32
        %parallel_loop3A_153 = vector.broadcast %parallel_loop3A_151 : f32 to vector<16xf32>
        %parallel_loop3A_154 = vector.broadcast %parallel_loop3A_152 : f32 to vector<16xf32>
        %parallel_loop3A_155 = arith.select %parallel_loop3A_133, %parallel_loop3A_153, %parallel_loop3A_154 : vector<16xi1>, vector<16xf32>
        %parallel_loop3A_156 = arith.constant 0 : i32
        %parallel_loop3A_157 = arith.constant 1 : i32
        %parallel_loop3A_158 = arith.index_cast %parallel_loop3A_156 : i32 to index
        %parallel_loop3A_159 = arith.index_cast %parallel_loop3A_157 : i32 to index
        %parallel_loop3A_160 = arith.index_cast %parallel_loop3A_68 : i32 to index
        %parallel_loop3A_161 = tpu.vector_load %arg10[%parallel_loop3A_158, %parallel_loop3A_159, %parallel_loop3A_160] {strides = array<i32>} : memref<3x8x384xf32, #tpu.memory_space<vmem>>, vector<16xf32>,
        tpu.vector_store %arg10[%parallel_loop3A_158, %parallel_loop3A_159, %parallel_loop3A_160], %parallel_loop3A_155 {strides = array<i32>} : memref<3x8x384xf32, #tpu.memory_space<vmem>>, vector<16xf32>,
        %parallel_loop3A_162 = arith.constant 0.000000e+00 : f32
        %parallel_loop3A_163 = vector.broadcast %parallel_loop3A_162 : f32 to vector<16xf32>
        %parallel_loop3A_164 = arith.select %parallel_loop3A_133, %parallel_loop3A_136, %parallel_loop3A_163 : vector<16xi1>, vector<16xf32>
        %parallel_loop3A_165 = arith.constant 1 : i32
        %parallel_loop3A_166 = arith.constant 1 : i32
        %parallel_loop3A_167 = arith.index_cast %parallel_loop3A_165 : i32 to index
        %parallel_loop3A_168 = arith.index_cast %parallel_loop3A_166 : i32 to index
        %parallel_loop3A_169 = arith.index_cast %parallel_loop3A_68 : i32 to index
        %parallel_loop3A_170 = tpu.vector_load %arg10[%parallel_loop3A_167, %parallel_loop3A_168, %parallel_loop3A_169] {strides = array<i32>} : memref<3x8x384xf32, #tpu.memory_space<vmem>>, vector<16xf32>,
        tpu.vector_store %arg10[%parallel_loop3A_167, %parallel_loop3A_168, %parallel_loop3A_169], %parallel_loop3A_164 {strides = array<i32>} : memref<3x8x384xf32, #tpu.memory_space<vmem>>, vector<16xf32>,
        %parallel_loop3A_171 = arith.constant 0.000000e+00 : f32
        %parallel_loop3A_172 = vector.broadcast %parallel_loop3A_171 : f32 to vector<16xf32>
        %parallel_loop3A_173 = arith.select %parallel_loop3A_133, %parallel_loop3A_150, %parallel_loop3A_172 : vector<16xi1>, vector<16xf32>
        %parallel_loop3A_174 = arith.constant 2 : i32
        %parallel_loop3A_175 = arith.constant 1 : i32
        %parallel_loop3A_176 = arith.index_cast %parallel_loop3A_174 : i32 to index
        %parallel_loop3A_177 = arith.index_cast %parallel_loop3A_175 : i32 to index
        %parallel_loop3A_178 = arith.index_cast %parallel_loop3A_68 : i32 to index
        %parallel_loop3A_179 = tpu.vector_load %arg10[%parallel_loop3A_176, %parallel_loop3A_177, %parallel_loop3A_178] {strides = array<i32>} : memref<3x8x384xf32, #tpu.memory_space<vmem>>, vector<16xf32>,
        tpu.vector_store %arg10[%parallel_loop3A_176, %parallel_loop3A_177, %parallel_loop3A_178], %parallel_loop3A_173 {strides = array<i32>} : memref<3x8x384xf32, #tpu.memory_space<vmem>>, vector<16xf32>,
        %parallel_loop3A_180 = arith.constant 2 : i32
        %parallel_loop3A_181 = arith.index_cast %parallel_loop3A_180 : i32 to index
        %parallel_loop3A_182 = arith.index_cast %parallel_loop3A_68 : i32 to index
        %parallel_loop3A_183 = tpu.vector_load %arg8[%parallel_loop3A_181, %parallel_loop3A_182] {strides = array<i32>} : memref<8x384xi32, #tpu.memory_space<vmem>>, vector<16xi32>,
        %parallel_loop3A_184 = tpu.vector_load_idx %arg6[%parallel_loop3A_183] : memref<50048xi32, #tpu.memory_space<vmem>>[vector<16xi32>], vector<16xi32>,
        %parallel_loop3A_185 = arith.cmpi eq, %parallel_loop3A_75, %parallel_loop3A_184 : vector<16xi32>
        %parallel_loop3A_186 = arith.subi %parallel_loop3A_183, %parallel_loop3A_72 : vector<16xi32>
        %parallel_loop3A_187 = math.absi %parallel_loop3A_186 : vector<16xi32>
        %parallel_loop3A_188 = tpu.vector_load_idx %arg7[%parallel_loop3A_187] : memref<50048xf32, #tpu.memory_space<vmem>>[vector<16xi32>], vector<16xf32>,
        %parallel_loop3A_189 = arith.sitofp %parallel_loop3A_186 : vector<16xi32> to vector<16xf32>
        %parallel_loop3A_190 = tpu.bitcast %parallel_loop3A_189 : vector<16xf32> -> vector<16xi32>
        %parallel_loop3A_191 = arith.constant -2147483648 : i32
        %parallel_loop3A_192 = vector.broadcast %parallel_loop3A_191 : i32 to vector<16xi32>
        %parallel_loop3A_193 = arith.andi %parallel_loop3A_190, %parallel_loop3A_192 : vector<16xi32>
        %parallel_loop3A_194 = arith.constant 1065353216 : i32
        %parallel_loop3A_195 = vector.broadcast %parallel_loop3A_194 : i32 to vector<16xi32>
        %parallel_loop3A_196 = arith.ori %parallel_loop3A_195, %parallel_loop3A_193 : vector<16xi32>
        %parallel_loop3A_197 = tpu.bitcast %parallel_loop3A_196 : vector<16xi32> -> vector<16xf32>
        %parallel_loop3A_198 = math.absf %parallel_loop3A_189 : vector<16xf32>
        %parallel_loop3A_199 = arith.constant 0.000000e+00 : f32
        %parallel_loop3A_200 = vector.broadcast %parallel_loop3A_199 : f32 to vector<16xf32>
        %parallel_loop3A_201 = arith.cmpf ogt, %parallel_loop3A_198, %parallel_loop3A_200 : vector<16xf32>
        %parallel_loop3A_202 = arith.select %parallel_loop3A_201, %parallel_loop3A_197, %parallel_loop3A_189 : vector<16xi1>, vector<16xf32>
        %parallel_loop3A_203 = arith.constant 0.000000e+00 : f32
        %parallel_loop3A_204 = arith.constant 1.000000e+00 : f32
        %parallel_loop3A_205 = vector.broadcast %parallel_loop3A_203 : f32 to vector<16xf32>
        %parallel_loop3A_206 = vector.broadcast %parallel_loop3A_204 : f32 to vector<16xf32>
        %parallel_loop3A_207 = arith.select %parallel_loop3A_185, %parallel_loop3A_205, %parallel_loop3A_206 : vector<16xi1>, vector<16xf32>
        %parallel_loop3A_208 = arith.constant 0 : i32
        %parallel_loop3A_209 = arith.constant 2 : i32
        %parallel_loop3A_210 = arith.index_cast %parallel_loop3A_208 : i32 to index
        %parallel_loop3A_211 = arith.index_cast %parallel_loop3A_209 : i32 to index
        %parallel_loop3A_212 = arith.index_cast %parallel_loop3A_68 : i32 to index
        %parallel_loop3A_213 = tpu.vector_load %arg10[%parallel_loop3A_210, %parallel_loop3A_211, %parallel_loop3A_212] {strides = array<i32>} : memref<3x8x384xf32, #tpu.memory_space<vmem>>, vector<16xf32>,
        tpu.vector_store %arg10[%parallel_loop3A_210, %parallel_loop3A_211, %parallel_loop3A_212], %parallel_loop3A_207 {strides = array<i32>} : memref<3x8x384xf32, #tpu.memory_space<vmem>>, vector<16xf32>,
        %parallel_loop3A_214 = arith.constant 0.000000e+00 : f32
        %parallel_loop3A_215 = vector.broadcast %parallel_loop3A_214 : f32 to vector<16xf32>
        %parallel_loop3A_216 = arith.select %parallel_loop3A_185, %parallel_loop3A_188, %parallel_loop3A_215 : vector<16xi1>, vector<16xf32>
        %parallel_loop3A_217 = arith.constant 1 : i32
        %parallel_loop3A_218 = arith.constant 2 : i32
        %parallel_loop3A_219 = arith.index_cast %parallel_loop3A_217 : i32 to index
        %parallel_loop3A_220 = arith.index_cast %parallel_loop3A_218 : i32 to index
        %parallel_loop3A_221 = arith.index_cast %parallel_loop3A_68 : i32 to index
        %parallel_loop3A_222 = tpu.vector_load %arg10[%parallel_loop3A_219, %parallel_loop3A_220, %parallel_loop3A_221] {strides = array<i32>} : memref<3x8x384xf32, #tpu.memory_space<vmem>>, vector<16xf32>,
        tpu.vector_store %arg10[%parallel_loop3A_219, %parallel_loop3A_220, %parallel_loop3A_221], %parallel_loop3A_216 {strides = array<i32>} : memref<3x8x384xf32, #tpu.memory_space<vmem>>, vector<16xf32>,
        %parallel_loop3A_223 = arith.constant 0.000000e+00 : f32
        %parallel_loop3A_224 = vector.broadcast %parallel_loop3A_223 : f32 to vector<16xf32>
        %parallel_loop3A_225 = arith.select %parallel_loop3A_185, %parallel_loop3A_202, %parallel_loop3A_224 : vector<16xi1>, vector<16xf32>
        %parallel_loop3A_226 = arith.constant 2 : i32
        %parallel_loop3A_227 = arith.constant 2 : i32
        %parallel_loop3A_228 = arith.index_cast %parallel_loop3A_226 : i32 to index
        %parallel_loop3A_229 = arith.index_cast %parallel_loop3A_227 : i32 to index
        %parallel_loop3A_230 = arith.index_cast %parallel_loop3A_68 : i32 to index
        %parallel_loop3A_231 = tpu.vector_load %arg10[%parallel_loop3A_228, %parallel_loop3A_229, %parallel_loop3A_230] {strides = array<i32>} : memref<3x8x384xf32, #tpu.memory_space<vmem>>, vector<16xf32>,
        tpu.vector_store %arg10[%parallel_loop3A_228, %parallel_loop3A_229, %parallel_loop3A_230], %parallel_loop3A_225 {strides = array<i32>} : memref<3x8x384xf32, #tpu.memory_space<vmem>>, vector<16xf32>,
        %parallel_loop3A_232 = arith.constant 3 : i32
        %parallel_loop3A_233 = arith.index_cast %parallel_loop3A_232 : i32 to index
        %parallel_loop3A_234 = arith.index_cast %parallel_loop3A_68 : i32 to index
        %parallel_loop3A_235 = tpu.vector_load %arg8[%parallel_loop3A_233, %parallel_loop3A_234] {strides = array<i32>} : memref<8x384xi32, #tpu.memory_space<vmem>>, vector<16xi32>,
        %parallel_loop3A_236 = tpu.vector_load_idx %arg6[%parallel_loop3A_235] : memref<50048xi32, #tpu.memory_space<vmem>>[vector<16xi32>], vector<16xi32>,
        %parallel_loop3A_237 = arith.cmpi eq, %parallel_loop3A_75, %parallel_loop3A_236 : vector<16xi32>
        %parallel_loop3A_238 = arith.subi %parallel_loop3A_235, %parallel_loop3A_72 : vector<16xi32>
        %parallel_loop3A_239 = math.absi %parallel_loop3A_238 : vector<16xi32>
        %parallel_loop3A_240 = tpu.vector_load_idx %arg7[%parallel_loop3A_239] : memref<50048xf32, #tpu.memory_space<vmem>>[vector<16xi32>], vector<16xf32>,
        %parallel_loop3A_241 = arith.sitofp %parallel_loop3A_238 : vector<16xi32> to vector<16xf32>
        %parallel_loop3A_242 = tpu.bitcast %parallel_loop3A_241 : vector<16xf32> -> vector<16xi32>
        %parallel_loop3A_243 = arith.constant -2147483648 : i32
        %parallel_loop3A_244 = vector.broadcast %parallel_loop3A_243 : i32 to vector<16xi32>
        %parallel_loop3A_245 = arith.andi %parallel_loop3A_242, %parallel_loop3A_244 : vector<16xi32>
        %parallel_loop3A_246 = arith.constant 1065353216 : i32
        %parallel_loop3A_247 = vector.broadcast %parallel_loop3A_246 : i32 to vector<16xi32>
        %parallel_loop3A_248 = arith.ori %parallel_loop3A_247, %parallel_loop3A_245 : vector<16xi32>
        %parallel_loop3A_249 = tpu.bitcast %parallel_loop3A_248 : vector<16xi32> -> vector<16xf32>
        %parallel_loop3A_250 = math.absf %parallel_loop3A_241 : vector<16xf32>
        %parallel_loop3A_251 = arith.constant 0.000000e+00 : f32
        %parallel_loop3A_252 = vector.broadcast %parallel_loop3A_251 : f32 to vector<16xf32>
        %parallel_loop3A_253 = arith.cmpf ogt, %parallel_loop3A_250, %parallel_loop3A_252 : vector<16xf32>
        %parallel_loop3A_254 = arith.select %parallel_loop3A_253, %parallel_loop3A_249, %parallel_loop3A_241 : vector<16xi1>, vector<16xf32>
        %parallel_loop3A_255 = arith.constant 0.000000e+00 : f32
        %parallel_loop3A_256 = arith.constant 1.000000e+00 : f32
        %parallel_loop3A_257 = vector.broadcast %parallel_loop3A_255 : f32 to vector<16xf32>
        %parallel_loop3A_258 = vector.broadcast %parallel_loop3A_256 : f32 to vector<16xf32>
        %parallel_loop3A_259 = arith.select %parallel_loop3A_237, %parallel_loop3A_257, %parallel_loop3A_258 : vector<16xi1>, vector<16xf32>
        %parallel_loop3A_260 = arith.constant 0 : i32
        %parallel_loop3A_261 = arith.constant 3 : i32
        %parallel_loop3A_262 = arith.index_cast %parallel_loop3A_260 : i32 to index
        %parallel_loop3A_263 = arith.index_cast %parallel_loop3A_261 : i32 to index
        %parallel_loop3A_264 = arith.index_cast %parallel_loop3A_68 : i32 to index
        %parallel_loop3A_265 = tpu.vector_load %arg10[%parallel_loop3A_262, %parallel_loop3A_263, %parallel_loop3A_264] {strides = array<i32>} : memref<3x8x384xf32, #tpu.memory_space<vmem>>, vector<16xf32>,
        tpu.vector_store %arg10[%parallel_loop3A_262, %parallel_loop3A_263, %parallel_loop3A_264], %parallel_loop3A_259 {strides = array<i32>} : memref<3x8x384xf32, #tpu.memory_space<vmem>>, vector<16xf32>,
        %parallel_loop3A_266 = arith.constant 0.000000e+00 : f32
        %parallel_loop3A_267 = vector.broadcast %parallel_loop3A_266 : f32 to vector<16xf32>
        %parallel_loop3A_268 = arith.select %parallel_loop3A_237, %parallel_loop3A_240, %parallel_loop3A_267 : vector<16xi1>, vector<16xf32>
        %parallel_loop3A_269 = arith.constant 1 : i32
        %parallel_loop3A_270 = arith.constant 3 : i32
        %parallel_loop3A_271 = arith.index_cast %parallel_loop3A_269 : i32 to index
        %parallel_loop3A_272 = arith.index_cast %parallel_loop3A_270 : i32 to index
        %parallel_loop3A_273 = arith.index_cast %parallel_loop3A_68 : i32 to index
        %parallel_loop3A_274 = tpu.vector_load %arg10[%parallel_loop3A_271, %parallel_loop3A_272, %parallel_loop3A_273] {strides = array<i32>} : memref<3x8x384xf32, #tpu.memory_space<vmem>>, vector<16xf32>,
        tpu.vector_store %arg10[%parallel_loop3A_271, %parallel_loop3A_272, %parallel_loop3A_273], %parallel_loop3A_268 {strides = array<i32>} : memref<3x8x384xf32, #tpu.memory_space<vmem>>, vector<16xf32>,
        %parallel_loop3A_275 = arith.constant 0.000000e+00 : f32
        %parallel_loop3A_276 = vector.broadcast %parallel_loop3A_275 : f32 to vector<16xf32>
        %parallel_loop3A_277 = arith.select %parallel_loop3A_237, %parallel_loop3A_254, %parallel_loop3A_276 : vector<16xi1>, vector<16xf32>
        %parallel_loop3A_278 = arith.constant 2 : i32
        %parallel_loop3A_279 = arith.constant 3 : i32
        %parallel_loop3A_280 = arith.index_cast %parallel_loop3A_278 : i32 to index
        %parallel_loop3A_281 = arith.index_cast %parallel_loop3A_279 : i32 to index
        %parallel_loop3A_282 = arith.index_cast %parallel_loop3A_68 : i32 to index
        %parallel_loop3A_283 = tpu.vector_load %arg10[%parallel_loop3A_280, %parallel_loop3A_281, %parallel_loop3A_282] {strides = array<i32>} : memref<3x8x384xf32, #tpu.memory_space<vmem>>, vector<16xf32>,
        tpu.vector_store %arg10[%parallel_loop3A_280, %parallel_loop3A_281, %parallel_loop3A_282], %parallel_loop3A_277 {strides = array<i32>} : memref<3x8x384xf32, #tpu.memory_space<vmem>>, vector<16xf32>,
        %parallel_loop3A_284 = arith.constant 4 : i32
        %parallel_loop3A_285 = arith.index_cast %parallel_loop3A_284 : i32 to index
        %parallel_loop3A_286 = arith.index_cast %parallel_loop3A_68 : i32 to index
        %parallel_loop3A_287 = tpu.vector_load %arg8[%parallel_loop3A_285, %parallel_loop3A_286] {strides = array<i32>} : memref<8x384xi32, #tpu.memory_space<vmem>>, vector<16xi32>,
        %parallel_loop3A_288 = tpu.vector_load_idx %arg6[%parallel_loop3A_287] : memref<50048xi32, #tpu.memory_space<vmem>>[vector<16xi32>], vector<16xi32>,
        %parallel_loop3A_289 = arith.cmpi eq, %parallel_loop3A_75, %parallel_loop3A_288 : vector<16xi32>
        %parallel_loop3A_290 = arith.subi %parallel_loop3A_287, %parallel_loop3A_72 : vector<16xi32>
        %parallel_loop3A_291 = math.absi %parallel_loop3A_290 : vector<16xi32>
        %parallel_loop3A_292 = tpu.vector_load_idx %arg7[%parallel_loop3A_291] : memref<50048xf32, #tpu.memory_space<vmem>>[vector<16xi32>], vector<16xf32>,
        %parallel_loop3A_293 = arith.sitofp %parallel_loop3A_290 : vector<16xi32> to vector<16xf32>
        %parallel_loop3A_294 = tpu.bitcast %parallel_loop3A_293 : vector<16xf32> -> vector<16xi32>
        %parallel_loop3A_295 = arith.constant -2147483648 : i32
        %parallel_loop3A_296 = vector.broadcast %parallel_loop3A_295 : i32 to vector<16xi32>
        %parallel_loop3A_297 = arith.andi %parallel_loop3A_294, %parallel_loop3A_296 : vector<16xi32>
        %parallel_loop3A_298 = arith.constant 1065353216 : i32
        %parallel_loop3A_299 = vector.broadcast %parallel_loop3A_298 : i32 to vector<16xi32>
        %parallel_loop3A_300 = arith.ori %parallel_loop3A_299, %parallel_loop3A_297 : vector<16xi32>
        %parallel_loop3A_301 = tpu.bitcast %parallel_loop3A_300 : vector<16xi32> -> vector<16xf32>
        %parallel_loop3A_302 = math.absf %parallel_loop3A_293 : vector<16xf32>
        %parallel_loop3A_303 = arith.constant 0.000000e+00 : f32
        %parallel_loop3A_304 = vector.broadcast %parallel_loop3A_303 : f32 to vector<16xf32>
        %parallel_loop3A_305 = arith.cmpf ogt, %parallel_loop3A_302, %parallel_loop3A_304 : vector<16xf32>
        %parallel_loop3A_306 = arith.select %parallel_loop3A_305, %parallel_loop3A_301, %parallel_loop3A_293 : vector<16xi1>, vector<16xf32>
        %parallel_loop3A_307 = arith.constant 0.000000e+00 : f32
        %parallel_loop3A_308 = arith.constant 1.000000e+00 : f32
        %parallel_loop3A_309 = vector.broadcast %parallel_loop3A_307 : f32 to vector<16xf32>
        %parallel_loop3A_310 = vector.broadcast %parallel_loop3A_308 : f32 to vector<16xf32>
        %parallel_loop3A_311 = arith.select %parallel_loop3A_289, %parallel_loop3A_309, %parallel_loop3A_310 : vector<16xi1>, vector<16xf32>
        %parallel_loop3A_312 = arith.constant 0 : i32
        %parallel_loop3A_313 = arith.constant 4 : i32
        %parallel_loop3A_314 = arith.index_cast %parallel_loop3A_312 : i32 to index
        %parallel_loop3A_315 = arith.index_cast %parallel_loop3A_313 : i32 to index
        %parallel_loop3A_316 = arith.index_cast %parallel_loop3A_68 : i32 to index
        %parallel_loop3A_317 = tpu.vector_load %arg10[%parallel_loop3A_314, %parallel_loop3A_315, %parallel_loop3A_316] {strides = array<i32>} : memref<3x8x384xf32, #tpu.memory_space<vmem>>, vector<16xf32>,
        tpu.vector_store %arg10[%parallel_loop3A_314, %parallel_loop3A_315, %parallel_loop3A_316], %parallel_loop3A_311 {strides = array<i32>} : memref<3x8x384xf32, #tpu.memory_space<vmem>>, vector<16xf32>,
        %parallel_loop3A_318 = arith.constant 0.000000e+00 : f32
        %parallel_loop3A_319 = vector.broadcast %parallel_loop3A_318 : f32 to vector<16xf32>
        %parallel_loop3A_320 = arith.select %parallel_loop3A_289, %parallel_loop3A_292, %parallel_loop3A_319 : vector<16xi1>, vector<16xf32>
        %parallel_loop3A_321 = arith.constant 1 : i32
        %parallel_loop3A_322 = arith.constant 4 : i32
        %parallel_loop3A_323 = arith.index_cast %parallel_loop3A_321 : i32 to index
        %parallel_loop3A_324 = arith.index_cast %parallel_loop3A_322 : i32 to index
        %parallel_loop3A_325 = arith.index_cast %parallel_loop3A_68 : i32 to index
        %parallel_loop3A_326 = tpu.vector_load %arg10[%parallel_loop3A_323, %parallel_loop3A_324, %parallel_loop3A_325] {strides = array<i32>} : memref<3x8x384xf32, #tpu.memory_space<vmem>>, vector<16xf32>,
        tpu.vector_store %arg10[%parallel_loop3A_323, %parallel_loop3A_324, %parallel_loop3A_325], %parallel_loop3A_320 {strides = array<i32>} : memref<3x8x384xf32, #tpu.memory_space<vmem>>, vector<16xf32>,
        %parallel_loop3A_327 = arith.constant 0.000000e+00 : f32
        %parallel_loop3A_328 = vector.broadcast %parallel_loop3A_327 : f32 to vector<16xf32>
        %parallel_loop3A_329 = arith.select %parallel_loop3A_289, %parallel_loop3A_306, %parallel_loop3A_328 : vector<16xi1>, vector<16xf32>
        %parallel_loop3A_330 = arith.constant 2 : i32
        %parallel_loop3A_331 = arith.constant 4 : i32
        %parallel_loop3A_332 = arith.index_cast %parallel_loop3A_330 : i32 to index
        %parallel_loop3A_333 = arith.index_cast %parallel_loop3A_331 : i32 to index
        %parallel_loop3A_334 = arith.index_cast %parallel_loop3A_68 : i32 to index
        %parallel_loop3A_335 = tpu.vector_load %arg10[%parallel_loop3A_332, %parallel_loop3A_333, %parallel_loop3A_334] {strides = array<i32>} : memref<3x8x384xf32, #tpu.memory_space<vmem>>, vector<16xf32>,
        tpu.vector_store %arg10[%parallel_loop3A_332, %parallel_loop3A_333, %parallel_loop3A_334], %parallel_loop3A_329 {strides = array<i32>} : memref<3x8x384xf32, #tpu.memory_space<vmem>>, vector<16xf32>,
        %parallel_loop3A_336 = arith.constant 5 : i32
        %parallel_loop3A_337 = arith.index_cast %parallel_loop3A_336 : i32 to index
        %parallel_loop3A_338 = arith.index_cast %parallel_loop3A_68 : i32 to index
        %parallel_loop3A_339 = tpu.vector_load %arg8[%parallel_loop3A_337, %parallel_loop3A_338] {strides = array<i32>} : memref<8x384xi32, #tpu.memory_space<vmem>>, vector<16xi32>,
        %parallel_loop3A_340 = tpu.vector_load_idx %arg6[%parallel_loop3A_339] : memref<50048xi32, #tpu.memory_space<vmem>>[vector<16xi32>], vector<16xi32>,
        %parallel_loop3A_341 = arith.cmpi eq, %parallel_loop3A_75, %parallel_loop3A_340 : vector<16xi32>
        %parallel_loop3A_342 = arith.subi %parallel_loop3A_339, %parallel_loop3A_72 : vector<16xi32>
        %parallel_loop3A_343 = math.absi %parallel_loop3A_342 : vector<16xi32>
        %parallel_loop3A_344 = tpu.vector_load_idx %arg7[%parallel_loop3A_343] : memref<50048xf32, #tpu.memory_space<vmem>>[vector<16xi32>], vector<16xf32>,
        %parallel_loop3A_345 = arith.sitofp %parallel_loop3A_342 : vector<16xi32> to vector<16xf32>
        %parallel_loop3A_346 = tpu.bitcast %parallel_loop3A_345 : vector<16xf32> -> vector<16xi32>
        %parallel_loop3A_347 = arith.constant -2147483648 : i32
        %parallel_loop3A_348 = vector.broadcast %parallel_loop3A_347 : i32 to vector<16xi32>
        %parallel_loop3A_349 = arith.andi %parallel_loop3A_346, %parallel_loop3A_348 : vector<16xi32>
        %parallel_loop3A_350 = arith.constant 1065353216 : i32
        %parallel_loop3A_351 = vector.broadcast %parallel_loop3A_350 : i32 to vector<16xi32>
        %parallel_loop3A_352 = arith.ori %parallel_loop3A_351, %parallel_loop3A_349 : vector<16xi32>
        %parallel_loop3A_353 = tpu.bitcast %parallel_loop3A_352 : vector<16xi32> -> vector<16xf32>
        %parallel_loop3A_354 = math.absf %parallel_loop3A_345 : vector<16xf32>
        %parallel_loop3A_355 = arith.constant 0.000000e+00 : f32
        %parallel_loop3A_356 = vector.broadcast %parallel_loop3A_355 : f32 to vector<16xf32>
        %parallel_loop3A_357 = arith.cmpf ogt, %parallel_loop3A_354, %parallel_loop3A_356 : vector<16xf32>
        %parallel_loop3A_358 = arith.select %parallel_loop3A_357, %parallel_loop3A_353, %parallel_loop3A_345 : vector<16xi1>, vector<16xf32>
        %parallel_loop3A_359 = arith.constant 0.000000e+00 : f32
        %parallel_loop3A_360 = arith.constant 1.000000e+00 : f32
        %parallel_loop3A_361 = vector.broadcast %parallel_loop3A_359 : f32 to vector<16xf32>
        %parallel_loop3A_362 = vector.broadcast %parallel_loop3A_360 : f32 to vector<16xf32>
        %parallel_loop3A_363 = arith.select %parallel_loop3A_341, %parallel_loop3A_361, %parallel_loop3A_362 : vector<16xi1>, vector<16xf32>
        %parallel_loop3A_364 = arith.constant 0 : i32
        %parallel_loop3A_365 = arith.constant 5 : i32
        %parallel_loop3A_366 = arith.index_cast %parallel_loop3A_364 : i32 to index
        %parallel_loop3A_367 = arith.index_cast %parallel_loop3A_365 : i32 to index
        %parallel_loop3A_368 = arith.index_cast %parallel_loop3A_68 : i32 to index
        %parallel_loop3A_369 = tpu.vector_load %arg10[%parallel_loop3A_366, %parallel_loop3A_367, %parallel_loop3A_368] {strides = array<i32>} : memref<3x8x384xf32, #tpu.memory_space<vmem>>, vector<16xf32>,
        tpu.vector_store %arg10[%parallel_loop3A_366, %parallel_loop3A_367, %parallel_loop3A_368], %parallel_loop3A_363 {strides = array<i32>} : memref<3x8x384xf32, #tpu.memory_space<vmem>>, vector<16xf32>,
        %parallel_loop3A_370 = arith.constant 0.000000e+00 : f32
        %parallel_loop3A_371 = vector.broadcast %parallel_loop3A_370 : f32 to vector<16xf32>
        %parallel_loop3A_372 = arith.select %parallel_loop3A_341, %parallel_loop3A_344, %parallel_loop3A_371 : vector<16xi1>, vector<16xf32>
        %parallel_loop3A_373 = arith.constant 1 : i32
        %parallel_loop3A_374 = arith.constant 5 : i32
        %parallel_loop3A_375 = arith.index_cast %parallel_loop3A_373 : i32 to index
        %parallel_loop3A_376 = arith.index_cast %parallel_loop3A_374 : i32 to index
        %parallel_loop3A_377 = arith.index_cast %parallel_loop3A_68 : i32 to index
        %parallel_loop3A_378 = tpu.vector_load %arg10[%parallel_loop3A_375, %parallel_loop3A_376, %parallel_loop3A_377] {strides = array<i32>} : memref<3x8x384xf32, #tpu.memory_space<vmem>>, vector<16xf32>,
        tpu.vector_store %arg10[%parallel_loop3A_375, %parallel_loop3A_376, %parallel_loop3A_377], %parallel_loop3A_372 {strides = array<i32>} : memref<3x8x384xf32, #tpu.memory_space<vmem>>, vector<16xf32>,
        %parallel_loop3A_379 = arith.constant 0.000000e+00 : f32
        %parallel_loop3A_380 = vector.broadcast %parallel_loop3A_379 : f32 to vector<16xf32>
        %parallel_loop3A_381 = arith.select %parallel_loop3A_341, %parallel_loop3A_358, %parallel_loop3A_380 : vector<16xi1>, vector<16xf32>
        %parallel_loop3A_382 = arith.constant 2 : i32
        %parallel_loop3A_383 = arith.constant 5 : i32
        %parallel_loop3A_384 = arith.index_cast %parallel_loop3A_382 : i32 to index
        %parallel_loop3A_385 = arith.index_cast %parallel_loop3A_383 : i32 to index
        %parallel_loop3A_386 = arith.index_cast %parallel_loop3A_68 : i32 to index
        %parallel_loop3A_387 = tpu.vector_load %arg10[%parallel_loop3A_384, %parallel_loop3A_385, %parallel_loop3A_386] {strides = array<i32>} : memref<3x8x384xf32, #tpu.memory_space<vmem>>, vector<16xf32>,
        tpu.vector_store %arg10[%parallel_loop3A_384, %parallel_loop3A_385, %parallel_loop3A_386], %parallel_loop3A_381 {strides = array<i32>} : memref<3x8x384xf32, #tpu.memory_space<vmem>>, vector<16xf32>,
        %parallel_loop3A_388 = arith.constant 6 : i32
        %parallel_loop3A_389 = arith.index_cast %parallel_loop3A_388 : i32 to index
        %parallel_loop3A_390 = arith.index_cast %parallel_loop3A_68 : i32 to index
        %parallel_loop3A_391 = tpu.vector_load %arg8[%parallel_loop3A_389, %parallel_loop3A_390] {strides = array<i32>} : memref<8x384xi32, #tpu.memory_space<vmem>>, vector<16xi32>,
        %parallel_loop3A_392 = tpu.vector_load_idx %arg6[%parallel_loop3A_391] : memref<50048xi32, #tpu.memory_space<vmem>>[vector<16xi32>], vector<16xi32>,
        %parallel_loop3A_393 = arith.cmpi eq, %parallel_loop3A_75, %parallel_loop3A_392 : vector<16xi32>
        %parallel_loop3A_394 = arith.subi %parallel_loop3A_391, %parallel_loop3A_72 : vector<16xi32>
        %parallel_loop3A_395 = math.absi %parallel_loop3A_394 : vector<16xi32>
        %parallel_loop3A_396 = tpu.vector_load_idx %arg7[%parallel_loop3A_395] : memref<50048xf32, #tpu.memory_space<vmem>>[vector<16xi32>], vector<16xf32>,
        %parallel_loop3A_397 = arith.sitofp %parallel_loop3A_394 : vector<16xi32> to vector<16xf32>
        %parallel_loop3A_398 = tpu.bitcast %parallel_loop3A_397 : vector<16xf32> -> vector<16xi32>
        %parallel_loop3A_399 = arith.constant -2147483648 : i32
        %parallel_loop3A_400 = vector.broadcast %parallel_loop3A_399 : i32 to vector<16xi32>
        %parallel_loop3A_401 = arith.andi %parallel_loop3A_398, %parallel_loop3A_400 : vector<16xi32>
        %parallel_loop3A_402 = arith.constant 1065353216 : i32
        %parallel_loop3A_403 = vector.broadcast %parallel_loop3A_402 : i32 to vector<16xi32>
        %parallel_loop3A_404 = arith.ori %parallel_loop3A_403, %parallel_loop3A_401 : vector<16xi32>
        %parallel_loop3A_405 = tpu.bitcast %parallel_loop3A_404 : vector<16xi32> -> vector<16xf32>
        %parallel_loop3A_406 = math.absf %parallel_loop3A_397 : vector<16xf32>
        %parallel_loop3A_407 = arith.constant 0.000000e+00 : f32
        %parallel_loop3A_408 = vector.broadcast %parallel_loop3A_407 : f32 to vector<16xf32>
        %parallel_loop3A_409 = arith.cmpf ogt, %parallel_loop3A_406, %parallel_loop3A_408 : vector<16xf32>
        %parallel_loop3A_410 = arith.select %parallel_loop3A_409, %parallel_loop3A_405, %parallel_loop3A_397 : vector<16xi1>, vector<16xf32>
        %parallel_loop3A_411 = arith.constant 0.000000e+00 : f32
        %parallel_loop3A_412 = arith.constant 1.000000e+00 : f32
        %parallel_loop3A_413 = vector.broadcast %parallel_loop3A_411 : f32 to vector<16xf32>
        %parallel_loop3A_414 = vector.broadcast %parallel_loop3A_412 : f32 to vector<16xf32>
        %parallel_loop3A_415 = arith.select %parallel_loop3A_393, %parallel_loop3A_413, %parallel_loop3A_414 : vector<16xi1>, vector<16xf32>
        %parallel_loop3A_416 = arith.constant 0 : i32
        %parallel_loop3A_417 = arith.constant 6 : i32
        %parallel_loop3A_418 = arith.index_cast %parallel_loop3A_416 : i32 to index
        %parallel_loop3A_419 = arith.index_cast %parallel_loop3A_417 : i32 to index
        %parallel_loop3A_420 = arith.index_cast %parallel_loop3A_68 : i32 to index
        %parallel_loop3A_421 = tpu.vector_load %arg10[%parallel_loop3A_418, %parallel_loop3A_419, %parallel_loop3A_420] {strides = array<i32>} : memref<3x8x384xf32, #tpu.memory_space<vmem>>, vector<16xf32>,
        tpu.vector_store %arg10[%parallel_loop3A_418, %parallel_loop3A_419, %parallel_loop3A_420], %parallel_loop3A_415 {strides = array<i32>} : memref<3x8x384xf32, #tpu.memory_space<vmem>>, vector<16xf32>,
        %parallel_loop3A_422 = arith.constant 0.000000e+00 : f32
        %parallel_loop3A_423 = vector.broadcast %parallel_loop3A_422 : f32 to vector<16xf32>
        %parallel_loop3A_424 = arith.select %parallel_loop3A_393, %parallel_loop3A_396, %parallel_loop3A_423 : vector<16xi1>, vector<16xf32>
        %parallel_loop3A_425 = arith.constant 1 : i32
        %parallel_loop3A_426 = arith.constant 6 : i32
        %parallel_loop3A_427 = arith.index_cast %parallel_loop3A_425 : i32 to index
        %parallel_loop3A_428 = arith.index_cast %parallel_loop3A_426 : i32 to index
        %parallel_loop3A_429 = arith.index_cast %parallel_loop3A_68 : i32 to index
        %parallel_loop3A_430 = tpu.vector_load %arg10[%parallel_loop3A_427, %parallel_loop3A_428, %parallel_loop3A_429] {strides = array<i32>} : memref<3x8x384xf32, #tpu.memory_space<vmem>>, vector<16xf32>,
        tpu.vector_store %arg10[%parallel_loop3A_427, %parallel_loop3A_428, %parallel_loop3A_429], %parallel_loop3A_424 {strides = array<i32>} : memref<3x8x384xf32, #tpu.memory_space<vmem>>, vector<16xf32>,
        %parallel_loop3A_431 = arith.constant 0.000000e+00 : f32
        %parallel_loop3A_432 = vector.broadcast %parallel_loop3A_431 : f32 to vector<16xf32>
        %parallel_loop3A_433 = arith.select %parallel_loop3A_393, %parallel_loop3A_410, %parallel_loop3A_432 : vector<16xi1>, vector<16xf32>
        %parallel_loop3A_434 = arith.constant 2 : i32
        %parallel_loop3A_435 = arith.constant 6 : i32
        %parallel_loop3A_436 = arith.index_cast %parallel_loop3A_434 : i32 to index
        %parallel_loop3A_437 = arith.index_cast %parallel_loop3A_435 : i32 to index
        %parallel_loop3A_438 = arith.index_cast %parallel_loop3A_68 : i32 to index
        %parallel_loop3A_439 = tpu.vector_load %arg10[%parallel_loop3A_436, %parallel_loop3A_437, %parallel_loop3A_438] {strides = array<i32>} : memref<3x8x384xf32, #tpu.memory_space<vmem>>, vector<16xf32>,
        tpu.vector_store %arg10[%parallel_loop3A_436, %parallel_loop3A_437, %parallel_loop3A_438], %parallel_loop3A_433 {strides = array<i32>} : memref<3x8x384xf32, #tpu.memory_space<vmem>>, vector<16xf32>,
        %parallel_loop3A_440 = arith.constant 7 : i32
        %parallel_loop3A_441 = arith.index_cast %parallel_loop3A_440 : i32 to index
        %parallel_loop3A_442 = arith.index_cast %parallel_loop3A_68 : i32 to index
        %parallel_loop3A_443 = tpu.vector_load %arg8[%parallel_loop3A_441, %parallel_loop3A_442] {strides = array<i32>} : memref<8x384xi32, #tpu.memory_space<vmem>>, vector<16xi32>,
        %parallel_loop3A_444 = tpu.vector_load_idx %arg6[%parallel_loop3A_443] : memref<50048xi32, #tpu.memory_space<vmem>>[vector<16xi32>], vector<16xi32>,
        %parallel_loop3A_445 = arith.cmpi eq, %parallel_loop3A_75, %parallel_loop3A_444 : vector<16xi32>
        %parallel_loop3A_446 = arith.subi %parallel_loop3A_443, %parallel_loop3A_72 : vector<16xi32>
        %parallel_loop3A_447 = math.absi %parallel_loop3A_446 : vector<16xi32>
        %parallel_loop3A_448 = tpu.vector_load_idx %arg7[%parallel_loop3A_447] : memref<50048xf32, #tpu.memory_space<vmem>>[vector<16xi32>], vector<16xf32>,
        %parallel_loop3A_449 = arith.sitofp %parallel_loop3A_446 : vector<16xi32> to vector<16xf32>
        %parallel_loop3A_450 = tpu.bitcast %parallel_loop3A_449 : vector<16xf32> -> vector<16xi32>
        %parallel_loop3A_451 = arith.constant -2147483648 : i32
        %parallel_loop3A_452 = vector.broadcast %parallel_loop3A_451 : i32 to vector<16xi32>
        %parallel_loop3A_453 = arith.andi %parallel_loop3A_450, %parallel_loop3A_452 : vector<16xi32>
        %parallel_loop3A_454 = arith.constant 1065353216 : i32
        %parallel_loop3A_455 = vector.broadcast %parallel_loop3A_454 : i32 to vector<16xi32>
        %parallel_loop3A_456 = arith.ori %parallel_loop3A_455, %parallel_loop3A_453 : vector<16xi32>
        %parallel_loop3A_457 = tpu.bitcast %parallel_loop3A_456 : vector<16xi32> -> vector<16xf32>
        %parallel_loop3A_458 = math.absf %parallel_loop3A_449 : vector<16xf32>
        %parallel_loop3A_459 = arith.constant 0.000000e+00 : f32
        %parallel_loop3A_460 = vector.broadcast %parallel_loop3A_459 : f32 to vector<16xf32>
        %parallel_loop3A_461 = arith.cmpf ogt, %parallel_loop3A_458, %parallel_loop3A_460 : vector<16xf32>
        %parallel_loop3A_462 = arith.select %parallel_loop3A_461, %parallel_loop3A_457, %parallel_loop3A_449 : vector<16xi1>, vector<16xf32>
        %parallel_loop3A_463 = arith.constant 0.000000e+00 : f32
        %parallel_loop3A_464 = arith.constant 1.000000e+00 : f32
        %parallel_loop3A_465 = vector.broadcast %parallel_loop3A_463 : f32 to vector<16xf32>
        %parallel_loop3A_466 = vector.broadcast %parallel_loop3A_464 : f32 to vector<16xf32>
        %parallel_loop3A_467 = arith.select %parallel_loop3A_445, %parallel_loop3A_465, %parallel_loop3A_466 : vector<16xi1>, vector<16xf32>
        %parallel_loop3A_468 = arith.constant 0 : i32
        %parallel_loop3A_469 = arith.constant 7 : i32
        %parallel_loop3A_470 = arith.index_cast %parallel_loop3A_468 : i32 to index
        %parallel_loop3A_471 = arith.index_cast %parallel_loop3A_469 : i32 to index
        %parallel_loop3A_472 = arith.index_cast %parallel_loop3A_68 : i32 to index
        %parallel_loop3A_473 = tpu.vector_load %arg10[%parallel_loop3A_470, %parallel_loop3A_471, %parallel_loop3A_472] {strides = array<i32>} : memref<3x8x384xf32, #tpu.memory_space<vmem>>, vector<16xf32>,
        tpu.vector_store %arg10[%parallel_loop3A_470, %parallel_loop3A_471, %parallel_loop3A_472], %parallel_loop3A_467 {strides = array<i32>} : memref<3x8x384xf32, #tpu.memory_space<vmem>>, vector<16xf32>,
        %parallel_loop3A_474 = arith.constant 0.000000e+00 : f32
        %parallel_loop3A_475 = vector.broadcast %parallel_loop3A_474 : f32 to vector<16xf32>
        %parallel_loop3A_476 = arith.select %parallel_loop3A_445, %parallel_loop3A_448, %parallel_loop3A_475 : vector<16xi1>, vector<16xf32>
        %parallel_loop3A_477 = arith.constant 1 : i32
        %parallel_loop3A_478 = arith.constant 7 : i32
        %parallel_loop3A_479 = arith.index_cast %parallel_loop3A_477 : i32 to index
        %parallel_loop3A_480 = arith.index_cast %parallel_loop3A_478 : i32 to index
        %parallel_loop3A_481 = arith.index_cast %parallel_loop3A_68 : i32 to index
        %parallel_loop3A_482 = tpu.vector_load %arg10[%parallel_loop3A_479, %parallel_loop3A_480, %parallel_loop3A_481] {strides = array<i32>} : memref<3x8x384xf32, #tpu.memory_space<vmem>>, vector<16xf32>,
        tpu.vector_store %arg10[%parallel_loop3A_479, %parallel_loop3A_480, %parallel_loop3A_481], %parallel_loop3A_476 {strides = array<i32>} : memref<3x8x384xf32, #tpu.memory_space<vmem>>, vector<16xf32>,
        %parallel_loop3A_483 = arith.constant 0.000000e+00 : f32
        %parallel_loop3A_484 = vector.broadcast %parallel_loop3A_483 : f32 to vector<16xf32>
        %parallel_loop3A_485 = arith.select %parallel_loop3A_445, %parallel_loop3A_462, %parallel_loop3A_484 : vector<16xi1>, vector<16xf32>
        %parallel_loop3A_486 = arith.constant 2 : i32
        %parallel_loop3A_487 = arith.constant 7 : i32
        %parallel_loop3A_488 = arith.index_cast %parallel_loop3A_486 : i32 to index
        %parallel_loop3A_489 = arith.index_cast %parallel_loop3A_487 : i32 to index
        %parallel_loop3A_490 = arith.index_cast %parallel_loop3A_68 : i32 to index
        %parallel_loop3A_491 = tpu.vector_load %arg10[%parallel_loop3A_488, %parallel_loop3A_489, %parallel_loop3A_490] {strides = array<i32>} : memref<3x8x384xf32, #tpu.memory_space<vmem>>, vector<16xf32>,
        tpu.vector_store %arg10[%parallel_loop3A_488, %parallel_loop3A_489, %parallel_loop3A_490], %parallel_loop3A_485 {strides = array<i32>} : memref<3x8x384xf32, #tpu.memory_space<vmem>>, vector<16xf32>,
      } {sc.loop_unroll_factor = 2 : i64, sc.parallel_access}
      %multiple_of3A_67 = tpu.assume_multiple %mul3A_63, 128 : i32
      "tpu.region"() ({
        %run_scoped3A = tpu.sem_alloc : memref<!tpu.dma_semaphore, #tpu.memory_space<semaphore_mem>>
        %dma_start3A_68 = arith.constant 0 : i32
        %dma_start3A_69 = arith.constant 0 : i32
        %dma_start3A_70 = arith.constant 0 : i32
        %dma_start3A_71 = tpu.memref_slice %arg10[%dma_start3A_68, %dma_start3A_69, %dma_start3A_70] : memref<3x8x384xf32, #tpu.memory_space<vmem>> -> memref<3x8x128xf32, #tpu.memory_space<vmem>>
        %dma_start3A_72 = arith.constant 0 : i32
        %dma_start3A_73 = tpu.memref_slice %arg5[%dma_start3A_72, %multiple_of3A, %multiple_of3A_67] : memref<3x32x50000xf32, #tpu.memory_space<hbm>> -> memref<3x8x128xf32, #tpu.memory_space<hbm>>
        %dma_start3A_74 = arith.constant 0 : i32
        %dma_start3A_75 = tpu.memref_slice %arg5[%dma_start3A_74, %multiple_of3A, %multiple_of3A_67] : memref<3x32x50000xf32, #tpu.memory_space<hbm>> -> memref<3x8x128xf32, #tpu.memory_space<hbm>>
        %dma_start3A_76 = arith.constant 0 : i32
        %dma_start3A_77 = arith.constant 0 : i32
        %dma_start3A_78 = arith.constant 0 : i32
        %dma_start3A_79 = tpu.memref_slice %arg10[%dma_start3A_76, %dma_start3A_77, %dma_start3A_78] : memref<3x8x384xf32, #tpu.memory_space<vmem>> -> memref<3x8x128xf32, #tpu.memory_space<vmem>>
        tpu.enqueue_dma source(%dma_start3A_79 : memref<3x8x128xf32, #tpu.memory_space<vmem>>) target(%dma_start3A_75 : memref<3x8x128xf32, #tpu.memory_space<hbm>>) target_semaphore(%run_scoped3A : memref<!tpu.dma_semaphore, #tpu.memory_space<semaphore_mem>>)
        %dma_wait3A_80 = arith.constant 0 : i32
        %dma_wait3A_81 = arith.constant 0 : i32
        %dma_wait3A_82 = arith.constant 0 : i32
        %dma_wait3A_83 = tpu.memref_slice %arg10[%dma_wait3A_80, %dma_wait3A_81, %dma_wait3A_82] : memref<3x8x384xf32, #tpu.memory_space<vmem>> -> memref<3x8x128xf32, #tpu.memory_space<vmem>>
        %dma_wait3A_84 = arith.constant 0 : i32
        %dma_wait3A_85 = tpu.memref_slice %arg5[%dma_wait3A_84, %multiple_of3A, %multiple_of3A_67] : memref<3x32x50000xf32, #tpu.memory_space<hbm>> -> memref<3x8x128xf32, #tpu.memory_space<hbm>>
        %dma_wait3A_86 = arith.constant 0 : i32
        %dma_wait3A_87 = tpu.memref_slice %arg5[%dma_wait3A_86, %multiple_of3A, %multiple_of3A_67] : memref<3x32x50000xf32, #tpu.memory_space<hbm>> -> memref<3x8x128xf32, #tpu.memory_space<hbm>>
        %dma_wait3A_88 = arith.constant 0 : i32
        %dma_wait3A_89 = arith.constant 0 : i32
        %dma_wait3A_90 = arith.constant 0 : i32
        %dma_wait3A_91 = tpu.memref_slice %arg10[%dma_wait3A_88, %dma_wait3A_89, %dma_wait3A_90] : memref<3x8x384xf32, #tpu.memory_space<vmem>> -> memref<3x8x128xf32, #tpu.memory_space<vmem>>
        tpu.wait_dma2 semaphore(%run_scoped3A : memref<!tpu.dma_semaphore, #tpu.memory_space<semaphore_mem>>) src(%dma_wait3A_91 : memref<3x8x128xf32, #tpu.memory_space<vmem>>) dst(%dma_wait3A_87 : memref<3x8x128xf32, #tpu.memory_space<hbm>>)
        tpu.yield
      }) : () -> ()
    } else {
    }
    %ge3A = arith.constant 28 : i32
    %ge3A_51 = arith.cmpi sge, %add3A, %ge3A : i32
    %lt3A_52 = arith.constant 32 : i32
    %lt3A_53 = arith.cmpi slt, %add3A, %lt3A_52 : i32
    %and3A_54 = arith.andi %ge3A_51, %lt3A_53 : i1
    %convert_element_type3A_55 = arith.extui %and3A_54 : i1 to i32
    %cond3A_56 = arith.constant 0 : i32
    %cond3A_57 = arith.cmpi ne, %convert_element_type3A_55, %cond3A_56 : i32
    scf.if %cond3A_57 {
      %sub3A = arith.constant 28 : i32
      %sub3A_58 = arith.subi %add3A, %sub3A : i32
      %mul3A_59 = arith.constant 8 : i32
      %mul3A_60 = arith.muli %sub3A_58, %mul3A_59 : i32
      %multiple_of3A_61 = tpu.assume_multiple %mul3A_60, 8 : i32
      %multiple_of3A_62 = arith.constant 49920 : i32
      %multiple_of3A_63 = tpu.assume_multiple %multiple_of3A_62, 128 : i32
      "tpu.region"() ({
        %run_scoped3A = tpu.sem_alloc : memref<!tpu.dma_semaphore, #tpu.memory_space<semaphore_mem>>
        %dma_start3A_68 = arith.constant 0 : i32
        %dma_start3A_69 = arith.constant 0 : i32
        %dma_start3A_70 = tpu.memref_slice %arg8[%dma_start3A_68, %dma_start3A_69] : memref<8x384xi32, #tpu.memory_space<vmem>> -> memref<8x128xi32, #tpu.memory_space<vmem>>
        %dma_start3A_71 = tpu.memref_slice %arg2[%multiple_of3A_61, %multiple_of3A_63] : memref<32x50000xi32, #tpu.memory_space<hbm>> -> memref<8x128xi32, #tpu.memory_space<hbm>>
        %dma_start3A_72 = arith.constant 0 : i32
        %dma_start3A_73 = arith.constant 0 : i32
        %dma_start3A_74 = tpu.memref_slice %arg8[%dma_start3A_72, %dma_start3A_73] : memref<8x384xi32, #tpu.memory_space<vmem>> -> memref<8x128xi32, #tpu.memory_space<vmem>>
        %dma_start3A_75 = tpu.memref_slice %arg2[%multiple_of3A_61, %multiple_of3A_63] : memref<32x50000xi32, #tpu.memory_space<hbm>> -> memref<8x128xi32, #tpu.memory_space<hbm>>
        tpu.enqueue_dma source(%dma_start3A_75 : memref<8x128xi32, #tpu.memory_space<hbm>>) target(%dma_start3A_74 : memref<8x128xi32, #tpu.memory_space<vmem>>) target_semaphore(%run_scoped3A : memref<!tpu.dma_semaphore, #tpu.memory_space<semaphore_mem>>)
        %dma_wait3A_76 = arith.constant 0 : i32
        %dma_wait3A_77 = arith.constant 0 : i32
        %dma_wait3A_78 = tpu.memref_slice %arg8[%dma_wait3A_76, %dma_wait3A_77] : memref<8x384xi32, #tpu.memory_space<vmem>> -> memref<8x128xi32, #tpu.memory_space<vmem>>
        %dma_wait3A_79 = tpu.memref_slice %arg2[%multiple_of3A_61, %multiple_of3A_63] : memref<32x50000xi32, #tpu.memory_space<hbm>> -> memref<8x128xi32, #tpu.memory_space<hbm>>
        %dma_wait3A_80 = arith.constant 0 : i32
        %dma_wait3A_81 = arith.constant 0 : i32
        %dma_wait3A_82 = tpu.memref_slice %arg8[%dma_wait3A_80, %dma_wait3A_81] : memref<8x384xi32, #tpu.memory_space<vmem>> -> memref<8x128xi32, #tpu.memory_space<vmem>>
        %dma_wait3A_83 = tpu.memref_slice %arg2[%multiple_of3A_61, %multiple_of3A_63] : memref<32x50000xi32, #tpu.memory_space<hbm>> -> memref<8x128xi32, #tpu.memory_space<hbm>>
        tpu.wait_dma2 semaphore(%run_scoped3A : memref<!tpu.dma_semaphore, #tpu.memory_space<semaphore_mem>>) src(%dma_wait3A_83 : memref<8x128xi32, #tpu.memory_space<hbm>>) dst(%dma_wait3A_82 : memref<8x128xi32, #tpu.memory_space<vmem>>)
        tpu.yield
      }) : () -> ()
      %parallel_loop3A = arith.constant 0 : i32
      %parallel_loop3A_64 = arith.constant 128 : i32
      %parallel_loop3A_65 = arith.constant 16 : i32
      scf.for %parallel_loop3A_68 = %parallel_loop3A to %parallel_loop3A_64 step %parallel_loop3A_65  : i32 {
        %parallel_loop3A_69 = arith.constant 49920 : i32
        %parallel_loop3A_70 = arith.addi %parallel_loop3A_69, %parallel_loop3A_68 : i32
        %parallel_loop3A_71 = tpu.iota {dimensions = array<i32: 0>} : vector<16xi32>
        %parallel_loop3A_72 = vector.broadcast %parallel_loop3A_70 : i32 to vector<16xi32>
        %parallel_loop3A_73 = arith.addi %parallel_loop3A_72, %parallel_loop3A_71 : vector<16xi32>
        %parallel_loop3A_74 = arith.constant 49920 : i32
        %parallel_loop3A_75 = arith.addi %parallel_loop3A_74, %parallel_loop3A_68 : i32
        %parallel_loop3A_76 = arith.index_cast %parallel_loop3A_75 : i32 to index
        %parallel_loop3A_77 = tpu.vector_load %arg6[%parallel_loop3A_76] {strides = array<i32>} : memref<50048xi32, #tpu.memory_space<vmem>>, vector<16xi32>,
        %parallel_loop3A_78 = arith.constant 0 : i32
        %parallel_loop3A_79 = arith.index_cast %parallel_loop3A_78 : i32 to index
        %parallel_loop3A_80 = arith.index_cast %parallel_loop3A_68 : i32 to index
        %parallel_loop3A_81 = tpu.vector_load %arg8[%parallel_loop3A_79, %parallel_loop3A_80] {strides = array<i32>} : memref<8x384xi32, #tpu.memory_space<vmem>>, vector<16xi32>,
        %parallel_loop3A_82 = arith.constant 0 : i32
        %parallel_loop3A_83 = arith.constant 49999 : i32
        %parallel_loop3A_84 = vector.broadcast %parallel_loop3A_82 : i32 to vector<16xi32>
        %parallel_loop3A_85 = arith.maxsi %parallel_loop3A_84, %parallel_loop3A_81 : vector<16xi32>
        %parallel_loop3A_86 = vector.broadcast %parallel_loop3A_83 : i32 to vector<16xi32>
        %parallel_loop3A_87 = arith.minsi %parallel_loop3A_86, %parallel_loop3A_85 : vector<16xi32>
        %parallel_loop3A_88 = tpu.vector_load_idx %arg6[%parallel_loop3A_87] : memref<50048xi32, #tpu.memory_space<vmem>>[vector<16xi32>], vector<16xi32>,
        %parallel_loop3A_89 = arith.cmpi eq, %parallel_loop3A_77, %parallel_loop3A_88 : vector<16xi32>
        %parallel_loop3A_90 = arith.subi %parallel_loop3A_87, %parallel_loop3A_73 : vector<16xi32>
        %parallel_loop3A_91 = math.absi %parallel_loop3A_90 : vector<16xi32>
        %parallel_loop3A_92 = tpu.vector_load_idx %arg7[%parallel_loop3A_91] : memref<50048xf32, #tpu.memory_space<vmem>>[vector<16xi32>], vector<16xf32>,
        %parallel_loop3A_93 = arith.sitofp %parallel_loop3A_90 : vector<16xi32> to vector<16xf32>
        %parallel_loop3A_94 = tpu.bitcast %parallel_loop3A_93 : vector<16xf32> -> vector<16xi32>
        %parallel_loop3A_95 = arith.constant -2147483648 : i32
        %parallel_loop3A_96 = vector.broadcast %parallel_loop3A_95 : i32 to vector<16xi32>
        %parallel_loop3A_97 = arith.andi %parallel_loop3A_94, %parallel_loop3A_96 : vector<16xi32>
        %parallel_loop3A_98 = arith.constant 1065353216 : i32
        %parallel_loop3A_99 = vector.broadcast %parallel_loop3A_98 : i32 to vector<16xi32>
        %parallel_loop3A_100 = arith.ori %parallel_loop3A_99, %parallel_loop3A_97 : vector<16xi32>
        %parallel_loop3A_101 = tpu.bitcast %parallel_loop3A_100 : vector<16xi32> -> vector<16xf32>
        %parallel_loop3A_102 = math.absf %parallel_loop3A_93 : vector<16xf32>
        %parallel_loop3A_103 = arith.constant 0.000000e+00 : f32
        %parallel_loop3A_104 = vector.broadcast %parallel_loop3A_103 : f32 to vector<16xf32>
        %parallel_loop3A_105 = arith.cmpf ogt, %parallel_loop3A_102, %parallel_loop3A_104 : vector<16xf32>
        %parallel_loop3A_106 = arith.select %parallel_loop3A_105, %parallel_loop3A_101, %parallel_loop3A_93 : vector<16xi1>, vector<16xf32>
        %parallel_loop3A_107 = arith.constant 0.000000e+00 : f32
        %parallel_loop3A_108 = arith.constant 1.000000e+00 : f32
        %parallel_loop3A_109 = vector.broadcast %parallel_loop3A_107 : f32 to vector<16xf32>
        %parallel_loop3A_110 = vector.broadcast %parallel_loop3A_108 : f32 to vector<16xf32>
        %parallel_loop3A_111 = arith.select %parallel_loop3A_89, %parallel_loop3A_109, %parallel_loop3A_110 : vector<16xi1>, vector<16xf32>
        %parallel_loop3A_112 = arith.constant 0 : i32
        %parallel_loop3A_113 = arith.constant 0 : i32
        %parallel_loop3A_114 = arith.index_cast %parallel_loop3A_112 : i32 to index
        %parallel_loop3A_115 = arith.index_cast %parallel_loop3A_113 : i32 to index
        %parallel_loop3A_116 = arith.index_cast %parallel_loop3A_68 : i32 to index
        %parallel_loop3A_117 = tpu.vector_load %arg10[%parallel_loop3A_114, %parallel_loop3A_115, %parallel_loop3A_116] {strides = array<i32>} : memref<3x8x384xf32, #tpu.memory_space<vmem>>, vector<16xf32>,
        tpu.vector_store %arg10[%parallel_loop3A_114, %parallel_loop3A_115, %parallel_loop3A_116], %parallel_loop3A_111 {strides = array<i32>} : memref<3x8x384xf32, #tpu.memory_space<vmem>>, vector<16xf32>,
        %parallel_loop3A_118 = arith.constant 0.000000e+00 : f32
        %parallel_loop3A_119 = vector.broadcast %parallel_loop3A_118 : f32 to vector<16xf32>
        %parallel_loop3A_120 = arith.select %parallel_loop3A_89, %parallel_loop3A_92, %parallel_loop3A_119 : vector<16xi1>, vector<16xf32>
        %parallel_loop3A_121 = arith.constant 1 : i32
        %parallel_loop3A_122 = arith.constant 0 : i32
        %parallel_loop3A_123 = arith.index_cast %parallel_loop3A_121 : i32 to index
        %parallel_loop3A_124 = arith.index_cast %parallel_loop3A_122 : i32 to index
        %parallel_loop3A_125 = arith.index_cast %parallel_loop3A_68 : i32 to index
        %parallel_loop3A_126 = tpu.vector_load %arg10[%parallel_loop3A_123, %parallel_loop3A_124, %parallel_loop3A_125] {strides = array<i32>} : memref<3x8x384xf32, #tpu.memory_space<vmem>>, vector<16xf32>,
        tpu.vector_store %arg10[%parallel_loop3A_123, %parallel_loop3A_124, %parallel_loop3A_125], %parallel_loop3A_120 {strides = array<i32>} : memref<3x8x384xf32, #tpu.memory_space<vmem>>, vector<16xf32>,
        %parallel_loop3A_127 = arith.constant 0.000000e+00 : f32
        %parallel_loop3A_128 = vector.broadcast %parallel_loop3A_127 : f32 to vector<16xf32>
        %parallel_loop3A_129 = arith.select %parallel_loop3A_89, %parallel_loop3A_106, %parallel_loop3A_128 : vector<16xi1>, vector<16xf32>
        %parallel_loop3A_130 = arith.constant 2 : i32
        %parallel_loop3A_131 = arith.constant 0 : i32
        %parallel_loop3A_132 = arith.index_cast %parallel_loop3A_130 : i32 to index
        %parallel_loop3A_133 = arith.index_cast %parallel_loop3A_131 : i32 to index
        %parallel_loop3A_134 = arith.index_cast %parallel_loop3A_68 : i32 to index
        %parallel_loop3A_135 = tpu.vector_load %arg10[%parallel_loop3A_132, %parallel_loop3A_133, %parallel_loop3A_134] {strides = array<i32>} : memref<3x8x384xf32, #tpu.memory_space<vmem>>, vector<16xf32>,
        tpu.vector_store %arg10[%parallel_loop3A_132, %parallel_loop3A_133, %parallel_loop3A_134], %parallel_loop3A_129 {strides = array<i32>} : memref<3x8x384xf32, #tpu.memory_space<vmem>>, vector<16xf32>,
        %parallel_loop3A_136 = arith.constant 1 : i32
        %parallel_loop3A_137 = arith.index_cast %parallel_loop3A_136 : i32 to index
        %parallel_loop3A_138 = arith.index_cast %parallel_loop3A_68 : i32 to index
        %parallel_loop3A_139 = tpu.vector_load %arg8[%parallel_loop3A_137, %parallel_loop3A_138] {strides = array<i32>} : memref<8x384xi32, #tpu.memory_space<vmem>>, vector<16xi32>,
        %parallel_loop3A_140 = arith.constant 0 : i32
        %parallel_loop3A_141 = arith.constant 49999 : i32
        %parallel_loop3A_142 = vector.broadcast %parallel_loop3A_140 : i32 to vector<16xi32>
        %parallel_loop3A_143 = arith.maxsi %parallel_loop3A_142, %parallel_loop3A_139 : vector<16xi32>
        %parallel_loop3A_144 = vector.broadcast %parallel_loop3A_141 : i32 to vector<16xi32>
        %parallel_loop3A_145 = arith.minsi %parallel_loop3A_144, %parallel_loop3A_143 : vector<16xi32>
        %parallel_loop3A_146 = tpu.vector_load_idx %arg6[%parallel_loop3A_145] : memref<50048xi32, #tpu.memory_space<vmem>>[vector<16xi32>], vector<16xi32>,
        %parallel_loop3A_147 = arith.cmpi eq, %parallel_loop3A_77, %parallel_loop3A_146 : vector<16xi32>
        %parallel_loop3A_148 = arith.subi %parallel_loop3A_145, %parallel_loop3A_73 : vector<16xi32>
        %parallel_loop3A_149 = math.absi %parallel_loop3A_148 : vector<16xi32>
        %parallel_loop3A_150 = tpu.vector_load_idx %arg7[%parallel_loop3A_149] : memref<50048xf32, #tpu.memory_space<vmem>>[vector<16xi32>], vector<16xf32>,
        %parallel_loop3A_151 = arith.sitofp %parallel_loop3A_148 : vector<16xi32> to vector<16xf32>
        %parallel_loop3A_152 = tpu.bitcast %parallel_loop3A_151 : vector<16xf32> -> vector<16xi32>
        %parallel_loop3A_153 = arith.constant -2147483648 : i32
        %parallel_loop3A_154 = vector.broadcast %parallel_loop3A_153 : i32 to vector<16xi32>
        %parallel_loop3A_155 = arith.andi %parallel_loop3A_152, %parallel_loop3A_154 : vector<16xi32>
        %parallel_loop3A_156 = arith.constant 1065353216 : i32
        %parallel_loop3A_157 = vector.broadcast %parallel_loop3A_156 : i32 to vector<16xi32>
        %parallel_loop3A_158 = arith.ori %parallel_loop3A_157, %parallel_loop3A_155 : vector<16xi32>
        %parallel_loop3A_159 = tpu.bitcast %parallel_loop3A_158 : vector<16xi32> -> vector<16xf32>
        %parallel_loop3A_160 = math.absf %parallel_loop3A_151 : vector<16xf32>
        %parallel_loop3A_161 = arith.constant 0.000000e+00 : f32
        %parallel_loop3A_162 = vector.broadcast %parallel_loop3A_161 : f32 to vector<16xf32>
        %parallel_loop3A_163 = arith.cmpf ogt, %parallel_loop3A_160, %parallel_loop3A_162 : vector<16xf32>
        %parallel_loop3A_164 = arith.select %parallel_loop3A_163, %parallel_loop3A_159, %parallel_loop3A_151 : vector<16xi1>, vector<16xf32>
        %parallel_loop3A_165 = arith.constant 0.000000e+00 : f32
        %parallel_loop3A_166 = arith.constant 1.000000e+00 : f32
        %parallel_loop3A_167 = vector.broadcast %parallel_loop3A_165 : f32 to vector<16xf32>
        %parallel_loop3A_168 = vector.broadcast %parallel_loop3A_166 : f32 to vector<16xf32>
        %parallel_loop3A_169 = arith.select %parallel_loop3A_147, %parallel_loop3A_167, %parallel_loop3A_168 : vector<16xi1>, vector<16xf32>
        %parallel_loop3A_170 = arith.constant 0 : i32
        %parallel_loop3A_171 = arith.constant 1 : i32
        %parallel_loop3A_172 = arith.index_cast %parallel_loop3A_170 : i32 to index
        %parallel_loop3A_173 = arith.index_cast %parallel_loop3A_171 : i32 to index
        %parallel_loop3A_174 = arith.index_cast %parallel_loop3A_68 : i32 to index
        %parallel_loop3A_175 = tpu.vector_load %arg10[%parallel_loop3A_172, %parallel_loop3A_173, %parallel_loop3A_174] {strides = array<i32>} : memref<3x8x384xf32, #tpu.memory_space<vmem>>, vector<16xf32>,
        tpu.vector_store %arg10[%parallel_loop3A_172, %parallel_loop3A_173, %parallel_loop3A_174], %parallel_loop3A_169 {strides = array<i32>} : memref<3x8x384xf32, #tpu.memory_space<vmem>>, vector<16xf32>,
        %parallel_loop3A_176 = arith.constant 0.000000e+00 : f32
        %parallel_loop3A_177 = vector.broadcast %parallel_loop3A_176 : f32 to vector<16xf32>
        %parallel_loop3A_178 = arith.select %parallel_loop3A_147, %parallel_loop3A_150, %parallel_loop3A_177 : vector<16xi1>, vector<16xf32>
        %parallel_loop3A_179 = arith.constant 1 : i32
        %parallel_loop3A_180 = arith.constant 1 : i32
        %parallel_loop3A_181 = arith.index_cast %parallel_loop3A_179 : i32 to index
        %parallel_loop3A_182 = arith.index_cast %parallel_loop3A_180 : i32 to index
        %parallel_loop3A_183 = arith.index_cast %parallel_loop3A_68 : i32 to index
        %parallel_loop3A_184 = tpu.vector_load %arg10[%parallel_loop3A_181, %parallel_loop3A_182, %parallel_loop3A_183] {strides = array<i32>} : memref<3x8x384xf32, #tpu.memory_space<vmem>>, vector<16xf32>,
        tpu.vector_store %arg10[%parallel_loop3A_181, %parallel_loop3A_182, %parallel_loop3A_183], %parallel_loop3A_178 {strides = array<i32>} : memref<3x8x384xf32, #tpu.memory_space<vmem>>, vector<16xf32>,
        %parallel_loop3A_185 = arith.constant 0.000000e+00 : f32
        %parallel_loop3A_186 = vector.broadcast %parallel_loop3A_185 : f32 to vector<16xf32>
        %parallel_loop3A_187 = arith.select %parallel_loop3A_147, %parallel_loop3A_164, %parallel_loop3A_186 : vector<16xi1>, vector<16xf32>
        %parallel_loop3A_188 = arith.constant 2 : i32
        %parallel_loop3A_189 = arith.constant 1 : i32
        %parallel_loop3A_190 = arith.index_cast %parallel_loop3A_188 : i32 to index
        %parallel_loop3A_191 = arith.index_cast %parallel_loop3A_189 : i32 to index
        %parallel_loop3A_192 = arith.index_cast %parallel_loop3A_68 : i32 to index
        %parallel_loop3A_193 = tpu.vector_load %arg10[%parallel_loop3A_190, %parallel_loop3A_191, %parallel_loop3A_192] {strides = array<i32>} : memref<3x8x384xf32, #tpu.memory_space<vmem>>, vector<16xf32>,
        tpu.vector_store %arg10[%parallel_loop3A_190, %parallel_loop3A_191, %parallel_loop3A_192], %parallel_loop3A_187 {strides = array<i32>} : memref<3x8x384xf32, #tpu.memory_space<vmem>>, vector<16xf32>,
        %parallel_loop3A_194 = arith.constant 2 : i32
        %parallel_loop3A_195 = arith.index_cast %parallel_loop3A_194 : i32 to index
        %parallel_loop3A_196 = arith.index_cast %parallel_loop3A_68 : i32 to index
        %parallel_loop3A_197 = tpu.vector_load %arg8[%parallel_loop3A_195, %parallel_loop3A_196] {strides = array<i32>} : memref<8x384xi32, #tpu.memory_space<vmem>>, vector<16xi32>,
        %parallel_loop3A_198 = arith.constant 0 : i32
        %parallel_loop3A_199 = arith.constant 49999 : i32
        %parallel_loop3A_200 = vector.broadcast %parallel_loop3A_198 : i32 to vector<16xi32>
        %parallel_loop3A_201 = arith.maxsi %parallel_loop3A_200, %parallel_loop3A_197 : vector<16xi32>
        %parallel_loop3A_202 = vector.broadcast %parallel_loop3A_199 : i32 to vector<16xi32>
        %parallel_loop3A_203 = arith.minsi %parallel_loop3A_202, %parallel_loop3A_201 : vector<16xi32>
        %parallel_loop3A_204 = tpu.vector_load_idx %arg6[%parallel_loop3A_203] : memref<50048xi32, #tpu.memory_space<vmem>>[vector<16xi32>], vector<16xi32>,
        %parallel_loop3A_205 = arith.cmpi eq, %parallel_loop3A_77, %parallel_loop3A_204 : vector<16xi32>
        %parallel_loop3A_206 = arith.subi %parallel_loop3A_203, %parallel_loop3A_73 : vector<16xi32>
        %parallel_loop3A_207 = math.absi %parallel_loop3A_206 : vector<16xi32>
        %parallel_loop3A_208 = tpu.vector_load_idx %arg7[%parallel_loop3A_207] : memref<50048xf32, #tpu.memory_space<vmem>>[vector<16xi32>], vector<16xf32>,
        %parallel_loop3A_209 = arith.sitofp %parallel_loop3A_206 : vector<16xi32> to vector<16xf32>
        %parallel_loop3A_210 = tpu.bitcast %parallel_loop3A_209 : vector<16xf32> -> vector<16xi32>
        %parallel_loop3A_211 = arith.constant -2147483648 : i32
        %parallel_loop3A_212 = vector.broadcast %parallel_loop3A_211 : i32 to vector<16xi32>
        %parallel_loop3A_213 = arith.andi %parallel_loop3A_210, %parallel_loop3A_212 : vector<16xi32>
        %parallel_loop3A_214 = arith.constant 1065353216 : i32
        %parallel_loop3A_215 = vector.broadcast %parallel_loop3A_214 : i32 to vector<16xi32>
        %parallel_loop3A_216 = arith.ori %parallel_loop3A_215, %parallel_loop3A_213 : vector<16xi32>
        %parallel_loop3A_217 = tpu.bitcast %parallel_loop3A_216 : vector<16xi32> -> vector<16xf32>
        %parallel_loop3A_218 = math.absf %parallel_loop3A_209 : vector<16xf32>
        %parallel_loop3A_219 = arith.constant 0.000000e+00 : f32
        %parallel_loop3A_220 = vector.broadcast %parallel_loop3A_219 : f32 to vector<16xf32>
        %parallel_loop3A_221 = arith.cmpf ogt, %parallel_loop3A_218, %parallel_loop3A_220 : vector<16xf32>
        %parallel_loop3A_222 = arith.select %parallel_loop3A_221, %parallel_loop3A_217, %parallel_loop3A_209 : vector<16xi1>, vector<16xf32>
        %parallel_loop3A_223 = arith.constant 0.000000e+00 : f32
        %parallel_loop3A_224 = arith.constant 1.000000e+00 : f32
        %parallel_loop3A_225 = vector.broadcast %parallel_loop3A_223 : f32 to vector<16xf32>
        %parallel_loop3A_226 = vector.broadcast %parallel_loop3A_224 : f32 to vector<16xf32>
        %parallel_loop3A_227 = arith.select %parallel_loop3A_205, %parallel_loop3A_225, %parallel_loop3A_226 : vector<16xi1>, vector<16xf32>
        %parallel_loop3A_228 = arith.constant 0 : i32
        %parallel_loop3A_229 = arith.constant 2 : i32
        %parallel_loop3A_230 = arith.index_cast %parallel_loop3A_228 : i32 to index
        %parallel_loop3A_231 = arith.index_cast %parallel_loop3A_229 : i32 to index
        %parallel_loop3A_232 = arith.index_cast %parallel_loop3A_68 : i32 to index
        %parallel_loop3A_233 = tpu.vector_load %arg10[%parallel_loop3A_230, %parallel_loop3A_231, %parallel_loop3A_232] {strides = array<i32>} : memref<3x8x384xf32, #tpu.memory_space<vmem>>, vector<16xf32>,
        tpu.vector_store %arg10[%parallel_loop3A_230, %parallel_loop3A_231, %parallel_loop3A_232], %parallel_loop3A_227 {strides = array<i32>} : memref<3x8x384xf32, #tpu.memory_space<vmem>>, vector<16xf32>,
        %parallel_loop3A_234 = arith.constant 0.000000e+00 : f32
        %parallel_loop3A_235 = vector.broadcast %parallel_loop3A_234 : f32 to vector<16xf32>
        %parallel_loop3A_236 = arith.select %parallel_loop3A_205, %parallel_loop3A_208, %parallel_loop3A_235 : vector<16xi1>, vector<16xf32>
        %parallel_loop3A_237 = arith.constant 1 : i32
        %parallel_loop3A_238 = arith.constant 2 : i32
        %parallel_loop3A_239 = arith.index_cast %parallel_loop3A_237 : i32 to index
        %parallel_loop3A_240 = arith.index_cast %parallel_loop3A_238 : i32 to index
        %parallel_loop3A_241 = arith.index_cast %parallel_loop3A_68 : i32 to index
        %parallel_loop3A_242 = tpu.vector_load %arg10[%parallel_loop3A_239, %parallel_loop3A_240, %parallel_loop3A_241] {strides = array<i32>} : memref<3x8x384xf32, #tpu.memory_space<vmem>>, vector<16xf32>,
        tpu.vector_store %arg10[%parallel_loop3A_239, %parallel_loop3A_240, %parallel_loop3A_241], %parallel_loop3A_236 {strides = array<i32>} : memref<3x8x384xf32, #tpu.memory_space<vmem>>, vector<16xf32>,
        %parallel_loop3A_243 = arith.constant 0.000000e+00 : f32
        %parallel_loop3A_244 = vector.broadcast %parallel_loop3A_243 : f32 to vector<16xf32>
        %parallel_loop3A_245 = arith.select %parallel_loop3A_205, %parallel_loop3A_222, %parallel_loop3A_244 : vector<16xi1>, vector<16xf32>
        %parallel_loop3A_246 = arith.constant 2 : i32
        %parallel_loop3A_247 = arith.constant 2 : i32
        %parallel_loop3A_248 = arith.index_cast %parallel_loop3A_246 : i32 to index
        %parallel_loop3A_249 = arith.index_cast %parallel_loop3A_247 : i32 to index
        %parallel_loop3A_250 = arith.index_cast %parallel_loop3A_68 : i32 to index
        %parallel_loop3A_251 = tpu.vector_load %arg10[%parallel_loop3A_248, %parallel_loop3A_249, %parallel_loop3A_250] {strides = array<i32>} : memref<3x8x384xf32, #tpu.memory_space<vmem>>, vector<16xf32>,
        tpu.vector_store %arg10[%parallel_loop3A_248, %parallel_loop3A_249, %parallel_loop3A_250], %parallel_loop3A_245 {strides = array<i32>} : memref<3x8x384xf32, #tpu.memory_space<vmem>>, vector<16xf32>,
        %parallel_loop3A_252 = arith.constant 3 : i32
        %parallel_loop3A_253 = arith.index_cast %parallel_loop3A_252 : i32 to index
        %parallel_loop3A_254 = arith.index_cast %parallel_loop3A_68 : i32 to index
        %parallel_loop3A_255 = tpu.vector_load %arg8[%parallel_loop3A_253, %parallel_loop3A_254] {strides = array<i32>} : memref<8x384xi32, #tpu.memory_space<vmem>>, vector<16xi32>,
        %parallel_loop3A_256 = arith.constant 0 : i32
        %parallel_loop3A_257 = arith.constant 49999 : i32
        %parallel_loop3A_258 = vector.broadcast %parallel_loop3A_256 : i32 to vector<16xi32>
        %parallel_loop3A_259 = arith.maxsi %parallel_loop3A_258, %parallel_loop3A_255 : vector<16xi32>
        %parallel_loop3A_260 = vector.broadcast %parallel_loop3A_257 : i32 to vector<16xi32>
        %parallel_loop3A_261 = arith.minsi %parallel_loop3A_260, %parallel_loop3A_259 : vector<16xi32>
        %parallel_loop3A_262 = tpu.vector_load_idx %arg6[%parallel_loop3A_261] : memref<50048xi32, #tpu.memory_space<vmem>>[vector<16xi32>], vector<16xi32>,
        %parallel_loop3A_263 = arith.cmpi eq, %parallel_loop3A_77, %parallel_loop3A_262 : vector<16xi32>
        %parallel_loop3A_264 = arith.subi %parallel_loop3A_261, %parallel_loop3A_73 : vector<16xi32>
        %parallel_loop3A_265 = math.absi %parallel_loop3A_264 : vector<16xi32>
        %parallel_loop3A_266 = tpu.vector_load_idx %arg7[%parallel_loop3A_265] : memref<50048xf32, #tpu.memory_space<vmem>>[vector<16xi32>], vector<16xf32>,
        %parallel_loop3A_267 = arith.sitofp %parallel_loop3A_264 : vector<16xi32> to vector<16xf32>
        %parallel_loop3A_268 = tpu.bitcast %parallel_loop3A_267 : vector<16xf32> -> vector<16xi32>
        %parallel_loop3A_269 = arith.constant -2147483648 : i32
        %parallel_loop3A_270 = vector.broadcast %parallel_loop3A_269 : i32 to vector<16xi32>
        %parallel_loop3A_271 = arith.andi %parallel_loop3A_268, %parallel_loop3A_270 : vector<16xi32>
        %parallel_loop3A_272 = arith.constant 1065353216 : i32
        %parallel_loop3A_273 = vector.broadcast %parallel_loop3A_272 : i32 to vector<16xi32>
        %parallel_loop3A_274 = arith.ori %parallel_loop3A_273, %parallel_loop3A_271 : vector<16xi32>
        %parallel_loop3A_275 = tpu.bitcast %parallel_loop3A_274 : vector<16xi32> -> vector<16xf32>
        %parallel_loop3A_276 = math.absf %parallel_loop3A_267 : vector<16xf32>
        %parallel_loop3A_277 = arith.constant 0.000000e+00 : f32
        %parallel_loop3A_278 = vector.broadcast %parallel_loop3A_277 : f32 to vector<16xf32>
        %parallel_loop3A_279 = arith.cmpf ogt, %parallel_loop3A_276, %parallel_loop3A_278 : vector<16xf32>
        %parallel_loop3A_280 = arith.select %parallel_loop3A_279, %parallel_loop3A_275, %parallel_loop3A_267 : vector<16xi1>, vector<16xf32>
        %parallel_loop3A_281 = arith.constant 0.000000e+00 : f32
        %parallel_loop3A_282 = arith.constant 1.000000e+00 : f32
        %parallel_loop3A_283 = vector.broadcast %parallel_loop3A_281 : f32 to vector<16xf32>
        %parallel_loop3A_284 = vector.broadcast %parallel_loop3A_282 : f32 to vector<16xf32>
        %parallel_loop3A_285 = arith.select %parallel_loop3A_263, %parallel_loop3A_283, %parallel_loop3A_284 : vector<16xi1>, vector<16xf32>
        %parallel_loop3A_286 = arith.constant 0 : i32
        %parallel_loop3A_287 = arith.constant 3 : i32
        %parallel_loop3A_288 = arith.index_cast %parallel_loop3A_286 : i32 to index
        %parallel_loop3A_289 = arith.index_cast %parallel_loop3A_287 : i32 to index
        %parallel_loop3A_290 = arith.index_cast %parallel_loop3A_68 : i32 to index
        %parallel_loop3A_291 = tpu.vector_load %arg10[%parallel_loop3A_288, %parallel_loop3A_289, %parallel_loop3A_290] {strides = array<i32>} : memref<3x8x384xf32, #tpu.memory_space<vmem>>, vector<16xf32>,
        tpu.vector_store %arg10[%parallel_loop3A_288, %parallel_loop3A_289, %parallel_loop3A_290], %parallel_loop3A_285 {strides = array<i32>} : memref<3x8x384xf32, #tpu.memory_space<vmem>>, vector<16xf32>,
        %parallel_loop3A_292 = arith.constant 0.000000e+00 : f32
        %parallel_loop3A_293 = vector.broadcast %parallel_loop3A_292 : f32 to vector<16xf32>
        %parallel_loop3A_294 = arith.select %parallel_loop3A_263, %parallel_loop3A_266, %parallel_loop3A_293 : vector<16xi1>, vector<16xf32>
        %parallel_loop3A_295 = arith.constant 1 : i32
        %parallel_loop3A_296 = arith.constant 3 : i32
        %parallel_loop3A_297 = arith.index_cast %parallel_loop3A_295 : i32 to index
        %parallel_loop3A_298 = arith.index_cast %parallel_loop3A_296 : i32 to index
        %parallel_loop3A_299 = arith.index_cast %parallel_loop3A_68 : i32 to index
        %parallel_loop3A_300 = tpu.vector_load %arg10[%parallel_loop3A_297, %parallel_loop3A_298, %parallel_loop3A_299] {strides = array<i32>} : memref<3x8x384xf32, #tpu.memory_space<vmem>>, vector<16xf32>,
        tpu.vector_store %arg10[%parallel_loop3A_297, %parallel_loop3A_298, %parallel_loop3A_299], %parallel_loop3A_294 {strides = array<i32>} : memref<3x8x384xf32, #tpu.memory_space<vmem>>, vector<16xf32>,
        %parallel_loop3A_301 = arith.constant 0.000000e+00 : f32
        %parallel_loop3A_302 = vector.broadcast %parallel_loop3A_301 : f32 to vector<16xf32>
        %parallel_loop3A_303 = arith.select %parallel_loop3A_263, %parallel_loop3A_280, %parallel_loop3A_302 : vector<16xi1>, vector<16xf32>
        %parallel_loop3A_304 = arith.constant 2 : i32
        %parallel_loop3A_305 = arith.constant 3 : i32
        %parallel_loop3A_306 = arith.index_cast %parallel_loop3A_304 : i32 to index
        %parallel_loop3A_307 = arith.index_cast %parallel_loop3A_305 : i32 to index
        %parallel_loop3A_308 = arith.index_cast %parallel_loop3A_68 : i32 to index
        %parallel_loop3A_309 = tpu.vector_load %arg10[%parallel_loop3A_306, %parallel_loop3A_307, %parallel_loop3A_308] {strides = array<i32>} : memref<3x8x384xf32, #tpu.memory_space<vmem>>, vector<16xf32>,
        tpu.vector_store %arg10[%parallel_loop3A_306, %parallel_loop3A_307, %parallel_loop3A_308], %parallel_loop3A_303 {strides = array<i32>} : memref<3x8x384xf32, #tpu.memory_space<vmem>>, vector<16xf32>,
        %parallel_loop3A_310 = arith.constant 4 : i32
        %parallel_loop3A_311 = arith.index_cast %parallel_loop3A_310 : i32 to index
        %parallel_loop3A_312 = arith.index_cast %parallel_loop3A_68 : i32 to index
        %parallel_loop3A_313 = tpu.vector_load %arg8[%parallel_loop3A_311, %parallel_loop3A_312] {strides = array<i32>} : memref<8x384xi32, #tpu.memory_space<vmem>>, vector<16xi32>,
        %parallel_loop3A_314 = arith.constant 0 : i32
        %parallel_loop3A_315 = arith.constant 49999 : i32
        %parallel_loop3A_316 = vector.broadcast %parallel_loop3A_314 : i32 to vector<16xi32>
        %parallel_loop3A_317 = arith.maxsi %parallel_loop3A_316, %parallel_loop3A_313 : vector<16xi32>
        %parallel_loop3A_318 = vector.broadcast %parallel_loop3A_315 : i32 to vector<16xi32>
        %parallel_loop3A_319 = arith.minsi %parallel_loop3A_318, %parallel_loop3A_317 : vector<16xi32>
        %parallel_loop3A_320 = tpu.vector_load_idx %arg6[%parallel_loop3A_319] : memref<50048xi32, #tpu.memory_space<vmem>>[vector<16xi32>], vector<16xi32>,
        %parallel_loop3A_321 = arith.cmpi eq, %parallel_loop3A_77, %parallel_loop3A_320 : vector<16xi32>
        %parallel_loop3A_322 = arith.subi %parallel_loop3A_319, %parallel_loop3A_73 : vector<16xi32>
        %parallel_loop3A_323 = math.absi %parallel_loop3A_322 : vector<16xi32>
        %parallel_loop3A_324 = tpu.vector_load_idx %arg7[%parallel_loop3A_323] : memref<50048xf32, #tpu.memory_space<vmem>>[vector<16xi32>], vector<16xf32>,
        %parallel_loop3A_325 = arith.sitofp %parallel_loop3A_322 : vector<16xi32> to vector<16xf32>
        %parallel_loop3A_326 = tpu.bitcast %parallel_loop3A_325 : vector<16xf32> -> vector<16xi32>
        %parallel_loop3A_327 = arith.constant -2147483648 : i32
        %parallel_loop3A_328 = vector.broadcast %parallel_loop3A_327 : i32 to vector<16xi32>
        %parallel_loop3A_329 = arith.andi %parallel_loop3A_326, %parallel_loop3A_328 : vector<16xi32>
        %parallel_loop3A_330 = arith.constant 1065353216 : i32
        %parallel_loop3A_331 = vector.broadcast %parallel_loop3A_330 : i32 to vector<16xi32>
        %parallel_loop3A_332 = arith.ori %parallel_loop3A_331, %parallel_loop3A_329 : vector<16xi32>
        %parallel_loop3A_333 = tpu.bitcast %parallel_loop3A_332 : vector<16xi32> -> vector<16xf32>
        %parallel_loop3A_334 = math.absf %parallel_loop3A_325 : vector<16xf32>
        %parallel_loop3A_335 = arith.constant 0.000000e+00 : f32
        %parallel_loop3A_336 = vector.broadcast %parallel_loop3A_335 : f32 to vector<16xf32>
        %parallel_loop3A_337 = arith.cmpf ogt, %parallel_loop3A_334, %parallel_loop3A_336 : vector<16xf32>
        %parallel_loop3A_338 = arith.select %parallel_loop3A_337, %parallel_loop3A_333, %parallel_loop3A_325 : vector<16xi1>, vector<16xf32>
        %parallel_loop3A_339 = arith.constant 0.000000e+00 : f32
        %parallel_loop3A_340 = arith.constant 1.000000e+00 : f32
        %parallel_loop3A_341 = vector.broadcast %parallel_loop3A_339 : f32 to vector<16xf32>
        %parallel_loop3A_342 = vector.broadcast %parallel_loop3A_340 : f32 to vector<16xf32>
        %parallel_loop3A_343 = arith.select %parallel_loop3A_321, %parallel_loop3A_341, %parallel_loop3A_342 : vector<16xi1>, vector<16xf32>
        %parallel_loop3A_344 = arith.constant 0 : i32
        %parallel_loop3A_345 = arith.constant 4 : i32
        %parallel_loop3A_346 = arith.index_cast %parallel_loop3A_344 : i32 to index
        %parallel_loop3A_347 = arith.index_cast %parallel_loop3A_345 : i32 to index
        %parallel_loop3A_348 = arith.index_cast %parallel_loop3A_68 : i32 to index
        %parallel_loop3A_349 = tpu.vector_load %arg10[%parallel_loop3A_346, %parallel_loop3A_347, %parallel_loop3A_348] {strides = array<i32>} : memref<3x8x384xf32, #tpu.memory_space<vmem>>, vector<16xf32>,
        tpu.vector_store %arg10[%parallel_loop3A_346, %parallel_loop3A_347, %parallel_loop3A_348], %parallel_loop3A_343 {strides = array<i32>} : memref<3x8x384xf32, #tpu.memory_space<vmem>>, vector<16xf32>,
        %parallel_loop3A_350 = arith.constant 0.000000e+00 : f32
        %parallel_loop3A_351 = vector.broadcast %parallel_loop3A_350 : f32 to vector<16xf32>
        %parallel_loop3A_352 = arith.select %parallel_loop3A_321, %parallel_loop3A_324, %parallel_loop3A_351 : vector<16xi1>, vector<16xf32>
        %parallel_loop3A_353 = arith.constant 1 : i32
        %parallel_loop3A_354 = arith.constant 4 : i32
        %parallel_loop3A_355 = arith.index_cast %parallel_loop3A_353 : i32 to index
        %parallel_loop3A_356 = arith.index_cast %parallel_loop3A_354 : i32 to index
        %parallel_loop3A_357 = arith.index_cast %parallel_loop3A_68 : i32 to index
        %parallel_loop3A_358 = tpu.vector_load %arg10[%parallel_loop3A_355, %parallel_loop3A_356, %parallel_loop3A_357] {strides = array<i32>} : memref<3x8x384xf32, #tpu.memory_space<vmem>>, vector<16xf32>,
        tpu.vector_store %arg10[%parallel_loop3A_355, %parallel_loop3A_356, %parallel_loop3A_357], %parallel_loop3A_352 {strides = array<i32>} : memref<3x8x384xf32, #tpu.memory_space<vmem>>, vector<16xf32>,
        %parallel_loop3A_359 = arith.constant 0.000000e+00 : f32
        %parallel_loop3A_360 = vector.broadcast %parallel_loop3A_359 : f32 to vector<16xf32>
        %parallel_loop3A_361 = arith.select %parallel_loop3A_321, %parallel_loop3A_338, %parallel_loop3A_360 : vector<16xi1>, vector<16xf32>
        %parallel_loop3A_362 = arith.constant 2 : i32
        %parallel_loop3A_363 = arith.constant 4 : i32
        %parallel_loop3A_364 = arith.index_cast %parallel_loop3A_362 : i32 to index
        %parallel_loop3A_365 = arith.index_cast %parallel_loop3A_363 : i32 to index
        %parallel_loop3A_366 = arith.index_cast %parallel_loop3A_68 : i32 to index
        %parallel_loop3A_367 = tpu.vector_load %arg10[%parallel_loop3A_364, %parallel_loop3A_365, %parallel_loop3A_366] {strides = array<i32>} : memref<3x8x384xf32, #tpu.memory_space<vmem>>, vector<16xf32>,
        tpu.vector_store %arg10[%parallel_loop3A_364, %parallel_loop3A_365, %parallel_loop3A_366], %parallel_loop3A_361 {strides = array<i32>} : memref<3x8x384xf32, #tpu.memory_space<vmem>>, vector<16xf32>,
        %parallel_loop3A_368 = arith.constant 5 : i32
        %parallel_loop3A_369 = arith.index_cast %parallel_loop3A_368 : i32 to index
        %parallel_loop3A_370 = arith.index_cast %parallel_loop3A_68 : i32 to index
        %parallel_loop3A_371 = tpu.vector_load %arg8[%parallel_loop3A_369, %parallel_loop3A_370] {strides = array<i32>} : memref<8x384xi32, #tpu.memory_space<vmem>>, vector<16xi32>,
        %parallel_loop3A_372 = arith.constant 0 : i32
        %parallel_loop3A_373 = arith.constant 49999 : i32
        %parallel_loop3A_374 = vector.broadcast %parallel_loop3A_372 : i32 to vector<16xi32>
        %parallel_loop3A_375 = arith.maxsi %parallel_loop3A_374, %parallel_loop3A_371 : vector<16xi32>
        %parallel_loop3A_376 = vector.broadcast %parallel_loop3A_373 : i32 to vector<16xi32>
        %parallel_loop3A_377 = arith.minsi %parallel_loop3A_376, %parallel_loop3A_375 : vector<16xi32>
        %parallel_loop3A_378 = tpu.vector_load_idx %arg6[%parallel_loop3A_377] : memref<50048xi32, #tpu.memory_space<vmem>>[vector<16xi32>], vector<16xi32>,
        %parallel_loop3A_379 = arith.cmpi eq, %parallel_loop3A_77, %parallel_loop3A_378 : vector<16xi32>
        %parallel_loop3A_380 = arith.subi %parallel_loop3A_377, %parallel_loop3A_73 : vector<16xi32>
        %parallel_loop3A_381 = math.absi %parallel_loop3A_380 : vector<16xi32>
        %parallel_loop3A_382 = tpu.vector_load_idx %arg7[%parallel_loop3A_381] : memref<50048xf32, #tpu.memory_space<vmem>>[vector<16xi32>], vector<16xf32>,
        %parallel_loop3A_383 = arith.sitofp %parallel_loop3A_380 : vector<16xi32> to vector<16xf32>
        %parallel_loop3A_384 = tpu.bitcast %parallel_loop3A_383 : vector<16xf32> -> vector<16xi32>
        %parallel_loop3A_385 = arith.constant -2147483648 : i32
        %parallel_loop3A_386 = vector.broadcast %parallel_loop3A_385 : i32 to vector<16xi32>
        %parallel_loop3A_387 = arith.andi %parallel_loop3A_384, %parallel_loop3A_386 : vector<16xi32>
        %parallel_loop3A_388 = arith.constant 1065353216 : i32
        %parallel_loop3A_389 = vector.broadcast %parallel_loop3A_388 : i32 to vector<16xi32>
        %parallel_loop3A_390 = arith.ori %parallel_loop3A_389, %parallel_loop3A_387 : vector<16xi32>
        %parallel_loop3A_391 = tpu.bitcast %parallel_loop3A_390 : vector<16xi32> -> vector<16xf32>
        %parallel_loop3A_392 = math.absf %parallel_loop3A_383 : vector<16xf32>
        %parallel_loop3A_393 = arith.constant 0.000000e+00 : f32
        %parallel_loop3A_394 = vector.broadcast %parallel_loop3A_393 : f32 to vector<16xf32>
        %parallel_loop3A_395 = arith.cmpf ogt, %parallel_loop3A_392, %parallel_loop3A_394 : vector<16xf32>
        %parallel_loop3A_396 = arith.select %parallel_loop3A_395, %parallel_loop3A_391, %parallel_loop3A_383 : vector<16xi1>, vector<16xf32>
        %parallel_loop3A_397 = arith.constant 0.000000e+00 : f32
        %parallel_loop3A_398 = arith.constant 1.000000e+00 : f32
        %parallel_loop3A_399 = vector.broadcast %parallel_loop3A_397 : f32 to vector<16xf32>
        %parallel_loop3A_400 = vector.broadcast %parallel_loop3A_398 : f32 to vector<16xf32>
        %parallel_loop3A_401 = arith.select %parallel_loop3A_379, %parallel_loop3A_399, %parallel_loop3A_400 : vector<16xi1>, vector<16xf32>
        %parallel_loop3A_402 = arith.constant 0 : i32
        %parallel_loop3A_403 = arith.constant 5 : i32
        %parallel_loop3A_404 = arith.index_cast %parallel_loop3A_402 : i32 to index
        %parallel_loop3A_405 = arith.index_cast %parallel_loop3A_403 : i32 to index
        %parallel_loop3A_406 = arith.index_cast %parallel_loop3A_68 : i32 to index
        %parallel_loop3A_407 = tpu.vector_load %arg10[%parallel_loop3A_404, %parallel_loop3A_405, %parallel_loop3A_406] {strides = array<i32>} : memref<3x8x384xf32, #tpu.memory_space<vmem>>, vector<16xf32>,
        tpu.vector_store %arg10[%parallel_loop3A_404, %parallel_loop3A_405, %parallel_loop3A_406], %parallel_loop3A_401 {strides = array<i32>} : memref<3x8x384xf32, #tpu.memory_space<vmem>>, vector<16xf32>,
        %parallel_loop3A_408 = arith.constant 0.000000e+00 : f32
        %parallel_loop3A_409 = vector.broadcast %parallel_loop3A_408 : f32 to vector<16xf32>
        %parallel_loop3A_410 = arith.select %parallel_loop3A_379, %parallel_loop3A_382, %parallel_loop3A_409 : vector<16xi1>, vector<16xf32>
        %parallel_loop3A_411 = arith.constant 1 : i32
        %parallel_loop3A_412 = arith.constant 5 : i32
        %parallel_loop3A_413 = arith.index_cast %parallel_loop3A_411 : i32 to index
        %parallel_loop3A_414 = arith.index_cast %parallel_loop3A_412 : i32 to index
        %parallel_loop3A_415 = arith.index_cast %parallel_loop3A_68 : i32 to index
        %parallel_loop3A_416 = tpu.vector_load %arg10[%parallel_loop3A_413, %parallel_loop3A_414, %parallel_loop3A_415] {strides = array<i32>} : memref<3x8x384xf32, #tpu.memory_space<vmem>>, vector<16xf32>,
        tpu.vector_store %arg10[%parallel_loop3A_413, %parallel_loop3A_414, %parallel_loop3A_415], %parallel_loop3A_410 {strides = array<i32>} : memref<3x8x384xf32, #tpu.memory_space<vmem>>, vector<16xf32>,
        %parallel_loop3A_417 = arith.constant 0.000000e+00 : f32
        %parallel_loop3A_418 = vector.broadcast %parallel_loop3A_417 : f32 to vector<16xf32>
        %parallel_loop3A_419 = arith.select %parallel_loop3A_379, %parallel_loop3A_396, %parallel_loop3A_418 : vector<16xi1>, vector<16xf32>
        %parallel_loop3A_420 = arith.constant 2 : i32
        %parallel_loop3A_421 = arith.constant 5 : i32
        %parallel_loop3A_422 = arith.index_cast %parallel_loop3A_420 : i32 to index
        %parallel_loop3A_423 = arith.index_cast %parallel_loop3A_421 : i32 to index
        %parallel_loop3A_424 = arith.index_cast %parallel_loop3A_68 : i32 to index
        %parallel_loop3A_425 = tpu.vector_load %arg10[%parallel_loop3A_422, %parallel_loop3A_423, %parallel_loop3A_424] {strides = array<i32>} : memref<3x8x384xf32, #tpu.memory_space<vmem>>, vector<16xf32>,
        tpu.vector_store %arg10[%parallel_loop3A_422, %parallel_loop3A_423, %parallel_loop3A_424], %parallel_loop3A_419 {strides = array<i32>} : memref<3x8x384xf32, #tpu.memory_space<vmem>>, vector<16xf32>,
        %parallel_loop3A_426 = arith.constant 6 : i32
        %parallel_loop3A_427 = arith.index_cast %parallel_loop3A_426 : i32 to index
        %parallel_loop3A_428 = arith.index_cast %parallel_loop3A_68 : i32 to index
        %parallel_loop3A_429 = tpu.vector_load %arg8[%parallel_loop3A_427, %parallel_loop3A_428] {strides = array<i32>} : memref<8x384xi32, #tpu.memory_space<vmem>>, vector<16xi32>,
        %parallel_loop3A_430 = arith.constant 0 : i32
        %parallel_loop3A_431 = arith.constant 49999 : i32
        %parallel_loop3A_432 = vector.broadcast %parallel_loop3A_430 : i32 to vector<16xi32>
        %parallel_loop3A_433 = arith.maxsi %parallel_loop3A_432, %parallel_loop3A_429 : vector<16xi32>
        %parallel_loop3A_434 = vector.broadcast %parallel_loop3A_431 : i32 to vector<16xi32>
        %parallel_loop3A_435 = arith.minsi %parallel_loop3A_434, %parallel_loop3A_433 : vector<16xi32>
        %parallel_loop3A_436 = tpu.vector_load_idx %arg6[%parallel_loop3A_435] : memref<50048xi32, #tpu.memory_space<vmem>>[vector<16xi32>], vector<16xi32>,
        %parallel_loop3A_437 = arith.cmpi eq, %parallel_loop3A_77, %parallel_loop3A_436 : vector<16xi32>
        %parallel_loop3A_438 = arith.subi %parallel_loop3A_435, %parallel_loop3A_73 : vector<16xi32>
        %parallel_loop3A_439 = math.absi %parallel_loop3A_438 : vector<16xi32>
        %parallel_loop3A_440 = tpu.vector_load_idx %arg7[%parallel_loop3A_439] : memref<50048xf32, #tpu.memory_space<vmem>>[vector<16xi32>], vector<16xf32>,
        %parallel_loop3A_441 = arith.sitofp %parallel_loop3A_438 : vector<16xi32> to vector<16xf32>
        %parallel_loop3A_442 = tpu.bitcast %parallel_loop3A_441 : vector<16xf32> -> vector<16xi32>
        %parallel_loop3A_443 = arith.constant -2147483648 : i32
        %parallel_loop3A_444 = vector.broadcast %parallel_loop3A_443 : i32 to vector<16xi32>
        %parallel_loop3A_445 = arith.andi %parallel_loop3A_442, %parallel_loop3A_444 : vector<16xi32>
        %parallel_loop3A_446 = arith.constant 1065353216 : i32
        %parallel_loop3A_447 = vector.broadcast %parallel_loop3A_446 : i32 to vector<16xi32>
        %parallel_loop3A_448 = arith.ori %parallel_loop3A_447, %parallel_loop3A_445 : vector<16xi32>
        %parallel_loop3A_449 = tpu.bitcast %parallel_loop3A_448 : vector<16xi32> -> vector<16xf32>
        %parallel_loop3A_450 = math.absf %parallel_loop3A_441 : vector<16xf32>
        %parallel_loop3A_451 = arith.constant 0.000000e+00 : f32
        %parallel_loop3A_452 = vector.broadcast %parallel_loop3A_451 : f32 to vector<16xf32>
        %parallel_loop3A_453 = arith.cmpf ogt, %parallel_loop3A_450, %parallel_loop3A_452 : vector<16xf32>
        %parallel_loop3A_454 = arith.select %parallel_loop3A_453, %parallel_loop3A_449, %parallel_loop3A_441 : vector<16xi1>, vector<16xf32>
        %parallel_loop3A_455 = arith.constant 0.000000e+00 : f32
        %parallel_loop3A_456 = arith.constant 1.000000e+00 : f32
        %parallel_loop3A_457 = vector.broadcast %parallel_loop3A_455 : f32 to vector<16xf32>
        %parallel_loop3A_458 = vector.broadcast %parallel_loop3A_456 : f32 to vector<16xf32>
        %parallel_loop3A_459 = arith.select %parallel_loop3A_437, %parallel_loop3A_457, %parallel_loop3A_458 : vector<16xi1>, vector<16xf32>
        %parallel_loop3A_460 = arith.constant 0 : i32
        %parallel_loop3A_461 = arith.constant 6 : i32
        %parallel_loop3A_462 = arith.index_cast %parallel_loop3A_460 : i32 to index
        %parallel_loop3A_463 = arith.index_cast %parallel_loop3A_461 : i32 to index
        %parallel_loop3A_464 = arith.index_cast %parallel_loop3A_68 : i32 to index
        %parallel_loop3A_465 = tpu.vector_load %arg10[%parallel_loop3A_462, %parallel_loop3A_463, %parallel_loop3A_464] {strides = array<i32>} : memref<3x8x384xf32, #tpu.memory_space<vmem>>, vector<16xf32>,
        tpu.vector_store %arg10[%parallel_loop3A_462, %parallel_loop3A_463, %parallel_loop3A_464], %parallel_loop3A_459 {strides = array<i32>} : memref<3x8x384xf32, #tpu.memory_space<vmem>>, vector<16xf32>,
        %parallel_loop3A_466 = arith.constant 0.000000e+00 : f32
        %parallel_loop3A_467 = vector.broadcast %parallel_loop3A_466 : f32 to vector<16xf32>
        %parallel_loop3A_468 = arith.select %parallel_loop3A_437, %parallel_loop3A_440, %parallel_loop3A_467 : vector<16xi1>, vector<16xf32>
        %parallel_loop3A_469 = arith.constant 1 : i32
        %parallel_loop3A_470 = arith.constant 6 : i32
        %parallel_loop3A_471 = arith.index_cast %parallel_loop3A_469 : i32 to index
        %parallel_loop3A_472 = arith.index_cast %parallel_loop3A_470 : i32 to index
        %parallel_loop3A_473 = arith.index_cast %parallel_loop3A_68 : i32 to index
        %parallel_loop3A_474 = tpu.vector_load %arg10[%parallel_loop3A_471, %parallel_loop3A_472, %parallel_loop3A_473] {strides = array<i32>} : memref<3x8x384xf32, #tpu.memory_space<vmem>>, vector<16xf32>,
        tpu.vector_store %arg10[%parallel_loop3A_471, %parallel_loop3A_472, %parallel_loop3A_473], %parallel_loop3A_468 {strides = array<i32>} : memref<3x8x384xf32, #tpu.memory_space<vmem>>, vector<16xf32>,
        %parallel_loop3A_475 = arith.constant 0.000000e+00 : f32
        %parallel_loop3A_476 = vector.broadcast %parallel_loop3A_475 : f32 to vector<16xf32>
        %parallel_loop3A_477 = arith.select %parallel_loop3A_437, %parallel_loop3A_454, %parallel_loop3A_476 : vector<16xi1>, vector<16xf32>
        %parallel_loop3A_478 = arith.constant 2 : i32
        %parallel_loop3A_479 = arith.constant 6 : i32
        %parallel_loop3A_480 = arith.index_cast %parallel_loop3A_478 : i32 to index
        %parallel_loop3A_481 = arith.index_cast %parallel_loop3A_479 : i32 to index
        %parallel_loop3A_482 = arith.index_cast %parallel_loop3A_68 : i32 to index
        %parallel_loop3A_483 = tpu.vector_load %arg10[%parallel_loop3A_480, %parallel_loop3A_481, %parallel_loop3A_482] {strides = array<i32>} : memref<3x8x384xf32, #tpu.memory_space<vmem>>, vector<16xf32>,
        tpu.vector_store %arg10[%parallel_loop3A_480, %parallel_loop3A_481, %parallel_loop3A_482], %parallel_loop3A_477 {strides = array<i32>} : memref<3x8x384xf32, #tpu.memory_space<vmem>>, vector<16xf32>,
        %parallel_loop3A_484 = arith.constant 7 : i32
        %parallel_loop3A_485 = arith.index_cast %parallel_loop3A_484 : i32 to index
        %parallel_loop3A_486 = arith.index_cast %parallel_loop3A_68 : i32 to index
        %parallel_loop3A_487 = tpu.vector_load %arg8[%parallel_loop3A_485, %parallel_loop3A_486] {strides = array<i32>} : memref<8x384xi32, #tpu.memory_space<vmem>>, vector<16xi32>,
        %parallel_loop3A_488 = arith.constant 0 : i32
        %parallel_loop3A_489 = arith.constant 49999 : i32
        %parallel_loop3A_490 = vector.broadcast %parallel_loop3A_488 : i32 to vector<16xi32>
        %parallel_loop3A_491 = arith.maxsi %parallel_loop3A_490, %parallel_loop3A_487 : vector<16xi32>
        %parallel_loop3A_492 = vector.broadcast %parallel_loop3A_489 : i32 to vector<16xi32>
        %parallel_loop3A_493 = arith.minsi %parallel_loop3A_492, %parallel_loop3A_491 : vector<16xi32>
        %parallel_loop3A_494 = tpu.vector_load_idx %arg6[%parallel_loop3A_493] : memref<50048xi32, #tpu.memory_space<vmem>>[vector<16xi32>], vector<16xi32>,
        %parallel_loop3A_495 = arith.cmpi eq, %parallel_loop3A_77, %parallel_loop3A_494 : vector<16xi32>
        %parallel_loop3A_496 = arith.subi %parallel_loop3A_493, %parallel_loop3A_73 : vector<16xi32>
        %parallel_loop3A_497 = math.absi %parallel_loop3A_496 : vector<16xi32>
        %parallel_loop3A_498 = tpu.vector_load_idx %arg7[%parallel_loop3A_497] : memref<50048xf32, #tpu.memory_space<vmem>>[vector<16xi32>], vector<16xf32>,
        %parallel_loop3A_499 = arith.sitofp %parallel_loop3A_496 : vector<16xi32> to vector<16xf32>
        %parallel_loop3A_500 = tpu.bitcast %parallel_loop3A_499 : vector<16xf32> -> vector<16xi32>
        %parallel_loop3A_501 = arith.constant -2147483648 : i32
        %parallel_loop3A_502 = vector.broadcast %parallel_loop3A_501 : i32 to vector<16xi32>
        %parallel_loop3A_503 = arith.andi %parallel_loop3A_500, %parallel_loop3A_502 : vector<16xi32>
        %parallel_loop3A_504 = arith.constant 1065353216 : i32
        %parallel_loop3A_505 = vector.broadcast %parallel_loop3A_504 : i32 to vector<16xi32>
        %parallel_loop3A_506 = arith.ori %parallel_loop3A_505, %parallel_loop3A_503 : vector<16xi32>
        %parallel_loop3A_507 = tpu.bitcast %parallel_loop3A_506 : vector<16xi32> -> vector<16xf32>
        %parallel_loop3A_508 = math.absf %parallel_loop3A_499 : vector<16xf32>
        %parallel_loop3A_509 = arith.constant 0.000000e+00 : f32
        %parallel_loop3A_510 = vector.broadcast %parallel_loop3A_509 : f32 to vector<16xf32>
        %parallel_loop3A_511 = arith.cmpf ogt, %parallel_loop3A_508, %parallel_loop3A_510 : vector<16xf32>
        %parallel_loop3A_512 = arith.select %parallel_loop3A_511, %parallel_loop3A_507, %parallel_loop3A_499 : vector<16xi1>, vector<16xf32>
        %parallel_loop3A_513 = arith.constant 0.000000e+00 : f32
        %parallel_loop3A_514 = arith.constant 1.000000e+00 : f32
        %parallel_loop3A_515 = vector.broadcast %parallel_loop3A_513 : f32 to vector<16xf32>
        %parallel_loop3A_516 = vector.broadcast %parallel_loop3A_514 : f32 to vector<16xf32>
        %parallel_loop3A_517 = arith.select %parallel_loop3A_495, %parallel_loop3A_515, %parallel_loop3A_516 : vector<16xi1>, vector<16xf32>
        %parallel_loop3A_518 = arith.constant 0 : i32
        %parallel_loop3A_519 = arith.constant 7 : i32
        %parallel_loop3A_520 = arith.index_cast %parallel_loop3A_518 : i32 to index
        %parallel_loop3A_521 = arith.index_cast %parallel_loop3A_519 : i32 to index
        %parallel_loop3A_522 = arith.index_cast %parallel_loop3A_68 : i32 to index
        %parallel_loop3A_523 = tpu.vector_load %arg10[%parallel_loop3A_520, %parallel_loop3A_521, %parallel_loop3A_522] {strides = array<i32>} : memref<3x8x384xf32, #tpu.memory_space<vmem>>, vector<16xf32>,
        tpu.vector_store %arg10[%parallel_loop3A_520, %parallel_loop3A_521, %parallel_loop3A_522], %parallel_loop3A_517 {strides = array<i32>} : memref<3x8x384xf32, #tpu.memory_space<vmem>>, vector<16xf32>,
        %parallel_loop3A_524 = arith.constant 0.000000e+00 : f32
        %parallel_loop3A_525 = vector.broadcast %parallel_loop3A_524 : f32 to vector<16xf32>
        %parallel_loop3A_526 = arith.select %parallel_loop3A_495, %parallel_loop3A_498, %parallel_loop3A_525 : vector<16xi1>, vector<16xf32>
        %parallel_loop3A_527 = arith.constant 1 : i32
        %parallel_loop3A_528 = arith.constant 7 : i32
        %parallel_loop3A_529 = arith.index_cast %parallel_loop3A_527 : i32 to index
        %parallel_loop3A_530 = arith.index_cast %parallel_loop3A_528 : i32 to index
        %parallel_loop3A_531 = arith.index_cast %parallel_loop3A_68 : i32 to index
        %parallel_loop3A_532 = tpu.vector_load %arg10[%parallel_loop3A_529, %parallel_loop3A_530, %parallel_loop3A_531] {strides = array<i32>} : memref<3x8x384xf32, #tpu.memory_space<vmem>>, vector<16xf32>,
        tpu.vector_store %arg10[%parallel_loop3A_529, %parallel_loop3A_530, %parallel_loop3A_531], %parallel_loop3A_526 {strides = array<i32>} : memref<3x8x384xf32, #tpu.memory_space<vmem>>, vector<16xf32>,
        %parallel_loop3A_533 = arith.constant 0.000000e+00 : f32
        %parallel_loop3A_534 = vector.broadcast %parallel_loop3A_533 : f32 to vector<16xf32>
        %parallel_loop3A_535 = arith.select %parallel_loop3A_495, %parallel_loop3A_512, %parallel_loop3A_534 : vector<16xi1>, vector<16xf32>
        %parallel_loop3A_536 = arith.constant 2 : i32
        %parallel_loop3A_537 = arith.constant 7 : i32
        %parallel_loop3A_538 = arith.index_cast %parallel_loop3A_536 : i32 to index
        %parallel_loop3A_539 = arith.index_cast %parallel_loop3A_537 : i32 to index
        %parallel_loop3A_540 = arith.index_cast %parallel_loop3A_68 : i32 to index
        %parallel_loop3A_541 = tpu.vector_load %arg10[%parallel_loop3A_538, %parallel_loop3A_539, %parallel_loop3A_540] {strides = array<i32>} : memref<3x8x384xf32, #tpu.memory_space<vmem>>, vector<16xf32>,
        tpu.vector_store %arg10[%parallel_loop3A_538, %parallel_loop3A_539, %parallel_loop3A_540], %parallel_loop3A_535 {strides = array<i32>} : memref<3x8x384xf32, #tpu.memory_space<vmem>>, vector<16xf32>,
      } {sc.loop_unroll_factor = 2 : i64, sc.parallel_access}
      %multiple_of3A_66 = arith.constant 49920 : i32
      %multiple_of3A_67 = tpu.assume_multiple %multiple_of3A_66, 128 : i32
      "tpu.region"() ({
        %run_scoped3A = tpu.sem_alloc : memref<!tpu.dma_semaphore, #tpu.memory_space<semaphore_mem>>
        %dma_start3A_68 = arith.constant 0 : i32
        %dma_start3A_69 = arith.constant 0 : i32
        %dma_start3A_70 = arith.constant 0 : i32
        %dma_start3A_71 = tpu.memref_slice %arg10[%dma_start3A_68, %dma_start3A_69, %dma_start3A_70] : memref<3x8x384xf32, #tpu.memory_space<vmem>> -> memref<3x8x128xf32, #tpu.memory_space<vmem>>
        %dma_start3A_72 = arith.constant 0 : i32
        %dma_start3A_73 = tpu.memref_slice %arg5[%dma_start3A_72, %multiple_of3A_61, %multiple_of3A_67] : memref<3x32x50000xf32, #tpu.memory_space<hbm>> -> memref<3x8x128xf32, #tpu.memory_space<hbm>>
        %dma_start3A_74 = arith.constant 0 : i32
        %dma_start3A_75 = tpu.memref_slice %arg5[%dma_start3A_74, %multiple_of3A_61, %multiple_of3A_67] : memref<3x32x50000xf32, #tpu.memory_space<hbm>> -> memref<3x8x128xf32, #tpu.memory_space<hbm>>
        %dma_start3A_76 = arith.constant 0 : i32
        %dma_start3A_77 = arith.constant 0 : i32
        %dma_start3A_78 = arith.constant 0 : i32
        %dma_start3A_79 = tpu.memref_slice %arg10[%dma_start3A_76, %dma_start3A_77, %dma_start3A_78] : memref<3x8x384xf32, #tpu.memory_space<vmem>> -> memref<3x8x128xf32, #tpu.memory_space<vmem>>
        tpu.enqueue_dma source(%dma_start3A_79 : memref<3x8x128xf32, #tpu.memory_space<vmem>>) target(%dma_start3A_75 : memref<3x8x128xf32, #tpu.memory_space<hbm>>) target_semaphore(%run_scoped3A : memref<!tpu.dma_semaphore, #tpu.memory_space<semaphore_mem>>)
        %dma_wait3A_80 = arith.constant 0 : i32
        %dma_wait3A_81 = arith.constant 0 : i32
        %dma_wait3A_82 = arith.constant 0 : i32
        %dma_wait3A_83 = tpu.memref_slice %arg10[%dma_wait3A_80, %dma_wait3A_81, %dma_wait3A_82] : memref<3x8x384xf32, #tpu.memory_space<vmem>> -> memref<3x8x128xf32, #tpu.memory_space<vmem>>
        %dma_wait3A_84 = arith.constant 0 : i32
        %dma_wait3A_85 = tpu.memref_slice %arg5[%dma_wait3A_84, %multiple_of3A_61, %multiple_of3A_67] : memref<3x32x50000xf32, #tpu.memory_space<hbm>> -> memref<3x8x128xf32, #tpu.memory_space<hbm>>
        %dma_wait3A_86 = arith.constant 0 : i32
        %dma_wait3A_87 = tpu.memref_slice %arg5[%dma_wait3A_86, %multiple_of3A_61, %multiple_of3A_67] : memref<3x32x50000xf32, #tpu.memory_space<hbm>> -> memref<3x8x128xf32, #tpu.memory_space<hbm>>
        %dma_wait3A_88 = arith.constant 0 : i32
        %dma_wait3A_89 = arith.constant 0 : i32
        %dma_wait3A_90 = arith.constant 0 : i32
        %dma_wait3A_91 = tpu.memref_slice %arg10[%dma_wait3A_88, %dma_wait3A_89, %dma_wait3A_90] : memref<3x8x384xf32, #tpu.memory_space<vmem>> -> memref<3x8x128xf32, #tpu.memory_space<vmem>>
        tpu.wait_dma2 semaphore(%run_scoped3A : memref<!tpu.dma_semaphore, #tpu.memory_space<semaphore_mem>>) src(%dma_wait3A_91 : memref<3x8x128xf32, #tpu.memory_space<vmem>>) dst(%dma_wait3A_87 : memref<3x8x128xf32, #tpu.memory_space<hbm>>)
        tpu.yield
      }) : () -> ()
    } else {
    }
    return
  }
}

</mosaic_0001>

<sc_bundles>
// kernel: _edge_field.3.cloned.1.call-start
scs
__scs_entry_jumppad:
0x0: {  	(pc) =	sbr.rel $0x88, $3  }
0x1: {  	(tag) =	ssettag $0x0;
	lr =	simm.s32 $0x1  }
0x2: {  	[smem:$0x3F9F] =	sst lr;
	_ =	strace $0xD0000000  }
0x3: {  	_ = 	snop  }
0x4: {  	_ = 	snop  }
0x5: {  	_ = 	snop  }
0x6: {  	_ = 	snop  }
0x7: {  	_ = 	snop  }
__scs_overlays_trampoline_lowered:
0x8: {  	[smem:$0x3FAE] =	sst s0  }
0x9: {  	[smem:$0x3FAF] =	sst s1  }
0xa: {  	[smem:$0x3FB0] =	sst s2  }
0xb: {  	[smem:$0x3FB1] =	sst s3  }
0xc: {  	[smem:$0x3FB2] =	sst s4  }
0xd: {  	[smem:$0x3FB3] =	sst s5  }
0xe: {  	[smem:$0x3FB4] =	sst s6  }
0xf: {  	[smem:$0x3FB5] =	sst s7  }
0x10: {  	[smem:$0x3FB6] =	sst s8  }
0x11: {  	[smem:$0x3FB7] =	sst s9;
	s0 =	simm.s32 @!p0 $0x0  }
0x12: {  	s1 =	sld [smem:$0x3F9D];
	s0 =	simm.s32 @p0 $0x1  }
0x13: {  	[smem:$0x3FB8] =	sst s0;
	s0 =	simm.s32 @!p1 $0x0  }
0x14: {  	s2 =	sld [smem:$0x3F9C];
	s0 =	simm.s32 @p1 $0x1  }
0x15: {  	[smem:$0x3FB9] =	sst s0;
	s0 =	simm.s32 @!p2 $0x0  }
0x16: {  	s3 =	sld [smem:$0x3FDB];
	s0 =	simm.s32 @p2 $0x1  }
0x17: {  	s4 =	simm.s32 $0x1BF5;
	[smem:$0x3FBB] =	sst s0  }
0x18: {  	s0 =	sld [smem:$0x3F9E];
	_ =	swait.ge [sflag:s4], $0x0  }
0x19: {  	s7 =	sld [smem:$0x3F9F]  }
0x1a: {  	s8 =	sadd.s32 $0xFFFFE003, lr  }
0x1b: {  	s9 =	sadd.s32 $0xFFFFFEF7, lr;
	s5 =	simm.s32 $0xFFFFFFFF;
	p2 =	slt.u32 s8, $0xFFFFF086  }
0x1c: {  	p1 =	slt.u32 s9, $0xF7A;
	s5 =	simm.s32 @!p2 $0x0  }
0x1d: {  	s5 =	simm.s32 @p1 $0x1;
	p0 =	seq.s32 s7, s2  }
0x1e: {  	s7 =	smul.u32 @!p0 $0xF7A, s2;
	p2 =	seq.s32 @!p0 s5, $0x0  }
0x1f: {  	s9 =	smul.u32 $0xF7A, s1;
	s8 =	simm.s32 @!p0 $0x1BF5;
	p2 =	por !p2, p0  }
0x20: {  	[sflag:s8] =	ssyncset.s32 @!p0 $0xFFFFF086;
	s6 =	sadd.s32 @!p0 s3, s7;
	s7 =	simm.s32 @!p0 $0x108  }
0x21: {  	s3 =	sadd.s32 s3, s9;
	s6 =	sadd.s32 @!p0 $0x88, s6;
	s7 =	simm.s32 @p2 $0x1082  }
0x22: {  	[simem:s7], [sflag:s8] =	dma.local @!p0 [hbm:s6], $0xF7A  }
0x23: {  	s9 =	sor.u32 $0xD0000000, s2;
	s6 =	simm.s32 $0x108;
	_ =	swait.ge @!p0 [sflag:s8], $0x0  }
0x24: {  	s3 =	sadd.s32 $0x88, s3;
	s6 =	simm.s32 @!p1 $0x1082;
	[sflag:s4] =	ssyncset.s32 $0xFFFFF086  }
0x25: {  	[simem:s6], [sflag:s4] =	dma.local [hbm:s3], $0xF7A  }
0x26: {  	[smem:$0x3F9F] =	sst s1;
	(tag) =	ssettag s2;
	_ =	strace s9  }
0x27: {  	s1 =	sld [smem:$0x3FAF]  }
0x28: {  	s2 =	sld [smem:$0x3FB0]  }
0x29: {  	s4 =	sld [smem:$0x3FB2]  }
0x2a: {  	p0 =	seq.s32 s5, $0x0;
	s5 =	sld [smem:$0x3FB3]  }
0x2b: {  	s6 =	sld [smem:$0x3FB4]  }
0x2c: {  	s7 =	sld [smem:$0x3FB5]  }
0x2d: {  	s3 =	simm.s32 $0x108;
	s8 =	sld [smem:$0x3FB6]  }
0x2e: {  	s3 =	simm.s32 @!p0 $0x1082;
	s9 =	sld [smem:$0x3FB7]  }
0x2f: {  	lr =	sadd.s32 s0, s3;
	s0 =	sld [smem:$0x3FAE]  }
0x30: {  	s3 =	sld [smem:$0x3FB1]  }
0x31: {  	[smem:$0x3FBA] =	sst s10  }
0x32: {  	s10 =	sld [smem:$0x3FB8];
	_ =	sdelay $0x3  }
0x33: {  	p0 =	seq.s32 s10, $0x1;
	s10 =	sld [smem:$0x3FBA];
	_ =	sdelay $0x3  }
0x34: {  	[smem:$0x3FBA] =	sst s10  }
0x35: {  	s10 =	sld [smem:$0x3FB9];
	_ =	sdelay $0x3  }
0x36: {  	p1 =	seq.s32 s10, $0x1;
	s10 =	sld [smem:$0x3FBA];
	_ =	sdelay $0x3  }
0x37: {  	[smem:$0x3FBA] =	sst s10  }
0x38: {  	s10 =	sld [smem:$0x3FBB]  }
0x39: {  	_ = 	snop;
	(pc) =	sbr.ind lr, $3  }
0x3a: {  	_ = 	snop  }
0x3b: {  	_ = 	snop  }
0x3c: {  	p2 =	seq.s32 s10, $0x1;
	s10 =	sld [smem:$0x3FBA]  }
0x3d: {  	_ =	shalt  }
0x3e: {  	_ =	shalt  }
0x3f: {  	_ =	shalt  }
0x40: {  	_ =	shalt  }
0x41: {  	_ =	shalt  }
0x42: {  	_ =	shalt  }
0x43: {  	_ =	shalt  }
0x44: {  	_ =	shalt  }
0x45: {  	_ =	shalt  }
0x46: {  	_ =	shalt  }
0x47: {  	_ =	shalt  }
0x48: {  	_ =	shalt  }
0x49: {  	_ =	shalt  }
0x4a: {  	_ =	shalt  }
0x4b: {  	_ =	shalt  }
0x4c: {  	_ =	shalt  }
0x4d: {  	_ =	shalt  }
0x4e: {  	_ =	shalt  }
0x4f: {  	_ =	shalt  }
0x50: {  	_ =	shalt  }
0x51: {  	_ =	shalt  }
0x52: {  	_ =	shalt  }
0x53: {  	_ =	shalt  }
0x54: {  	_ =	shalt  }
0x55: {  	_ =	shalt  }
0x56: {  	_ =	shalt  }
0x57: {  	_ =	shalt  }
0x58: {  	_ =	shalt  }
0x59: {  	_ =	shalt  }
0x5a: {  	_ =	shalt  }
0x5b: {  	_ =	shalt  }
0x5c: {  	_ =	shalt  }
0x5d: {  	_ =	shalt  }
0x5e: {  	_ =	shalt  }
0x5f: {  	_ =	shalt  }
0x60: {  	_ =	shalt  }
0x61: {  	_ =	shalt  }
0x62: {  	_ =	shalt  }
0x63: {  	_ =	shalt  }
0x64: {  	_ =	shalt  }
0x65: {  	_ =	shalt  }
0x66: {  	_ =	shalt  }
0x67: {  	_ =	shalt  }
0x68: {  	_ =	shalt  }
0x69: {  	_ =	shalt  }
0x6a: {  	_ =	shalt  }
0x6b: {  	_ =	shalt  }
0x6c: {  	_ =	shalt  }
0x6d: {  	_ =	shalt  }
0x6e: {  	_ =	shalt  }
0x6f: {  	_ =	shalt  }
0x70: {  	_ =	shalt  }
0x71: {  	_ =	shalt  }
0x72: {  	_ =	shalt  }
0x73: {  	_ =	shalt  }
0x74: {  	_ =	shalt  }
0x75: {  	_ =	shalt  }
0x76: {  	_ =	shalt  }
0x77: {  	_ =	shalt  }
0x78: {  	_ =	shalt  }
0x79: {  	_ =	shalt  }
0x7a: {  	_ =	shalt  }
0x7b: {  	_ =	shalt  }
0x7c: {  	_ =	shalt  }
0x7d: {  	_ =	shalt  }
0x7e: {  	_ =	shalt  }
0x7f: {  	_ =	shalt  }
0x80: {  	_ =	shalt  }
0x81: {  	_ =	shalt  }
0x82: {  	_ =	shalt  }
0x83: {  	_ =	shalt  }
0x84: {  	_ =	shalt  }
0x85: {  	_ =	shalt  }
0x86: {  	_ =	shalt  }
0x87: {  	_ =	shalt  }
.Lfunc_end0:
.L_simem_size_0:
called_computation_lowered:
.L_overlay_start_0:
0x88: {  	s2 =	sld [smem:$0x3FD9]  }
0x89: {  	s3 =	sld [smem:$0x3FFE];
	_ =	sdelay $0x1  }
0x8a: {  	s1 =	srdreg.scid  }
0x8b: {  	s0 =	sand.u32 $0x1, s1  }
0x8c: {  	s17 =	sshll.u32 s0, $0xA;
	s2 =	sadd.s32 s3, s2  }
0x8d: {  	s2 =	sadd.s32 s2, s17  }
0x8e: {  	[smem:$0x3FC6] =	sst s2  }
0x8f: {  	_ = 	snop  }
0x90: {  	s2 =	sld [smem:$0x3FC9]  }
0x91: {  	s18 =	sld [smem:$0x3FC8]  }
0x92: {  	s4 =	sld [smem:$0x3FD0];
	(tm) =	ssettm $0x1  }
0x93: {  	s5 =	sld [smem:$0x3FFB];
	_ =	sdelay $0x3  }
0x94: {  	_ =	strace s5  }
0x95: {  	s5 =	sld [smem:$0x3FFC];
	_ =	sdelay $0x3  }
0x96: {  	_ =	strace s5  }
0x97: {  	s5 =	sld [smem:$0x3FFD];
	_ =	sdelay $0x3  }
0x98: {  	_ =	strace s5  }
0x99: {  	_ =	strace $0x8FFFFFFF  }
0x9a: {  	s19 =	sld [smem:$0x3FDB];
	_ =	sdelay $0x1  }
0x9b: {  	s6 =	simm.s32 $_scs_section_size  }
0x9c: {  	s7 =	simm.s32 $_size__tile_overlayer_lowered;
	s8 =	simm.s32 $_tile_overlayer_lowered  }
0x9d: {  	s22 =	simm.s32 $0x1BFF;
	s21 =	sshll.u32 s8, $0x1;
	s5 =	sadd.s32 s6, s19  }
0x9e: {  	s9 =	simm.s32 $0x0;
	s20 =	sshll.u32 s7, $0x1;
	s7 =	sadd.s32 s21, s5  }
0x9f: {  	[timem:s9], [sflag:s22] =	dma.local [hbm:s7], s20  }
0xa0: {  	_ =	swait.ge [sflag:s22], s20  }
0xa1: {  	s6 =	ssub.s32 $0x0, s20;
	[sflag:s22] =	ssyncset.done $0x0  }
0xa2: {  	[sflag:s22] =	ssyncadd.s32 s6;
	_ =	sdelay $0x1  }
0xa3: {  	s23 =	simm.s32 $0x1B8B  }
0xa4: {  	_ =	swait.ge [sflag:s23], $0x1  }
0xa5: {  	[sflag:s23] =	ssyncset.done $0x0  }
0xa6: {  	s25 =	simm.s32 $0x1B8E;
	s24 =	sld [smem:$0x3FFE];
	[sflag:s23] =	ssyncadd.s32 $0xFFFFFFFF  }
0xa7: {  	s26 =	simm.s32 $execute0_lowered;
	[smem:$0x3FD2] =	sst s25  }
0xa8: {  	s7 =	sshll.u32 s26, $0x1;
	_ =	strace $0x80000046;
	[dreg:$0x1] =	wrdreg $0xFFFFFFFF  }
0xa9: {  	s28 =	simm.s32 $_size_execute0_lowered;
	s5 =	sadd.s32 s5, s7;
	[dreg:$0x0] =	wrdreg $0x0  }
0xaa: {  	s7 =	sshll.u32 s28, $0x1;
	[dreg:$0x2] =	wrdreg s5  }
0xab: {  	[dreg:$0x3] =	wrdreg s7  }
0xac: {  	[dreg:$0x4] =	wrdreg $0xC0  }
0xad: {  	_ =	task [dreg:s9], $0x5FFFF  }
0xae: {  	[dreg:$0x1] =	wrdreg $0xFFFFFFFF  }
0xaf: {  	[dreg:$0x0] =	wrdreg $0x60  }
0xb0: {  	[dreg:$0x2] =	wrdreg s2  }
0xb1: {  	[dreg:$0x3] =	wrdreg s18  }
0xb2: {  	[dreg:$0x4] =	wrdreg s24  }
0xb3: {  	[dreg:$0x5] =	wrdreg s4  }
0xb4: {  	[dreg:$0x6] =	wrdreg $0x9  }
0xb5: {  	_ =	task.clear_ibuf [dreg:s9], $0x7FFFF;
	_ =	strace $0x90000046  }
0xb6: {  	s29 =	simm.s32 $0x9;
	_ =	strace $0x80000048  }
0xb7: {  	_ =	swait.ge [sflag:s29], $0x1  }
0xb8: {  	[sflag:s29] =	ssyncadd.s32 $0xFFFFFFFF  }
0xb9: {  	_ =	strace $0x90000048  }
0xba: {  	_ =	sfence  }
0xbb: {  	s30 =	sld [smem:$0x0];
	_ =	sdelay $0x2  }
0xbc: {  	s31 =	sshll.u32 s1, $0xD;
	s1 =	sshrl.u32 s1, $0x2  }
0xbd: {  	s3 =	sand.u32 $0x4000, s31;
	s1 =	sadd.s32 s1, s30  }
0xbe: {  	s0 =	sor.u32 s3, s0;
	s1 =	sshll.u32 s1, $0x11  }
0xbf: {  	s0 =	sor.u32 s1, s0  }
0xc0: {  	s0 =	sadd.s32 $0x8F2B, s0  }
0xc1: {  	[sflag:s0] =	ssyncadd.remote.s32 $0x1  }
0xc2: {  	_ =	sfence.sel $0xFFFF  }
0xc3: {  	[dreg:$0x0] =	wrdreg $0xFFFFFFFF;
	(pc) =	sbr.abs _section_cstart, $3  }
0xc4: {  	[dreg:$0x1] =	wrdreg $0xFFFFFFFF  }
0xc5: {  	_ =	task.clear_ibuf [dreg:s9], $0x2FFFF;
	_ =	strace $0x9FFFFFFF  }
0xc6: {  	(tm) =	ssettm $0x7FFFFFFF  }
0xc7: {  	_ =	shalt  }
tec
execute0_lowered:
.L_overlay_start_1:
0x0: {  	(tag) =	ssettag $0x1  }
0x1: {  	s0 =	rddreg [dreg:$0x0]  }
0x2: {  	s7 =	stileid.u32;
	s3 =	rddreg [dreg:$0x2]  }
0x3: {  	s1 =	srdreg.scid;
	s8 =	rddreg [dreg:$0x3]  }
0x4: {  	s6 =	simm.s32 $0x0;
	s2 =	sshll.u32 s7, $0x1;
	s1 =	sand.u32 $0x1, s1  }
0x5: {  	s4 =	sshrl.u32 s7, $0x1;
	[smem:$0x7FF] =	sst s6;
	s3 =	sadd.s32 $0x400, s3  }
0x6: {  	s2 =	sand.u32 $0x2, s2;
	s5 =	smul.u32 $0xC000, s4;
	_ =	strace $0x80000047  }
0x7: {  	[smem:$0x7F0] =	sst s3;
	s9 =	smul.u32 $0x1800, s4;
	s10 =	sshll.u32 s4, $0x7  }
0x8: {  	s2 =	sor.u32 s1, s2;
	s1 =	ssub.s32 $0x2, s1;
	[smem:$0x7FD] =	sst s10  }
0x9: {  	s2 =	smul.u32 $0x61C00, s2;
	s20 =	sshrl.u32 s1, $0x1;
	s24 =	sadd.s32 s9, s0  }
0xa: {  	[smem:$0x7F5] =	sst s9;
	s29 =	sor.u32 $0x180, s9;
	s1 =	ssub.s32 s1, s20  }
0xb: {  	[smem:$0x7F6] =	sst s29;
	s5 =	sadd.s32 s5, s2;
	s2 =	sshrl.u32 s2, $0x3  }
0xc: {  	s31 =	smax.u32 s1, $0x1;
	s21 =	sadd.s32 $0xC00, s5;
	s5 =	sshrl.u32 s5, $0x3  }
0xd: {  	s25 =	sadd.s32 s8, s2;
	s3 =	sadd.s32 s2, s24;
	[smem:$0x7FC] =	sst s31  }
0xe: {  	s26 =	sadd.s32 s10, s2;
	s2 =	sadd.s32 $0xC300, s2;
	[smem:$0x7F3] =	sst s25  }
0xf: {  	s22 =	sadd.s32 s0, s5;
	[smem:$0x7FA] =	sst s2  }
0x10: {  	s28 =	sadd.s32 $0x300, s3;
	[smem:$0x7F1] =	sst s22  }
0x11: {  	s6 =	sshrl.u32 s21, $0x3;
	s3 =	sadd.s32 $0x480, s3;
	[smem:$0x7F4] =	sst s28  }
.Ltmp0:
0x12: {  	s4 =	sadd.s32 $0xC000, s26;
	[smem:$0x7F7] =	sst s3;
	(pc) =	sbr.rel .LBB2_1-.Ltmp0, $4  }
0x13: {  	s23 =	sadd.s32 s0, s6;
	[smem:$0x7F8] =	sst s4  }
0x14: {  	s13 =	simm.s32 $0xC380;
	s30 =	sadd.s32 s0, s4;
	[smem:$0x7F2] =	sst s23  }
0x15: {  	v0 =	vimm.f32 $1.000000000e+00;
	p0 =	sgt.u32 s7, $0xB;
	s0 =	sadd.s32 s0, s2;
	[smem:$0x7F9] =	sst s30  }
0x16: {  	v1 =	vlaneseq.u32;
	p1 =	slt.u32 s7, $0xE;
	v2 =	vand.u32 $0x7FFFFFFF, v0;
	v3 =	vmov s10;
	s1 =	simm.s32 $0x0;
	[smem:$0x7FB] =	sst s0  }
.LBB2_16:
0x17: {  	s1 =	rddreg [dreg:$0x3]  }
0x18: {  	s28 =	simm.s32 $0x19F00;
	s3 =	simm.s32 $0x0;
	s0 =	sadd.s32 s1, s0  }
0x19: {  	[hbm4b:s0+s3] =	stream.linear.scatter [tilespmem:s28], [sflag:$0x7], $0x400, $0x38;
	[tilespmem:$0x1E700] =	vst v63  }
0x1a: {  	s2 =	simm.s32 $0x1AB00;
	s29 =	sadd.s32 $0x30E00, s0  }
0x1b: {  	[hbm4b:s29+s3] =	stream.linear.scatter [tilespmem:s2], [sflag:$0x7], $0x400, $0x38;
	[tilespmem:$0x1E700] =	vst v63  }
0x1c: {  	s30 =	simm.s32 $0x1B700;
	s31 =	simm.s32 $0x7;
	s0 =	sadd.s32 $0x61C00, s0  }
0x1d: {  	[hbm4b:s0+s3] =	stream.linear.scatter [tilespmem:s30], [sflag:$0x7], $0x400, $0x38;
	[tilespmem:$0x1E700] =	vst v63  }
0x1e: {  	_ =	swait.ge [sflag:s31], $0xC00  }
0x1f: {  	[sflag:s31] =	ssyncset.done $0x0  }
0x20: {  	s1 =	sld [smem:$0x7EF];
	[sflag:s31] =	ssyncadd.s32 $0xFFFFF400  }
.LBB2_17:
0x21: {  	s0 =	sld [smem:$0x7FC];
	_ =	sdelay $0x1  }
0x22: {  	s1 =	sadd.s32 $0x1, s1  }
0x23: {  	p2 =	sne.s32 s1, s0  }
.Ltmp1:
0x24: {  	_ = 	snop;
	(pc) =	sbr.rel @!p2 .LBB2_18-.Ltmp1, $1  }
0x25: {  	_ =	sdelay $0x3  }
.LBB2_1:
0x26: {  	s0 =	rddreg [dreg:$0x1]  }
0x27: {  	s2 =	simm.s32 $0x0;
	s24 =	sld [smem:$0x7F0]  }
0x28: {  	[tilespmem:s2], [sflag:$0x1] =	stream.linear.gather [hbm4b:s0+s2], $0xC350, $0x38;
	[tilespmem:$0x1E700] =	vst v63  }
0x29: {  	s25 =	sld [smem:$0x7F1]  }
0x2a: {  	[tilespmem:s13], [sflag:$0x2] =	stream.linear.gather [hbm4b:s24+s2], $0xC350, $0x38;
	[tilespmem:$0x1E700] =	vst v63  }
0x2b: {  	s26 =	simm.s32 $0x18700;
	s28 =	sld [smem:$0x7F2]  }
0x2c: {  	[tilespmem:s26], [sflag:$0x3] =	stream.linear.gather [hbm4b:s25+s2], $0xC00, $0x38;
	[tilespmem:$0x1E700] =	vst v63  }
0x2d: {  	[smem:$0x7EF] =	sst s1;
	s29 =	simm.s32 $0x19300;
	s30 =	simm.s32 $0x1  }
0x2e: {  	[tilespmem:s29], [sflag:$0x4] =	stream.linear.gather [hbm4b:s28+s2], $0xC00, $0x38;
	[tilespmem:$0x1E700] =	vst v63  }
0x2f: {  	_ =	swait.ge [sflag:s30], $0xC350  }
0x30: {  	[sflag:s30] =	ssyncset.done $0x0  }
0x31: {  	s31 =	simm.s32 $0x2;
	[sflag:s30] =	ssyncadd.s32 $0xFFFF3CB0  }
0x32: {  	_ =	swait.ge [sflag:s31], $0xC350  }
0x33: {  	[sflag:s31] =	ssyncset.done $0x0  }
0x34: {  	s1 =	simm.s32 $0x0;
	s0 =	sld [smem:$0x7F5];
	[sflag:s31] =	ssyncadd.s32 $0xFFFF3CB0  }
.LBB2_2:
0x35: {  	_ = 	snop  }
0x36: {  	[smem:$0x7EA] =	sst s1  }
0x37: {  	s6 =	simm.s32 $0x3;
	[dreg:$0x5] =	wrdreg s0  }
0x38: {  	_ =	swait.ge [sflag:s6], $0xC00  }
0x39: {  	p2 =	seq.s32 s1, $0x0;
	[sflag:s6] =	ssyncset.done $0x0  }
0x3a: {  	s4 =	smov.u32 s0;
	s0 =	simm.s32 @!p2 $0x5;
	[sflag:s6] =	ssyncadd.s32 $0xFFFFF400  }
0x3b: {  	s12 =	simm.s32 $0x10;
	s6 =	simm.s32 $0x0;
	_ =	swait.ge @!p2 [sflag:s0], $0x2400  }
0x3c: {  	s1 =	sand.u32 $0x70, s12;
	s3 =	sand.u32 $0xC00, s6;
	[sflag:s0] =	ssyncset.done @!p2 $0x0  }
0x3d: {  	s2 =	sor.u32 s1, s3;
	[sflag:s0] =	ssyncadd.s32 @!p2 $0xFFFFDC00  }
0x3e: {  	v5 =	vld [tilespmem:s2+$0x18700];
	_ =	sdelay $0x1  }
0x3f: {  	s7 =	sadd.s32 $0x0, s4  }
0x40: {  	s5 =	sadd.s32 $0x10, s7  }
0x41: {  	v14 =	vor.u32 s5, v1  }
0x42: {  	s11 =	smov.u32 s4;
	s4 =	sand.u32 $0x60, s6;
	v4 =	vsub.s32 v5, v14  }
0x43: {  	s9 =	sor.u32 s4, s3;
	v6 =	vsub.s32 $0x0, v4  }
0x44: {  	s5 =	sand.u32 $0x3FF80, s5;
	v7 =	vld [tilespmem:s9+$0x18700];
	v6 =	vmin.u32 v4, v6  }
0x45: {  	s5 =	sor.u32 s1, s5  }
0x46: {  	s18 =	simm.s32 $0x0;
	v15 =	vld [tilespmem:s5+$0x0]  }
0x47: {  	v9 =	vld.idx.msk [tilespmem:v5+s18+$0x0], $0xffff  }
0x48: {  	v8 =	vor.u32 s7, v1  }
0x49: {  	v10 =	vsub.s32 v7, v8;
	v6 =	vld.idx.msk [tilespmem:v6+s13+$0x0], $0xffff  }
0x4a: {  	v11 =	vsub.s32 $0x0, v10  }
0x4b: {  	s0 =	sand.u32 $0x3FF80, s7;
	v12 =	vcvt.s32.f32 v4;
	v11 =	vmin.u32 v10, v11  }
0x4c: {  	s0 =	sor.u32 s4, s0;
	vm0 =	veq.s32 v15, v9  }
0x4d: {  	s8 =	sadd.s32 $0x1AB00, s3;
	vm1 =	vne.s32 v5, v14;
	v4 =	vld [tilespmem:s0+$0x0];
	v9 =	vand.u32 $0x80000000, v12;
	v5 =	vsel vm0, $0x0, v0  }
0x4e: {  	s10 =	sadd.s32 $0x1B700, s3;
	s7 =	sor.u32 s1, s8;
	v12 =	vld.idx.msk [tilespmem:v7+s18+$0x0], $0xffff;
	v9 =	vor.u32 v9, v2;
	[tilespmem:s2+$0x19F00] =	vst v5;
	v5 =	vnsel vm0, $0x0, v6;
	vm0 =	vmand vm0, vm1  }
0x4f: {  	s14 =	sor.u32 s1, s10;
	[tilespmem:s7+$0x0] =	vst v5;
	v5 =	vnsel vm0, $0x0, v9  }
0x50: {  	v6 =	vld.idx.msk [tilespmem:v11+s13+$0x0], $0xffff;
	[tilespmem:s14+$0x0] =	vst v5  }
0x51: {  	v5 =	vld [tilespmem:s2+$0x18780]  }
0x52: {  	v9 =	vcvt.s32.f32 v10  }
0x53: {  	vm0 =	veq.s32 v4, v12  }
0x54: {  	vm1 =	vne.s32 v7, v8;
	v7 =	vand.u32 $0x80000000, v9;
	v9 =	vsel vm0, $0x0, v0  }
0x55: {  	s0 =	sor.u32 s4, s8;
	v7 =	vor.u32 v7, v2;
	[tilespmem:s9+$0x19F00] =	vst v9;
	v6 =	vnsel vm0, $0x0, v6;
	vm0 =	vmand vm0, vm1  }
0x56: {  	s5 =	sor.u32 s4, s10;
	v7 =	vnsel vm0, $0x0, v7;
	[tilespmem:s0+$0x0] =	vst v6;
	v9 =	vsub.s32 v5, v14  }
0x57: {  	[tilespmem:s5+$0x0] =	vst v7;
	v6 =	vsub.s32 $0x0, v9  }
0x58: {  	v7 =	vld [tilespmem:s9+$0x18780];
	v6 =	vmin.u32 v9, v6;
	_ =	sdelay $0x2  }
0x59: {  	v10 =	vld.idx.msk [tilespmem:v5+s18+$0x0], $0xffff;
	_ =	sdelay $0x1  }
0x5a: {  	v11 =	vsub.s32 v7, v8;
	v6 =	vld.idx.msk [tilespmem:v6+s13+$0x0], $0xffff  }
0x5b: {  	v12 =	vsub.s32 $0x0, v11  }
0x5c: {  	v9 =	vcvt.s32.f32 v9;
	v12 =	vmin.u32 v11, v12  }
0x5d: {  	vm0 =	veq.s32 v15, v10  }
0x5e: {  	s15 =	sadd.s32 $0x1AB80, s3;
	vm1 =	vne.s32 v5, v14;
	v9 =	vand.u32 $0x80000000, v9;
	v5 =	vsel vm0, $0x0, v0  }
0x5f: {  	s16 =	sadd.s32 $0x1B780, s3;
	s17 =	sor.u32 s1, s15;
	v9 =	vor.u32 v9, v2;
	[tilespmem:s2+$0x19F80] =	vst v5;
	v5 =	vnsel vm0, $0x0, v6;
	vm0 =	vmand vm0, vm1  }
0x60: {  	s19 =	sor.u32 s1, s16;
	v6 =	vld.idx.msk [tilespmem:v7+s18+$0x0], $0xffff;
	[tilespmem:s17+$0x0] =	vst v5;
	v5 =	vnsel vm0, $0x0, v9  }
0x61: {  	v9 =	vld.idx.msk [tilespmem:v12+s13+$0x0], $0xffff;
	[tilespmem:s19+$0x0] =	vst v5  }
0x62: {  	v5 =	vld [tilespmem:s2+$0x18800]  }
0x63: {  	v10 =	vcvt.s32.f32 v11;
	_ =	sdelay $0x1  }
0x64: {  	v10 =	vand.u32 $0x80000000, v10;
	vm0 =	veq.s32 v4, v6  }
0x65: {  	vm1 =	vne.s32 v7, v8;
	v6 =	vor.u32 v10, v2;
	v7 =	vsel vm0, $0x0, v0  }
0x66: {  	s0 =	sor.u32 s4, s15;
	v9 =	vnsel vm0, $0x0, v9;
	vm0 =	vmand vm0, vm1;
	[tilespmem:s9+$0x19F80] =	vst v7;
	v7 =	vsub.s32 v5, v14  }
0x67: {  	s5 =	sor.u32 s4, s16;
	v6 =	vnsel vm0, $0x0, v6;
	[tilespmem:s0+$0x0] =	vst v9;
	v9 =	vsub.s32 $0x0, v7  }
0x68: {  	[tilespmem:s5+$0x0] =	vst v6;
	v6 =	vmin.u32 v7, v9;
	_ =	sdelay $0x2  }
0x69: {  	v10 =	vld.idx.msk [tilespmem:v5+s18+$0x0], $0xffff  }
0x6a: {  	v9 =	vld [tilespmem:s9+$0x18800]  }
0x6b: {  	v6 =	vld.idx.msk [tilespmem:v6+s13+$0x0], $0xffff  }
0x6c: {  	s29 =	simm.s32 $0x100;
	s17 =	simm.s32 $0x30;
	v7 =	vcvt.s32.f32 v7  }
0x6d: {  	s10 =	sand.u32 $0xC00, s29;
	s25 =	sand.u32 $0x70, s17  }
0x6e: {  	s20 =	sadd.s32 $0x1AC00, s3;
	s16 =	sor.u32 s25, s10;
	vm1 =	vne.s32 v5, v14;
	v7 =	vand.u32 $0x80000000, v7;
	vm0 =	veq.s32 v15, v10  }
0x6f: {  	s14 =	sadd.s32 $0x20, s11;
	s19 =	smov.u32 s11;
	s11 =	simm.s32 $0x20;
	v7 =	vor.u32 v7, v2;
	v11 =	vsub.s32 v9, v8;
	v10 =	vld [tilespmem:s16+$0x18700];
	v5 =	vsel vm0, $0x0, v0  }
0x70: {  	s21 =	sadd.s32 $0x1B800, s3;
	s22 =	sor.u32 s1, s20;
	s30 =	sand.u32 $0x60, s11;
	v12 =	vsub.s32 $0x0, v11;
	[tilespmem:s2+$0x1A000] =	vst v5;
	v5 =	vnsel vm0, $0x0, v6;
	vm0 =	vmand vm0, vm1  }
0x71: {  	s23 =	sor.u32 s1, s21;
	s8 =	sor.u32 s12, s3;
	s31 =	sor.u32 s30, s10;
	v12 =	vmin.u32 v11, v12;
	[tilespmem:s22+$0x0] =	vst v5;
	v5 =	vnsel vm0, $0x0, v7  }
0x72: {  	s24 =	sor.u32 $0x180, s8;
	s26 =	sadd.s32 $0x10, s14;
	v6 =	vcvt.s32.f32 v11;
	v11 =	vld [tilespmem:s31+$0x18700];
	[tilespmem:s23+$0x0] =	vst v5  }
0x73: {  	v7 =	vor.u32 s26, v1;
	v13 =	vld [tilespmem:s24+$0x18700]  }
0x74: {  	v5 =	vld.idx.msk [tilespmem:v9+s18+$0x0], $0xffff;
	v16 =	vsub.s32 v10, v7  }
0x75: {  	v17 =	vsub.s32 $0x0, v16  }
0x76: {  	s8 =	sand.u32 $0x3FF80, s26;
	v12 =	vld.idx.msk [tilespmem:v12+s13+$0x0], $0xffff;
	v17 =	vmin.u32 v16, v17  }
0x77: {  	s8 =	sor.u32 s25, s8;
	v6 =	vand.u32 $0x80000000, v6  }
0x78: {  	vm0 =	vne.s32 v9, v8;
	v9 =	vld [tilespmem:s8+$0x0];
	v19 =	vor.u32 v6, v2;
	v18 =	vsub.s32 v13, v14  }
0x79: {  	v6 =	vor.u32 s14, v1;
	v20 =	vld.idx.msk [tilespmem:v10+s18+$0x0], $0xffff;
	vm1 =	veq.s32 v4, v5;
	v5 =	vsub.s32 $0x0, v18  }
0x7a: {  	v16 =	vcvt.s32.f32 v16;
	v21 =	vsel vm1, $0x0, v0;
	v22 =	vmin.u32 v18, v5  }
0x7b: {  	s0 =	sor.u32 s4, s20;
	vm0 =	vmand vm1, vm0;
	v12 =	vnsel vm1, $0x0, v12;
	[tilespmem:s9+$0x1A000] =	vst v21;
	v21 =	vsub.s32 v11, v6;
	v17 =	vld.idx.msk [tilespmem:v17+s13+$0x0], $0xffff  }
0x7c: {  	s7 =	sor.u32 s4, s21;
	s15 =	sand.u32 $0x3FF80, s14;
	s14 =	sor.u32 s3, s6;
	v19 =	vnsel vm0, $0x0, v19;
	vm0 =	vne.s32 v11, v6;
	v11 =	vld.idx.msk [tilespmem:v11+s18+$0x0], $0xffff;
	[tilespmem:s0+$0x0] =	vst v12;
	v12 =	vsub.s32 $0x0, v21  }
0x7d: {  	s0 =	sor.u32 $0x180, s14;
	[tilespmem:s7+$0x0] =	vst v19;
	v12 =	vmin.u32 v21, v12;
	v19 =	vld.idx.msk [tilespmem:v13+s18+$0x0], $0xffff  }
0x7e: {  	v16 =	vand.u32 $0x80000000, v16;
	vm1 =	veq.s32 v9, v20;
	v23 =	vld [tilespmem:s0+$0x18700]  }
0x7f: {  	s28 =	sor.u32 s30, s15;
	s15 =	sadd.s32 $0x1AB00, s10;
	vm2 =	vne.s32 v10, v7;
	v16 =	vor.u32 v16, v2;
	v10 =	vsel vm1, $0x0, v0;
	v22 =	vld.idx.msk [tilespmem:v22+s13+$0x0], $0xffff  }
0x80: {  	s21 =	sor.u32 s25, s15;
	s20 =	sadd.s32 $0x1B700, s10;
	v5 =	vld [tilespmem:s28+$0x0];
	[tilespmem:s16+$0x19F00] =	vst v10;
	v10 =	vnsel vm1, $0x0, v17;
	vm1 =	vmand vm1, vm2;
	v17 =	vcvt.s32.f32 v18  }
0x81: {  	s22 =	sor.u32 s25, s20;
	[tilespmem:s21+$0x0] =	vst v10;
	v10 =	vnsel vm1, $0x0, v16  }
0x82: {  	vm2 =	vne.s32 v13, v14;
	v12 =	vld.idx.msk [tilespmem:v12+s13+$0x0], $0xffff;
	vm1 =	veq.s32 v15, v19;
	[tilespmem:s22+$0x0] =	vst v10;
	v13 =	vand.u32 $0x80000000, v17  }
0x83: {  	s23 =	sadd.s32 $0x1AC80, s3;
	v18 =	vcvt.s32.f32 v21;
	v10 =	vsel vm1, $0x0, v0;
	v16 =	vld [tilespmem:s16+$0x18780];
	v13 =	vor.u32 v13, v2  }
0x84: {  	s26 =	sadd.s32 $0x1B880, s3;
	v17 =	vsub.s32 v23, v8;
	[tilespmem:s24+$0x19F00] =	vst v10;
	s24 =	sor.u32 s1, s23;
	v10 =	vnsel vm1, $0x0, v22;
	vm1 =	vmand vm1, vm2  }
0x85: {  	s28 =	sor.u32 s1, s26;
	vm2 =	veq.s32 v5, v11;
	[tilespmem:s24+$0x0] =	vst v10;
	v10 =	vnsel vm1, $0x0, v13;
	v13 =	vsub.s32 $0x0, v17  }
0x86: {  	v11 =	vand.u32 $0x80000000, v18;
	v18 =	vsel vm2, $0x0, v0;
	[tilespmem:s28+$0x0] =	vst v10;
	v13 =	vmin.u32 v17, v13  }
0x87: {  	s7 =	sor.u32 s30, s15;
	vm0 =	vmand vm2, vm0;
	v10 =	vor.u32 v11, v2;
	v11 =	vnsel vm2, $0x0, v12;
	[tilespmem:s31+$0x19F00] =	vst v18;
	v12 =	vld [tilespmem:s2+$0x18900]  }
0x88: {  	s8 =	sor.u32 s30, s20;
	v10 =	vnsel vm0, $0x0, v10;
	[tilespmem:s7+$0x0] =	vst v11;
	v11 =	vsub.s32 v16, v7  }
0x89: {  	v19 =	vld.idx.msk [tilespmem:v23+s18+$0x0], $0xffff;
	[tilespmem:s8+$0x0] =	vst v10;
	v10 =	vsub.s32 $0x0, v11  }
0x8a: {  	v18 =	vld [tilespmem:s31+$0x18780];
	v10 =	vmin.u32 v11, v10  }
0x8b: {  	v17 =	vcvt.s32.f32 v17;
	v13 =	vld.idx.msk [tilespmem:v13+s13+$0x0], $0xffff  }
0x8c: {  	v20 =	vsub.s32 v12, v14  }
0x8d: {  	vm0 =	vne.s32 v23, v8;
	v17 =	vand.u32 $0x80000000, v17;
	v22 =	vld.idx.msk [tilespmem:v16+s18+$0x0], $0xffff;
	v21 =	vsub.s32 $0x0, v20  }
0x8e: {  	vm1 =	veq.s32 v4, v19;
	v11 =	vcvt.s32.f32 v11;
	v21 =	vmin.u32 v20, v21  }
0x8f: {  	v17 =	vor.u32 v17, v2;
	v24 =	vsel vm1, $0x0, v0;
	v23 =	vsub.s32 v18, v6;
	v10 =	vld.idx.msk [tilespmem:v10+s13+$0x0], $0xffff  }
0x90: {  	s14 =	sor.u32 s4, s23;
	vm0 =	vmand vm1, vm0;
	[tilespmem:s0+$0x19F00] =	vst v24;
	v19 =	vsub.s32 $0x0, v23;
	v25 =	vld.idx.msk [tilespmem:v12+s18+$0x0], $0xffff;
	v13 =	vnsel vm1, $0x0, v13  }
0x91: {  	s15 =	sor.u32 s4, s26;
	v17 =	vnsel vm0, $0x0, v17;
	v19 =	vmin.u32 v23, v19;
	[tilespmem:s14+$0x0] =	vst v13  }
0x92: {  	v11 =	vand.u32 $0x80000000, v11;
	vm0 =	veq.s32 v9, v22;
	[tilespmem:s15+$0x0] =	vst v17;
	v17 =	vld.idx.msk [tilespmem:v18+s18+$0x0], $0xffff  }
0x93: {  	v11 =	vor.u32 v11, v2;
	vm1 =	vne.s32 v16, v7;
	v16 =	vsel vm0, $0x0, v0;
	s18 =	sadd.s32 $0x1AB80, s10;
	v13 =	vld.idx.msk [tilespmem:v21+s13+$0x0], $0xffff  }
0x94: {  	s20 =	sadd.s32 $0x1B780, s10;
	[tilespmem:s16+$0x19F80] =	vst v16;
	v16 =	vcvt.s32.f32 v20;
	v21 =	vld [tilespmem:s9+$0x18900];
	v10 =	vnsel vm0, $0x0, v10;
	s21 =	sor.u32 s25, s18;
	vm0 =	vmand vm0, vm1  }
0x95: {  	s22 =	sor.u32 s25, s20;
	[tilespmem:s21+$0x0] =	vst v10;
	v10 =	vnsel vm0, $0x0, v11;
	vm0 =	veq.s32 v15, v25  }
0x96: {  	v16 =	vand.u32 $0x80000000, v16;
	v11 =	vld.idx.msk [tilespmem:v19+s13+$0x0], $0xffff;
	[tilespmem:s22+$0x0] =	vst v10;
	v10 =	vsel vm0, $0x0, v0  }
0x97: {  	s23 =	sadd.s32 $0x1AD00, s3;
	v20 =	vcvt.s32.f32 v23;
	vm1 =	vne.s32 v12, v14;
	[tilespmem:s2+$0x1A100] =	vst v10;
	v10 =	vor.u32 v16, v2  }
0x98: {  	s26 =	sor.u32 s1, s23;
	vm2 =	veq.s32 v5, v17;
	v12 =	vnsel vm0, $0x0, v13;
	vm0 =	vmand vm0, vm1;
	v13 =	vld [tilespmem:s16+$0x18800]  }
0x99: {  	s24 =	sadd.s32 $0x1B900, s3;
	vm1 =	vne.s32 v18, v6;
	v16 =	vsub.s32 v21, v8;
	v17 =	vsel vm2, $0x0, v0;
	[tilespmem:s26+$0x0] =	vst v12  }
0x9a: {  	s28 =	sor.u32 s1, s24;
	v10 =	vnsel vm0, $0x0, v10;
	v12 =	vand.u32 $0x80000000, v20;
	vm0 =	vmand vm2, vm1;
	[tilespmem:s31+$0x19F80] =	vst v17  }
0x9b: {  	s0 =	sor.u32 s30, s18;
	[tilespmem:s28+$0x0] =	vst v10;
	v10 =	vor.u32 v12, v2;
	v11 =	vnsel vm2, $0x0, v11;
	v12 =	vsub.s32 $0x0, v16  }
0x9c: {  	s5 =	sor.u32 s30, s20;
	v10 =	vnsel vm0, $0x0, v10;
	v17 =	vld [tilespmem:s2+$0x18980];
	[tilespmem:s0+$0x0] =	vst v11;
	v11 =	vmin.u32 v16, v12  }
0x9d: {  	[tilespmem:s5+$0x0] =	vst v10;
	v10 =	vsub.s32 v13, v7  }
0x9e: {  	s5 =	simm.s32 $0x0;
	v12 =	vld [tilespmem:s31+$0x18800];
	v19 =	vsub.s32 $0x0, v10  }
0x9f: {  	v18 =	vld.idx.msk [tilespmem:v21+s5+$0x0], $0xffff;
	v19 =	vmin.u32 v10, v19;
	_ =	sdelay $0x1  }
0xa0: {  	v20 =	vsub.s32 v17, v14;
	v11 =	vld.idx.msk [tilespmem:v11+s13+$0x0], $0xffff  }
0xa1: {  	v23 =	vld.idx.msk [tilespmem:v13+s5+$0x0], $0xffff;
	v22 =	vsub.s32 $0x0, v20  }
0xa2: {  	v16 =	vcvt.s32.f32 v16;
	v22 =	vmin.u32 v20, v22;
	v24 =	vsub.s32 v12, v6  }
0xa3: {  	vm1 =	vne.s32 v21, v8;
	vm0 =	veq.s32 v4, v18;
	v18 =	vsub.s32 $0x0, v24;
	v19 =	vld.idx.msk [tilespmem:v19+s13+$0x0], $0xffff  }
0xa4: {  	s28 =	simm.s32 $0x0;
	v16 =	vand.u32 $0x80000000, v16;
	v21 =	vsel vm0, $0x0, v0;
	v18 =	vmin.u32 v24, v18  }
0xa5: {  	s7 =	sor.u32 s4, s23;
	v16 =	vor.u32 v16, v2;
	vm1 =	vmand vm0, vm1;
	v25 =	vld.idx.msk [tilespmem:v17+s28+$0x0], $0xffff;
	[tilespmem:s9+$0x1A100] =	vst v21;
	v11 =	vnsel vm0, $0x0, v11  }
0xa6: {  	s23 =	simm.s32 $0x30;
	s8 =	sor.u32 s4, s24;
	s14 =	simm.s32 $0x200;
	v10 =	vcvt.s32.f32 v10;
	v16 =	vnsel vm1, $0x0, v16;
	vm1 =	veq.s32 v9, v23;
	[tilespmem:s7+$0x0] =	vst v11;
	v11 =	vld.idx.msk [tilespmem:v12+s28+$0x0], $0xffff  }
0xa7: {  	s15 =	simm.s32 $0x50;
	s0 =	sadd.s32 $0x40, s19;
	s19 =	sadd.s32 $0x1AC00, s10;
	vm0 =	vne.s32 v12, v6;
	v12 =	vsel vm1, $0x0, v0;
	v21 =	vld.idx.msk [tilespmem:v22+s13+$0x0], $0xffff;
	[tilespmem:s8+$0x0] =	vst v16  }
0xa8: {  	s20 =	sand.u32 $0xC00, s14;
	s18 =	sor.u32 s25, s19;
	vm2 =	vne.s32 v13, v7;
	s5 =	sand.u32 $0x70, s15;
	v10 =	vand.u32 $0x80000000, v10;
	[tilespmem:s16+$0x1A000] =	vst v12;
	v12 =	vnsel vm1, $0x0, v19  }
0xa9: {  	s24 =	sor.u32 s17, s10;
	s21 =	sadd.s32 $0x1B800, s10;
	s26 =	sor.u32 s5, s20;
	v10 =	vor.u32 v10, v2;
	v16 =	vcvt.s32.f32 v20;
	v13 =	vld.idx.msk [tilespmem:v18+s13+$0x0], $0xffff;
	vm1 =	vmand vm1, vm2;
	[tilespmem:s18+$0x0] =	vst v12  }
0xaa: {  	s22 =	sor.u32 s25, s21;
	s7 =	sand.u32 $0x7, s6;
	v18 =	vcvt.s32.f32 v24;
	v19 =	vld [tilespmem:s26+$0x18700];
	v10 =	vnsel vm1, $0x0, v10;
	vm1 =	veq.s32 v15, v25;
	[smem:$0x7E1] =	sst s23  }
0xab: {  	s17 =	sor.u32 $0x180, s24;
	s14 =	sadd.s32 $0x1AD80, s3;
	vm2 =	vne.s32 v17, v14;
	s18 =	sshll.u32 s7, $0x4;
	v12 =	vsel vm1, $0x0, v0;
	[tilespmem:s22+$0x0] =	vst v10;
	v10 =	vand.u32 $0x80000000, v16  }
0xac: {  	s7 =	sadd.s32 $0x1B980, s3;
	s8 =	sadd.s32 $0x0, s18;
	[tilespmem:s2+$0x1A180] =	vst v12;
	v12 =	vnsel vm1, $0x0, v21;
	vm1 =	vmand vm1, vm2;
	s22 =	sor.u32 s1, s14;
	v10 =	vor.u32 v10, v2  }
0xad: {  	s24 =	sor.u32 s1, s7;
	vm2 =	veq.s32 v5, v11;
	s23 =	sadd.s32 $0x10, s8;
	v17 =	vld [tilespmem:s17+$0x18700];
	[tilespmem:s22+$0x0] =	vst v12;
	v12 =	vand.u32 $0x80000000, v18;
	s22 =	sadd.s32 $0x10, s0;
	v10 =	vnsel vm1, $0x0, v10  }
0xae: {  	s15 =	simm.s32 $0x40;
	s18 =	sor.u32 $0x300, s23;
	v11 =	vor.u32 s22, v1;
	[tilespmem:s24+$0x0] =	vst v10;
	v10 =	vor.u32 v12, v2;
	v12 =	vsel vm2, $0x0, v0  }
0xaf: {  	s19 =	sor.u32 s30, s19;
	s15 =	sand.u32 $0x60, s15;
	v18 =	vsub.s32 v19, v11;
	[tilespmem:s31+$0x1A000] =	vst v12;
	v12 =	vnsel vm2, $0x0, v13;
	v20 =	vld [tilespmem:s18+$0x18700]  }
0xb0: {  	v16 =	vld [tilespmem:s9+$0x18980];
	s8 =	sor.u32 s15, s20;
	vm0 =	vmand vm2, vm0;
	[tilespmem:s19+$0x0] =	vst v12;
	v12 =	vsub.s32 $0x0, v18  }
0xb1: {  	s21 =	sor.u32 s30, s21;
	s23 =	sor.u32 s10, s11;
	v21 =	vld [tilespmem:s8+$0x18700];
	v10 =	vnsel vm0, $0x0, v10;
	v12 =	vmin.u32 v18, v12  }
0xb2: {  	s24 =	sand.u32 $0x3FF80, s22;
	s19 =	sor.u32 $0x180, s23;
	v27 =	vld.idx.msk [tilespmem:v19+s28+$0x0], $0xffff;
	[tilespmem:s21+$0x0] =	vst v10;
	v22 =	vsub.s32 v17, v7  }
0xb3: {  	s21 =	sor.u32 s5, s24;
	v23 =	vld [tilespmem:s19+$0x18700];
	v10 =	vsub.s32 $0x0, v22  }
0xb4: {  	v13 =	vld [tilespmem:s21+$0x0];
	v25 =	vmin.u32 v22, v10;
	v28 =	vsub.s32 v20, v14  }
0xb5: {  	vm2 =	vne.s32 v19, v11;
	v18 =	vcvt.s32.f32 v18;
	v29 =	vsub.s32 $0x0, v28  }
0xb6: {  	v24 =	vsub.s32 v16, v8;
	v10 =	vor.u32 s0, v1;
	v12 =	vld.idx.msk [tilespmem:v12+s13+$0x0], $0xffff;
	v29 =	vmin.u32 v28, v29  }
0xb7: {  	v26 =	vsub.s32 $0x0, v24;
	v18 =	vand.u32 $0x80000000, v18;
	v30 =	vsub.s32 v21, v10;
	v33 =	vld.idx.msk [tilespmem:v17+s28+$0x0], $0xffff  }
0xb8: {  	vm0 =	vne.s32 v21, v10;
	v18 =	vor.u32 v18, v2;
	v31 =	vsub.s32 $0x0, v30;
	v52 =	vld.idx.msk [tilespmem:v20+s28+$0x0], $0xffff  }
0xb9: {  	v34 =	vcvt.s32.f32 v30;
	v32 =	vsub.s32 v23, v6;
	vm1 =	veq.s32 v13, v27;
	v25 =	vld.idx.msk [tilespmem:v25+s13+$0x0], $0xffff  }
0xba: {  	s21 =	sadd.s32 $0x1AB00, s20;
	s0 =	sand.u32 $0x3FF80, s0;
	v30 =	vmin.u32 v30, v31;
	v35 =	vsub.s32 $0x0, v32;
	v19 =	vsel vm1, $0x0, v0  }
0xbb: {  	s22 =	sadd.s32 $0x1B700, s20;
	s23 =	sor.u32 s5, s21;
	s0 =	sor.u32 s15, s0;
	v31 =	vmin.u32 v32, v35;
	[tilespmem:s26+$0x19F00] =	vst v19;
	v27 =	vld.idx.msk [tilespmem:v29+s13+$0x0], $0xffff;
	v19 =	vnsel vm1, $0x0, v12;
	vm1 =	vmand vm1, vm2  }
0xbc: {  	s2 =	sor.u32 s5, s22;
	v12 =	vld [tilespmem:s0+$0x0];
	[tilespmem:s23+$0x0] =	vst v19;
	v18 =	vnsel vm1, $0x0, v18;
	vm1 =	veq.s32 v9, v33;
	v19 =	vcvt.s32.f32 v22  }
0xbd: {  	vm2 =	vne.s32 v17, v7;
	s23 =	sadd.s32 $0x1AC80, s10;
	[tilespmem:s2+$0x0] =	vst v18;
	v18 =	vld.idx.msk [tilespmem:v21+s28+$0x0], $0xffff;
	v17 =	vsel vm1, $0x0, v0;
	v21 =	vcvt.s32.f32 v28  }
0xbe: {  	vm3 =	veq.s32 v15, v52;
	[tilespmem:s17+$0x19F00] =	vst v17;
	v17 =	vand.u32 $0x80000000, v19;
	v19 =	vnsel vm1, $0x0, v25;
	s17 =	sor.u32 s25, s23  }
0xbf: {  	vm4 =	vne.s32 v20, v14;
	v20 =	vsel vm3, $0x0, v0;
	[tilespmem:s17+$0x0] =	vst v19;
	v19 =	vld.idx.msk [tilespmem:v30+s13+$0x0], $0xffff;
	v21 =	vand.u32 $0x80000000, v21;
	s17 =	sadd.s32 $0x1AE00, s3  }
0xc0: {  	[tilespmem:s18+$0x19F00] =	vst v20;
	s18 =	sadd.s32 $0x1BA00, s3;
	v21 =	vor.u32 v21, v2;
	v22 =	vnsel vm3, $0x0, v27;
	vm3 =	vmand vm3, vm4;
	s24 =	sor.u32 s1, s17  }
0xc1: {  	v20 =	vld.idx.msk [tilespmem:v23+s28+$0x0], $0xffff;
	vm1 =	vmand vm1, vm2;
	v17 =	vor.u32 v17, v2;
	s2 =	sor.u32 s1, s18;
	[tilespmem:s24+$0x0] =	vst v22;
	v21 =	vnsel vm3, $0x0, v21;
	s24 =	sadd.s32 $0x1B880, s10  }
0xc2: {  	v26 =	vmin.u32 v24, v26;
	v17 =	vnsel vm1, $0x0, v17;
	v22 =	vld [tilespmem:s26+$0x18780];
	[tilespmem:s2+$0x0] =	vst v21;
	vm3 =	veq.s32 v12, v18;
	s2 =	sor.u32 s25, s24  }
0xc3: {  	vm2 =	vne.s32 v23, v6;
	v21 =	vld.idx.msk [tilespmem:v31+s13+$0x0], $0xffff;
	[tilespmem:s2+$0x0] =	vst v17;
	v17 =	vand.u32 $0x80000000, v34;
	v23 =	vsel vm3, $0x0, v0  }
0xc4: {  	s21 =	sor.u32 s15, s21;
	vm0 =	vmand vm3, vm0;
	v17 =	vor.u32 v17, v2;
	v19 =	vnsel vm3, $0x0, v19;
	[tilespmem:s8+$0x19F00] =	vst v23  }
0xc5: {  	s12 =	sor.u32 s12, s6;
	v25 =	vld.idx.msk [tilespmem:v16+s28+$0x0], $0xffff;
	s2 =	sor.u32 s15, s22;
	[tilespmem:s21+$0x0] =	vst v19;
	v17 =	vnsel vm0, $0x0, v17  }
0xc6: {  	s12 =	sor.u32 $0x380, s12;
	v18 =	vcvt.s32.f32 v32;
	vm1 =	veq.s32 v5, v20;
	v19 =	vld [tilespmem:s16+$0x18900];
	[tilespmem:s2+$0x0] =	vst v17  }
0xc7: {  	v24 =	vcvt.s32.f32 v24;
	v23 =	vsel vm1, $0x0, v0;
	v17 =	vld.idx.msk [tilespmem:v26+s13+$0x0], $0xffff;
	v20 =	vsub.s32 v22, v11;
	[smem:$0x7E4] =	sst s12  }
0xc8: {  	v18 =	vand.u32 $0x80000000, v18;
	v26 =	vsub.s32 $0x0, v20;
	v21 =	vnsel vm1, $0x0, v21;
	[tilespmem:s19+$0x19F00] =	vst v23;
	s19 =	sor.u32 s30, s23;
	v23 =	vld [tilespmem:s12+$0x18700]  }
0xc9: {  	vm0 =	vmand vm1, vm2;
	v18 =	vor.u32 v18, v2;
	[tilespmem:s19+$0x0] =	vst v21;
	v21 =	vmin.u32 v20, v26;
	v26 =	vld [tilespmem:s8+$0x18780]  }
0xca: {  	v18 =	vnsel vm0, $0x0, v18;
	vm0 =	vne.s32 v16, v8  }
0xcb: {  	v16 =	vand.u32 $0x80000000, v24;
	vm2 =	vne.s32 v22, v11;
	v24 =	vsub.s32 v19, v7  }
0xcc: {  	s21 =	sor.u32 s30, s24;
	vm1 =	veq.s32 v4, v25;
	v16 =	vor.u32 v16, v2;
	v27 =	vsub.s32 $0x0, v24  }
0xcd: {  	vm0 =	vmand vm1, vm0;
	v28 =	vsel vm1, $0x0, v0;
	[tilespmem:s21+$0x0] =	vst v18;
	v18 =	vld.idx.msk [tilespmem:v22+s28+$0x0], $0xffff;
	v27 =	vmin.u32 v24, v27  }
0xce: {  	s22 =	sand.u32 $0x3, s6;
	v16 =	vnsel vm0, $0x0, v16;
	v20 =	vcvt.s32.f32 v20;
	v25 =	vld [tilespmem:s31+$0x18900];
	v31 =	vsub.s32 v26, v10  }
0xcf: {  	s23 =	sshll.u32 s22, $0x5;
	v17 =	vnsel vm1, $0x0, v17;
	v29 =	vsub.s32 v23, v14;
	v21 =	vld.idx.msk [tilespmem:v21+s13+$0x0], $0xffff;
	v54 =	vsub.s32 $0x0, v31  }
0xd0: {  	s24 =	sor.u32 s4, s14;
	[tilespmem:s9+$0x1A180] =	vst v28;
	s9 =	sadd.s32 $0x0, s23;
	v53 =	vld.idx.msk [tilespmem:v19+s28+$0x0], $0xffff;
	v30 =	vsub.s32 $0x0, v29;
	v55 =	vcvt.s32.f32 v31;
	v31 =	vmin.u32 v31, v54  }
0xd1: {  	s2 =	sor.u32 $0x300, s9;
	vm3 =	vne.s32 v19, v7;
	[tilespmem:s24+$0x0] =	vst v17;
	v17 =	vand.u32 $0x80000000, v20;
	v30 =	vmin.u32 v29, v30;
	v56 =	vld.idx.msk [tilespmem:v23+s28+$0x0], $0xffff  }
0xd2: {  	s0 =	sor.u32 s4, s7;
	v24 =	vcvt.s32.f32 v24;
	v17 =	vor.u32 v17, v2;
	vm1 =	veq.s32 v13, v18;
	v22 =	vld.idx.msk [tilespmem:v27+s13+$0x0], $0xffff;
	[smem:$0x7E6] =	sst s2  }
0xd3: {  	s7 =	sadd.s32 $0x1AB80, s20;
	vm0 =	vne.s32 v26, v10;
	v18 =	vsub.s32 v25, v6;
	v20 =	vsel vm1, $0x0, v0;
	[tilespmem:s0+$0x0] =	vst v16;
	v16 =	vld.idx.msk [tilespmem:v26+s28+$0x0], $0xffff  }
0xd4: {  	s12 =	sadd.s32 $0x1B780, s20;
	s22 =	sor.u32 s5, s7;
	v28 =	vand.u32 $0x80000000, v55;
	[tilespmem:s26+$0x19F80] =	vst v20;
	v21 =	vnsel vm1, $0x0, v21;
	vm1 =	vmand vm1, vm2  }
0xd5: {  	s23 =	sor.u32 s5, s12;
	v20 =	vcvt.s32.f32 v29;
	vm2 =	veq.s32 v9, v53;
	[tilespmem:s22+$0x0] =	vst v21;
	v17 =	vnsel vm1, $0x0, v17;
	v21 =	vld.idx.msk [tilespmem:v31+s13+$0x0], $0xffff  }
0xd6: {  	s14 =	sadd.s32 $0x1AD00, s10;
	v27 =	vsel vm2, $0x0, v0;
	vm1 =	veq.s32 v15, v56;
	[tilespmem:s23+$0x0] =	vst v17;
	v15 =	vld.idx.msk [tilespmem:v30+s13+$0x0], $0xffff;
	v17 =	vand.u32 $0x80000000, v24  }
0xd7: {  	s19 =	sadd.s32 $0x1B900, s10;
	s24 =	sor.u32 s25, s14;
	v26 =	vld [tilespmem:s2+$0x18700];
	[tilespmem:s16+$0x1A100] =	vst v27;
	v17 =	vor.u32 v17, v2;
	v19 =	vnsel vm2, $0x0, v22;
	vm2 =	vmand vm2, vm3  }
0xd8: {  	s2 =	sor.u32 s25, s19;
	v20 =	vand.u32 $0x80000000, v20;
	[tilespmem:s24+$0x0] =	vst v19;
	vm12 =	veq.s32 v12, v16;
	v16 =	vnsel vm2, $0x0, v17  }
0xd9: {  	vm3 =	vne.s32 v23, v14;
	v14 =	vld [tilespmem:s26+$0x18800];
	[tilespmem:s2+$0x0] =	vst v16;
	v16 =	vor.u32 v20, v2;
	v19 =	vsel vm12, $0x0, v0  }
0xda: {  	s9 =	sor.u32 s15, s7;
	v24 =	vld.idx.msk [tilespmem:v25+s28+$0x0], $0xffff;
	v20 =	vor.u32 v28, v2;
	vm0 =	vmand vm12, vm0;
	[tilespmem:s8+$0x19F80] =	vst v19;
	v21 =	vnsel vm12, $0x0, v21  }
0xdb: {  	s7 =	sor.u32 s15, s12;
	v19 =	vnsel vm1, $0x0, v15;
	v15 =	vnsel vm0, $0x0, v20;
	v20 =	vsub.s32 $0x0, v18;
	[tilespmem:s9+$0x0] =	vst v21  }
0xdc: {  	[tilespmem:s7+$0x0] =	vst v15;
	v15 =	vcvt.s32.f32 v18;
	v18 =	vmin.u32 v18, v20  }
0xdd: {  	vm0 =	vmand vm1, vm3  }
0xde: {  	v21 =	vld [tilespmem:s16+$0x18980];
	v20 =	vnsel vm0, $0x0, v16;
	v16 =	vsub.s32 v14, v11  }
0xdf: {  	s12 =	simm.s32 $0x1;
	s21 =	sor.u32 s4, s17;
	vm3 =	veq.s32 v5, v24;
	v23 =	vld.idx.msk [tilespmem:v26+s28+$0x0], $0xffff;
	v24 =	vsub.s32 $0x0, v16  }
0xe0: {  	s22 =	sor.u32 s4, s18;
	s23 =	sadd.s32 $0x1AE80, s3;
	v22 =	vld [tilespmem:s8+$0x18800];
	[smem:$0x7E9] =	sst s21;
	v24 =	vmin.u32 v16, v24  }
0xe1: {  	s3 =	sadd.s32 $0x1BA80, s3;
	s24 =	sor.u32 s4, s23;
	v18 =	vld.idx.msk [tilespmem:v18+s13+$0x0], $0xffff;
	[smem:$0x7EC] =	sst s22  }
0xe2: {  	v17 =	vsel vm1, $0x0, v0;
	v27 =	vsub.s32 v26, v8;
	s2 =	sor.u32 s4, s3;
	s9 =	sand.u32 $0x3, s12;
	v57 =	vld.idx.msk [tilespmem:v14+s28+$0x0], $0xffff;
	[dreg:$0x11] =	wrdreg s24  }
0xe3: {  	s4 =	sor.u32 s1, s3;
	v29 =	vsub.s32 $0x0, v27;
	v31 =	vcvt.s32.f32 v27;
	s9 =	sshll.u32 s9, $0x5;
	v28 =	vsub.s32 v21, v7;
	[dreg:$0x10] =	wrdreg s2  }
0xe4: {  	vm0 =	vne.s32 v25, v6;
	s7 =	sadd.s32 $0x100, s9;
	s9 =	simm.s32 $0x100;
	v15 =	vand.u32 $0x80000000, v15;
	v30 =	vsub.s32 $0x0, v28;
	[smem:$0x7E5] =	sst s4  }
0xe5: {  	vm0 =	vmand vm3, vm0;
	v15 =	vor.u32 v15, v2;
	s22 =	sor.u32 s29, s11;
	s11 =	sor.u32 $0x300, s7;
	v30 =	vmin.u32 v28, v30;
	v24 =	vld.idx.msk [tilespmem:v24+s13+$0x0], $0xffff;
	[dreg:$0x7] =	wrdreg s9  }
0xe6: {  	s6 =	sor.u32 s6, s6;
	v25 =	vsel vm3, $0x0, v0;
	v15 =	vnsel vm0, $0x0, v15;
	v58 =	vsub.s32 v22, v10;
	[dreg:$0x1f] =	wrdreg s11  }
0xe7: {  	s17 =	simm.s32 $0x2;
	s18 =	sor.u32 s30, s14;
	vm0 =	veq.s32 v4, v23;
	v23 =	vmin.u32 v27, v29;
	s24 =	simm.s32 $0x2;
	v27 =	vsub.s32 $0x0, v58;
	[tilespmem:s31+$0x1A100] =	vst v25  }
0xe8: {  	s14 =	simm.s32 $0x300;
	s3 =	simm.s32 $0x70;
	vm1 =	vne.s32 v26, v8;
	v26 =	vmin.u32 v58, v27;
	v27 =	vld.idx.msk [tilespmem:v21+s28+$0x0], $0xffff;
	[smem:$0x7E2] =	sst s24;
	v18 =	vnsel vm3, $0x0, v18  }
0xe9: {  	s12 =	sor.u32 $0x380, s6;
	s21 =	sor.u32 s1, s23;
	s23 =	sor.u32 s30, s19;
	[tilespmem:s18+$0x0] =	vst v18  }
0xea: {  	s6 =	simm.s32 $0x70;
	s1 =	sand.u32 $0x7, s17;
	s19 =	sadd.s32 $0x1AC00, s20;
	v16 =	vcvt.s32.f32 v16;
	v18 =	vld.idx.msk [tilespmem:v30+s13+$0x0], $0xffff;
	vm3 =	veq.s32 v13, v57;
	[tilespmem:s23+$0x0] =	vst v15  }
0xeb: {  	vm13 =	vne.s32 v14, v11;
	s17 =	smov.u32 s26;
	s29 =	sand.u32 $0xC00, s14;
	v15 =	vld.idx.msk [tilespmem:v22+s28+$0x0], $0xffff;
	v14 =	vsel vm3, $0x0, v0;
	[smem:$0x7E3] =	sst s6  }
0xec: {  	v16 =	vand.u32 $0x80000000, v16;
	s7 =	sor.u32 s5, s19;
	s2 =	sshll.u32 s1, $0x4;
	s11 =	sand.u32 $0x70, s3;
	v25 =	vcvt.s32.f32 v58;
	[tilespmem:s26+$0x1A000] =	vst v14;
	v14 =	vnsel vm3, $0x0, v24  }
0xed: {  	v16 =	vor.u32 v16, v2;
	vm2 =	vne.s32 v22, v10;
	s3 =	sadd.s32 $0x1B800, s20;
	s23 =	simm.s32 $0x50;
	v22 =	vld.idx.msk [tilespmem:v26+s13+$0x0], $0xffff;
	vm3 =	vmand vm3, vm13;
	s26 =	sor.u32 s11, s29;
	[tilespmem:s7+$0x0] =	vst v14  }
0xee: {  	s9 =	sor.u32 s5, s3;
	s24 =	simm.s32 $0x50;
	v24 =	vcvt.s32.f32 v28;
	v14 =	vand.u32 $0x80000000, v25;
	v25 =	vld [tilespmem:s26+$0x18700];
	v16 =	vnsel vm3, $0x0, v16;
	[dreg:$0xf] =	wrdreg s23  }
0xef: {  	s4 =	sadd.s32 $0x100, s2;
	s1 =	sor.u32 s24, s20;
	vm3 =	veq.s32 v9, v27;
	[tilespmem:s9+$0x0] =	vst v16  }
0xf0: {  	vm14 =	vne.s32 v21, v7;
	s24 =	sor.u32 $0x180, s1;
	v21 =	vsel vm3, $0x0, v0;
	s23 =	sadd.s32 $0x1AD80, s10;
	v16 =	vand.u32 $0x80000000, v24;
	[dreg:$0xa] =	wrdreg s31  }
0xf1: {  	v18 =	vnsel vm3, $0x0, v18;
	vm3 =	vmand vm3, vm14;
	s9 =	sor.u32 s25, s23;
	v16 =	vor.u32 v16, v2;
	[tilespmem:s16+$0x1A180] =	vst v21;
	s16 =	smov.u32 s30;
	s30 =	sadd.s32 $0x1B980, s10  }
0xf2: {  	s6 =	smov.u32 s25;
	v24 =	vor.u32 v14, v2;
	v26 =	vld [tilespmem:s31+$0x18980];
	v14 =	vnsel vm3, $0x0, v16;
	s2 =	rddreg [dreg:$0x5];
	[tilespmem:s9+$0x0] =	vst v18;
	s25 =	sor.u32 s25, s30  }
0xf3: {  	s19 =	sor.u32 s15, s19;
	vm15 =	veq.s32 v12, v15;
	v21 =	vld [tilespmem:s24+$0x18700];
	[tilespmem:s25+$0x0] =	vst v14  }
0xf4: {  	s4 =	sadd.s32 $0x10, s4;
	s3 =	sor.u32 s15, s3;
	v23 =	vld.idx.msk [tilespmem:v23+s13+$0x0], $0xffff;
	v16 =	vsel vm15, $0x0, v0;
	[dreg:$0x12] =	wrdreg s8  }
0xf5: {  	s1 =	simm.s32 $0x60;
	s18 =	sor.u32 $0x300, s4;
	s7 =	smov.u32 s5;
	vm2 =	vmand vm15, vm2;
	[tilespmem:s8+$0x1A000] =	vst v16;
	v16 =	vnsel vm15, $0x0, v22  }
0xf6: {  	s31 =	smov.u32 s10;
	s10 =	sand.u32 $0x60, s1;
	s5 =	sadd.s32 $0x60, s2;
	v22 =	vnsel vm2, $0x0, v24;
	[tilespmem:s19+$0x0] =	vst v16  }
0xf7: {  	s4 =	sor.u32 s10, s29;
	s25 =	smov.u32 s10;
	s0 =	sand.u32 $0x3FF80, s5;
	[tilespmem:s3+$0x0] =	vst v22  }
0xf8: {  	s2 =	sadd.s32 $0x10, s5;
	v14 =	vor.u32 s5, v1;
	s5 =	sor.u32 s10, s0;
	s10 =	sld [smem:$0x7E4]  }
0xf9: {  	_ = 	snop  }
0xfa: {  	s9 =	smov.u32 s20;
	v15 =	vor.u32 s2, v1;
	v18 =	vld [tilespmem:s18+$0x18700];
	s8 =	simm.s32 $0x40  }
0xfb: {  	v30 =	vld [tilespmem:s4+$0x18700];
	v28 =	vsub.s32 v25, v15;
	s0 =	sor.u32 s20, s8;
	s20 =	smov.u32 s12;
	s12 =	sor.u32 $0x380, s22;
	[tilespmem:s10+$0x19F00] =	vst v17  }
0xfc: {  	s19 =	smov.u32 s15;
	v16 =	vld [tilespmem:s5+$0x0];
	v24 =	vsub.s32 $0x0, v28;
	s5 =	sor.u32 $0x180, s0;
	[dreg:$0x16] =	wrdreg s12  }
0xfd: {  	s15 =	simm.s32 $0x2;
	v59 =	vmin.u32 v28, v24;
	s12 =	smov.u32 s5;
	v24 =	vld [tilespmem:s5+$0x18700];
	[tilespmem:s21+$0x0] =	vst v19;
	s5 =	simm.s32 $0x200  }
0xfe: {  	s0 =	sand.u32 $0x3FF80, s2;
	s2 =	sor.u32 s5, s8;
	s8 =	sld [smem:$0x7E5]  }
0xff: {  	s15 =	sand.u32 $0x3, s15;
	s3 =	simm.s32 $0x200;
	s0 =	sor.u32 s11, s0  }
0x100: {  	s15 =	sshll.u32 s15, $0x5;
	v17 =	vld [tilespmem:s0+$0x0];
	[dreg:$0xd] =	wrdreg s3  }
0x101: {  	s21 =	sadd.s32 $0x200, s15;
	[tilespmem:s8+$0x0] =	vst v20  }
0x102: {  	s0 =	sor.u32 $0x300, s21;
	s21 =	sld [smem:$0x7E6]  }
0x103: {  	s10 =	sor.u32 $0x380, s2;
	[dreg:$0x1c] =	wrdreg s0  }
0x104: {  	v29 =	vand.u32 $0x80000000, v31;
	v31 =	vsel vm0, $0x0, v0;
	[dreg:$0x15] =	wrdreg s10  }
0x105: {  	v27 =	vsub.s32 v21, v11;
	[tilespmem:s21+$0x19F00] =	vst v31  }
0x106: {  	s23 =	sor.u32 s16, s23;
	v60 =	vnsel vm0, $0x0, v23;
	v23 =	vsub.s32 $0x0, v27;
	s3 =	sld [smem:$0x7E9]  }
0x107: {  	s30 =	sor.u32 s16, s30;
	v39 =	vmin.u32 v27, v23;
	v23 =	vld.idx.msk [tilespmem:v26+s28+$0x0], $0xffff;
	[smem:$0x7E7] =	sst s23  }
0x108: {  	s22 =	simm.s32 $0x3;
	[smem:$0x7E8] =	sst s30  }
0x109: {  	s15 =	sand.u32 $0x3, s22;
	[tilespmem:s3+$0x0] =	vst v60  }
0x10a: {  	s0 =	sshll.u32 s15, $0x5;
	s3 =	sld [smem:$0x7EA]  }
0x10b: {  	s15 =	simm.s32 $0x300;
	s0 =	sadd.s32 $0x300, s0;
	v35 =	vld.idx.msk [tilespmem:v25+s28+$0x0], $0xffff;
	s23 =	sld [smem:$0x7EC]  }
0x10c: {  	vm1 =	vmand vm0, vm1;
	v29 =	vor.u32 v29, v2;
	v22 =	vsub.s32 v26, v6;
	s0 =	sor.u32 $0x300, s0;
	v36 =	vld.idx.msk [tilespmem:v59+s13+$0x0], $0xffff;
	[smem:$0x7EB] =	sst s15  }
0x10d: {  	v29 =	vnsel vm1, $0x0, v29;
	v61 =	vcvt.s32.f32 v22;
	[dreg:$0x1d] =	wrdreg s0  }
0x10e: {  	vm0 =	vne.s32 v26, v6;
	v19 =	vsub.s32 $0x0, v22;
	[tilespmem:s23+$0x0] =	vst v29  }
0x10f: {  	vm2 =	vne.s32 v30, v14;
	v20 =	vmin.u32 v22, v19;
	v19 =	vand.u32 $0x80000000, v61;
	s21 =	sor.u32 s14, s1;
	s30 =	sld [smem:$0x7F5]  }
0x110: {  	v22 =	vsub.s32 v18, v7;
	vm1 =	vne.s32 v24, v10;
	v31 =	vsub.s32 v30, v14;
	v33 =	vld.idx.msk [tilespmem:v21+s28+$0x0], $0xffff;
	s28 =	sor.u32 $0x380, s21;
	s5 =	smul.u32 $0x300, s3  }
0x111: {  	v26 =	vsub.s32 $0x0, v22;
	v62 =	vsub.s32 $0x0, v31;
	v63 =	vcvt.s32.f32 v31;
	[dreg:$0x17] =	wrdreg s28  }
0x112: {  	s8 =	sor.u32 s29, s1;
	v26 =	vmin.u32 v22, v26;
	v37 =	vmin.u32 v31, v62;
	v31 =	vsub.s32 v24, v10;
	v32 =	vld.idx.msk [tilespmem:v39+s13+$0x0], $0xffff;
	[smem:$0x7ED] =	sst s5;
	s0 =	sadd.s32 s30, s5  }
0x113: {  	s2 =	sor.u32 $0x180, s8;
	v38 =	vand.u32 $0x80000000, v63;
	v34 =	vsub.s32 $0x0, v31;
	s21 =	simm.s32 $0x80;
	v29 =	vcvt.s32.f32 v31;
	[smem:$0x7EE] =	sst s0  }
.LBB2_3:
0x114: {  	_ = 	snop  }
0x115: {  	v38 =	vor.u32 v38, v2;
	v28 =	vcvt.s32.f32 v28;
	s5 =	simm.s32 $0x0  }
0x116: {  	v31 =	vmin.u32 v31, v34;
	vm3 =	veq.s32 v5, v23;
	v46 =	vld.idx.msk [tilespmem:v18+s5+$0x0], $0xffff;
	vm4 =	veq.s32 v17, v35  }
0x117: {  	[smem:$0x7DF] =	sst s20;
	s0 =	sadd.s32 $0x1AB00, s29;
	vm5 =	vne.s32 v25, v15;
	v26 =	vld.idx.msk [tilespmem:v26+s13+$0x0], $0xffff;
	s28 =	smov.u32 s29;
	v23 =	vand.u32 $0x80000000, v28;
	v25 =	vsel vm4, $0x0, v0  }
0x118: {  	v20 =	vld.idx.msk [tilespmem:v20+s13+$0x0], $0xffff;
	s3 =	sor.u32 s25, s0;
	s10 =	sadd.s32 $0x1B700, s28;
	s0 =	sor.u32 s11, s0;
	v23 =	vor.u32 v23, v2;
	[tilespmem:s26+$0x19F00] =	vst v25;
	v25 =	vnsel vm4, $0x0, v36;
	vm4 =	vmand vm4, vm5  }
0x119: {  	s29 =	smov.u32 s25;
	vm11 =	vne.s32 v21, v11;
	s14 =	sadd.s32 $0x1AE00, s31;
	v30 =	vld.idx.msk [tilespmem:v30+s5+$0x0], $0xffff;
	s8 =	sor.u32 s11, s10;
	vm10 =	veq.s32 v13, v33;
	[tilespmem:s0+$0x0] =	vst v25;
	v23 =	vnsel vm4, $0x0, v23  }
0x11a: {  	v22 =	vcvt.s32.f32 v22;
	v24 =	vld.idx.msk [tilespmem:v24+s5+$0x0], $0xffff;
	s1 =	sor.u32 s16, s14;
	s23 =	sor.u32 s25, s10;
	s10 =	sadd.s32 $0x1AC80, s9;
	v21 =	vsel vm10, $0x0, v0;
	v25 =	vcvt.s32.f32 v27;
	[tilespmem:s8+$0x0] =	vst v23  }
0x11b: {  	vm7 =	vne.s32 v18, v7;
	s15 =	sadd.s32 $0x1B880, s9;
	v28 =	vld.idx.msk [tilespmem:v37+s13+$0x0], $0xffff;
	[smem:$0x7DD] =	sst s1;
	vm6 =	veq.s32 v9, v46;
	s0 =	sor.u32 s7, s10;
	[tilespmem:s24+$0x19F00] =	vst v21;
	v21 =	vnsel vm10, $0x0, v32  }
0x11c: {  	s1 =	sor.u32 s19, s15;
	v18 =	vsel vm6, $0x0, v0;
	v25 =	vand.u32 $0x80000000, v25;
	v27 =	vld [tilespmem:s26+$0x18780];
	[tilespmem:s0+$0x0] =	vst v21;
	v21 =	vand.u32 $0x80000000, v22;
	s0 =	sor.u32 s6, s14;
	s14 =	sld [smem:$0x7E1]  }
0x11d: {  	s15 =	sor.u32 s7, s15;
	s30 =	sor.u32 s19, s10;
	s24 =	sadd.s32 $0x1BA00, s31;
	v21 =	vor.u32 v21, v2;
	[tilespmem:s18+$0x19F00] =	vst v18;
	v18 =	vnsel vm6, $0x0, v26;
	vm6 =	vmand vm6, vm7  }
0x11e: {  	vm4 =	vmand vm10, vm11;
	s8 =	smov.u32 s19;
	v22 =	vld [tilespmem:s20+$0x18700];
	v25 =	vor.u32 v25, v2;
	s20 =	rddreg [dreg:$0x7];
	s18 =	sor.u32 s6, s24;
	[tilespmem:s0+$0x0] =	vst v18;
	v18 =	vnsel vm6, $0x0, v21  }
0x11f: {  	v19 =	vor.u32 v19, v2;
	v29 =	vand.u32 $0x80000000, v29;
	s19 =	rddreg [dreg:$0xf];
	v21 =	vnsel vm4, $0x0, v25;
	s25 =	sor.u32 s14, s20;
	[tilespmem:s18+$0x0] =	vst v18;
	s14 =	sor.u32 s16, s24  }
0x120: {  	vm0 =	vmand vm3, vm0;
	v20 =	vnsel vm3, $0x0, v20;
	vm12 =	veq.s32 v16, v30;
	v23 =	vld.idx.msk [tilespmem:v31+s13+$0x0], $0xffff;
	s10 =	sor.u32 $0x380, s25;
	[tilespmem:s15+$0x0] =	vst v21;
	[smem:$0x7DE] =	sst s14  }
0x121: {  	vm13 =	veq.s32 v12, v24;
	v24 =	vnsel vm12, $0x0, v28;
	v18 =	vsel vm12, $0x0, v0;
	s15 =	rddreg [dreg:$0xd];
	v21 =	vld [tilespmem:s10+$0x18700]  }
0x122: {  	vm2 =	vmand vm12, vm2;
	vm1 =	vmand vm13, vm1;
	s20 =	smov.u32 s19;
	s14 =	sld [smem:$0x7EB];
	[tilespmem:s4+$0x19F00] =	vst v18;
	v25 =	vsub.s32 v27, v15;
	v26 =	vld [tilespmem:s17+$0x18900]  }
0x123: {  	v28 =	vor.u32 v29, v2;
	v18 =	vnsel vm2, $0x0, v38;
	[smem:$0x7E1] =	sst s20;
	[tilespmem:s3+$0x0] =	vst v24;
	v24 =	vsub.s32 $0x0, v25  }
0x124: {  	v28 =	vnsel vm1, $0x0, v28;
	s20 =	rddreg [dreg:$0xa];
	[tilespmem:s23+$0x0] =	vst v18;
	v18 =	vmin.u32 v25, v24;
	v24 =	vsel vm13, $0x0, v0  }
0x125: {  	v23 =	vnsel vm13, $0x0, v23;
	v48 =	vsub.s32 v22, v8;
	vm14 =	vne.s32 v27, v15;
	s23 =	sld [smem:$0x7E7];
	s18 =	smov.u32 s14;
	v29 =	vld [tilespmem:s4+$0x18780];
	[tilespmem:s12+$0x19F00] =	vst v24  }
0x126: {  	v25 =	vcvt.s32.f32 v25;
	[dreg:$0xd] =	wrdreg s18;
	v24 =	vnsel vm0, $0x0, v19;
	v47 =	vld.idx.msk [tilespmem:v27+s5+$0x0], $0xffff;
	[tilespmem:s30+$0x0] =	vst v23;
	v30 =	vsub.s32 v21, v7  }
0x127: {  	vm0 =	vne.s32 v22, v8;
	s18 =	rddreg [dreg:$0x12];
	v23 =	vsel vm3, $0x0, v0;
	v31 =	vld.idx.msk [tilespmem:v22+s5+$0x0], $0xffff;
	[tilespmem:s1+$0x0] =	vst v28;
	v28 =	vsub.s32 $0x0, v30  }
0x128: {  	s30 =	sld [smem:$0x7E8];
	v25 =	vand.u32 $0x80000000, v25;
	v22 =	vsub.s32 v26, v11;
	v19 =	vld [tilespmem:s18+$0x18900];
	[tilespmem:s20+$0x1A180] =	vst v23;
	v23 =	vmin.u32 v30, v28  }
0x129: {  	v8 =	vmovc v6;
	v25 =	vor.u32 v25, v2;
	vm8 =	vne.s32 v21, v7;
	v49 =	vld.idx.msk [tilespmem:v18+s13+$0x0], $0xffff;
	v18 =	vsub.s32 $0x0, v22  }
0x12a: {  	v28 =	vsub.s32 $0x0, v48;
	[tilespmem:s23+$0x0] =	vst v20;
	v50 =	vsub.s32 v29, v14;
	v51 =	vld.idx.msk [tilespmem:v26+s5+$0x0], $0xffff;
	v52 =	vmin.u32 v22, v18  }
0x12b: {  	s24 =	smov.u32 s11;
	s1 =	rddreg [dreg:$0x1f];
	v20 =	vmin.u32 v48, v28;
	v28 =	vcvt.s32.f32 v48;
	[tilespmem:s30+$0x0] =	vst v24;
	v24 =	vld.idx.msk [tilespmem:v21+s5+$0x0], $0xffff;
	vm3 =	veq.s32 v17, v47  }
0x12c: {  	s11 =	smov.u32 s17;
	s25 =	smov.u32 s15;
	s15 =	sld [smem:$0x7E3];
	v6 =	vmovc v10;
	v10 =	vmovc v14;
	vm2 =	vne.s32 v29, v14;
	v53 =	vsub.s32 $0x0, v50;
	v14 =	vld [tilespmem:s1+$0x18700];
	v27 =	vsel vm3, $0x0, v0  }
0x12d: {  	s17 =	smov.u32 s2;
	s3 =	smov.u32 s4;
	s2 =	sadd.s32 $0x1AB80, s28;
	v18 =	vand.u32 $0x80000000, v28;
	v28 =	vmin.u32 v50, v53;
	vm1 =	veq.s32 v4, v31;
	v23 =	vld.idx.msk [tilespmem:v23+s13+$0x0], $0xffff  }
0x12e: {  	s4 =	sadd.s32 $0x1B780, s28;
	[dreg:$0x1f] =	wrdreg s1;
	s1 =	sor.u32 s24, s2;
	v4 =	vmovc v5;
	v5 =	vmovc v12;
	v12 =	vmov v16;
	v16 =	vld.idx.msk [tilespmem:v29+s5+$0x0], $0xffff;
	[tilespmem:s26+$0x19F80] =	vst v27;
	v27 =	vnsel vm3, $0x0, v49;
	vm3 =	vmand vm3, vm14  }
0x12f: {  	s19 =	smov.u32 s15;
	s15 =	sor.u32 s24, s4;
	v30 =	vcvt.s32.f32 v30;
	v29 =	vld.idx.msk [tilespmem:v52+s13+$0x0], $0xffff;
	[tilespmem:s1+$0x0] =	vst v27;
	v25 =	vnsel vm3, $0x0, v25;
	vm3 =	veq.s32 v13, v51  }
0x130: {  	v54 =	vcvt.s32.f32 v50;
	vm15 =	veq.s32 v9, v24;
	[tilespmem:s15+$0x0] =	vst v25;
	v25 =	vsel vm3, $0x0, v0  }
0x131: {  	s20 =	smov.u32 s18;
	s18 =	sadd.s32 $0x1AE80, s31;
	v22 =	vcvt.s32.f32 v22;
	v21 =	vsel vm15, $0x0, v0;
	[tilespmem:s11+$0x1A100] =	vst v25;
	v25 =	vand.u32 $0x80000000, v30  }
0x132: {  	s0 =	sadd.s32 $0x1AD00, s9;
	v7 =	vmovc v11;
	s30 =	sadd.s32 $0x1BA80, s31;
	s1 =	sor.u32 s6, s18;
	vm4 =	vmand vm15, vm8;
	v28 =	vld.idx.msk [tilespmem:v28+s13+$0x0], $0xffff;
	v24 =	vor.u32 v25, v2;
	[tilespmem:s10+$0x19F00] =	vst v21;
	v21 =	vnsel vm15, $0x0, v23  }
0x133: {  	[smem:$0x7DC] =	sst s17;
	s17 =	sor.u32 s29, s2;
	vm9 =	vne.s32 v26, v7;
	s2 =	sor.u32 s6, s30;
	v31 =	vand.u32 $0x80000000, v54;
	v20 =	vld.idx.msk [tilespmem:v20+s13+$0x0], $0xffff;
	[tilespmem:s1+$0x0] =	vst v21;
	v21 =	vnsel vm4, $0x0, v24  }
0x134: {  	v11 =	vmovc v15;
	v15 =	vand.u32 $0x80000000, v22;
	s15 =	sor.u32 s7, s0;
	vm10 =	veq.s32 v12, v16;
	v23 =	vnsel vm3, $0x0, v29;
	v22 =	vld [tilespmem:s26+$0x18800];
	[tilespmem:s2+$0x0] =	vst v21  }
0x135: {  	[dreg:$0x7] =	wrdreg s25;
	v15 =	vor.u32 v15, v2;
	s6 =	sadd.s32 $0x1B900, s9;
	v27 =	vld.idx.msk [tilespmem:v19+s5+$0x0], $0xffff;
	vm3 =	vmand vm3, vm9;
	v21 =	vsel vm10, $0x0, v0;
	[tilespmem:s15+$0x0] =	vst v23  }
0x136: {  	s14 =	sadd.s32 $0x100, s14;
	[dreg:$0x12] =	wrdreg s3;
	v55 =	vsub.s32 v19, v6;
	v9 =	vmovc v13;
	v13 =	vmov v17;
	v17 =	vld.idx.msk [tilespmem:v14+s5+$0x0], $0xffff;
	v15 =	vnsel vm3, $0x0, v15;
	s15 =	sor.u32 s7, s6;
	[tilespmem:s3+$0x19F80] =	vst v21  }
0x137: {  	[smem:$0x7EB] =	sst s14;
	v16 =	vor.u32 v31, v2;
	vm2 =	vmand vm10, vm2;
	v23 =	vnsel vm10, $0x0, v28;
	[tilespmem:s15+$0x0] =	vst v15  }
0x138: {  	s12 =	sor.u32 s29, s4;
	[dreg:$0xf] =	wrdreg s19;
	v26 =	vsub.s32 v14, v8;
	v21 =	vcvt.s32.f32 v55;
	v15 =	vnsel vm2, $0x0, v16;
	[tilespmem:s17+$0x0] =	vst v23  }
0x139: {  	s23 =	sor.u32 s16, s18;
	[dreg:$0xa] =	wrdreg s20;
	v29 =	vcvt.s32.f32 v26;
	v16 =	vsub.s32 $0x0, v55;
	v24 =	vld [tilespmem:s11+$0x18980];
	[tilespmem:s12+$0x0] =	vst v15  }
0x13a: {  	s22 =	sadd.s32 $0x1, s22;
	[smem:$0x7E0] =	sst s23;
	vm2 =	vne.s32 v19, v6;
	v16 =	vmin.u32 v55, v16;
	v19 =	vand.u32 $0x80000000, v21;
	v21 =	vld [tilespmem:s3+$0x18800]  }
0x13b: {  	s4 =	sor.u32 s8, s0;
	s23 =	rddreg [dreg:$0x5];
	s18 =	smov.u32 s7;
	vm11 =	veq.s32 v5, v27;
	v28 =	vsub.s32 $0x0, v26;
	v15 =	vsub.s32 v22, v11  }
0x13c: {  	s0 =	smov.u32 s8;
	s13 =	smov.u32 s24;
	s24 =	sadd.s32 $0x10, s21;
	v25 =	vsel vm11, $0x0, v0;
	v26 =	vmin.u32 v26, v28;
	v23 =	vsub.s32 $0x0, v15  }
0x13d: {  	s10 =	sor.u32 s16, s30;
	s16 =	simm.s32 $0xC380;
	[smem:$0x7E3] =	sst s24;
	vm2 =	vmand vm11, vm2;
	v19 =	vor.u32 v19, v2;
	v23 =	vmin.u32 v15, v23  }
0x13e: {  	s1 =	sadd.s32 s21, s23;
	s2 =	sor.u32 s8, s6;
	s8 =	smov.u32 s29;
	vm3 =	veq.s32 v4, v17;
	v19 =	vnsel vm2, $0x0, v19;
	v27 =	vsub.s32 v24, v7  }
0x13f: {  	s29 =	sand.u32 $0x60, s21;
	s6 =	smov.u32 s9;
	s7 =	sld [smem:$0x7E2];
	vm2 =	vne.s32 v14, v8;
	v16 =	vld.idx.msk [tilespmem:v16+s16+$0x0], $0xffff;
	[tilespmem:s20+$0x1A100] =	vst v25;
	v25 =	vsub.s32 $0x0, v27;
	v14 =	vsub.s32 v21, v10  }
0x140: {  	s15 =	smov.u32 s28;
	s17 =	sand.u32 $0x3, s22;
	s28 =	sand.u32 $0xC00, s14;
	v17 =	vand.u32 $0x80000000, v29;
	v28 =	vld.idx.msk [tilespmem:v22+s5+$0x0], $0xffff;
	v25 =	vmin.u32 v27, v25;
	v29 =	vsub.s32 $0x0, v14  }
0x141: {  	s31 =	smov.u32 s6;
	s30 =	sshll.u32 s17, $0x5;
	s12 =	sadd.s32 $0x1AC00, s15;
	v30 =	vcvt.s32.f32 v14;
	v14 =	vmin.u32 v14, v29;
	v29 =	vld.idx.msk [tilespmem:v24+s5+$0x0], $0xffff  }
0x142: {  	v58 =	vor.u32 v18, v2;
	s17 =	sadd.s32 $0x2, s7;
	s9 =	sor.u32 s13, s12;
	s7 =	smov.u32 s13;
	v23 =	vld.idx.msk [tilespmem:v23+s16+$0x0], $0xffff  }
0x143: {  	v17 =	vor.u32 v17, v2;
	[smem:$0x7E2] =	sst s17;
	s17 =	sand.u32 $0x7, s17;
	vm2 =	vmand vm3, vm2;
	v15 =	vcvt.s32.f32 v15;
	v56 =	vld.idx.msk [tilespmem:v21+s5+$0x0], $0xffff;
	s5 =	sand.u32 $0x70, s24  }
0x144: {  	v59 =	vnsel vm1, $0x0, v20;
	s12 =	sor.u32 s8, s12;
	s17 =	sshll.u32 s17, $0x4;
	v17 =	vnsel vm2, $0x0, v17;
	v16 =	vnsel vm11, $0x0, v16;
	s23 =	sor.u32 s5, s28  }
0x145: {  	vm2 =	vmand vm1, vm0;
	v15 =	vand.u32 $0x80000000, v15;
	vm0 =	veq.s32 v13, v28;
	[tilespmem:s4+$0x0] =	vst v16;
	s4 =	sadd.s32 s25, s17;
	s17 =	sadd.s32 s30, s14;
	s30 =	sld [smem:$0x7DC];
	v57 =	vld.idx.msk [tilespmem:v25+s16+$0x0], $0xffff  }
0x146: {  	vm13 =	vne.s32 v22, v11;
	v15 =	vor.u32 v15, v2;
	v18 =	vsel vm0, $0x0, v0;
	v16 =	vld.idx.msk [tilespmem:v26+s16+$0x0], $0xffff;
	[tilespmem:s2+$0x0] =	vst v19;
	s2 =	sadd.s32 $0x1B800, s15;
	s25 =	sadd.s32 $0x10, s4;
	s4 =	sor.u32 s29, s28  }
0x147: {  	[tilespmem:s26+$0x1A000] =	vst v18;
	v19 =	vld.idx.msk [tilespmem:v14+s16+$0x0], $0xffff;
	v14 =	vor.u32 s1, v1;
	s16 =	sor.u32 s13, s2;
	s13 =	sadd.s32 $0x10, s1;
	s1 =	sand.u32 $0x3FF80, s1;
	v18 =	vnsel vm0, $0x0, v23;
	vm0 =	vmand vm0, vm13  }
0x148: {  	vm12 =	vne.s32 v21, v10;
	v25 =	vld [tilespmem:s23+$0x18700];
	s1 =	sor.u32 s29, s1;
	[tilespmem:s9+$0x0] =	vst v18;
	v15 =	vnsel vm0, $0x0, v15;
	s9 =	smov.u32 s15;
	s15 =	sor.u32 s19, s15;
	vm0 =	veq.s32 v9, v29  }
0x149: {  	v20 =	vcvt.s32.f32 v27;
	v21 =	vand.u32 $0x80000000, v30;
	[tilespmem:s16+$0x0] =	vst v15;
	s24 =	sor.u32 $0x180, s15;
	s15 =	sadd.s32 $0x1AD80, s6;
	v18 =	vsel vm0, $0x0, v0;
	s16 =	sadd.s32 $0x1B980, s6  }
0x14a: {  	v30 =	vor.u32 v21, v2;
	s6 =	smov.u32 s18;
	v21 =	vld [tilespmem:s24+$0x18700];
	[tilespmem:s11+$0x1A180] =	vst v18;
	s11 =	smov.u32 s5;
	s19 =	sor.u32 s18, s15  }
0x14b: {  	vm14 =	vne.s32 v24, v7;
	v22 =	vld [tilespmem:s20+$0x18980];
	v15 =	vand.u32 $0x80000000, v20;
	s20 =	sor.u32 s18, s16;
	s18 =	sor.u32 $0x300, s25;
	s25 =	smov.u32 s29  }
0x14c: {  	vm15 =	veq.s32 v12, v56;
	v15 =	vor.u32 v15, v2;
	v18 =	vnsel vm0, $0x0, v57;
	s29 =	smov.u32 s28;
	s15 =	sor.u32 s0, s15;
	s28 =	rddreg [dreg:$0x1d]  }
0x14d: {  	vm0 =	vmand vm0, vm14;
	v26 =	vnsel vm3, $0x0, v16;
	v16 =	vsel vm15, $0x0, v0;
	s5 =	sor.u32 s8, s2;
	s16 =	sor.u32 s0, s16;
	[tilespmem:s19+$0x0] =	vst v18;
	[smem:$0x7E7] =	sst s15  }
0x14e: {  	v18 =	vnsel vm0, $0x0, v15;
	[tilespmem:s3+$0x1A000] =	vst v16;
	s19 =	smov.u32 s8;
	s8 =	sor.u32 s29, s21;
	[smem:$0x7E8] =	sst s16  }
0x14f: {  	vm0 =	vmand vm15, vm12;
	v16 =	vnsel vm15, $0x0, v19;
	[tilespmem:s20+$0x0] =	vst v18;
	s2 =	sor.u32 $0x180, s8;
	s8 =	sld [smem:$0x7DD]  }
0x150: {  	v19 =	vnsel vm0, $0x0, v30;
	v30 =	vld [tilespmem:s4+$0x18700];
	[tilespmem:s12+$0x0] =	vst v16;
	s20 =	sor.u32 s14, s21;
	s14 =	rddreg [dreg:$0x1c]  }
0x151: {  	v16 =	vld [tilespmem:s1+$0x0];
	[tilespmem:s5+$0x0] =	vst v19;
	s1 =	sor.u32 $0x300, s17;
	s5 =	rddreg [dreg:$0x1f]  }
0x152: {  	s17 =	smov.u32 s26;
	s26 =	smov.u32 s23;
	s23 =	sld [smem:$0x7DE]  }
0x153: {  	s15 =	sor.u32 $0x380, s20;
	s20 =	smov.u32 s14;
	s14 =	rddreg [dreg:$0x16]  }
0x154: {  	v31 =	vsel vm3, $0x0, v0;
	[dreg:$0x1f] =	wrdreg s20  }
0x155: {  	v15 =	vor.u32 s13, v1;
	s12 =	smov.u32 s30;
	v24 =	vld [tilespmem:s30+$0x18700];
	[tilespmem:s5+$0x19F00] =	vst v31;
	s30 =	smov.u32 s28;
	s5 =	sld [smem:$0x7DF]  }
0x156: {  	v23 =	vsub.s32 v22, v6;
	v28 =	vsub.s32 v25, v15;
	[dreg:$0x1c] =	wrdreg s30  }
0x157: {  	s16 =	smov.u32 s0;
	s0 =	simm.s32 $0x0;
	v20 =	vsub.s32 $0x0, v28;
	v19 =	vsub.s32 $0x0, v23;
	s30 =	rddreg [dreg:$0x11]  }
0x158: {  	v29 =	vmin.u32 v28, v20;
	v20 =	vmin.u32 v23, v19;
	v19 =	vcvt.s32.f32 v23;
	v23 =	vld.idx.msk [tilespmem:v22+s0+$0x0], $0xffff;
	[tilespmem:s8+$0x0] =	vst v26;
	s8 =	smov.u32 s1;
	s1 =	sld [smem:$0x7E0]  }
0x159: {  	v18 =	vld [tilespmem:s18+$0x18700];
	[dreg:$0x1d] =	wrdreg s8  }
0x15a: {  	p3 =	slt.u32 s21, $0x160;
	s13 =	sand.u32 $0x3FF80, s13;
	v27 =	vsub.s32 v21, v11;
	[tilespmem:s23+$0x0] =	vst v17;
	s23 =	rddreg [dreg:$0x15]  }
0x15b: {  	s13 =	sor.u32 s11, s13;
	v60 =	vsub.s32 $0x0, v27;
	s8 =	rddreg [dreg:$0x17];
	s28 =	smov.u32 s23  }
0x15c: {  	v39 =	vnsel vm2, $0x0, v58;
	vm0 =	vne.s32 v22, v6;
	s20 =	smov.u32 s14;
	v32 =	vmin.u32 v27, v60;
	s14 =	smov.u32 s8;
	[dreg:$0x16] =	wrdreg s28  }
.Ltmp2:
0x15d: {  	v35 =	vld.idx.msk [tilespmem:v25+s0+$0x0], $0xffff;
	v26 =	vsel vm1, $0x0, v0;
	v19 =	vand.u32 $0x80000000, v19;
	v31 =	vsub.s32 v30, v14;
	s23 =	smov.u32 s15;
	[dreg:$0x15] =	wrdreg s14;
	(pc) =	sbr.rel @p3 .LBB2_3-.Ltmp2, $4  }
0x15e: {  	v17 =	vld [tilespmem:s13+$0x0];
	vm2 =	vne.s32 v30, v14;
	[tilespmem:s5+$0x19F00] =	vst v26;
	v22 =	vsub.s32 v18, v7;
	v62 =	vsub.s32 $0x0, v31;
	[dreg:$0x17] =	wrdreg s23  }
0x15f: {  	s13 =	simm.s32 $0xC380;
	v63 =	vcvt.s32.f32 v31;
	[tilespmem:s30+$0x0] =	vst v59;
	s5 =	smov.u32 s1;
	v33 =	vld.idx.msk [tilespmem:v21+s0+$0x0], $0xffff;
	s28 =	rddreg [dreg:$0x10];
	v61 =	vsub.s32 $0x0, v22;
	v37 =	vmin.u32 v31, v62  }
0x160: {  	s30 =	smov.u32 s10;
	v36 =	vld.idx.msk [tilespmem:v29+s13+$0x0], $0xffff;
	[dreg:$0x11] =	wrdreg s5;
	v31 =	vsub.s32 v24, v10;
	vm1 =	vne.s32 v24, v10;
	v26 =	vmin.u32 v22, v61  }
0x161: {  	s21 =	sadd.s32 $0x20, s21;
	[tilespmem:s28+$0x0] =	vst v39;
	[dreg:$0x10] =	wrdreg s30;
	v38 =	vand.u32 $0x80000000, v63;
	v34 =	vsub.s32 $0x0, v31;
	v29 =	vcvt.s32.f32 v31;
	v32 =	vld.idx.msk [tilespmem:v32+s13+$0x0], $0xffff  }
0x162: {  	_ =	sdelay $0x1  }
0x163: {  	v28 =	vcvt.s32.f32 v28  }
0x164: {  	s30 =	smov.u32 s20;
	s20 =	simm.s32 $0x0;
	vm3 =	veq.s32 v17, v35  }
0x165: {  	vm4 =	vne.s32 v25, v15;
	s0 =	sadd.s32 $0x1AB00, s29;
	v30 =	vld.idx.msk [tilespmem:v30+s20+$0x0], $0xffff;
	v28 =	vand.u32 $0x80000000, v28;
	v25 =	vsel vm3, $0x0, v0  }
0x166: {  	s1 =	sadd.s32 $0x1B700, s29;
	s3 =	sor.u32 s11, s0;
	v28 =	vor.u32 v28, v2;
	[tilespmem:s26+$0x19F00] =	vst v25;
	v25 =	vnsel vm3, $0x0, v36;
	vm3 =	vmand vm3, vm4  }
0x167: {  	s10 =	sor.u32 s11, s1;
	[tilespmem:s3+$0x0] =	vst v25;
	v25 =	vld.idx.msk [tilespmem:v37+s13+$0x0], $0xffff;
	v28 =	vnsel vm3, $0x0, v28  }
0x168: {  	[tilespmem:s10+$0x0] =	vst v28  }
0x169: {  	v28 =	vld [tilespmem:s26+$0x18780]  }
0x16a: {  	vm3 =	veq.s32 v16, v30  }
0x16b: {  	v30 =	vsel vm3, $0x0, v0  }
0x16c: {  	v61 =	vor.u32 v38, v2;
	s0 =	sor.u32 s25, s0;
	vm2 =	vmand vm3, vm2;
	[tilespmem:s4+$0x19F00] =	vst v30;
	v25 =	vnsel vm3, $0x0, v25  }
0x16d: {  	s14 =	sor.u32 s25, s1;
	[tilespmem:s0+$0x0] =	vst v25;
	v25 =	vnsel vm2, $0x0, v61  }
0x16e: {  	[tilespmem:s14+$0x0] =	vst v25;
	v25 =	vsub.s32 v28, v15  }
0x16f: {  	v30 =	vsub.s32 $0x0, v25;
	v62 =	vld [tilespmem:s4+$0x18780]  }
0x170: {  	v30 =	vmin.u32 v25, v30;
	_ =	sdelay $0x2  }
0x171: {  	v63 =	vld.idx.msk [tilespmem:v28+s20+$0x0], $0xffff  }
0x172: {  	v40 =	vsub.s32 v62, v14  }
0x173: {  	v30 =	vld.idx.msk [tilespmem:v30+s13+$0x0], $0xffff;
	v41 =	vsub.s32 $0x0, v40  }
0x174: {  	v38 =	vmin.u32 v40, v41  }
0x175: {  	v25 =	vcvt.s32.f32 v25  }
0x176: {  	vm2 =	veq.s32 v17, v63  }
0x177: {  	s15 =	sadd.s32 $0x1AB80, s29;
	vm3 =	vne.s32 v28, v15;
	v25 =	vand.u32 $0x80000000, v25;
	v42 =	vld.idx.msk [tilespmem:v62+s20+$0x0], $0xffff;
	v28 =	vsel vm2, $0x0, v0  }
0x178: {  	s21 =	sadd.s32 $0x1B780, s29;
	s22 =	sor.u32 s11, s15;
	v25 =	vor.u32 v25, v2;
	[tilespmem:s26+$0x19F80] =	vst v28;
	v28 =	vnsel vm2, $0x0, v30;
	vm2 =	vmand vm2, vm3  }
0x179: {  	s23 =	sor.u32 s11, s21;
	[tilespmem:s22+$0x0] =	vst v28;
	v25 =	vnsel vm2, $0x0, v25;
	v28 =	vld.idx.msk [tilespmem:v38+s13+$0x0], $0xffff  }
0x17a: {  	[tilespmem:s23+$0x0] =	vst v25  }
0x17b: {  	v25 =	vcvt.s32.f32 v40;
	v30 =	vld [tilespmem:s26+$0x18800]  }
0x17c: {  	vm2 =	veq.s32 v16, v42  }
0x17d: {  	vm3 =	vne.s32 v62, v14;
	v43 =	vsel vm2, $0x0, v0;
	v25 =	vand.u32 $0x80000000, v25  }
0x17e: {  	s0 =	sor.u32 s25, s15;
	[tilespmem:s4+$0x19F80] =	vst v43;
	v25 =	vor.u32 v25, v2;
	v28 =	vnsel vm2, $0x0, v28;
	vm2 =	vmand vm2, vm3  }
0x17f: {  	s28 =	sor.u32 s25, s21;
	[tilespmem:s0+$0x0] =	vst v28;
	v25 =	vnsel vm2, $0x0, v25  }
0x180: {  	[tilespmem:s28+$0x0] =	vst v25;
	v25 =	vsub.s32 v30, v15  }
0x181: {  	v44 =	vsub.s32 $0x0, v25  }
0x182: {  	v35 =	vmin.u32 v25, v44  }
0x183: {  	v28 =	vld [tilespmem:s4+$0x18800]  }
0x184: {  	v27 =	vcvt.s32.f32 v27  }
0x185: {  	v45 =	vld.idx.msk [tilespmem:v30+s20+$0x0], $0xffff  }
0x186: {  	v27 =	vand.u32 $0x80000000, v27;
	vm2 =	veq.s32 v13, v33  }
0x187: {  	s3 =	sadd.s32 $0x1AC80, s9;
	vm3 =	vne.s32 v21, v11;
	v21 =	vsel vm2, $0x0, v0;
	v32 =	vnsel vm2, $0x0, v32;
	v35 =	vld.idx.msk [tilespmem:v35+s13+$0x0], $0xffff  }
0x188: {  	s1 =	sor.u32 s7, s3;
	s10 =	sadd.s32 $0x1B880, s9;
	vm2 =	vmand vm2, vm3;
	[tilespmem:s24+$0x19F00] =	vst v21;
	v21 =	vor.u32 v27, v2;
	v27 =	vsub.s32 v28, v14  }
0x189: {  	s8 =	sor.u32 s7, s10;
	[tilespmem:s1+$0x0] =	vst v32;
	v21 =	vnsel vm2, $0x0, v21;
	v46 =	vsub.s32 $0x0, v27  }
0x18a: {  	[tilespmem:s8+$0x0] =	vst v21;
	v21 =	vmin.u32 v27, v46;
	vm2 =	veq.s32 v17, v45  }
0x18b: {  	vm3 =	vne.s32 v30, v15;
	s13 =	sadd.s32 $0x1AC00, s29;
	v30 =	vsel vm2, $0x0, v0  }
0x18c: {  	s8 =	sor.u32 s11, s13;
	[tilespmem:s26+$0x1A000] =	vst v30;
	v30 =	vnsel vm2, $0x0, v35  }
0x18d: {  	v25 =	vcvt.s32.f32 v25;
	v48 =	vld.idx.msk [tilespmem:v28+s20+$0x0], $0xffff;
	[tilespmem:s8+$0x0] =	vst v30  }
0x18e: {  	s21 =	simm.s32 $0xC380;
	v47 =	vld [tilespmem:s17+$0x18900];
	s28 =	sld [smem:$0x7E3]  }
0x18f: {  	v25 =	vand.u32 $0x80000000, v25;
	v27 =	vcvt.s32.f32 v27;
	v21 =	vld.idx.msk [tilespmem:v21+s21+$0x0], $0xffff  }
0x190: {  	s24 =	sadd.s32 $0x1B800, s29;
	v25 =	vor.u32 v25, v2;
	vm2 =	vmand vm2, vm3;
	v30 =	vmin.u32 v31, v34  }
0x191: {  	s14 =	sor.u32 s11, s24;
	v27 =	vand.u32 $0x80000000, v27;
	v25 =	vnsel vm2, $0x0, v25;
	s15 =	sor.u32 s28, s29  }
0x192: {  	v24 =	vld.idx.msk [tilespmem:v24+s20+$0x0], $0xffff;
	v27 =	vor.u32 v27, v2;
	[tilespmem:s14+$0x0] =	vst v25;
	vm2 =	veq.s32 v16, v48;
	s22 =	sor.u32 $0x180, s15  }
0x193: {  	vm3 =	vne.s32 v28, v14;
	v25 =	vsub.s32 v47, v11;
	v28 =	vsel vm2, $0x0, v0;
	v49 =	vld [tilespmem:s22+$0x18700]  }
0x194: {  	s1 =	sor.u32 s25, s13;
	v31 =	vsub.s32 $0x0, v25;
	vm3 =	vmand vm2, vm3;
	[tilespmem:s4+$0x1A000] =	vst v28;
	v21 =	vnsel vm2, $0x0, v21  }
0x195: {  	s24 =	sor.u32 s25, s24;
	v31 =	vmin.u32 v25, v31;
	v27 =	vnsel vm3, $0x0, v27;
	v30 =	vld.idx.msk [tilespmem:v30+s21+$0x0], $0xffff;
	[tilespmem:s1+$0x0] =	vst v21  }
0x196: {  	v21 =	vld.idx.msk [tilespmem:v47+s20+$0x0], $0xffff;
	[tilespmem:s24+$0x0] =	vst v27  }
0x197: {  	v29 =	vand.u32 $0x80000000, v29;
	v28 =	vld [tilespmem:s2+$0x18700]  }
0x198: {  	v29 =	vor.u32 v29, v2;
	vm2 =	veq.s32 v12, v24;
	v27 =	vsub.s32 v49, v15  }
0x199: {  	v25 =	vcvt.s32.f32 v25;
	v51 =	vsel vm2, $0x0, v0;
	v50 =	vsub.s32 $0x0, v27  }
0x19a: {  	s3 =	sor.u32 s19, s3;
	vm1 =	vmand vm2, vm1;
	[tilespmem:s12+$0x19F00] =	vst v51;
	v24 =	vld.idx.msk [tilespmem:v31+s21+$0x0], $0xffff;
	v30 =	vnsel vm2, $0x0, v30;
	v31 =	vmin.u32 v27, v50  }
0x19b: {  	s10 =	sor.u32 s19, s10;
	v25 =	vand.u32 $0x80000000, v25;
	vm2 =	veq.s32 v13, v21;
	[tilespmem:s3+$0x0] =	vst v30;
	v21 =	vnsel vm1, $0x0, v29  }
0x19c: {  	v29 =	vsel vm2, $0x0, v0;
	[tilespmem:s10+$0x0] =	vst v21;
	v21 =	vor.u32 v25, v2;
	v25 =	vsub.s32 v28, v14;
	v30 =	vld.idx.msk [tilespmem:v49+s20+$0x0], $0xffff  }
0x19d: {  	[tilespmem:s17+$0x1A100] =	vst v29;
	v29 =	vsub.s32 $0x0, v25  }
0x19e: {  	s10 =	sadd.s32 $0x1AD00, s9;
	v29 =	vmin.u32 v25, v29  }
0x19f: {  	vm1 =	vne.s32 v47, v11;
	v24 =	vnsel vm2, $0x0, v24;
	s12 =	sor.u32 s7, s10;
	v31 =	vld.idx.msk [tilespmem:v31+s21+$0x0], $0xffff  }
0x1a0: {  	vm1 =	vmand vm2, vm1;
	[tilespmem:s12+$0x0] =	vst v24;
	v24 =	vld.idx.msk [tilespmem:v18+s20+$0x0], $0xffff  }
0x1a1: {  	v21 =	vnsel vm1, $0x0, v21;
	v27 =	vcvt.s32.f32 v27;
	vm1 =	veq.s32 v17, v30;
	v30 =	vld.idx.msk [tilespmem:v28+s20+$0x0], $0xffff  }
0x1a2: {  	s3 =	sadd.s32 $0x1B900, s9  }
0x1a3: {  	s13 =	sor.u32 s7, s3;
	vm2 =	vne.s32 v49, v15;
	v27 =	vand.u32 $0x80000000, v27;
	v29 =	vld.idx.msk [tilespmem:v29+s21+$0x0], $0xffff  }
0x1a4: {  	s5 =	smov.u32 s7;
	s8 =	smov.u32 s19;
	s14 =	sadd.s32 $0x1AC80, s29;
	[tilespmem:s13+$0x0] =	vst v21;
	v27 =	vor.u32 v27, v2;
	v53 =	vsel vm1, $0x0, v0;
	v31 =	vnsel vm1, $0x0, v31  }
0x1a5: {  	s19 =	sadd.s32 $0x1B880, s29;
	s15 =	sor.u32 s11, s14;
	s7 =	rddreg [dreg:$0x12];
	[tilespmem:s22+$0x19F00] =	vst v53;
	vm1 =	vmand vm1, vm2;
	vm2 =	veq.s32 v9, v24;
	v24 =	vcvt.s32.f32 v25  }
0x1a6: {  	v22 =	vcvt.s32.f32 v22;
	v26 =	vld.idx.msk [tilespmem:v26+s21+$0x0], $0xffff;
	s22 =	sor.u32 s11, s19;
	[tilespmem:s15+$0x0] =	vst v31;
	v27 =	vnsel vm1, $0x0, v27;
	vm3 =	veq.s32 v16, v30  }
0x1a7: {  	vm13 =	vne.s32 v28, v14;
	v52 =	vld [tilespmem:s17+$0x18980];
	[tilespmem:s22+$0x0] =	vst v27;
	v24 =	vand.u32 $0x80000000, v24;
	v28 =	vsel vm3, $0x0, v0  }
0x1a8: {  	s24 =	sor.u32 s25, s14;
	vm4 =	vmand vm3, vm13;
	[tilespmem:s2+$0x19F00] =	vst v28;
	v24 =	vor.u32 v24, v2;
	v28 =	vnsel vm3, $0x0, v29  }
0x1a9: {  	s1 =	sor.u32 s25, s19;
	[tilespmem:s24+$0x0] =	vst v28;
	v24 =	vnsel vm4, $0x0, v24  }
0x1aa: {  	v22 =	vand.u32 $0x80000000, v22;
	s19 =	sadd.s32 $0x1AE00, s31;
	vm3 =	vne.s32 v18, v7;
	[tilespmem:s1+$0x0] =	vst v24;
	v24 =	vsel vm2, $0x0, v0  }
0x1ab: {  	v22 =	vor.u32 v22, v2;
	s0 =	sadd.s32 $0x1BA00, s31;
	v21 =	vld [tilespmem:s7+$0x18900];
	v26 =	vnsel vm2, $0x0, v26;
	s2 =	sor.u32 s6, s19;
	vm2 =	vmand vm2, vm3;
	[tilespmem:s18+$0x19F00] =	vst v24  }
0x1ac: {  	s12 =	sor.u32 s6, s0;
	vm1 =	veq.s32 v5, v23;
	v23 =	vsub.s32 v52, v11;
	v25 =	vld [tilespmem:s26+$0x18900];
	v22 =	vnsel vm2, $0x0, v22;
	[tilespmem:s2+$0x0] =	vst v26  }
0x1ad: {  	v20 =	vld.idx.msk [tilespmem:v20+s21+$0x0], $0xffff;
	v27 =	vsub.s32 $0x0, v23;
	[tilespmem:s12+$0x0] =	vst v22  }
0x1ae: {  	v27 =	vmin.u32 v23, v27;
	v26 =	vsel vm1, $0x0, v0;
	s1 =	rddreg [dreg:$0xa]  }
0x1af: {  	[tilespmem:s1+$0x1A180] =	vst v26  }
0x1b0: {  	s1 =	sld [smem:$0x7E7]  }
0x1b1: {  	v28 =	vld.idx.msk [tilespmem:v52+s20+$0x0], $0xffff;
	v29 =	vsub.s32 v25, v15  }
0x1b2: {  	v20 =	vnsel vm1, $0x0, v20;
	v31 =	vsub.s32 $0x0, v29  }
0x1b3: {  	v27 =	vld.idx.msk [tilespmem:v27+s21+$0x0], $0xffff;
	v31 =	vmin.u32 v29, v31;
	[tilespmem:s1+$0x0] =	vst v20  }
0x1b4: {  	v18 =	vld.idx.msk [tilespmem:v21+s20+$0x0], $0xffff;
	s1 =	sld [smem:$0x7E8]  }
0x1b5: {  	v19 =	vor.u32 v19, v2;
	vm0 =	vmand vm1, vm0;
	v30 =	vld [tilespmem:s4+$0x18900]  }
0x1b6: {  	v19 =	vnsel vm0, $0x0, v19;
	v23 =	vcvt.s32.f32 v23;
	vm1 =	veq.s32 v13, v28;
	v55 =	vld.idx.msk [tilespmem:v25+s20+$0x0], $0xffff  }
0x1b7: {  	v24 =	vsub.s32 v21, v10;
	vm2 =	vne.s32 v52, v11;
	s12 =	sadd.s32 $0x1AD80, s9;
	[tilespmem:s1+$0x0] =	vst v19;
	v19 =	vsel vm1, $0x0, v0  }
0x1b8: {  	v54 =	vsub.s32 $0x0, v24;
	v22 =	vcvt.s32.f32 v24;
	s13 =	sor.u32 s5, s12;
	v20 =	vld.idx.msk [tilespmem:v31+s21+$0x0], $0xffff;
	[tilespmem:s17+$0x1A180] =	vst v19;
	v19 =	vnsel vm1, $0x0, v27  }
0x1b9: {  	v24 =	vmin.u32 v24, v54;
	vm0 =	veq.s32 v12, v18;
	v18 =	vand.u32 $0x80000000, v23;
	s24 =	rddreg [dreg:$0x1f];
	[tilespmem:s13+$0x0] =	vst v19  }
0x1ba: {  	s15 =	sadd.s32 $0x1B980, s9;
	v18 =	vor.u32 v18, v2;
	v26 =	vsub.s32 v30, v14;
	vm1 =	vmand vm1, vm2;
	s1 =	sld [smem:$0x7E2]  }
0x1bb: {  	s14 =	sor.u32 s5, s15;
	v23 =	vsub.s32 $0x0, v26;
	v18 =	vnsel vm1, $0x0, v18;
	vm1 =	veq.s32 v17, v55;
	s2 =	rddreg [dreg:$0x7]  }
0x1bc: {  	v23 =	vmin.u32 v26, v23;
	s13 =	sadd.s32 $0x1AD00, s29;
	s17 =	sld [smem:$0x7E1];
	[tilespmem:s14+$0x0] =	vst v18;
	v18 =	vsel vm1, $0x0, v0  }
0x1bd: {  	s22 =	smov.u32 s6;
	v27 =	vcvt.s32.f32 v29;
	v28 =	vld [tilespmem:s24+$0x18700];
	v20 =	vnsel vm1, $0x0, v20;
	s6 =	sor.u32 s11, s13;
	[tilespmem:s26+$0x1A100] =	vst v18  }
0x1be: {  	s23 =	smov.u32 s9;
	vm2 =	vne.s32 v21, v10;
	v21 =	vld.idx.msk [tilespmem:v24+s21+$0x0], $0xffff;
	[tilespmem:s6+$0x0] =	vst v20;
	s9 =	sadd.s32 $0x2, s1  }
0x1bf: {  	vm3 =	vne.s32 v25, v15;
	v24 =	vld.idx.msk [tilespmem:v30+s20+$0x0], $0xffff;
	v27 =	vand.u32 $0x80000000, v27;
	s6 =	rddreg [dreg:$0xd];
	s18 =	sand.u32 $0x7, s9  }
0x1c0: {  	vm1 =	vmand vm1, vm3;
	v18 =	vor.u32 v27, v2;
	s1 =	sshll.u32 s18, $0x4;
	s18 =	smov.u32 s16;
	s16 =	sadd.s32 $0x1B900, s29  }
0x1c1: {  	vm2 =	vmand vm0, vm2;
	v20 =	vand.u32 $0x80000000, v22;
	v18 =	vnsel vm1, $0x0, v18;
	v22 =	vld.idx.msk [tilespmem:v23+s21+$0x0], $0xffff;
	s1 =	sadd.s32 s6, s1;
	s14 =	sor.u32 s11, s16  }
0x1c2: {  	v23 =	vsel vm0, $0x0, v0;
	v20 =	vor.u32 v20, v2;
	v25 =	vsub.s32 v28, v6;
	[tilespmem:s14+$0x0] =	vst v18;
	s1 =	sadd.s32 $0x10, s1  }
0x1c3: {  	s21 =	sor.u32 s8, s10;
	[tilespmem:s7+$0x1A100] =	vst v23;
	v21 =	vnsel vm0, $0x0, v21;
	v23 =	vcvt.s32.f32 v26;
	v27 =	vsub.s32 $0x0, v25;
	s10 =	sor.u32 $0x300, s1;
	v26 =	vld [tilespmem:s26+$0x18980]  }
0x1c4: {  	s3 =	sor.u32 s8, s3;
	vm0 =	veq.s32 v16, v24;
	[tilespmem:s21+$0x0] =	vst v21;
	v20 =	vnsel vm2, $0x0, v20;
	v21 =	vmin.u32 v25, v27;
	v27 =	vld [tilespmem:s10+$0x18700]  }
0x1c5: {  	v19 =	vld [tilespmem:s30+$0x18700];
	vm1 =	vne.s32 v30, v14;
	[tilespmem:s3+$0x0] =	vst v20;
	v20 =	vand.u32 $0x80000000, v23;
	v23 =	vsel vm0, $0x0, v0  }
0x1c6: {  	vm1 =	vmand vm0, vm1;
	v24 =	vld [tilespmem:s7+$0x18980];
	v20 =	vor.u32 v20, v2;
	[tilespmem:s4+$0x1A100] =	vst v23;
	s14 =	sor.u32 s25, s13;
	v22 =	vnsel vm0, $0x0, v22  }
0x1c7: {  	s16 =	sor.u32 s25, s16;
	v20 =	vnsel vm1, $0x0, v20;
	[tilespmem:s14+$0x0] =	vst v22  }
0x1c8: {  	v23 =	vld.idx.msk [tilespmem:v28+s20+$0x0], $0xffff;
	[tilespmem:s16+$0x0] =	vst v20  }
0x1c9: {  	s13 =	simm.s32 $0xC380;
	v31 =	vld [tilespmem:s4+$0x18980];
	v29 =	vsub.s32 v26, v15  }
0x1ca: {  	v30 =	vsub.s32 v19, v8;
	vm0 =	vne.s32 v19, v8;
	v21 =	vld.idx.msk [tilespmem:v21+s13+$0x0], $0xffff;
	v8 =	vsub.s32 $0x0, v29  }
0x1cb: {  	v58 =	vsub.s32 v24, v10;
	v57 =	vmin.u32 v29, v8;
	v62 =	vld.idx.msk [tilespmem:v26+s20+$0x0], $0xffff  }
0x1cc: {  	vm1 =	vne.s32 v28, v6;
	v60 =	vsub.s32 $0x0, v58;
	v56 =	vsub.s32 v27, v11;
	v61 =	vld.idx.msk [tilespmem:v27+s20+$0x0], $0xffff  }
0x1cd: {  	s2 =	sor.u32 s17, s2;
	vm3 =	vne.s32 v24, v10;
	v36 =	vmin.u32 v58, v60;
	v59 =	vsub.s32 $0x0, v56  }
0x1ce: {  	s2 =	sor.u32 $0x380, s2;
	vm2 =	veq.s32 v5, v23;
	vm5 =	vne.s32 v26, v15;
	v35 =	vmin.u32 v56, v59  }
0x1cf: {  	v18 =	vld [tilespmem:s2+$0x18700];
	vm1 =	vmand vm2, vm1;
	v39 =	vsel vm2, $0x0, v0;
	v23 =	vsub.s32 v31, v14  }
0x1d0: {  	s17 =	sor.u32 s18, s19;
	[tilespmem:s24+$0x19F00] =	vst v39;
	v63 =	vsub.s32 $0x0, v23;
	v21 =	vnsel vm2, $0x0, v21;
	v28 =	vld.idx.msk [tilespmem:v57+s13+$0x0], $0xffff;
	vm14 =	veq.s32 v17, v62  }
0x1d1: {  	v24 =	vld.idx.msk [tilespmem:v24+s20+$0x0], $0xffff;
	v33 =	vmin.u32 v23, v63;
	[tilespmem:s17+$0x0] =	vst v21;
	vm2 =	veq.s32 v13, v61;
	v26 =	vsel vm14, $0x0, v0  }
0x1d2: {  	v29 =	vcvt.s32.f32 v29;
	v41 =	vld.idx.msk [tilespmem:v36+s13+$0x0], $0xffff;
	v42 =	vsel vm2, $0x0, v0;
	[tilespmem:s26+$0x1A180] =	vst v26  }
0x1d3: {  	v35 =	vld.idx.msk [tilespmem:v35+s13+$0x0], $0xffff;
	[tilespmem:s10+$0x19F00] =	vst v42  }
0x1d4: {  	s19 =	sadd.s32 $0x2, s9;
	s24 =	sadd.s32 $0x1AD80, s29;
	v29 =	vand.u32 $0x80000000, v29;
	v21 =	vcvt.s32.f32 v58;
	v43 =	vld.idx.msk [tilespmem:v31+s20+$0x0], $0xffff;
	s14 =	sld [smem:$0x7EB]  }
0x1d5: {  	s21 =	sand.u32 $0x7, s19;
	s16 =	sor.u32 s11, s24;
	vm4 =	vmand vm14, vm5;
	v26 =	vor.u32 v29, v2;
	s26 =	sadd.s32 $0x1B980, s29;
	v28 =	vnsel vm14, $0x0, v28  }
0x1d6: {  	v25 =	vcvt.s32.f32 v25;
	s1 =	sshll.u32 s21, $0x4;
	vm15 =	veq.s32 v12, v24;
	v24 =	vnsel vm4, $0x0, v26;
	v26 =	vld.idx.msk [tilespmem:v33+s13+$0x0], $0xffff;
	s17 =	sor.u32 s11, s26;
	[tilespmem:s16+$0x0] =	vst v28  }
0x1d7: {  	v23 =	vcvt.s32.f32 v23;
	v21 =	vand.u32 $0x80000000, v21;
	v28 =	vsel vm15, $0x0, v0;
	[tilespmem:s17+$0x0] =	vst v24;
	s1 =	sadd.s32 s14, s1  }
0x1d8: {  	s19 =	sor.u32 s8, s12;
	vm3 =	vmand vm15, vm3;
	v21 =	vor.u32 v21, v2;
	[tilespmem:s7+$0x1A180] =	vst v28;
	v28 =	vnsel vm15, $0x0, v41;
	s1 =	sadd.s32 $0x10, s1  }
0x1d9: {  	s21 =	sor.u32 s8, s15;
	v22 =	vsub.s32 v18, v7;
	v21 =	vnsel vm3, $0x0, v21;
	vm3 =	veq.s32 v16, v43;
	[tilespmem:s19+$0x0] =	vst v28;
	s1 =	sor.u32 $0x300, s1  }
0x1da: {  	vm8 =	vne.s32 v31, v14;
	[tilespmem:s21+$0x0] =	vst v21;
	v21 =	vand.u32 $0x80000000, v23;
	v23 =	vsel vm3, $0x0, v0;
	v29 =	vld [tilespmem:s1+$0x18700]  }
0x1db: {  	s3 =	sor.u32 s25, s24;
	v26 =	vnsel vm3, $0x0, v26;
	vm3 =	vmand vm3, vm8;
	[tilespmem:s4+$0x1A180] =	vst v23;
	v21 =	vor.u32 v21, v2  }
0x1dc: {  	v19 =	vld.idx.msk [tilespmem:v19+s20+$0x0], $0xffff;
	v20 =	vsub.s32 $0x0, v22;
	s24 =	sor.u32 s25, s26;
	v24 =	vcvt.s32.f32 v56;
	s4 =	sadd.s32 $0x1AE00, s23;
	s12 =	rddreg [dreg:$0x1c];
	[tilespmem:s3+$0x0] =	vst v26;
	v21 =	vnsel vm3, $0x0, v21  }
0x1dd: {  	v20 =	vmin.u32 v22, v20;
	s26 =	sor.u32 s5, s4;
	v23 =	vld [tilespmem:s12+$0x18700];
	[tilespmem:s24+$0x0] =	vst v21;
	v21 =	vnsel vm2, $0x0, v35  }
0x1de: {  	v25 =	vand.u32 $0x80000000, v25;
	vm9 =	vne.s32 v27, v11;
	v24 =	vand.u32 $0x80000000, v24;
	v26 =	vld.idx.msk [tilespmem:v18+s20+$0x0], $0xffff;
	[tilespmem:s26+$0x0] =	vst v21  }
0x1df: {  	v24 =	vor.u32 v24, v2;
	s3 =	sadd.s32 $0x1BA00, s23;
	vm2 =	vmand vm2, vm9;
	s7 =	rddreg [dreg:$0xf];
	v27 =	vsub.s32 v29, v15  }
0x1e0: {  	v21 =	vor.u32 v25, v2;
	v24 =	vnsel vm2, $0x0, v24;
	s15 =	rddreg [dreg:$0x1d];
	s6 =	sor.u32 s7, s6;
	s7 =	sor.u32 s5, s3;
	v25 =	vsub.s32 $0x0, v27  }
0x1e1: {  	v22 =	vcvt.s32.f32 v22;
	v28 =	vld [tilespmem:s15+$0x18700];
	[tilespmem:s7+$0x0] =	vst v24;
	v24 =	vmin.u32 v27, v25  }
0x1e2: {  	v20 =	vld.idx.msk [tilespmem:v20+s13+$0x0], $0xffff;
	v21 =	vnsel vm1, $0x0, v21;
	vm1 =	veq.s32 v4, v19;
	v19 =	vsub.s32 v23, v10  }
0x1e3: {  	vm2 =	veq.s32 v9, v26;
	v9 =	vand.u32 $0x80000000, v22;
	v22 =	vsub.s32 $0x0, v19  }
0x1e4: {  	v8 =	vsub.s32 $0x0, v30;
	vm3 =	vne.s32 v18, v7;
	v18 =	vmin.u32 v19, v22;
	v22 =	vld.idx.msk [tilespmem:v29+s20+$0x0], $0xffff  }
0x1e5: {  	v8 =	vmin.u32 v30, v8;
	v30 =	vcvt.s32.f32 v30;
	v7 =	vsel vm2, $0x0, v0  }
0x1e6: {  	v9 =	vor.u32 v9, v2;
	vm3 =	vmand vm2, vm3;
	v26 =	vsub.s32 v28, v14;
	v24 =	vld.idx.msk [tilespmem:v24+s13+$0x0], $0xffff  }
0x1e7: {  	s16 =	sor.u32 s18, s0;
	s0 =	sor.u32 $0x380, s6;
	v20 =	vnsel vm2, $0x0, v20;
	v25 =	vand.u32 $0x80000000, v30;
	v44 =	vld.idx.msk [tilespmem:v23+s20+$0x0], $0xffff;
	v30 =	vsub.s32 $0x0, v26  }
0x1e8: {  	v4 =	vld [tilespmem:s0+$0x18700];
	vm10 =	vne.s32 v23, v10;
	v27 =	vcvt.s32.f32 v27;
	v30 =	vmin.u32 v26, v30  }
0x1e9: {  	[tilespmem:s16+$0x0] =	vst v21;
	v9 =	vnsel vm3, $0x0, v9;
	vm3 =	vne.s32 v29, v15;
	v18 =	vld.idx.msk [tilespmem:v18+s13+$0x0], $0xffff;
	vm2 =	veq.s32 v17, v22  }
0x1ea: {  	s17 =	sadd.s32 $0x1AE00, s29;
	s10 =	rddreg [dreg:$0x16];
	[tilespmem:s2+$0x19F00] =	vst v7;
	v19 =	vcvt.s32.f32 v19;
	v7 =	vand.u32 $0x80000000, v27;
	v27 =	vld.idx.msk [tilespmem:v28+s20+$0x0], $0xffff;
	v22 =	vsel vm2, $0x0, v0  }
0x1eb: {  	s19 =	sadd.s32 $0x1BA00, s29;
	s21 =	sor.u32 s11, s17;
	v7 =	vor.u32 v7, v2;
	[tilespmem:s1+$0x19F00] =	vst v22;
	v22 =	vnsel vm2, $0x0, v24;
	vm2 =	vmand vm2, vm3  }
0x1ec: {  	s24 =	sor.u32 s11, s19;
	v21 =	vld [tilespmem:s10+$0x18700];
	v19 =	vand.u32 $0x80000000, v19;
	vm3 =	veq.s32 v12, v44;
	[tilespmem:s21+$0x0] =	vst v22;
	v7 =	vnsel vm2, $0x0, v7  }
0x1ed: {  	v31 =	vsub.s32 v4, v11;
	v22 =	vld.idx.msk [tilespmem:v30+s13+$0x0], $0xffff;
	vm2 =	vmand vm3, vm10;
	v23 =	vsel vm3, $0x0, v0;
	[tilespmem:s24+$0x0] =	vst v7  }
0x1ee: {  	s4 =	sor.u32 s8, s4;
	v18 =	vnsel vm3, $0x0, v18;
	v7 =	vor.u32 v19, v2;
	[tilespmem:s12+$0x19F00] =	vst v23;
	v23 =	vcvt.s32.f32 v26  }
0x1ef: {  	s26 =	sor.u32 s28, s14;
	s3 =	sor.u32 s8, s3;
	v45 =	vsub.s32 $0x0, v31;
	v7 =	vnsel vm2, $0x0, v7;
	[tilespmem:s4+$0x0] =	vst v18;
	vm2 =	veq.s32 v16, v27  }
0x1f0: {  	v8 =	vld.idx.msk [tilespmem:v8+s13+$0x0], $0xffff;
	s28 =	sadd.s32 $0x1AE80, s31;
	v33 =	vmin.u32 v31, v45;
	s1 =	sor.u32 $0x380, s26;
	[tilespmem:s3+$0x0] =	vst v7;
	v7 =	vand.u32 $0x80000000, v23;
	v23 =	vsel vm2, $0x0, v0  }
0x1f1: {  	v46 =	vsub.s32 v21, v6;
	vm3 =	vne.s32 v28, v14;
	v19 =	vld [tilespmem:s1+$0x18700];
	s7 =	rddreg [dreg:$0x15];
	[tilespmem:s15+$0x19F00] =	vst v23;
	s15 =	sor.u32 s22, s28  }
0x1f2: {  	s2 =	sor.u32 s25, s17;
	vm3 =	vmand vm2, vm3;
	v7 =	vor.u32 v7, v2;
	v22 =	vnsel vm2, $0x0, v22;
	[tilespmem:s15+$0x0] =	vst v20  }
0x1f3: {  	s14 =	sadd.s32 $0x1BA80, s31;
	v24 =	vsub.s32 $0x0, v46;
	s12 =	sor.u32 s25, s19;
	v18 =	vld.idx.msk [tilespmem:v4+s20+$0x0], $0xffff;
	v7 =	vnsel vm3, $0x0, v7;
	[tilespmem:s2+$0x0] =	vst v22  }
0x1f4: {  	vm0 =	vmand vm1, vm0;
	s16 =	sor.u32 s22, s14;
	v24 =	vmin.u32 v46, v24;
	v26 =	vld [tilespmem:s7+$0x18700];
	[tilespmem:s12+$0x0] =	vst v7  }
0x1f5: {  	v8 =	vnsel vm1, $0x0, v8;
	v23 =	vor.u32 v25, v2;
	v25 =	vld.idx.msk [tilespmem:v33+s13+$0x0], $0xffff;
	v22 =	vsel vm1, $0x0, v0;
	s17 =	rddreg [dreg:$0x17];
	[tilespmem:s16+$0x0] =	vst v9  }
0x1f6: {  	v20 =	vcvt.s32.f32 v46;
	vm2 =	vne.s32 v4, v11;
	v27 =	vsub.s32 v19, v15;
	v9 =	vld.idx.msk [tilespmem:v21+s20+$0x0], $0xffff;
	[tilespmem:s30+$0x19F00] =	vst v22  }
0x1f7: {  	v7 =	vnsel vm0, $0x0, v23;
	vm0 =	vne.s32 v21, v6;
	v23 =	vsub.s32 $0x0, v27;
	v28 =	vld [tilespmem:s17+$0x18700];
	s4 =	rddreg [dreg:$0x11]  }
0x1f8: {  	v6 =	vcvt.s32.f32 v31;
	v20 =	vand.u32 $0x80000000, v20;
	v21 =	vmin.u32 v27, v23;
	[tilespmem:s4+$0x0] =	vst v8  }
0x1f9: {  	v4 =	vld.idx.msk [tilespmem:v24+s13+$0x0], $0xffff;
	vm1 =	veq.s32 v13, v18;
	v20 =	vor.u32 v20, v2;
	v13 =	vsub.s32 v26, v10;
	s4 =	rddreg [dreg:$0x10]  }
0x1fa: {  	v6 =	vand.u32 $0x80000000, v6;
	v11 =	vld.idx.msk [tilespmem:v19+s20+$0x0], $0xffff;
	v8 =	vsub.s32 $0x0, v13;
	[tilespmem:s4+$0x0] =	vst v7;
	v7 =	vsel vm1, $0x0, v0  }
0x1fb: {  	s19 =	sadd.s32 $0x1AE80, s23;
	v6 =	vor.u32 v6, v2;
	v8 =	vmin.u32 v13, v8;
	[tilespmem:s0+$0x19F00] =	vst v7;
	v7 =	vnsel vm1, $0x0, v25  }
0x1fc: {  	s21 =	sadd.s32 $0x1BA80, s23;
	s22 =	sor.u32 s5, s19;
	vm1 =	vmand vm1, vm2;
	vm2 =	veq.s32 v5, v9;
	v18 =	vsub.s32 v28, v14  }
0x1fd: {  	s23 =	sor.u32 s5, s21;
	[tilespmem:s22+$0x0] =	vst v7;
	v5 =	vnsel vm1, $0x0, v6;
	v6 =	vld.idx.msk [tilespmem:v21+s13+$0x0], $0xffff;
	vm0 =	vmand vm2, vm0;
	v7 =	vsub.s32 $0x0, v18  }
0x1fe: {  	v9 =	vld.idx.msk [tilespmem:v26+s20+$0x0], $0xffff;
	v4 =	vnsel vm2, $0x0, v4;
	[tilespmem:s23+$0x0] =	vst v5;
	v5 =	vsel vm2, $0x0, v0;
	v7 =	vmin.u32 v18, v7  }
0x1ff: {  	s24 =	sor.u32 s18, s28;
	v20 =	vnsel vm0, $0x0, v20;
	vm0 =	veq.s32 v17, v11;
	[tilespmem:s10+$0x19F00] =	vst v5;
	v5 =	vcvt.s32.f32 v27  }
0x200: {  	v11 =	vsel vm0, $0x0, v0;
	[tilespmem:s24+$0x0] =	vst v4;
	v8 =	vld.idx.msk [tilespmem:v8+s13+$0x0], $0xffff  }
0x201: {  	s26 =	sadd.s32 $0x1AE80, s29;
	s2 =	sor.u32 s18, s14;
	vm1 =	vne.s32 v19, v15;
	v4 =	vcvt.s32.f32 v13;
	v13 =	vld.idx.msk [tilespmem:v28+s20+$0x0], $0xffff;
	[tilespmem:s1+$0x19F00] =	vst v11;
	v5 =	vand.u32 $0x80000000, v5  }
0x202: {  	s28 =	sadd.s32 $0x1BA80, s29;
	s29 =	sor.u32 s11, s26;
	[tilespmem:s2+$0x0] =	vst v20;
	v5 =	vor.u32 v5, v2;
	v6 =	vnsel vm0, $0x0, v6;
	vm0 =	vmand vm0, vm1  }
0x203: {  	s3 =	sor.u32 s11, s28;
	vm2 =	veq.s32 v12, v9;
	vm1 =	vne.s32 v26, v10;
	[tilespmem:s29+$0x0] =	vst v6;
	v5 =	vnsel vm0, $0x0, v5;
	v6 =	vld.idx.msk [tilespmem:v7+s13+$0x0], $0xffff  }
0x204: {  	v4 =	vand.u32 $0x80000000, v4;
	vm0 =	vmand vm2, vm1;
	[tilespmem:s3+$0x0] =	vst v5;
	v5 =	vsel vm2, $0x0, v0  }
0x205: {  	s5 =	sor.u32 s8, s19;
	v4 =	vor.u32 v4, v2;
	v7 =	vnsel vm2, $0x0, v8;
	[tilespmem:s7+$0x19F00] =	vst v5;
	v5 =	vcvt.s32.f32 v18  }
0x206: {  	v4 =	vnsel vm0, $0x0, v4;
	s7 =	sor.u32 s8, s21;
	vm0 =	veq.s32 v16, v13;
	[tilespmem:s5+$0x0] =	vst v7  }
0x207: {  	vm1 =	vne.s32 v28, v14;
	[tilespmem:s7+$0x0] =	vst v4;
	v4 =	vand.u32 $0x80000000, v5;
	v5 =	vsel vm0, $0x0, v0  }
0x208: {  	s0 =	sor.u32 s25, s26;
	vm1 =	vmand vm0, vm1;
	v4 =	vor.u32 v4, v2;
	[tilespmem:s17+$0x19F00] =	vst v5;
	v6 =	vnsel vm0, $0x0, v6  }
0x209: {  	s8 =	sor.u32 s25, s28;
	v4 =	vnsel vm1, $0x0, v4;
	[tilespmem:s0+$0x0] =	vst v6  }
0x20a: {  	[tilespmem:s8+$0x0] =	vst v4  }
0x20b: {  	s0 =	sld [smem:$0x7F3]  }
0x20c: {  	s1 =	sld [smem:$0x7EE];
	_ =	sdelay $0x1  }
0x20d: {  	s9 =	simm.s32 $0xC00;
	s11 =	simm.s32 $0x19F00;
	s12 =	sld [smem:$0x7EA]  }
0x20e: {  	s10 =	simm.s32 $0x187000;
	s0 =	sadd.s32 s1, s0;
	s1 =	sld [smem:$0x7ED]  }
0x20f: {  	[hbm4b:s0+s9] =	stream.strided.scatter [tilespmem:s11], [sflag:$0x5], $0x2400, s10, s9, $0x38;
	[tilespmem:$0x1E700] =	vst v63  }
0x210: {  	s0 =	sld [smem:$0x7F4];
	_ =	sdelay $0x1  }
0x211: {  	s14 =	simm.s32 $0x4;
	p3 =	seq.s32 s12, $0x7  }
0x212: {  	s2 =	simm.s32 @!p3 $0x18700;
	s0 =	sadd.s32 @!p3 s1, s0;
	s1 =	simm.s32 @!p3 $0x0  }
0x213: {  	[tilespmem:s2], [sflag:$0x3] =	stream.linear.gather @!p3 [hbm4b:s0+s1], $0xC00, $0x38;
	[tilespmem:$0x1E700] =	vst v63  }
0x214: {  	_ =	swait.ge [sflag:s14], $0xC00  }
0x215: {  	[sflag:s14] =	ssyncset.done $0x0  }
0x216: {  	s0 =	simm.s32 @!p2 $0x6;
	[sflag:s14] =	ssyncadd.s32 $0xFFFFF400  }
0x217: {  	s15 =	simm.s32 $0x0;
	s3 =	simm.s32 $0x10;
	_ =	swait.ge @!p2 [sflag:s0], $0x2400  }
0x218: {  	s15 =	sand.u32 $0xC00, s15;
	s25 =	sand.u32 $0x70, s3;
	[sflag:s0] =	ssyncset.done @!p2 $0x0  }
0x219: {  	s6 =	sor.u32 s25, s15;
	[sflag:s0] =	ssyncadd.s32 @!p2 $0xFFFFDC00  }
0x21a: {  	v5 =	vld [tilespmem:s6+$0x19300]  }
0x21b: {  	s16 =	rddreg [dreg:$0x5]  }
0x21c: {  	s17 =	sadd.s32 $0x0, s16  }
0x21d: {  	s18 =	sadd.s32 $0x190, s17  }
0x21e: {  	s21 =	simm.s32 $0x0;
	v14 =	vor.u32 s18, v1  }
0x21f: {  	s19 =	sand.u32 $0x60, s21;
	v4 =	vsub.s32 v5, v14  }
0x220: {  	s1 =	sor.u32 s19, s15;
	v6 =	vsub.s32 $0x0, v4  }
0x221: {  	v7 =	vld [tilespmem:s1+$0x19300];
	s4 =	sand.u32 $0x3FF80, s18;
	v6 =	vmin.u32 v4, v6  }
0x222: {  	s4 =	sor.u32 s25, s4  }
0x223: {  	v15 =	vld [tilespmem:s4+$0x0]  }
0x224: {  	s0 =	sadd.s32 $0x180, s17;
	v9 =	vld.idx.msk [tilespmem:v5+s20+$0x0], $0xffff  }
0x225: {  	v8 =	vor.u32 s0, v1  }
0x226: {  	v10 =	vsub.s32 v7, v8;
	v6 =	vld.idx.msk [tilespmem:v6+s13+$0x0], $0xffff  }
0x227: {  	v11 =	vsub.s32 $0x0, v10  }
0x228: {  	s0 =	sand.u32 $0x3FF80, s0;
	v12 =	vcvt.s32.f32 v4;
	v11 =	vmin.u32 v10, v11  }
0x229: {  	s0 =	sor.u32 s19, s0;
	vm0 =	veq.s32 v15, v9  }
0x22a: {  	s22 =	sadd.s32 $0x1CF00, s15;
	vm1 =	vne.s32 v5, v14;
	v4 =	vld [tilespmem:s0+$0x0];
	v9 =	vand.u32 $0x80000000, v12;
	v5 =	vsel vm0, $0x0, v0  }
0x22b: {  	s23 =	sadd.s32 $0x1DB00, s15;
	s24 =	sor.u32 s25, s22;
	v12 =	vld.idx.msk [tilespmem:v7+s20+$0x0], $0xffff;
	v9 =	vor.u32 v9, v2;
	[tilespmem:s6+$0x1C300] =	vst v5;
	v5 =	vnsel vm0, $0x0, v6;
	vm0 =	vmand vm0, vm1  }
0x22c: {  	s26 =	sor.u32 s25, s23;
	[tilespmem:s24+$0x0] =	vst v5;
	v5 =	vnsel vm0, $0x0, v9  }
0x22d: {  	v6 =	vld.idx.msk [tilespmem:v11+s13+$0x0], $0xffff;
	[tilespmem:s26+$0x0] =	vst v5  }
0x22e: {  	v5 =	vld [tilespmem:s6+$0x19380]  }
0x22f: {  	v9 =	vcvt.s32.f32 v10  }
0x230: {  	vm0 =	veq.s32 v4, v12  }
0x231: {  	vm1 =	vne.s32 v7, v8;
	v7 =	vand.u32 $0x80000000, v9;
	v9 =	vsel vm0, $0x0, v0  }
0x232: {  	s0 =	sor.u32 s19, s22;
	v7 =	vor.u32 v7, v2;
	[tilespmem:s1+$0x1C300] =	vst v9;
	v6 =	vnsel vm0, $0x0, v6;
	vm0 =	vmand vm0, vm1  }
0x233: {  	s4 =	sor.u32 s19, s23;
	v7 =	vnsel vm0, $0x0, v7;
	[tilespmem:s0+$0x0] =	vst v6;
	v9 =	vsub.s32 v5, v14  }
0x234: {  	[tilespmem:s4+$0x0] =	vst v7;
	v6 =	vsub.s32 $0x0, v9  }
0x235: {  	v7 =	vld [tilespmem:s1+$0x19380];
	v6 =	vmin.u32 v9, v6;
	_ =	sdelay $0x2  }
0x236: {  	v10 =	vld.idx.msk [tilespmem:v5+s20+$0x0], $0xffff;
	_ =	sdelay $0x1  }
0x237: {  	v11 =	vsub.s32 v7, v8;
	v6 =	vld.idx.msk [tilespmem:v6+s13+$0x0], $0xffff  }
0x238: {  	v12 =	vsub.s32 $0x0, v11  }
0x239: {  	v9 =	vcvt.s32.f32 v9;
	v12 =	vmin.u32 v11, v12  }
0x23a: {  	vm0 =	veq.s32 v15, v10  }
0x23b: {  	s28 =	sadd.s32 $0x1CF80, s15;
	vm1 =	vne.s32 v5, v14;
	v9 =	vand.u32 $0x80000000, v9;
	v5 =	vsel vm0, $0x0, v0  }
0x23c: {  	s29 =	sadd.s32 $0x1DB80, s15;
	s2 =	sor.u32 s25, s28;
	v9 =	vor.u32 v9, v2;
	[tilespmem:s6+$0x1C380] =	vst v5;
	v5 =	vnsel vm0, $0x0, v6;
	vm0 =	vmand vm0, vm1  }
0x23d: {  	s7 =	sor.u32 s25, s29;
	v6 =	vld.idx.msk [tilespmem:v7+s20+$0x0], $0xffff;
	[tilespmem:s2+$0x0] =	vst v5;
	v5 =	vnsel vm0, $0x0, v9  }
0x23e: {  	v9 =	vld.idx.msk [tilespmem:v12+s13+$0x0], $0xffff;
	[tilespmem:s7+$0x0] =	vst v5  }
0x23f: {  	v5 =	vld [tilespmem:s6+$0x19400]  }
0x240: {  	v10 =	vcvt.s32.f32 v11;
	_ =	sdelay $0x1  }
0x241: {  	v10 =	vand.u32 $0x80000000, v10;
	vm0 =	veq.s32 v4, v6  }
0x242: {  	vm1 =	vne.s32 v7, v8;
	v6 =	vor.u32 v10, v2;
	v7 =	vsel vm0, $0x0, v0  }
0x243: {  	s0 =	sor.u32 s19, s28;
	v9 =	vnsel vm0, $0x0, v9;
	vm0 =	vmand vm0, vm1;
	[tilespmem:s1+$0x1C380] =	vst v7;
	v7 =	vsub.s32 v5, v14  }
0x244: {  	s4 =	sor.u32 s19, s29;
	v6 =	vnsel vm0, $0x0, v6;
	[tilespmem:s0+$0x0] =	vst v9;
	v9 =	vsub.s32 $0x0, v7  }
0x245: {  	[tilespmem:s4+$0x0] =	vst v6;
	v6 =	vmin.u32 v7, v9;
	_ =	sdelay $0x2  }
0x246: {  	v10 =	vld.idx.msk [tilespmem:v5+s20+$0x0], $0xffff  }
0x247: {  	v9 =	vld [tilespmem:s1+$0x19400]  }
0x248: {  	v6 =	vld.idx.msk [tilespmem:v6+s13+$0x0], $0xffff  }
0x249: {  	s8 =	simm.s32 $0x100;
	s11 =	simm.s32 $0x30;
	v7 =	vcvt.s32.f32 v7  }
0x24a: {  	s23 =	sand.u32 $0x70, s11;
	s2 =	sand.u32 $0xC00, s8  }
0x24b: {  	s31 =	sor.u32 s23, s2;
	vm1 =	vne.s32 v5, v14;
	v7 =	vand.u32 $0x80000000, v7;
	vm0 =	veq.s32 v15, v10  }
0x24c: {  	s12 =	sor.u32 $0x1D000, s15;
	v7 =	vor.u32 v7, v2;
	v11 =	vsub.s32 v9, v8;
	v10 =	vld [tilespmem:s31+$0x19300];
	v5 =	vsel vm0, $0x0, v0  }
0x24d: {  	s14 =	sor.u32 s25, s12;
	s9 =	smov.u32 s16;
	s4 =	sadd.s32 $0x1DC00, s15;
	v12 =	vsub.s32 $0x0, v11;
	[tilespmem:s6+$0x1C400] =	vst v5;
	v5 =	vnsel vm0, $0x0, v6;
	vm0 =	vmand vm0, vm1  }
0x24e: {  	s17 =	sor.u32 s3, s15;
	s18 =	sadd.s32 $0x20, s9;
	s16 =	sor.u32 s25, s4;
	v12 =	vmin.u32 v11, v12;
	[tilespmem:s14+$0x0] =	vst v5;
	v5 =	vnsel vm0, $0x0, v7  }
0x24f: {  	s5 =	sor.u32 $0x180, s17;
	s22 =	simm.s32 $0x20;
	s24 =	sadd.s32 $0x190, s18;
	[tilespmem:s16+$0x0] =	vst v5  }
0x250: {  	s22 =	sand.u32 $0x60, s22;
	v7 =	vor.u32 s24, v1;
	v13 =	vld [tilespmem:s5+$0x19300]  }
0x251: {  	s28 =	sor.u32 s22, s2;
	v5 =	vld.idx.msk [tilespmem:v9+s20+$0x0], $0xffff;
	v16 =	vsub.s32 v10, v7  }
0x252: {  	v6 =	vcvt.s32.f32 v11;
	v11 =	vld [tilespmem:s28+$0x19300];
	v17 =	vsub.s32 $0x0, v16  }
0x253: {  	s7 =	sand.u32 $0x3FF80, s24;
	v12 =	vld.idx.msk [tilespmem:v12+s13+$0x0], $0xffff;
	v17 =	vmin.u32 v16, v17  }
0x254: {  	s7 =	sor.u32 s23, s7  }
0x255: {  	vm0 =	vne.s32 v9, v8;
	v6 =	vand.u32 $0x80000000, v6;
	v9 =	vld [tilespmem:s7+$0x0];
	v18 =	vsub.s32 v13, v14  }
0x256: {  	s8 =	sadd.s32 $0x180, s18;
	v19 =	vor.u32 v6, v2;
	v20 =	vld.idx.msk [tilespmem:v10+s20+$0x0], $0xffff;
	vm1 =	veq.s32 v4, v5;
	v5 =	vsub.s32 $0x0, v18  }
0x257: {  	s26 =	sand.u32 $0x3FF80, s8;
	v6 =	vor.u32 s8, v1;
	v21 =	vsel vm1, $0x0, v0;
	v22 =	vmin.u32 v18, v5  }
0x258: {  	s10 =	simm.s32 $0x0;
	s29 =	sor.u32 s22, s26;
	s0 =	sor.u32 s19, s12;
	vm0 =	vmand vm1, vm0;
	v12 =	vnsel vm1, $0x0, v12;
	[tilespmem:s1+$0x1C400] =	vst v21;
	v21 =	vsub.s32 v11, v6;
	v17 =	vld.idx.msk [tilespmem:v17+s13+$0x0], $0xffff  }
0x259: {  	s4 =	sor.u32 s19, s4;
	s8 =	sor.u32 s15, s10;
	v16 =	vcvt.s32.f32 v16;
	v5 =	vld [tilespmem:s29+$0x0];
	[tilespmem:s0+$0x0] =	vst v12;
	v12 =	vnsel vm0, $0x0, v19;
	v19 =	vsub.s32 $0x0, v21  }
0x25a: {  	s0 =	sor.u32 $0x180, s8;
	[tilespmem:s4+$0x0] =	vst v12;
	v12 =	vmin.u32 v21, v19;
	v19 =	vld.idx.msk [tilespmem:v13+s20+$0x0], $0xffff  }
0x25b: {  	vm2 =	vne.s32 v10, v7;
	v16 =	vand.u32 $0x80000000, v16;
	vm1 =	veq.s32 v9, v20;
	v23 =	vld [tilespmem:s0+$0x19300]  }
0x25c: {  	s14 =	smov.u32 s9;
	s9 =	sadd.s32 $0x1CF00, s2;
	v16 =	vor.u32 v16, v2;
	vm0 =	vne.s32 v11, v6;
	v10 =	vsel vm1, $0x0, v0;
	v22 =	vld.idx.msk [tilespmem:v22+s13+$0x0], $0xffff  }
0x25d: {  	s16 =	sor.u32 s23, s9;
	s10 =	sadd.s32 $0x1DB00, s2;
	v11 =	vld.idx.msk [tilespmem:v11+s20+$0x0], $0xffff;
	[tilespmem:s31+$0x1C300] =	vst v10;
	v10 =	vnsel vm1, $0x0, v17;
	vm1 =	vmand vm1, vm2;
	v17 =	vcvt.s32.f32 v18  }
0x25e: {  	s17 =	sor.u32 s23, s10;
	[tilespmem:s16+$0x0] =	vst v10;
	v10 =	vnsel vm1, $0x0, v16  }
0x25f: {  	vm2 =	vne.s32 v13, v14;
	v12 =	vld.idx.msk [tilespmem:v12+s13+$0x0], $0xffff;
	vm1 =	veq.s32 v15, v19;
	[tilespmem:s17+$0x0] =	vst v10;
	v13 =	vand.u32 $0x80000000, v17  }
0x260: {  	s18 =	sor.u32 $0x1D080, s15;
	v18 =	vcvt.s32.f32 v21;
	v10 =	vsel vm1, $0x0, v0;
	v16 =	vld [tilespmem:s31+$0x19380];
	v13 =	vor.u32 v13, v2  }
0x261: {  	s26 =	sadd.s32 $0x1DC80, s15;
	s24 =	sor.u32 s25, s18;
	v17 =	vsub.s32 v23, v8;
	[tilespmem:s5+$0x1C300] =	vst v10;
	v10 =	vnsel vm1, $0x0, v22;
	vm1 =	vmand vm1, vm2  }
0x262: {  	s29 =	sor.u32 s25, s26;
	vm2 =	veq.s32 v5, v11;
	[tilespmem:s24+$0x0] =	vst v10;
	v10 =	vnsel vm1, $0x0, v13;
	v13 =	vsub.s32 $0x0, v17  }
0x263: {  	v11 =	vand.u32 $0x80000000, v18;
	v18 =	vsel vm2, $0x0, v0;
	[tilespmem:s29+$0x0] =	vst v10;
	v13 =	vmin.u32 v17, v13  }
0x264: {  	s4 =	sor.u32 s22, s9;
	vm0 =	vmand vm2, vm0;
	v10 =	vor.u32 v11, v2;
	v11 =	vnsel vm2, $0x0, v12;
	[tilespmem:s28+$0x1C300] =	vst v18;
	v12 =	vld [tilespmem:s6+$0x19500]  }
0x265: {  	s7 =	sor.u32 s22, s10;
	v10 =	vnsel vm0, $0x0, v10;
	[tilespmem:s4+$0x0] =	vst v11;
	v11 =	vsub.s32 v16, v7  }
0x266: {  	v19 =	vld.idx.msk [tilespmem:v23+s20+$0x0], $0xffff;
	[tilespmem:s7+$0x0] =	vst v10;
	v10 =	vsub.s32 $0x0, v11  }
0x267: {  	v18 =	vld [tilespmem:s28+$0x19380];
	v10 =	vmin.u32 v11, v10  }
0x268: {  	v17 =	vcvt.s32.f32 v17;
	v13 =	vld.idx.msk [tilespmem:v13+s13+$0x0], $0xffff  }
0x269: {  	v20 =	vsub.s32 v12, v14  }
0x26a: {  	vm0 =	vne.s32 v23, v8;
	v17 =	vand.u32 $0x80000000, v17;
	v22 =	vld.idx.msk [tilespmem:v16+s20+$0x0], $0xffff;
	v21 =	vsub.s32 $0x0, v20  }
0x26b: {  	vm1 =	veq.s32 v4, v19;
	v11 =	vcvt.s32.f32 v11;
	v21 =	vmin.u32 v20, v21  }
0x26c: {  	v17 =	vor.u32 v17, v2;
	v24 =	vsel vm1, $0x0, v0;
	v23 =	vsub.s32 v18, v6;
	v10 =	vld.idx.msk [tilespmem:v10+s13+$0x0], $0xffff  }
0x26d: {  	s8 =	sor.u32 s19, s18;
	vm0 =	vmand vm1, vm0;
	[tilespmem:s0+$0x1C300] =	vst v24;
	v19 =	vsub.s32 $0x0, v23;
	v25 =	vld.idx.msk [tilespmem:v12+s20+$0x0], $0xffff;
	v13 =	vnsel vm1, $0x0, v13  }
0x26e: {  	s10 =	sor.u32 s19, s26;
	v17 =	vnsel vm0, $0x0, v17;
	v19 =	vmin.u32 v23, v19;
	[tilespmem:s8+$0x0] =	vst v13  }
0x26f: {  	v11 =	vand.u32 $0x80000000, v11;
	vm0 =	veq.s32 v9, v22;
	[tilespmem:s10+$0x0] =	vst v17;
	v17 =	vld.idx.msk [tilespmem:v18+s20+$0x0], $0xffff  }
0x270: {  	s16 =	sadd.s32 $0x1CF80, s2;
	v11 =	vor.u32 v11, v2;
	vm1 =	vne.s32 v16, v7;
	v16 =	vsel vm0, $0x0, v0;
	v13 =	vld.idx.msk [tilespmem:v21+s13+$0x0], $0xffff  }
0x271: {  	s17 =	sadd.s32 $0x1DB80, s2;
	s18 =	sor.u32 s23, s16;
	[tilespmem:s31+$0x1C380] =	vst v16;
	v16 =	vcvt.s32.f32 v20;
	v21 =	vld [tilespmem:s1+$0x19500];
	v10 =	vnsel vm0, $0x0, v10;
	vm0 =	vmand vm0, vm1  }
0x272: {  	s24 =	sor.u32 s23, s17;
	[tilespmem:s18+$0x0] =	vst v10;
	v10 =	vnsel vm0, $0x0, v11;
	vm0 =	veq.s32 v15, v25  }
0x273: {  	v16 =	vand.u32 $0x80000000, v16;
	v11 =	vld.idx.msk [tilespmem:v19+s13+$0x0], $0xffff;
	[tilespmem:s24+$0x0] =	vst v10;
	v10 =	vsel vm0, $0x0, v0  }
0x274: {  	s26 =	sor.u32 $0x1D100, s15;
	v20 =	vcvt.s32.f32 v23;
	vm1 =	vne.s32 v12, v14;
	[tilespmem:s6+$0x1C500] =	vst v10;
	v10 =	vor.u32 v16, v2  }
0x275: {  	s9 =	sor.u32 s25, s26;
	vm2 =	veq.s32 v5, v17;
	v12 =	vnsel vm0, $0x0, v13;
	vm0 =	vmand vm0, vm1;
	v13 =	vld [tilespmem:s31+$0x19400]  }
0x276: {  	s29 =	sadd.s32 $0x1DD00, s15;
	vm1 =	vne.s32 v18, v6;
	v16 =	vsub.s32 v21, v8;
	v17 =	vsel vm2, $0x0, v0;
	[tilespmem:s9+$0x0] =	vst v12  }
0x277: {  	s10 =	sor.u32 s25, s29;
	v10 =	vnsel vm0, $0x0, v10;
	v12 =	vand.u32 $0x80000000, v20;
	vm0 =	vmand vm2, vm1;
	[tilespmem:s28+$0x1C380] =	vst v17  }
0x278: {  	s0 =	sor.u32 s22, s16;
	[tilespmem:s10+$0x0] =	vst v10;
	v10 =	vor.u32 v12, v2;
	v11 =	vnsel vm2, $0x0, v11;
	v12 =	vsub.s32 $0x0, v16  }
0x279: {  	s4 =	sor.u32 s22, s17;
	v10 =	vnsel vm0, $0x0, v10;
	v17 =	vld [tilespmem:s6+$0x19580];
	[tilespmem:s0+$0x0] =	vst v11;
	v11 =	vmin.u32 v16, v12  }
0x27a: {  	[tilespmem:s4+$0x0] =	vst v10;
	v10 =	vsub.s32 v13, v7  }
0x27b: {  	v12 =	vld [tilespmem:s28+$0x19400];
	v19 =	vsub.s32 $0x0, v10  }
0x27c: {  	v18 =	vld.idx.msk [tilespmem:v21+s20+$0x0], $0xffff;
	v19 =	vmin.u32 v10, v19;
	_ =	sdelay $0x1  }
0x27d: {  	v20 =	vsub.s32 v17, v14;
	v11 =	vld.idx.msk [tilespmem:v11+s13+$0x0], $0xffff  }
0x27e: {  	v23 =	vld.idx.msk [tilespmem:v13+s20+$0x0], $0xffff;
	v22 =	vsub.s32 $0x0, v20  }
0x27f: {  	v16 =	vcvt.s32.f32 v16;
	v22 =	vmin.u32 v20, v22;
	v24 =	vsub.s32 v12, v6  }
0x280: {  	vm1 =	vne.s32 v21, v8;
	vm0 =	veq.s32 v4, v18;
	v18 =	vsub.s32 $0x0, v24;
	v19 =	vld.idx.msk [tilespmem:v19+s13+$0x0], $0xffff  }
0x281: {  	v16 =	vand.u32 $0x80000000, v16;
	v21 =	vsel vm0, $0x0, v0;
	v18 =	vmin.u32 v24, v18  }
0x282: {  	s12 =	simm.s32 $0x0;
	s16 =	sor.u32 s19, s26;
	v16 =	vor.u32 v16, v2;
	vm1 =	vmand vm0, vm1;
	[tilespmem:s1+$0x1C500] =	vst v21;
	v25 =	vld.idx.msk [tilespmem:v17+s20+$0x0], $0xffff;
	v11 =	vnsel vm0, $0x0, v11  }
0x283: {  	s12 =	sand.u32 $0x7, s12;
	s17 =	sor.u32 s19, s29;
	v10 =	vcvt.s32.f32 v10;
	v16 =	vnsel vm1, $0x0, v16;
	vm1 =	veq.s32 v9, v23;
	[tilespmem:s16+$0x0] =	vst v11;
	v11 =	vld.idx.msk [tilespmem:v12+s20+$0x0], $0xffff  }
0x284: {  	s29 =	simm.s32 $0x50;
	s18 =	simm.s32 $0x200;
	s10 =	sor.u32 $0x1D000, s2;
	vm0 =	vne.s32 v12, v6;
	v12 =	vsel vm1, $0x0, v0;
	v21 =	vld.idx.msk [tilespmem:v22+s13+$0x0], $0xffff;
	[tilespmem:s17+$0x0] =	vst v16  }
0x285: {  	s5 =	sand.u32 $0x70, s29;
	s24 =	sor.u32 s23, s10;
	vm2 =	vne.s32 v13, v7;
	v10 =	vand.u32 $0x80000000, v10;
	s16 =	sand.u32 $0xC00, s18;
	[tilespmem:s31+$0x1C400] =	vst v12;
	v12 =	vnsel vm1, $0x0, v19  }
0x286: {  	s8 =	simm.s32 $0x30;
	s4 =	sadd.s32 $0x1DC00, s2;
	v10 =	vor.u32 v10, v2;
	s18 =	sor.u32 s5, s16;
	v16 =	vcvt.s32.f32 v20;
	v13 =	vld.idx.msk [tilespmem:v18+s13+$0x0], $0xffff;
	vm1 =	vmand vm1, vm2;
	[tilespmem:s24+$0x0] =	vst v12  }
0x287: {  	s12 =	sshll.u32 s12, $0x4;
	s26 =	sor.u32 s23, s4;
	v18 =	vcvt.s32.f32 v24;
	v19 =	vld [tilespmem:s18+$0x19300];
	v10 =	vnsel vm1, $0x0, v10;
	vm1 =	veq.s32 v15, v25;
	[dreg:$0x9] =	wrdreg s8  }
0x288: {  	s12 =	sadd.s32 $0x0, s12;
	s7 =	sor.u32 $0x1D180, s15;
	s9 =	sadd.s32 $0x40, s14;
	vm2 =	vne.s32 v17, v14;
	v12 =	vsel vm1, $0x0, v0;
	[tilespmem:s26+$0x0] =	vst v10;
	v10 =	vand.u32 $0x80000000, v16  }
0x289: {  	s14 =	sor.u32 s11, s2;
	s17 =	sor.u32 s25, s7;
	[tilespmem:s6+$0x1C580] =	vst v12;
	v12 =	vnsel vm1, $0x0, v21;
	vm1 =	vmand vm1, vm2;
	s6 =	sadd.s32 $0x1DD80, s15;
	v10 =	vor.u32 v10, v2  }
0x28a: {  	s0 =	sor.u32 $0x180, s14;
	s24 =	sadd.s32 $0x190, s9;
	vm2 =	veq.s32 v5, v11;
	[tilespmem:s17+$0x0] =	vst v12;
	v12 =	vand.u32 $0x80000000, v18;
	s8 =	sor.u32 s25, s6;
	v10 =	vnsel vm1, $0x0, v10  }
0x28b: {  	s12 =	sadd.s32 $0x10, s12;
	v11 =	vor.u32 s24, v1;
	v17 =	vld [tilespmem:s0+$0x19300];
	[tilespmem:s8+$0x0] =	vst v10;
	v10 =	vor.u32 v12, v2;
	v12 =	vsel vm2, $0x0, v0  }
0x28c: {  	s12 =	sor.u32 $0x300, s12;
	s10 =	sor.u32 s22, s10;
	s17 =	simm.s32 $0x40;
	v18 =	vsub.s32 v19, v11;
	[tilespmem:s28+$0x1C400] =	vst v12;
	v12 =	vnsel vm2, $0x0, v13  }
0x28d: {  	s26 =	sand.u32 $0x60, s17;
	v20 =	vld [tilespmem:s12+$0x19300];
	[tilespmem:s10+$0x0] =	vst v12;
	v12 =	vsub.s32 $0x0, v18  }
0x28e: {  	v16 =	vld [tilespmem:s1+$0x19580];
	vm0 =	vmand vm2, vm0;
	s8 =	sor.u32 s26, s16;
	v12 =	vmin.u32 v18, v12  }
0x28f: {  	s21 =	simm.s32 $0x20;
	s4 =	sor.u32 s22, s4;
	s24 =	sand.u32 $0x3FF80, s24;
	v10 =	vnsel vm0, $0x0, v10;
	v21 =	vld [tilespmem:s8+$0x19300]  }
0x290: {  	s21 =	sor.u32 s2, s21;
	v27 =	vld.idx.msk [tilespmem:v19+s20+$0x0], $0xffff;
	[tilespmem:s4+$0x0] =	vst v10;
	v22 =	vsub.s32 v17, v7;
	s4 =	sor.u32 s5, s24  }
0x291: {  	s10 =	sor.u32 $0x180, s21;
	v10 =	vsub.s32 $0x0, v22;
	v13 =	vld [tilespmem:s4+$0x0]  }
0x292: {  	v18 =	vcvt.s32.f32 v18;
	v23 =	vld [tilespmem:s10+$0x19300];
	v25 =	vmin.u32 v22, v10;
	v28 =	vsub.s32 v20, v14  }
0x293: {  	s14 =	sadd.s32 $0x180, s9;
	vm2 =	vne.s32 v19, v11;
	v24 =	vsub.s32 v16, v8;
	v29 =	vsub.s32 $0x0, v28;
	v12 =	vld.idx.msk [tilespmem:v12+s13+$0x0], $0xffff  }
0x294: {  	v10 =	vor.u32 s14, v1;
	v18 =	vand.u32 $0x80000000, v18;
	v48 =	vld.idx.msk [tilespmem:v17+s20+$0x0], $0xffff;
	v29 =	vmin.u32 v28, v29  }
0x295: {  	v30 =	vsub.s32 v21, v10;
	vm0 =	vne.s32 v21, v10;
	v18 =	vor.u32 v18, v2;
	v51 =	vld.idx.msk [tilespmem:v20+s20+$0x0], $0xffff  }
0x296: {  	v31 =	vsub.s32 $0x0, v30;
	v49 =	vcvt.s32.f32 v30;
	vm1 =	veq.s32 v13, v27  }
0x297: {  	s4 =	sand.u32 $0x3FF80, s14;
	s14 =	sadd.s32 $0x1CF00, s16;
	v30 =	vmin.u32 v30, v31;
	v47 =	vsub.s32 v23, v6;
	v25 =	vld.idx.msk [tilespmem:v25+s13+$0x0], $0xffff;
	v19 =	vsel vm1, $0x0, v0  }
0x298: {  	s21 =	sadd.s32 $0x1DB00, s16;
	s17 =	sor.u32 s5, s14;
	v50 =	vsub.s32 $0x0, v47;
	[tilespmem:s18+$0x1C300] =	vst v19;
	v19 =	vnsel vm1, $0x0, v12;
	vm1 =	vmand vm1, vm2  }
0x299: {  	s24 =	sor.u32 s5, s21;
	s4 =	sor.u32 s26, s4;
	v27 =	vld.idx.msk [tilespmem:v29+s13+$0x0], $0xffff;
	vm2 =	vne.s32 v17, v7;
	[tilespmem:s17+$0x0] =	vst v19;
	v18 =	vnsel vm1, $0x0, v18;
	vm1 =	veq.s32 v9, v48  }
0x29a: {  	v12 =	vld [tilespmem:s4+$0x0];
	v19 =	vcvt.s32.f32 v22;
	vm3 =	veq.s32 v15, v51;
	[tilespmem:s24+$0x0] =	vst v18;
	v17 =	vsel vm1, $0x0, v0  }
0x29b: {  	vm11 =	vne.s32 v20, v14;
	v31 =	vmin.u32 v47, v50;
	v18 =	vld.idx.msk [tilespmem:v21+s20+$0x0], $0xffff;
	s24 =	sor.u32 $0x1D080, s2;
	v20 =	vsel vm3, $0x0, v0;
	[tilespmem:s0+$0x1C300] =	vst v17  }
0x29c: {  	v21 =	vcvt.s32.f32 v28;
	v17 =	vand.u32 $0x80000000, v19;
	v19 =	vnsel vm1, $0x0, v25;
	s9 =	sor.u32 s23, s24;
	[tilespmem:s12+$0x1C300] =	vst v20  }
0x29d: {  	v26 =	vsub.s32 $0x0, v24;
	s12 =	sadd.s32 $0x1DE00, s15;
	vm1 =	vmand vm1, vm2;
	[tilespmem:s9+$0x0] =	vst v19;
	v19 =	vld.idx.msk [tilespmem:v30+s13+$0x0], $0xffff;
	s9 =	sor.u32 $0x1D200, s15  }
0x29e: {  	v20 =	vld.idx.msk [tilespmem:v23+s20+$0x0], $0xffff;
	s0 =	sadd.s32 $0x1DC80, s2;
	v21 =	vand.u32 $0x80000000, v21;
	v17 =	vor.u32 v17, v2;
	v22 =	vnsel vm3, $0x0, v27;
	[smem:$0x7D6] =	sst s12;
	s17 =	sor.u32 s25, s9  }
0x29f: {  	s4 =	sor.u32 s25, s12;
	v21 =	vor.u32 v21, v2;
	vm3 =	vmand vm3, vm11;
	v17 =	vnsel vm1, $0x0, v17;
	s12 =	sor.u32 s23, s0;
	[tilespmem:s17+$0x0] =	vst v22  }
0x2a0: {  	v26 =	vmin.u32 v24, v26;
	v22 =	vld [tilespmem:s18+$0x19380];
	v21 =	vnsel vm3, $0x0, v21;
	[tilespmem:s12+$0x0] =	vst v17;
	vm3 =	veq.s32 v12, v18  }
0x2a1: {  	vm2 =	vne.s32 v23, v6;
	v17 =	vand.u32 $0x80000000, v49;
	[tilespmem:s4+$0x0] =	vst v21;
	v21 =	vld.idx.msk [tilespmem:v31+s13+$0x0], $0xffff;
	v23 =	vsel vm3, $0x0, v0  }
0x2a2: {  	s17 =	sor.u32 s26, s14;
	s14 =	simm.s32 $0x0;
	v17 =	vor.u32 v17, v2;
	vm0 =	vmand vm3, vm0;
	v19 =	vnsel vm3, $0x0, v19;
	[tilespmem:s8+$0x1C300] =	vst v23  }
0x2a3: {  	v25 =	vld.idx.msk [tilespmem:v16+s20+$0x0], $0xffff;
	s12 =	sor.u32 s26, s21;
	s3 =	sor.u32 s3, s14;
	v17 =	vnsel vm0, $0x0, v17;
	[tilespmem:s17+$0x0] =	vst v19  }
0x2a4: {  	v18 =	vcvt.s32.f32 v47;
	vm1 =	veq.s32 v5, v20;
	v19 =	vld [tilespmem:s31+$0x19500];
	s17 =	sor.u32 $0x380, s3;
	[tilespmem:s12+$0x0] =	vst v17  }
0x2a5: {  	v24 =	vcvt.s32.f32 v24;
	v23 =	vsel vm1, $0x0, v0;
	v17 =	vld.idx.msk [tilespmem:v26+s13+$0x0], $0xffff;
	v20 =	vsub.s32 v22, v11;
	[smem:$0x7D7] =	sst s17  }
0x2a6: {  	s24 =	sor.u32 s22, s24;
	s21 =	smov.u32 s8;
	v18 =	vand.u32 $0x80000000, v18;
	v26 =	vsub.s32 $0x0, v20;
	v21 =	vnsel vm1, $0x0, v21;
	[tilespmem:s10+$0x1C300] =	vst v23;
	v23 =	vld [tilespmem:s17+$0x19300]  }
0x2a7: {  	vm0 =	vmand vm1, vm2;
	v18 =	vor.u32 v18, v2;
	[tilespmem:s24+$0x0] =	vst v21;
	v21 =	vmin.u32 v20, v26;
	v26 =	vld [tilespmem:s21+$0x19380]  }
0x2a8: {  	v18 =	vnsel vm0, $0x0, v18;
	vm0 =	vne.s32 v16, v8  }
0x2a9: {  	v16 =	vand.u32 $0x80000000, v24;
	vm2 =	vne.s32 v22, v11;
	v24 =	vsub.s32 v19, v7  }
0x2aa: {  	s0 =	sor.u32 s22, s0;
	vm1 =	veq.s32 v4, v25;
	v16 =	vor.u32 v16, v2;
	v27 =	vsub.s32 $0x0, v24  }
0x2ab: {  	vm0 =	vmand vm1, vm0;
	v28 =	vsel vm1, $0x0, v0;
	[tilespmem:s0+$0x0] =	vst v18;
	v18 =	vld.idx.msk [tilespmem:v22+s20+$0x0], $0xffff;
	v27 =	vmin.u32 v24, v27  }
0x2ac: {  	v16 =	vnsel vm0, $0x0, v16;
	v20 =	vcvt.s32.f32 v20;
	v25 =	vld [tilespmem:s28+$0x19500];
	v31 =	vsub.s32 v26, v10  }
0x2ad: {  	v17 =	vnsel vm1, $0x0, v17;
	v29 =	vsub.s32 v23, v14;
	v21 =	vld.idx.msk [tilespmem:v21+s13+$0x0], $0xffff;
	v53 =	vsub.s32 $0x0, v31  }
0x2ae: {  	s4 =	sor.u32 s19, s7;
	[tilespmem:s1+$0x1C580] =	vst v28;
	v52 =	vld.idx.msk [tilespmem:v19+s20+$0x0], $0xffff;
	v30 =	vsub.s32 $0x0, v29;
	v54 =	vcvt.s32.f32 v31;
	v31 =	vmin.u32 v31, v53  }
0x2af: {  	vm3 =	vne.s32 v19, v7;
	[tilespmem:s4+$0x0] =	vst v17;
	v17 =	vand.u32 $0x80000000, v20;
	v30 =	vmin.u32 v29, v30;
	v55 =	vld.idx.msk [tilespmem:v23+s20+$0x0], $0xffff  }
0x2b0: {  	s11 =	simm.s32 $0x0;
	s6 =	sor.u32 s19, s6;
	v24 =	vcvt.s32.f32 v24;
	v17 =	vor.u32 v17, v2;
	vm1 =	veq.s32 v13, v18;
	v22 =	vld.idx.msk [tilespmem:v27+s13+$0x0], $0xffff  }
0x2b1: {  	s7 =	sadd.s32 $0x1CF80, s16;
	s3 =	sand.u32 $0x3, s11;
	[tilespmem:s6+$0x0] =	vst v16;
	vm0 =	vne.s32 v26, v10;
	v18 =	vsub.s32 v25, v6;
	v20 =	vsel vm1, $0x0, v0;
	v16 =	vld.idx.msk [tilespmem:v26+s20+$0x0], $0xffff  }
0x2b2: {  	s8 =	sadd.s32 $0x1DB80, s16;
	s10 =	sor.u32 s5, s7;
	s0 =	sshll.u32 s3, $0x5;
	v28 =	vand.u32 $0x80000000, v54;
	[tilespmem:s18+$0x1C380] =	vst v20;
	v21 =	vnsel vm1, $0x0, v21;
	vm1 =	vmand vm1, vm2  }
0x2b3: {  	s11 =	sor.u32 s5, s8;
	s0 =	sadd.s32 $0x0, s0;
	v20 =	vcvt.s32.f32 v29;
	vm2 =	veq.s32 v9, v52;
	[tilespmem:s10+$0x0] =	vst v21;
	v17 =	vnsel vm1, $0x0, v17;
	v21 =	vld.idx.msk [tilespmem:v31+s13+$0x0], $0xffff  }
0x2b4: {  	s12 =	sor.u32 $0x1D100, s2;
	s17 =	sor.u32 $0x300, s0;
	v27 =	vsel vm2, $0x0, v0;
	vm1 =	veq.s32 v15, v55;
	[tilespmem:s11+$0x0] =	vst v17;
	v15 =	vld.idx.msk [tilespmem:v30+s13+$0x0], $0xffff;
	v17 =	vand.u32 $0x80000000, v24  }
0x2b5: {  	s14 =	sadd.s32 $0x1DD00, s2;
	s24 =	sor.u32 s23, s12;
	v26 =	vld [tilespmem:s17+$0x19300];
	[tilespmem:s31+$0x1C500] =	vst v27;
	v17 =	vor.u32 v17, v2;
	v19 =	vnsel vm2, $0x0, v22;
	vm2 =	vmand vm2, vm3  }
0x2b6: {  	s4 =	sor.u32 s23, s14;
	vm3 =	vne.s32 v23, v14;
	v14 =	vld [tilespmem:s18+$0x19400];
	vm12 =	veq.s32 v12, v16;
	[tilespmem:s24+$0x0] =	vst v19;
	v16 =	vnsel vm2, $0x0, v17  }
0x2b7: {  	v20 =	vand.u32 $0x80000000, v20;
	v24 =	vld.idx.msk [tilespmem:v25+s20+$0x0], $0xffff;
	v19 =	vsel vm12, $0x0, v0;
	vm0 =	vmand vm12, vm0;
	[tilespmem:s4+$0x0] =	vst v16  }
0x2b8: {  	s3 =	sor.u32 s26, s7;
	v16 =	vor.u32 v20, v2;
	v20 =	vor.u32 v28, v2;
	[tilespmem:s21+$0x1C380] =	vst v19;
	v21 =	vnsel vm12, $0x0, v21  }
0x2b9: {  	s6 =	sor.u32 s26, s8;
	v19 =	vnsel vm1, $0x0, v15;
	v15 =	vnsel vm0, $0x0, v20;
	v20 =	vsub.s32 $0x0, v18;
	[tilespmem:s3+$0x0] =	vst v21  }
0x2ba: {  	vm0 =	vmand vm1, vm3;
	v21 =	vld [tilespmem:s31+$0x19580];
	[tilespmem:s6+$0x0] =	vst v15;
	v15 =	vcvt.s32.f32 v18;
	v18 =	vmin.u32 v18, v20  }
0x2bb: {  	v22 =	vnsel vm0, $0x0, v16;
	v16 =	vsub.s32 v14, v11  }
0x2bc: {  	vm3 =	veq.s32 v5, v24;
	v24 =	vsub.s32 $0x0, v16  }
0x2bd: {  	v20 =	vld [tilespmem:s21+$0x19400];
	v24 =	vmin.u32 v16, v24  }
0x2be: {  	v27 =	vsub.s32 v26, v8;
	v17 =	vsel vm1, $0x0, v0;
	v23 =	vld.idx.msk [tilespmem:v26+s20+$0x0], $0xffff  }
0x2bf: {  	v29 =	vsub.s32 $0x0, v27;
	v31 =	vcvt.s32.f32 v27;
	v28 =	vsub.s32 v21, v7;
	v18 =	vld.idx.msk [tilespmem:v18+s13+$0x0], $0xffff  }
0x2c0: {  	vm0 =	vne.s32 v25, v6;
	v15 =	vand.u32 $0x80000000, v15;
	v30 =	vsub.s32 $0x0, v28  }
0x2c1: {  	s8 =	sor.u32 s19, s9;
	vm0 =	vmand vm3, vm0;
	v56 =	vld.idx.msk [tilespmem:v14+s20+$0x0], $0xffff;
	v15 =	vor.u32 v15, v2;
	v30 =	vmin.u32 v28, v30  }
0x2c2: {  	s30 =	simm.s32 $0x40;
	v25 =	vsel vm3, $0x0, v0;
	v15 =	vnsel vm0, $0x0, v15;
	v57 =	vsub.s32 v20, v10;
	v24 =	vld.idx.msk [tilespmem:v24+s13+$0x0], $0xffff;
	[smem:$0x7D8] =	sst s8  }
0x2c3: {  	s7 =	sor.u32 s16, s30;
	s0 =	sor.u32 s22, s12;
	s12 =	simm.s32 $0x2;
	vm0 =	veq.s32 v4, v23;
	v23 =	vmin.u32 v27, v29;
	v27 =	vsub.s32 $0x0, v57;
	[tilespmem:s28+$0x1C500] =	vst v25  }
0x2c4: {  	s9 =	simm.s32 $0x2;
	s10 =	sor.u32 $0x180, s7;
	vm1 =	vne.s32 v26, v8;
	v26 =	vmin.u32 v57, v27;
	v27 =	vld.idx.msk [tilespmem:v21+s20+$0x0], $0xffff;
	[smem:$0x7D3] =	sst s12;
	v18 =	vnsel vm3, $0x0, v18  }
0x2c5: {  	s11 =	sor.u32 s22, s14;
	s14 =	sand.u32 $0x7, s9;
	s4 =	simm.s32 $0x300;
	[tilespmem:s0+$0x0] =	vst v18  }
0x2c6: {  	s24 =	sshll.u32 s14, $0x4;
	s7 =	sand.u32 $0xC00, s4;
	v16 =	vcvt.s32.f32 v16;
	s8 =	simm.s32 $0x70;
	vm3 =	veq.s32 v13, v56;
	v18 =	vld.idx.msk [tilespmem:v30+s13+$0x0], $0xffff;
	[tilespmem:s11+$0x0] =	vst v15  }
0x2c7: {  	vm13 =	vne.s32 v14, v11;
	s6 =	simm.s32 $0x70;
	v14 =	vsel vm3, $0x0, v0;
	v15 =	vld.idx.msk [tilespmem:v20+s20+$0x0], $0xffff;
	s11 =	sor.u32 $0x1D000, s16;
	[smem:$0x7D4] =	sst s8  }
0x2c8: {  	s4 =	sadd.s32 $0x1DC00, s16;
	s6 =	sand.u32 $0x70, s6;
	v16 =	vand.u32 $0x80000000, v16;
	s9 =	sor.u32 s5, s11;
	[tilespmem:s18+$0x1C400] =	vst v14;
	v14 =	vnsel vm3, $0x0, v24  }
0x2c9: {  	s30 =	sor.u32 s6, s7;
	v16 =	vor.u32 v16, v2;
	vm2 =	vne.s32 v20, v10;
	s0 =	sadd.s32 $0x100, s24;
	s24 =	simm.s32 $0x50;
	v20 =	vld.idx.msk [tilespmem:v26+s13+$0x0], $0xffff;
	vm3 =	vmand vm3, vm13;
	[tilespmem:s9+$0x0] =	vst v14  }
0x2ca: {  	s14 =	smov.u32 s18;
	v26 =	vld [tilespmem:s30+$0x19300];
	s18 =	sor.u32 s5, s4;
	v16 =	vnsel vm3, $0x0, v16;
	[dreg:$0xc] =	wrdreg s24  }
0x2cb: {  	v25 =	vcvt.s32.f32 v57;
	v24 =	vcvt.s32.f32 v28;
	vm3 =	veq.s32 v9, v27;
	[tilespmem:s18+$0x0] =	vst v16  }
0x2cc: {  	s29 =	sor.u32 s29, s16;
	vm14 =	vne.s32 v21, v7;
	s8 =	smov.u32 s16;
	v21 =	vsel vm3, $0x0, v0;
	[dreg:$0xe] =	wrdreg s28  }
0x2cd: {  	v14 =	vand.u32 $0x80000000, v25;
	s9 =	smov.u32 s5;
	s24 =	sor.u32 $0x180, s29;
	s29 =	sor.u32 $0x1D180, s2;
	v16 =	vand.u32 $0x80000000, v24;
	v25 =	vld [tilespmem:s28+$0x19580];
	[tilespmem:s31+$0x1C580] =	vst v21  }
0x2ce: {  	v18 =	vnsel vm3, $0x0, v18;
	vm3 =	vmand vm3, vm14;
	v16 =	vor.u32 v16, v2;
	v21 =	vld [tilespmem:s24+$0x19300];
	s31 =	sadd.s32 $0x1DD80, s2;
	s28 =	sor.u32 s23, s29;
	[smem:$0x7D5] =	sst s2  }
0x2cf: {  	s5 =	smov.u32 s23;
	v24 =	vor.u32 v14, v2;
	v14 =	vnsel vm3, $0x0, v16;
	s16 =	rddreg [dreg:$0x5];
	s23 =	sor.u32 s23, s31;
	[tilespmem:s28+$0x0] =	vst v18  }
0x2d0: {  	s3 =	sadd.s32 $0x10, s0;
	vm15 =	veq.s32 v12, v15;
	[tilespmem:s23+$0x0] =	vst v14  }
0x2d1: {  	s12 =	sor.u32 $0x300, s3;
	v16 =	vsel vm15, $0x0, v0;
	s18 =	sadd.s32 $0x60, s16;
	v23 =	vld.idx.msk [tilespmem:v23+s13+$0x0], $0xffff;
	[dreg:$0x1b] =	wrdreg s21  }
0x2d2: {  	s3 =	sor.u32 s26, s11;
	vm2 =	vmand vm15, vm2;
	s16 =	simm.s32 $0x60;
	s0 =	sadd.s32 $0x180, s18;
	[tilespmem:s21+$0x1C400] =	vst v16;
	v16 =	vnsel vm15, $0x0, v20  }
0x2d3: {  	s4 =	sor.u32 s26, s4;
	v24 =	vnsel vm2, $0x0, v24;
	s1 =	sand.u32 $0x60, s16;
	s23 =	sand.u32 $0x3FF80, s0;
	[tilespmem:s3+$0x0] =	vst v16  }
0x2d4: {  	v15 =	vor.u32 s0, v1;
	s23 =	sor.u32 s1, s23;
	s0 =	sld [smem:$0x7D6];
	[tilespmem:s4+$0x0] =	vst v24  }
0x2d5: {  	v16 =	vld [tilespmem:s23+$0x0];
	s23 =	sld [smem:$0x7D7]  }
0x2d6: {  	s28 =	smov.u32 s6;
	s6 =	smov.u32 s26;
	s2 =	sadd.s32 $0x190, s18  }
0x2d7: {  	s11 =	sor.u32 s1, s7;
	s18 =	smov.u32 s1;
	s21 =	sor.u32 $0x1D280, s15  }
0x2d8: {  	v14 =	vor.u32 s2, v1;
	s2 =	sand.u32 $0x3FF80, s2;
	v18 =	vld [tilespmem:s12+$0x19300];
	s1 =	sadd.s32 $0x1DE80, s15;
	s26 =	sor.u32 s19, s21;
	[tilespmem:s23+$0x1C300] =	vst v17  }
0x2d9: {  	v32 =	vld [tilespmem:s11+$0x19300];
	s2 =	sor.u32 s28, s2;
	s3 =	sor.u32 s25, s21;
	[dreg:$0x19] =	wrdreg s26  }
0x2da: {  	s21 =	smov.u32 s10;
	s15 =	sor.u32 s19, s1;
	s4 =	simm.s32 $0x100;
	[tilespmem:s3+$0x0] =	vst v19  }
0x2db: {  	s0 =	sor.u32 s19, s0;
	s23 =	simm.s32 $0x0;
	v24 =	vld [tilespmem:s10+$0x19300];
	[dreg:$0x1a] =	wrdreg s15  }
0x2dc: {  	s19 =	sor.u32 s25, s1;
	s25 =	simm.s32 $0x0;
	v17 =	vld [tilespmem:s2+$0x0];
	[dreg:$0x6] =	wrdreg s23  }
0x2dd: {  	s26 =	smov.u32 s28;
	s28 =	simm.s32 $0x0;
	s3 =	simm.s32 $0x100;
	[tilespmem:s19+$0x0] =	vst v22  }
0x2de: {  	s10 =	simm.s32 $0x20;
	s19 =	simm.s32 $0x200;
	[dreg:$0x8] =	wrdreg s3  }
0x2df: {  	v29 =	vand.u32 $0x80000000, v31;
	v31 =	vsel vm0, $0x0, v0;
	s2 =	sor.u32 s25, s28;
	s23 =	simm.s32 $0x200;
	[dreg:$0xb] =	wrdreg s19  }
0x2e0: {  	s25 =	simm.s32 $0x40;
	s15 =	sor.u32 $0x380, s2;
	s2 =	sor.u32 s4, s10;
	[tilespmem:s17+$0x1C300] =	vst v31  }
0x2e1: {  	v30 =	vsub.s32 v26, v14;
	s1 =	sor.u32 s23, s25;
	s2 =	sor.u32 $0x380, s2;
	s3 =	sld [smem:$0x7D8]  }
0x2e2: {  	v20 =	vsub.s32 $0x0, v30;
	v61 =	vnsel vm0, $0x0, v23;
	s1 =	sor.u32 $0x380, s1;
	v23 =	vld.idx.msk [tilespmem:v25+s20+$0x0], $0xffff;
	[dreg:$0x18] =	wrdreg s2  }
0x2e3: {  	v58 =	vmin.u32 v30, v20;
	[dreg:$0x13] =	wrdreg s1  }
0x2e4: {  	vm1 =	vmand vm0, vm1;
	v29 =	vor.u32 v29, v2;
	s28 =	sor.u32 s7, s16;
	[tilespmem:s3+$0x0] =	vst v61  }
0x2e5: {  	v28 =	vnsel vm1, $0x0, v29;
	v29 =	vsub.s32 v25, v6;
	v27 =	vsub.s32 v21, v11;
	s23 =	sor.u32 $0x180, s28;
	s4 =	simm.s32 $0x300;
	s25 =	sld [smem:$0x7F6]  }
0x2e6: {  	v59 =	vsub.s32 $0x0, v27;
	v60 =	vcvt.s32.f32 v29;
	v20 =	vsub.s32 $0x0, v29;
	s17 =	smov.u32 s7;
	s7 =	simm.s32 $0x300;
	s28 =	sld [smem:$0x7ED]  }
0x2e7: {  	v62 =	vmin.u32 v27, v59;
	v20 =	vmin.u32 v29, v20;
	v29 =	vsub.s32 v32, v15;
	s10 =	sor.u32 s7, s16;
	v35 =	vld.idx.msk [tilespmem:v26+s20+$0x0], $0xffff;
	[smem:$0x7D9] =	sst s4  }
0x2e8: {  	vm0 =	vne.s32 v25, v6;
	v63 =	vcvt.s32.f32 v29;
	s1 =	sor.u32 $0x380, s10;
	v36 =	vld.idx.msk [tilespmem:v58+s13+$0x0], $0xffff;
	[dreg:$0x1e] =	wrdreg s22  }
0x2e9: {  	vm2 =	vne.s32 v32, v15;
	v19 =	vand.u32 $0x80000000, v60;
	v22 =	vsub.s32 v18, v7;
	[dreg:$0x14] =	wrdreg s1;
	s1 =	sadd.s32 s28, s25  }
0x2ea: {  	v38 =	vand.u32 $0x80000000, v63;
	v25 =	vsub.s32 $0x0, v22;
	v31 =	vsub.s32 $0x0, v29;
	v34 =	vld.idx.msk [tilespmem:v21+s20+$0x0], $0xffff;
	[smem:$0x7DA] =	sst s1  }
0x2eb: {  	s19 =	sor.u32 s22, s29;
	s29 =	simm.s32 $0x0;
	v25 =	vmin.u32 v22, v25;
	s16 =	sor.u32 s22, s31;
	v37 =	vmin.u32 v29, v31;
	v29 =	vsub.s32 v24, v10;
	[tilespmem:s0+$0x0] =	vst v28  }
0x2ec: {  	vm1 =	vne.s32 v24, v10;
	s31 =	simm.s32 $0x310;
	v31 =	vsub.s32 $0x0, v29;
	s22 =	simm.s32 $0x80;
	v28 =	vcvt.s32.f32 v29;
	v33 =	vld.idx.msk [tilespmem:v62+s13+$0x0], $0xffff;
	[smem:$0x7DB] =	sst s29  }
.LBB2_5:
0x2ed: {  	_ =	sdelay $0x2  }
0x2ee: {  	v30 =	vcvt.s32.f32 v30;
	s20 =	simm.s32 $0x0;
	v25 =	vld.idx.msk [tilespmem:v25+s13+$0x0], $0xffff  }
0x2ef: {  	v29 =	vmin.u32 v29, v31;
	vm3 =	veq.s32 v5, v23;
	v31 =	vld.idx.msk [tilespmem:v18+s20+$0x0], $0xffff;
	vm4 =	veq.s32 v17, v35  }
0x2f0: {  	s10 =	smov.u32 s19;
	s2 =	sadd.s32 $0x1CF00, s17;
	vm5 =	vne.s32 v26, v14;
	s7 =	sadd.s32 $0x1DB00, s17;
	v32 =	vld.idx.msk [tilespmem:v32+s20+$0x0], $0xffff;
	v23 =	vand.u32 $0x80000000, v30;
	v26 =	vsel vm4, $0x0, v0  }
0x2f1: {  	s25 =	smov.u32 s26;
	s0 =	sor.u32 s18, s2;
	s2 =	sor.u32 s26, s2;
	v24 =	vld.idx.msk [tilespmem:v24+s20+$0x0], $0xffff;
	v23 =	vor.u32 v23, v2;
	[tilespmem:s30+$0x1C300] =	vst v26;
	v26 =	vnsel vm4, $0x0, v36;
	vm4 =	vmand vm4, vm5  }
0x2f2: {  	s19 =	smov.u32 s17;
	vm10 =	vne.s32 v21, v11;
	s26 =	sor.u32 s18, s7;
	s7 =	sor.u32 s25, s7;
	v30 =	vld.idx.msk [tilespmem:v37+s13+$0x0], $0xffff;
	vm9 =	veq.s32 v13, v34;
	[tilespmem:s2+$0x0] =	vst v26;
	v23 =	vnsel vm4, $0x0, v23  }
0x2f3: {  	s4 =	smov.u32 s18;
	s17 =	sor.u32 $0x1D080, s8;
	v22 =	vcvt.s32.f32 v22;
	s28 =	sld [smem:$0x7D5];
	v21 =	vsel vm9, $0x0, v0;
	v26 =	vcvt.s32.f32 v27;
	v27 =	vld.idx.msk [tilespmem:v20+s13+$0x0], $0xffff;
	[tilespmem:s7+$0x0] =	vst v23  }
0x2f4: {  	v38 =	vor.u32 v38, v2;
	vm7 =	vne.s32 v18, v7;
	[smem:$0x7D0] =	sst s15;
	s18 =	smov.u32 s6;
	s29 =	sor.u32 s6, s17;
	v23 =	vld.idx.msk [tilespmem:v29+s13+$0x0], $0xffff;
	[tilespmem:s24+$0x1C300] =	vst v21  }
0x2f5: {  	vm6 =	veq.s32 v9, v31;
	s2 =	sor.u32 s9, s17;
	v20 =	vand.u32 $0x80000000, v22;
	s17 =	rddreg [dreg:$0x1e];
	s13 =	smov.u32 s16;
	v21 =	vnsel vm9, $0x0, v33;
	v29 =	vld [tilespmem:s30+$0x19380]  }
0x2f6: {  	v19 =	vor.u32 v19, v2;
	v18 =	vsel vm6, $0x0, v0;
	s16 =	sadd.s32 $0x1DE00, s28;
	v20 =	vor.u32 v20, v2;
	s24 =	sor.u32 $0x1D200, s28;
	[tilespmem:s2+$0x0] =	vst v21;
	v21 =	vld [tilespmem:s15+$0x19300];
	s15 =	rddreg [dreg:$0x8]  }
0x2f7: {  	v26 =	vand.u32 $0x80000000, v26;
	s1 =	sor.u32 s17, s24;
	s7 =	sor.u32 s5, s24;
	s24 =	rddreg [dreg:$0x9];
	[tilespmem:s12+$0x1C300] =	vst v18;
	v18 =	vnsel vm6, $0x0, v25;
	vm6 =	vmand vm6, vm7  }
0x2f8: {  	vm4 =	vmand vm9, vm10;
	v22 =	vor.u32 v26, v2;
	s2 =	sor.u32 s5, s16;
	[smem:$0x7CE] =	sst s1;
	s12 =	sadd.s32 $0x1DC80, s8;
	[tilespmem:s7+$0x0] =	vst v18;
	v18 =	vnsel vm6, $0x0, v20  }
0x2f9: {  	v28 =	vand.u32 $0x80000000, v28;
	vm11 =	veq.s32 v16, v32;
	s1 =	sor.u32 s24, s15;
	s15 =	sor.u32 s18, s12;
	v20 =	vnsel vm4, $0x0, v22;
	s12 =	sor.u32 s9, s12;
	[tilespmem:s2+$0x0] =	vst v18  }
0x2fa: {  	vm0 =	vmand vm3, vm0;
	vm12 =	veq.s32 v12, v24;
	s7 =	sor.u32 $0x380, s1;
	v18 =	vsel vm11, $0x0, v0;
	[tilespmem:s12+$0x0] =	vst v20  }
0x2fb: {  	vm2 =	vmand vm11, vm2;
	v22 =	vnsel vm11, $0x0, v30;
	[tilespmem:s11+$0x1C300] =	vst v18;
	v24 =	vld [tilespmem:s7+$0x19300];
	v25 =	vsub.s32 v29, v14  }
0x2fc: {  	s6 =	smov.u32 s5;
	vm1 =	vmand vm12, vm1;
	s5 =	rddreg [dreg:$0xb];
	v18 =	vnsel vm2, $0x0, v38;
	v20 =	vld [tilespmem:s14+$0x19500];
	[tilespmem:s0+$0x0] =	vst v22;
	v22 =	vsub.s32 $0x0, v25  }
0x2fd: {  	v26 =	vor.u32 v28, v2;
	s12 =	smov.u32 s5;
	s5 =	rddreg [dreg:$0xc];
	[tilespmem:s26+$0x0] =	vst v18;
	v18 =	vmin.u32 v25, v22;
	v22 =	vsel vm12, $0x0, v0  }
0x2fe: {  	v26 =	vnsel vm1, $0x0, v26;
	v23 =	vnsel vm12, $0x0, v23;
	[dreg:$0x8] =	wrdreg s12;
	v51 =	vsub.s32 v21, v8;
	v28 =	vld [tilespmem:s11+$0x19380];
	[tilespmem:s21+$0x1C300] =	vst v22  }
0x2ff: {  	s12 =	smov.u32 s5;
	s5 =	rddreg [dreg:$0xe];
	vm13 =	vne.s32 v29, v14;
	v25 =	vcvt.s32.f32 v25;
	v22 =	vnsel vm3, $0x0, v27;
	v50 =	vld.idx.msk [tilespmem:v29+s20+$0x0], $0xffff;
	[tilespmem:s29+$0x0] =	vst v23  }
0x300: {  	v27 =	vnsel vm0, $0x0, v19;
	v23 =	vsel vm3, $0x0, v0;
	s29 =	rddreg [dreg:$0x1b];
	v30 =	vsub.s32 v24, v7;
	v31 =	vld.idx.msk [tilespmem:v21+s20+$0x0], $0xffff;
	[tilespmem:s15+$0x0] =	vst v26  }
0x301: {  	s26 =	rddreg [dreg:$0x6];
	vm0 =	vne.s32 v21, v8;
	v25 =	vand.u32 $0x80000000, v25;
	v26 =	vsub.s32 $0x0, v30;
	v19 =	vld [tilespmem:s29+$0x19500];
	[tilespmem:s5+$0x1C580] =	vst v23  }
0x302: {  	s3 =	smov.u32 s23;
	s23 =	simm.s32 $0xC380;
	v21 =	vsub.s32 v20, v11;
	v25 =	vor.u32 v25, v2;
	v23 =	vmin.u32 v30, v26;
	[tilespmem:s10+$0x0] =	vst v22;
	s10 =	sld [smem:$0x7DB]  }
0x303: {  	s2 =	sor.u32 s17, s16;
	s16 =	sld [smem:$0x7D9];
	s0 =	sadd.s32 $0x1, s26;
	vm15 =	vne.s32 v24, v7;
	v26 =	vsub.s32 $0x0, v51;
	v52 =	vld.idx.msk [tilespmem:v18+s23+$0x0], $0xffff;
	v18 =	vsub.s32 $0x0, v21  }
0x304: {  	[dreg:$0x6] =	wrdreg s0;
	s0 =	sand.u32 $0x3, s0;
	v53 =	vsub.s32 v28, v15;
	vm2 =	vne.s32 v28, v15;
	v54 =	vld.idx.msk [tilespmem:v20+s20+$0x0], $0xffff;
	v55 =	vmin.u32 v21, v18  }
0x305: {  	[smem:$0x7CF] =	sst s2;
	s0 =	sshll.u32 s0, $0x5;
	v22 =	vmin.u32 v51, v26;
	v26 =	vcvt.s32.f32 v51;
	[tilespmem:s13+$0x0] =	vst v27;
	v27 =	vld.idx.msk [tilespmem:v24+s20+$0x0], $0xffff;
	vm3 =	veq.s32 v17, v50;
	s1 =	sadd.s32 $0x100, s10  }
0x306: {  	s24 =	smov.u32 s16;
	s16 =	sld [smem:$0x7D4];
	v56 =	vsub.s32 $0x0, v53;
	vm1 =	veq.s32 v4, v31;
	v4 =	vmovc v5;
	v5 =	vmovc v12;
	v12 =	vmov v16;
	v16 =	vld.idx.msk [tilespmem:v28+s20+$0x0], $0xffff;
	s0 =	sadd.s32 s0, s1  }
0x307: {  	v8 =	vmovc v6;
	s21 =	smov.u32 s11;
	s11 =	sadd.s32 $0x1CF80, s19;
	v7 =	vmovc v11;
	v18 =	vand.u32 $0x80000000, v26;
	v26 =	vmin.u32 v53, v56;
	v28 =	vsel vm3, $0x0, v0;
	s26 =	sor.u32 $0x300, s0;
	v23 =	vld.idx.msk [tilespmem:v23+s23+$0x0], $0xffff  }
0x308: {  	[dreg:$0x9] =	wrdreg s12;
	s12 =	sadd.s32 $0x1DB80, s19;
	v6 =	vmovc v10;
	v10 =	vmovc v15;
	vm8 =	vne.s32 v20, v7;
	[tilespmem:s30+$0x1C380] =	vst v28;
	v28 =	vnsel vm3, $0x0, v52;
	s0 =	sor.u32 s25, s11;
	vm3 =	vmand vm3, vm13;
	v15 =	vld [tilespmem:s26+$0x19300]  }
0x309: {  	[dreg:$0xb] =	wrdreg s24;
	s24 =	smov.u32 s3;
	v30 =	vcvt.s32.f32 v30;
	s13 =	sor.u32 s25, s12;
	v29 =	vld.idx.msk [tilespmem:v55+s23+$0x0], $0xffff;
	[tilespmem:s0+$0x0] =	vst v28;
	v25 =	vnsel vm3, $0x0, v25;
	vm3 =	veq.s32 v13, v54  }
0x30a: {  	[smem:$0x7CD] =	sst s24;
	s2 =	smov.u32 s16;
	s16 =	sor.u32 s4, s12;
	v57 =	vcvt.s32.f32 v53;
	vm14 =	veq.s32 v9, v27;
	[tilespmem:s13+$0x0] =	vst v25;
	v25 =	vsel vm3, $0x0, v0  }
0x30b: {  	s3 =	smov.u32 s29;
	s15 =	sor.u32 $0x1D280, s28;
	s28 =	sadd.s32 $0x1DE80, s28;
	v21 =	vcvt.s32.f32 v21;
	v27 =	vand.u32 $0x80000000, v30;
	v24 =	vsel vm14, $0x0, v0;
	[tilespmem:s14+$0x1C500] =	vst v25  }
0x30c: {  	[smem:$0x7DB] =	sst s1;
	s1 =	sor.u32 s4, s11;
	s11 =	sor.u32 s6, s15;
	vm4 =	vmand vm14, vm15;
	v26 =	vld.idx.msk [tilespmem:v26+s23+$0x0], $0xffff;
	v25 =	vor.u32 v27, v2;
	[tilespmem:s7+$0x1C300] =	vst v24;
	v23 =	vnsel vm14, $0x0, v23  }
0x30d: {  	v11 =	vmovc v14;
	s24 =	sor.u32 s17, s15;
	s29 =	sor.u32 $0x1D100, s8;
	s12 =	sor.u32 s6, s28;
	v14 =	vand.u32 $0x80000000, v21;
	v58 =	vsub.s32 v19, v6;
	v22 =	vld.idx.msk [tilespmem:v22+s23+$0x0], $0xffff;
	v20 =	vnsel vm4, $0x0, v25;
	[tilespmem:s11+$0x0] =	vst v23  }
0x30e: {  	s5 =	sor.u32 s17, s28;
	s28 =	sadd.s32 $0x1DD00, s8;
	v14 =	vor.u32 v14, v2;
	s15 =	sor.u32 s9, s29;
	v23 =	vnsel vm3, $0x0, v29;
	vm3 =	vmand vm3, vm8;
	v21 =	vld [tilespmem:s30+$0x19400];
	[tilespmem:s12+$0x0] =	vst v20  }
0x30f: {  	v31 =	vand.u32 $0x80000000, v57;
	v9 =	vmovc v13;
	v28 =	vld.idx.msk [tilespmem:v19+s20+$0x0], $0xffff;
	s13 =	sor.u32 s9, s28;
	vm9 =	veq.s32 v12, v16;
	v14 =	vnsel vm3, $0x0, v14;
	[tilespmem:s15+$0x0] =	vst v23  }
0x310: {  	v13 =	vmovc v17;
	v16 =	vor.u32 v31, v2;
	vm2 =	vmand vm9, vm2;
	v20 =	vsel vm9, $0x0, v0;
	v17 =	vld.idx.msk [tilespmem:v15+s20+$0x0], $0xffff;
	[tilespmem:s13+$0x0] =	vst v14  }
0x311: {  	[dreg:$0x1b] =	wrdreg s21;
	v23 =	vnsel vm9, $0x0, v26;
	[tilespmem:s21+$0x1C380] =	vst v20;
	v14 =	vnsel vm2, $0x0, v16;
	v16 =	vsub.s32 $0x0, v58;
	v24 =	vld [tilespmem:s14+$0x19580]  }
0x312: {  	[dreg:$0xc] =	wrdreg s2;
	v20 =	vcvt.s32.f32 v58;
	[tilespmem:s1+$0x0] =	vst v23;
	v16 =	vmin.u32 v58, v16  }
0x313: {  	[dreg:$0xe] =	wrdreg s3;
	[tilespmem:s16+$0x0] =	vst v14;
	v14 =	vsub.s32 v21, v11  }
0x314: {  	[smem:$0x7D1] =	sst s24;
	vm2 =	vne.s32 v19, v6;
	v19 =	vand.u32 $0x80000000, v20;
	v20 =	vld [tilespmem:s21+$0x19400];
	v23 =	vsub.s32 $0x0, v14  }
0x315: {  	s31 =	sadd.s32 $0x100, s31;
	[smem:$0x7D2] =	sst s5;
	s5 =	smov.u32 s8;
	vm11 =	vne.s32 v15, v8;
	vm10 =	veq.s32 v5, v28;
	v23 =	vmin.u32 v14, v23  }
0x316: {  	s24 =	smov.u32 s19;
	s19 =	rddreg [dreg:$0x5];
	s23 =	simm.s32 $0xC380;
	v25 =	vsel vm10, $0x0, v0;
	v26 =	vsub.s32 v15, v8;
	v27 =	vsub.s32 v24, v7  }
0x317: {  	s8 =	smov.u32 s24;
	[smem:$0x7D5] =	sst s5;
	s10 =	smov.u32 s25;
	v28 =	vsub.s32 $0x0, v26;
	v29 =	vcvt.s32.f32 v26;
	v16 =	vld.idx.msk [tilespmem:v16+s23+$0x0], $0xffff;
	[tilespmem:s3+$0x1C500] =	vst v25;
	v25 =	vsub.s32 $0x0, v27  }
0x318: {  	s6 =	smov.u32 s9;
	s0 =	smov.u32 s18;
	vm2 =	vmand vm10, vm2;
	s16 =	sld [smem:$0x7D3];
	v19 =	vor.u32 v19, v2;
	v25 =	vmin.u32 v27, v25  }
0x319: {  	s9 =	smov.u32 s10;
	[dreg:$0x1e] =	wrdreg s0;
	s7 =	sor.u32 s18, s29;
	v26 =	vmin.u32 v26, v28;
	v19 =	vnsel vm2, $0x0, v19;
	v28 =	vld.idx.msk [tilespmem:v21+s20+$0x0], $0xffff;
	v15 =	vsub.s32 v20, v10  }
0x31a: {  	s29 =	sor.u32 s18, s28;
	s18 =	smov.u32 s4;
	s4 =	sand.u32 $0x60, s22;
	vm2 =	veq.s32 v4, v17;
	v17 =	vand.u32 $0x80000000, v29;
	v29 =	vsub.s32 $0x0, v15;
	v23 =	vld.idx.msk [tilespmem:v23+s23+$0x0], $0xffff  }
0x31b: {  	s15 =	sadd.s32 s22, s19;
	s19 =	sor.u32 $0x1D000, s24;
	s17 =	sadd.s32 $0x2, s16;
	v30 =	vcvt.s32.f32 v15;
	v15 =	vmin.u32 v15, v29;
	v29 =	vld.idx.msk [tilespmem:v24+s20+$0x0], $0xffff  }
0x31c: {  	s25 =	sor.u32 s10, s19;
	s16 =	sadd.s32 $0xFFFFFFF0, s31;
	[smem:$0x7D3] =	sst s17;
	vm3 =	vne.s32 v20, v10;
	v20 =	vld.idx.msk [tilespmem:v20+s20+$0x0], $0xffff;
	v16 =	vnsel vm10, $0x0, v16  }
0x31d: {  	s19 =	sor.u32 s18, s19;
	s13 =	sand.u32 $0x7, s17;
	[smem:$0x7D9] =	sst s16;
	[tilespmem:s7+$0x0] =	vst v16;
	v25 =	vld.idx.msk [tilespmem:v25+s23+$0x0], $0xffff  }
0x31e: {  	vm0 =	vmand vm1, vm0;
	v14 =	vcvt.s32.f32 v14;
	s17 =	sshll.u32 s13, $0x4;
	s20 =	sadd.s32 $0x10, s22;
	s7 =	sand.u32 $0xC00, s16;
	v16 =	vld.idx.msk [tilespmem:v26+s23+$0x0], $0xffff;
	[tilespmem:s29+$0x0] =	vst v19  }
0x31f: {  	v18 =	vor.u32 v18, v2;
	vm12 =	veq.s32 v13, v28;
	v28 =	vnsel vm1, $0x0, v22;
	[smem:$0x7D4] =	sst s20;
	s1 =	sand.u32 $0x70, s20;
	s20 =	sor.u32 $0x1D180, s5;
	v22 =	vld [tilespmem:s3+$0x19580]  }
0x320: {  	vm13 =	vne.s32 v21, v11;
	v14 =	vand.u32 $0x80000000, v14;
	v21 =	vsel vm12, $0x0, v0;
	s29 =	sor.u32 s1, s7;
	s3 =	sadd.s32 $0x1DD80, s5;
	v19 =	vld.idx.msk [tilespmem:v15+s23+$0x0], $0xffff;
	s23 =	sadd.s32 $0x1DC00, s24  }
0x321: {  	v14 =	vor.u32 v14, v2;
	vm4 =	vmand vm12, vm13;
	[tilespmem:s30+$0x1C400] =	vst v21;
	s5 =	sor.u32 s6, s20;
	v15 =	vnsel vm12, $0x0, v23;
	s28 =	sor.u32 s10, s23;
	s10 =	sor.u32 s2, s24  }
0x322: {  	v21 =	vcvt.s32.f32 v27;
	v14 =	vnsel vm4, $0x0, v14;
	v26 =	vld [tilespmem:s29+$0x19300];
	vm14 =	veq.s32 v9, v29;
	[tilespmem:s25+$0x0] =	vst v15;
	s2 =	smov.u32 s1;
	s25 =	sor.u32 s16, s22;
	s24 =	sor.u32 $0x180, s10  }
0x323: {  	v39 =	vnsel vm0, $0x0, v18;
	v15 =	vsel vm14, $0x0, v0;
	[tilespmem:s28+$0x0] =	vst v14;
	s28 =	rddreg [dreg:$0x8];
	s10 =	sadd.s32 $0x190, s15;
	s15 =	sadd.s32 $0x180, s15  }
0x324: {  	vm0 =	vne.s32 v24, v7;
	v14 =	vand.u32 $0x80000000, v21;
	s1 =	sor.u32 $0x380, s25;
	s25 =	rddreg [dreg:$0x13];
	v21 =	vld [tilespmem:s24+$0x19300];
	s11 =	sadd.s32 s28, s17;
	[tilespmem:s14+$0x1C580] =	vst v15;
	v15 =	vnsel vm14, $0x0, v25  }
0x325: {  	vm0 =	vmand vm14, vm0;
	vm15 =	veq.s32 v12, v20;
	s14 =	sor.u32 s6, s3;
	s28 =	sld [smem:$0x7CD];
	[tilespmem:s5+$0x0] =	vst v15;
	s5 =	smov.u32 s6  }
0x326: {  	v14 =	vor.u32 v14, v2;
	v25 =	vnsel vm2, $0x0, v16;
	v16 =	vsel vm15, $0x0, v0;
	s17 =	sadd.s32 $0x10, s11;
	s11 =	sor.u32 s4, s7;
	s6 =	smov.u32 s18  }
0x327: {  	v15 =	vnsel vm0, $0x0, v14;
	[tilespmem:s21+$0x1C400] =	vst v16;
	s21 =	sor.u32 s18, s23;
	s23 =	sor.u32 s7, s22;
	s12 =	sor.u32 $0x300, s17  }
0x328: {  	[tilespmem:s14+$0x0] =	vst v15;
	v15 =	vor.u32 s15, v1;
	s15 =	sand.u32 $0x3FF80, s15;
	s17 =	smov.u32 s7;
	s7 =	sld [smem:$0x7CF]  }
0x329: {  	v30 =	vand.u32 $0x80000000, v30;
	s14 =	smov.u32 s30;
	s30 =	smov.u32 s29;
	s29 =	rddreg [dreg:$0x14]  }
0x32a: {  	v59 =	vor.u32 v30, v2;
	vm0 =	vmand vm15, vm3;
	s18 =	smov.u32 s4;
	v16 =	vnsel vm15, $0x0, v19;
	v32 =	vld [tilespmem:s11+$0x19300];
	s15 =	sor.u32 s4, s15;
	s4 =	sld [smem:$0x7CE]  }
0x32b: {  	s16 =	sor.u32 s0, s3;
	v14 =	vor.u32 s10, v1;
	v20 =	vnsel vm0, $0x0, v59;
	v18 =	vld [tilespmem:s12+$0x19300];
	[tilespmem:s19+$0x0] =	vst v16;
	s19 =	sor.u32 s0, s20;
	s20 =	rddreg [dreg:$0x18]  }
0x32c: {  	vm5 =	vmand vm2, vm11;
	v31 =	vsel vm2, $0x0, v0;
	s3 =	sand.u32 $0x3FF80, s10;
	v30 =	vsub.s32 v26, v14;
	s0 =	smov.u32 s29;
	v16 =	vld [tilespmem:s15+$0x0];
	[tilespmem:s21+$0x0] =	vst v20;
	s15 =	sld [smem:$0x7D0]  }
0x32d: {  	v17 =	vor.u32 v17, v2;
	v23 =	vsub.s32 v22, v6;
	v19 =	vsub.s32 $0x0, v30;
	s21 =	smov.u32 s28;
	[dreg:$0x13] =	wrdreg s0;
	v24 =	vld [tilespmem:s28+$0x19300];
	[tilespmem:s26+$0x1C300] =	vst v31;
	s26 =	smov.u32 s2  }
0x32e: {  	v29 =	vmin.u32 v30, v19;
	v19 =	vsub.s32 $0x0, v23;
	v27 =	vsub.s32 v21, v11;
	s2 =	sor.u32 s2, s3;
	s28 =	smov.u32 s25;
	s3 =	rddreg [dreg:$0x19]  }
0x32f: {  	s10 =	simm.s32 $0x0;
	v20 =	vmin.u32 v23, v19;
	v19 =	vcvt.s32.f32 v23;
	v60 =	vsub.s32 $0x0, v27;
	[dreg:$0x18] =	wrdreg s28  }
0x330: {  	p2 =	slt.u32 s22, $0x160;
	v17 =	vnsel vm5, $0x0, v17;
	vm0 =	vne.s32 v22, v6;
	v23 =	vld.idx.msk [tilespmem:v22+s10+$0x0], $0xffff;
	[tilespmem:s4+$0x0] =	vst v25;
	s4 =	sld [smem:$0x7D1];
	v33 =	vmin.u32 v27, v60  }
.Ltmp3:
0x331: {  	s13 =	simm.s32 $0xC380;
	v35 =	vld.idx.msk [tilespmem:v26+s10+$0x0], $0xffff;
	v25 =	vsel vm1, $0x0, v0;
	s28 =	sld [smem:$0x7D2];
	v19 =	vand.u32 $0x80000000, v19;
	[tilespmem:s7+$0x0] =	vst v17;
	v31 =	vsub.s32 v32, v15;
	(pc) =	sbr.rel @p2 .LBB2_5-.Ltmp3, $4  }
0x332: {  	s25 =	rddreg [dreg:$0x1a];
	vm2 =	vne.s32 v32, v15;
	v22 =	vsub.s32 v18, v7;
	[tilespmem:s15+$0x1C300] =	vst v25;
	s15 =	smov.u32 s20;
	v62 =	vsub.s32 $0x0, v31;
	s20 =	smov.u32 s1;
	v34 =	vld.idx.msk [tilespmem:v21+s10+$0x0], $0xffff  }
0x333: {  	v63 =	vcvt.s32.f32 v31;
	v61 =	vsub.s32 $0x0, v22;
	v36 =	vld.idx.msk [tilespmem:v29+s13+$0x0], $0xffff;
	s7 =	smov.u32 s4;
	[dreg:$0x14] =	wrdreg s20;
	v37 =	vmin.u32 v31, v62  }
0x334: {  	v17 =	vld [tilespmem:s2+$0x0];
	[tilespmem:s3+$0x0] =	vst v28;
	s29 =	smov.u32 s28;
	v25 =	vmin.u32 v22, v61;
	[dreg:$0x19] =	wrdreg s7;
	v29 =	vsub.s32 v24, v10;
	vm1 =	vne.s32 v24, v10  }
0x335: {  	s22 =	sadd.s32 $0x20, s22;
	s23 =	sor.u32 $0x180, s23;
	v38 =	vand.u32 $0x80000000, v63;
	[tilespmem:s25+$0x0] =	vst v39;
	[dreg:$0x1a] =	wrdreg s29;
	v31 =	vsub.s32 $0x0, v29;
	v28 =	vcvt.s32.f32 v29;
	v33 =	vld.idx.msk [tilespmem:v33+s13+$0x0], $0xffff  }
0x336: {  	_ =	sdelay $0x1  }
0x337: {  	v30 =	vcvt.s32.f32 v30  }
0x338: {  	vm3 =	veq.s32 v17, v35  }
0x339: {  	vm4 =	vne.s32 v26, v14;
	s0 =	sadd.s32 $0x1CF00, s17;
	v30 =	vand.u32 $0x80000000, v30;
	v48 =	vsel vm3, $0x0, v0  }
0x33a: {  	s1 =	sadd.s32 $0x1DB00, s17;
	s2 =	sor.u32 s26, s0;
	v30 =	vor.u32 v30, v2;
	v49 =	vnsel vm3, $0x0, v36;
	vm3 =	vmand vm3, vm4;
	[tilespmem:s30+$0x1C300] =	vst v48  }
0x33b: {  	s20 =	simm.s32 $0x0;
	s10 =	sor.u32 s26, s1;
	v30 =	vnsel vm3, $0x0, v30;
	[tilespmem:s2+$0x0] =	vst v49  }
0x33c: {  	v32 =	vld.idx.msk [tilespmem:v32+s20+$0x0], $0xffff;
	[tilespmem:s10+$0x0] =	vst v30  }
0x33d: {  	v30 =	vld [tilespmem:s30+$0x19380]  }
0x33e: {  	v50 =	vld.idx.msk [tilespmem:v37+s13+$0x0], $0xffff;
	_ =	sdelay $0x2  }
0x33f: {  	vm7 =	veq.s32 v16, v32  }
0x340: {  	v51 =	vor.u32 v38, v2;
	v32 =	vsel vm7, $0x0, v0;
	v53 =	vsub.s32 v30, v14  }
0x341: {  	s0 =	sor.u32 s18, s0;
	v26 =	vnsel vm7, $0x0, v50;
	vm2 =	vmand vm7, vm2;
	[tilespmem:s11+$0x1C300] =	vst v32;
	v54 =	vsub.s32 $0x0, v53  }
0x342: {  	s22 =	sor.u32 s18, s1;
	v52 =	vnsel vm2, $0x0, v51;
	[tilespmem:s0+$0x0] =	vst v26;
	v32 =	vmin.u32 v53, v54  }
0x343: {  	[tilespmem:s22+$0x0] =	vst v52  }
0x344: {  	v55 =	vld [tilespmem:s11+$0x19380]  }
0x345: {  	v56 =	vld.idx.msk [tilespmem:v30+s20+$0x0], $0xffff;
	_ =	sdelay $0x1  }
0x346: {  	v32 =	vld.idx.msk [tilespmem:v32+s13+$0x0], $0xffff;
	_ =	sdelay $0x1  }
0x347: {  	v26 =	vcvt.s32.f32 v53;
	v57 =	vsub.s32 v55, v15  }
0x348: {  	vm9 =	vne.s32 v30, v14;
	v58 =	vsub.s32 $0x0, v57;
	vm8 =	veq.s32 v17, v56  }
0x349: {  	s28 =	sadd.s32 $0x1CF80, s17;
	v26 =	vand.u32 $0x80000000, v26;
	v38 =	vmin.u32 v57, v58;
	v60 =	vsel vm8, $0x0, v0  }
0x34a: {  	s29 =	sadd.s32 $0x1DB80, s17;
	s31 =	sor.u32 s26, s28;
	v26 =	vor.u32 v26, v2;
	vm2 =	vmand vm8, vm9;
	[tilespmem:s30+$0x1C380] =	vst v60;
	v61 =	vnsel vm8, $0x0, v32  }
0x34b: {  	s3 =	sor.u32 s26, s29;
	v59 =	vld.idx.msk [tilespmem:v55+s20+$0x0], $0xffff;
	v26 =	vnsel vm2, $0x0, v26;
	[tilespmem:s31+$0x0] =	vst v61  }
0x34c: {  	[tilespmem:s3+$0x0] =	vst v26  }
0x34d: {  	v37 =	vld [tilespmem:s30+$0x19400]  }
0x34e: {  	v62 =	vld.idx.msk [tilespmem:v38+s13+$0x0], $0xffff;
	_ =	sdelay $0x1  }
0x34f: {  	v63 =	vcvt.s32.f32 v57;
	vm10 =	veq.s32 v16, v59  }
0x350: {  	vm11 =	vne.s32 v55, v15;
	v38 =	vsel vm10, $0x0, v0  }
0x351: {  	vm2 =	vmand vm10, vm11;
	v26 =	vand.u32 $0x80000000, v63;
	v39 =	vsub.s32 v37, v14  }
0x352: {  	s0 =	sor.u32 s18, s28;
	[tilespmem:s11+$0x1C380] =	vst v38;
	v26 =	vor.u32 v26, v2;
	v30 =	vnsel vm10, $0x0, v62;
	v40 =	vsub.s32 $0x0, v39  }
0x353: {  	s4 =	sor.u32 s18, s29;
	[tilespmem:s0+$0x0] =	vst v30;
	v26 =	vnsel vm2, $0x0, v26;
	v35 =	vmin.u32 v39, v40  }
0x354: {  	[tilespmem:s4+$0x0] =	vst v26  }
0x355: {  	v30 =	vld [tilespmem:s11+$0x19400]  }
0x356: {  	v27 =	vcvt.s32.f32 v27;
	v42 =	vld.idx.msk [tilespmem:v37+s20+$0x0], $0xffff;
	_ =	sdelay $0x1  }
0x357: {  	vm12 =	veq.s32 v13, v34;
	v27 =	vand.u32 $0x80000000, v27;
	v35 =	vld.idx.msk [tilespmem:v35+s13+$0x0], $0xffff  }
0x358: {  	vm13 =	vne.s32 v21, v11;
	v41 =	vsel vm12, $0x0, v0;
	v43 =	vor.u32 v27, v2;
	s0 =	sor.u32 $0x1D080, s8  }
0x359: {  	[tilespmem:s24+$0x1C300] =	vst v41;
	v33 =	vnsel vm12, $0x0, v33;
	s2 =	sadd.s32 $0x1DC80, s8;
	vm2 =	vmand vm12, vm13;
	s7 =	sor.u32 s9, s0;
	v44 =	vsub.s32 v30, v15  }
0x35a: {  	s29 =	smov.u32 s9;
	v21 =	vnsel vm2, $0x0, v43;
	s9 =	sor.u32 s9, s2;
	[tilespmem:s7+$0x0] =	vst v33;
	v45 =	vsub.s32 $0x0, v44;
	vm14 =	veq.s32 v17, v42  }
0x35b: {  	s1 =	sor.u32 $0x1D000, s17;
	[tilespmem:s9+$0x0] =	vst v21;
	v46 =	vmin.u32 v44, v45;
	v49 =	vsel vm14, $0x0, v0  }
0x35c: {  	s10 =	sor.u32 s26, s1;
	[tilespmem:s30+$0x1C400] =	vst v49;
	v50 =	vnsel vm14, $0x0, v35  }
0x35d: {  	v47 =	vld [tilespmem:s14+$0x19500];
	v26 =	vcvt.s32.f32 v39;
	[tilespmem:s10+$0x0] =	vst v50  }
0x35e: {  	v48 =	vld.idx.msk [tilespmem:v30+s20+$0x0], $0xffff;
	s24 =	sld [smem:$0x7D4]  }
0x35f: {  	s4 =	simm.s32 $0xC380;
	vm15 =	vne.s32 v37, v14;
	v26 =	vand.u32 $0x80000000, v26  }
0x360: {  	s7 =	sadd.s32 $0x1DC00, s17;
	v26 =	vor.u32 v26, v2;
	vm2 =	vmand vm14, vm15;
	v21 =	vld.idx.msk [tilespmem:v46+s4+$0x0], $0xffff  }
0x361: {  	s22 =	sor.u32 s26, s7;
	v26 =	vnsel vm2, $0x0, v26;
	s31 =	sor.u32 s24, s17  }
0x362: {  	v27 =	vcvt.s32.f32 v44;
	v51 =	vsub.s32 v47, v11;
	[tilespmem:s22+$0x0] =	vst v26;
	s22 =	sor.u32 $0x180, s31  }
0x363: {  	vm7 =	vne.s32 v30, v15;
	v52 =	vsub.s32 $0x0, v51;
	vm6 =	veq.s32 v16, v48;
	v53 =	vld [tilespmem:s22+$0x19300]  }
0x364: {  	v27 =	vand.u32 $0x80000000, v27;
	v32 =	vmin.u32 v51, v52;
	v54 =	vsel vm6, $0x0, v0  }
0x365: {  	s1 =	sor.u32 s18, s1;
	v27 =	vor.u32 v27, v2;
	vm3 =	vmand vm6, vm7;
	[tilespmem:s11+$0x1C400] =	vst v54;
	v21 =	vnsel vm6, $0x0, v21  }
0x366: {  	v24 =	vld.idx.msk [tilespmem:v24+s20+$0x0], $0xffff;
	s28 =	smov.u32 s8;
	s8 =	sor.u32 s18, s7;
	v27 =	vnsel vm3, $0x0, v27;
	[tilespmem:s1+$0x0] =	vst v21  }
0x367: {  	v55 =	vmin.u32 v29, v31;
	v56 =	vld.idx.msk [tilespmem:v47+s20+$0x0], $0xffff;
	[tilespmem:s8+$0x0] =	vst v27  }
0x368: {  	v30 =	vld [tilespmem:s23+$0x19300];
	v57 =	vsub.s32 v53, v14  }
0x369: {  	v58 =	vsub.s32 $0x0, v57  }
0x36a: {  	v32 =	vld.idx.msk [tilespmem:v32+s4+$0x0], $0xffff;
	v31 =	vmin.u32 v57, v58  }
0x36b: {  	v28 =	vand.u32 $0x80000000, v28;
	vm8 =	veq.s32 v12, v24  }
0x36c: {  	v24 =	vsel vm8, $0x0, v0;
	vm9 =	veq.s32 v13, v56;
	v26 =	vcvt.s32.f32 v51;
	v21 =	vld.idx.msk [tilespmem:v55+s4+$0x0], $0xffff  }
0x36d: {  	vm10 =	vne.s32 v47, v11;
	v29 =	vsel vm9, $0x0, v0;
	v61 =	vsub.s32 v30, v15;
	v59 =	vld.idx.msk [tilespmem:v53+s20+$0x0], $0xffff  }
0x36e: {  	s7 =	sor.u32 $0x1D100, s28;
	vm3 =	vmand vm9, vm10;
	[tilespmem:s14+$0x1C500] =	vst v29;
	v26 =	vand.u32 $0x80000000, v26;
	v63 =	vsub.s32 $0x0, v61  }
0x36f: {  	s3 =	smov.u32 s14;
	s9 =	sor.u32 s29, s7;
	s14 =	sadd.s32 $0x1DD00, s28;
	[tilespmem:s21+$0x1C300] =	vst v24;
	v60 =	vor.u32 v26, v2;
	v62 =	vnsel vm9, $0x0, v32;
	v36 =	vmin.u32 v61, v63;
	v31 =	vld.idx.msk [tilespmem:v31+s4+$0x0], $0xffff  }
0x370: {  	v28 =	vor.u32 v28, v2;
	s10 =	sor.u32 s29, s14;
	[tilespmem:s9+$0x0] =	vst v62;
	v24 =	vnsel vm3, $0x0, v60  }
0x371: {  	vm1 =	vmand vm8, vm1;
	s0 =	sor.u32 s6, s0;
	[tilespmem:s10+$0x0] =	vst v24;
	v21 =	vnsel vm8, $0x0, v21;
	v27 =	vcvt.s32.f32 v57  }
0x372: {  	v38 =	vnsel vm1, $0x0, v28;
	s13 =	sor.u32 s6, s2;
	[tilespmem:s0+$0x0] =	vst v21;
	v40 =	vld.idx.msk [tilespmem:v30+s20+$0x0], $0xffff;
	vm11 =	veq.s32 v17, v59  }
0x373: {  	s21 =	sor.u32 $0x1D080, s17;
	[tilespmem:s13+$0x0] =	vst v38;
	vm12 =	vne.s32 v53, v14;
	v27 =	vand.u32 $0x80000000, v27;
	v41 =	vsel vm11, $0x0, v0  }
0x374: {  	s24 =	sadd.s32 $0x1DC80, s17;
	v27 =	vor.u32 v27, v2;
	v29 =	vld.idx.msk [tilespmem:v36+s4+$0x0], $0xffff;
	vm1 =	vmand vm11, vm12;
	[tilespmem:s22+$0x1C300] =	vst v41;
	s22 =	sor.u32 s26, s21;
	v31 =	vnsel vm11, $0x0, v31  }
0x375: {  	s31 =	sor.u32 s26, s24;
	v39 =	vld [tilespmem:s3+$0x19580];
	v27 =	vnsel vm1, $0x0, v27;
	[tilespmem:s22+$0x0] =	vst v31  }
0x376: {  	v26 =	vcvt.s32.f32 v61;
	[tilespmem:s31+$0x0] =	vst v27  }
0x377: {  	vm13 =	veq.s32 v5, v23;
	v37 =	vld.idx.msk [tilespmem:v18+s20+$0x0], $0xffff;
	vm15 =	veq.s32 v16, v40;
	s31 =	rddreg [dreg:$0x1b]  }
0x378: {  	vm8 =	vne.s32 v30, v15;
	v45 =	vand.u32 $0x80000000, v26;
	v46 =	vsel vm15, $0x0, v0;
	v23 =	vld [tilespmem:s31+$0x19500]  }
0x379: {  	v44 =	vld.idx.msk [tilespmem:v25+s4+$0x0], $0xffff;
	s0 =	sor.u32 s18, s21;
	v25 =	vor.u32 v45, v2;
	vm4 =	vmand vm15, vm8;
	v47 =	vnsel vm15, $0x0, v29;
	[tilespmem:s23+$0x1C300] =	vst v46  }
0x37a: {  	s1 =	sor.u32 s18, s24;
	v25 =	vnsel vm4, $0x0, v25;
	[tilespmem:s0+$0x0] =	vst v47  }
0x37b: {  	[tilespmem:s1+$0x0] =	vst v25  }
0x37c: {  	v20 =	vld.idx.msk [tilespmem:v20+s4+$0x0], $0xffff;
	s21 =	sld [smem:$0x7D5]  }
0x37d: {  	vm14 =	veq.s32 v9, v37;
	v49 =	vld.idx.msk [tilespmem:v39+s20+$0x0], $0xffff  }
0x37e: {  	v22 =	vcvt.s32.f32 v22;
	v48 =	vsel vm14, $0x0, v0;
	v42 =	vsub.s32 v39, v11;
	v31 =	vld [tilespmem:s30+$0x19500]  }
0x37f: {  	v43 =	vsub.s32 $0x0, v42;
	v51 =	vld [tilespmem:s11+$0x19500];
	[tilespmem:s12+$0x1C300] =	vst v48;
	s2 =	sadd.s32 $0x1DE00, s21  }
0x380: {  	v22 =	vand.u32 $0x80000000, v22;
	vm9 =	vne.s32 v18, v7;
	v24 =	vmin.u32 v42, v43;
	s22 =	sor.u32 $0x1D200, s21;
	v56 =	vld.idx.msk [tilespmem:v23+s20+$0x0], $0xffff;
	[smem:$0x7CA] =	sst s2  }
0x381: {  	v22 =	vor.u32 v22, v2;
	vm3 =	vmand vm14, vm9;
	v21 =	vnsel vm14, $0x0, v44;
	s9 =	sor.u32 s5, s22;
	[smem:$0x7CC] =	sst s5  }
0x382: {  	v22 =	vnsel vm3, $0x0, v22;
	s10 =	sor.u32 s5, s2;
	[tilespmem:s9+$0x0] =	vst v21  }
0x383: {  	vm0 =	vmand vm13, vm0;
	v50 =	vsub.s32 v31, v14;
	s1 =	rddreg [dreg:$0x6];
	[tilespmem:s10+$0x0] =	vst v22  }
0x384: {  	v57 =	vsel vm13, $0x0, v0;
	v53 =	vor.u32 v19, v2;
	v52 =	vsub.s32 $0x0, v50;
	s13 =	rddreg [dreg:$0xe]  }
0x385: {  	v54 =	vnsel vm13, $0x0, v20;
	v55 =	vsub.s32 v23, v10;
	v30 =	vmin.u32 v50, v52;
	v24 =	vld.idx.msk [tilespmem:v24+s4+$0x0], $0xffff;
	[tilespmem:s13+$0x1C580] =	vst v57  }
0x386: {  	v18 =	vnsel vm0, $0x0, v53;
	vm10 =	veq.s32 v13, v49;
	v58 =	vsub.s32 $0x0, v55;
	s0 =	sld [smem:$0x7DB];
	[tilespmem:s19+$0x0] =	vst v54  }
0x387: {  	s8 =	smov.u32 s6;
	v34 =	vsel vm10, $0x0, v0;
	v27 =	vcvt.s32.f32 v42;
	v59 =	vmin.u32 v55, v58;
	s6 =	sadd.s32 $0x1, s1;
	[tilespmem:s16+$0x0] =	vst v18  }
0x388: {  	vm11 =	vne.s32 v39, v11;
	s5 =	sadd.s32 $0x1DD80, s28;
	v60 =	vld.idx.msk [tilespmem:v31+s20+$0x0], $0xffff;
	s12 =	sand.u32 $0x3, s6;
	s19 =	sld [smem:$0x7D3];
	[tilespmem:s3+$0x1C580] =	vst v34  }
0x389: {  	vm1 =	vmand vm10, vm11;
	v62 =	vand.u32 $0x80000000, v27;
	v61 =	vsub.s32 v51, v15;
	s1 =	sshll.u32 s12, $0x5;
	s12 =	sor.u32 $0x1D180, s28;
	s3 =	rddreg [dreg:$0x8]  }
0x38a: {  	v19 =	vor.u32 v62, v2;
	v63 =	vld.idx.msk [tilespmem:v30+s4+$0x0], $0xffff;
	v30 =	vsub.s32 $0x0, v61;
	v35 =	vnsel vm10, $0x0, v24;
	s24 =	sor.u32 s29, s12;
	s0 =	sadd.s32 $0x100, s0;
	s10 =	rddreg [dreg:$0x9]  }
0x38b: {  	v37 =	vnsel vm1, $0x0, v19;
	v27 =	vmin.u32 v61, v30;
	[tilespmem:s24+$0x0] =	vst v35;
	s1 =	sadd.s32 s1, s0;
	s9 =	sor.u32 s10, s3;
	s10 =	sor.u32 s29, s5  }
0x38c: {  	vm14 =	vne.s32 v31, v14;
	v36 =	vcvt.s32.f32 v50;
	v22 =	vld.idx.msk [tilespmem:v59+s4+$0x0], $0xffff;
	s23 =	sor.u32 $0x300, s1;
	[tilespmem:s10+$0x0] =	vst v37;
	s16 =	sor.u32 $0x380, s9  }
0x38d: {  	s25 =	smov.u32 s17;
	vm15 =	vne.s32 v23, v10;
	v20 =	vcvt.s32.f32 v55;
	vm13 =	veq.s32 v17, v60;
	s19 =	sadd.s32 $0x2, s19;
	v28 =	vld [tilespmem:s23+$0x19300];
	[smem:$0x7CB] =	sst s16  }
0x38e: {  	vm6 =	vne.s32 v51, v15;
	s13 =	sor.u32 $0x1D100, s17;
	s17 =	sadd.s32 $0x1DD00, s17;
	v24 =	vand.u32 $0x80000000, v36;
	v39 =	vsel vm13, $0x0, v0;
	s1 =	sand.u32 $0x7, s19;
	v38 =	vld.idx.msk [tilespmem:v51+s20+$0x0], $0xffff  }
0x38f: {  	v40 =	vor.u32 v24, v2;
	vm1 =	vmand vm13, vm14;
	v41 =	vnsel vm13, $0x0, v63;
	s24 =	sor.u32 s26, s13;
	s2 =	rddreg [dreg:$0xb];
	s1 =	sshll.u32 s1, $0x4;
	[tilespmem:s30+$0x1C500] =	vst v39  }
0x390: {  	v20 =	vand.u32 $0x80000000, v20;
	vm12 =	veq.s32 v12, v56;
	v19 =	vnsel vm1, $0x0, v40;
	s3 =	sor.u32 s26, s17;
	v42 =	vld.idx.msk [tilespmem:v27+s4+$0x0], $0xffff;
	s1 =	sadd.s32 s2, s1;
	[tilespmem:s24+$0x0] =	vst v41  }
0x391: {  	v20 =	vor.u32 v20, v2;
	v21 =	vcvt.s32.f32 v61;
	v43 =	vsel vm12, $0x0, v0;
	v18 =	vld [tilespmem:s16+$0x19300];
	s1 =	sadd.s32 $0x10, s1;
	[tilespmem:s3+$0x0] =	vst v19  }
0x392: {  	vm4 =	vmand vm12, vm15;
	v22 =	vnsel vm12, $0x0, v22;
	s10 =	sor.u32 s8, s7;
	[tilespmem:s31+$0x1C500] =	vst v43;
	s24 =	sor.u32 $0x300, s1;
	v24 =	vld [tilespmem:s30+$0x19580];
	v44 =	vsub.s32 v28, v6  }
0x393: {  	v20 =	vnsel vm4, $0x0, v20;
	s16 =	sor.u32 s8, s14;
	[tilespmem:s10+$0x0] =	vst v22;
	v19 =	vld [tilespmem:s24+$0x19300];
	v45 =	vsub.s32 $0x0, v44;
	vm5 =	veq.s32 v16, v38  }
0x394: {  	v46 =	vand.u32 $0x80000000, v21;
	[tilespmem:s16+$0x0] =	vst v20;
	v47 =	vsel vm5, $0x0, v0;
	v51 =	vmin.u32 v44, v45  }
0x395: {  	v49 =	vor.u32 v46, v2;
	s9 =	simm.s32 $0x0;
	s3 =	sor.u32 s18, s13;
	vm1 =	vmand vm5, vm6;
	v50 =	vnsel vm5, $0x0, v42;
	[tilespmem:s11+$0x1C500] =	vst v47  }
0x396: {  	s7 =	sor.u32 s18, s17;
	v52 =	vnsel vm1, $0x0, v49;
	v54 =	vld.idx.msk [tilespmem:v28+s9+$0x0], $0xffff;
	[tilespmem:s3+$0x0] =	vst v50  }
0x397: {  	v48 =	vld [tilespmem:s31+$0x19580];
	[tilespmem:s7+$0x0] =	vst v52  }
0x398: {  	v31 =	vld [tilespmem:s11+$0x19580]  }
0x399: {  	v21 =	vld.idx.msk [tilespmem:v51+s4+$0x0], $0xffff  }
0x39a: {  	v55 =	vsub.s32 v24, v14;
	v43 =	vld.idx.msk [tilespmem:v24+s9+$0x0], $0xffff  }
0x39b: {  	v57 =	vsub.s32 $0x0, v55;
	v58 =	vsub.s32 v19, v11;
	v63 =	vld.idx.msk [tilespmem:v19+s9+$0x0], $0xffff;
	vm7 =	veq.s32 v5, v54  }
0x39c: {  	v22 =	vld [tilespmem:s15+$0x19300];
	v59 =	vmin.u32 v55, v57;
	v62 =	vsub.s32 $0x0, v58;
	v39 =	vsel vm7, $0x0, v0  }
0x39d: {  	v61 =	vsub.s32 v48, v10;
	v35 =	vmin.u32 v58, v62;
	[tilespmem:s23+$0x1C300] =	vst v39  }
0x39e: {  	v20 =	vsub.s32 v18, v7;
	v25 =	vcvt.s32.f32 v44;
	v42 =	vsub.s32 $0x0, v61;
	s16 =	rddreg [dreg:$0x1e]  }
0x39f: {  	v37 =	vmin.u32 v61, v42;
	s10 =	sor.u32 s16, s22;
	v21 =	vnsel vm7, $0x0, v21;
	vm11 =	veq.s32 v17, v43  }
0x3a0: {  	v47 =	vld.idx.msk [tilespmem:v48+s9+$0x0], $0xffff;
	v44 =	vsub.s32 v31, v15;
	vm9 =	veq.s32 v13, v63;
	[tilespmem:s10+$0x0] =	vst v21;
	v51 =	vsel vm11, $0x0, v0  }
0x3a1: {  	s13 =	sadd.s32 $0x2, s19;
	v56 =	vsub.s32 v22, v8;
	v45 =	vld.idx.msk [tilespmem:v59+s4+$0x0], $0xffff;
	v46 =	vsub.s32 $0x0, v44;
	v49 =	vsel vm9, $0x0, v0;
	[tilespmem:s30+$0x1C580] =	vst v51  }
0x3a2: {  	s14 =	sand.u32 $0x7, s13;
	v53 =	vsub.s32 $0x0, v20;
	vm0 =	vne.s32 v22, v8;
	v35 =	vld.idx.msk [tilespmem:v35+s4+$0x0], $0xffff;
	v33 =	vmin.u32 v44, v46;
	[tilespmem:s24+$0x1C300] =	vst v49  }
0x3a3: {  	s1 =	sshll.u32 s14, $0x4;
	v23 =	vmin.u32 v20, v53;
	v60 =	vsub.s32 $0x0, v56;
	v29 =	vcvt.s32.f32 v55;
	s14 =	sld [smem:$0x7D9]  }
0x3a4: {  	v30 =	vcvt.s32.f32 v56;
	v8 =	vmin.u32 v56, v60;
	vm10 =	vne.s32 v48, v10;
	v48 =	vld.idx.msk [tilespmem:v37+s4+$0x0], $0xffff  }
0x3a5: {  	s20 =	smov.u32 s15;
	s15 =	sor.u32 $0x1D180, s25;
	vm5 =	vne.s32 v24, v14;
	v34 =	vcvt.s32.f32 v61;
	v50 =	vand.u32 $0x80000000, v29;
	v52 =	vld.idx.msk [tilespmem:v31+s9+$0x0], $0xffff  }
0x3a6: {  	s17 =	sadd.s32 $0x1DD80, s25;
	s19 =	sor.u32 s26, s15;
	v53 =	vor.u32 v50, v2;
	vm4 =	vmand vm11, vm5;
	v54 =	vnsel vm11, $0x0, v45;
	s1 =	sadd.s32 s14, s1  }
0x3a7: {  	v55 =	vand.u32 $0x80000000, v34;
	vm12 =	veq.s32 v12, v47;
	s22 =	sor.u32 s26, s17;
	v24 =	vnsel vm4, $0x0, v53;
	[tilespmem:s19+$0x0] =	vst v54;
	v56 =	vld.idx.msk [tilespmem:v33+s4+$0x0], $0xffff;
	s1 =	sadd.s32 $0x10, s1  }
0x3a8: {  	s6 =	sadd.s32 $0x1, s6;
	v57 =	vcvt.s32.f32 v58;
	v26 =	vor.u32 v55, v2;
	v58 =	vsel vm12, $0x0, v0;
	[tilespmem:s22+$0x0] =	vst v24;
	s3 =	sor.u32 $0x300, s1  }
0x3a9: {  	s12 =	sor.u32 s8, s12;
	s23 =	sand.u32 $0x3, s6;
	s6 =	sadd.s32 $0x1, s6;
	v27 =	vcvt.s32.f32 v44;
	vm3 =	vmand vm12, vm10;
	[tilespmem:s31+$0x1C580] =	vst v58;
	v21 =	vnsel vm12, $0x0, v48;
	v32 =	vld [tilespmem:s3+$0x19300]  }
0x3aa: {  	v59 =	vand.u32 $0x80000000, v57;
	s30 =	sor.u32 s8, s5;
	v60 =	vnsel vm3, $0x0, v26;
	s24 =	sadd.s32 $0x100, s0;
	[tilespmem:s12+$0x0] =	vst v21;
	vm13 =	veq.s32 v16, v52;
	s1 =	sshll.u32 s23, $0x5  }
0x3ab: {  	vm14 =	vne.s32 v31, v15;
	v61 =	vand.u32 $0x80000000, v27;
	s0 =	sor.u32 s18, s15;
	s31 =	sand.u32 $0x3, s6;
	[tilespmem:s30+$0x0] =	vst v60;
	v62 =	vsel vm13, $0x0, v0;
	s1 =	sadd.s32 s1, s24  }
0x3ac: {  	s5 =	sadd.s32 $0x100, s24;
	v24 =	vor.u32 v61, v2;
	vm3 =	vmand vm13, vm14;
	[tilespmem:s11+$0x1C580] =	vst v62;
	s4 =	sor.u32 $0x300, s1;
	v33 =	vnsel vm13, $0x0, v56;
	s1 =	sshll.u32 s31, $0x5  }
0x3ad: {  	vm15 =	vne.s32 v19, v11;
	s7 =	sor.u32 s18, s17;
	v36 =	vor.u32 v59, v2;
	s10 =	sor.u32 $0x1D200, s28;
	v37 =	vnsel vm3, $0x0, v24;
	v63 =	vld [tilespmem:s4+$0x19300];
	[tilespmem:s0+$0x0] =	vst v33;
	s1 =	sadd.s32 s1, s5  }
0x3ae: {  	vm2 =	vmand vm9, vm15;
	s17 =	sor.u32 s29, s10;
	v38 =	vnsel vm9, $0x0, v35;
	s5 =	sadd.s32 $0x1DE00, s28;
	[tilespmem:s7+$0x0] =	vst v37;
	s6 =	sor.u32 $0x300, s1;
	v39 =	vsub.s32 v32, v14  }
0x3af: {  	v19 =	vnsel vm2, $0x0, v36;
	[tilespmem:s17+$0x0] =	vst v38;
	s19 =	sor.u32 s29, s5;
	v42 =	vld [tilespmem:s6+$0x19300];
	v41 =	vsub.s32 $0x0, v39  }
0x3b0: {  	v34 =	vld.idx.msk [tilespmem:v18+s9+$0x0], $0xffff;
	s1 =	rddreg [dreg:$0xc];
	[tilespmem:s19+$0x0] =	vst v19;
	v44 =	vmin.u32 v39, v41  }
0x3b1: {  	vm8 =	vne.s32 v28, v6;
	s22 =	sld [smem:$0x7CA]  }
0x3b2: {  	v25 =	vand.u32 $0x80000000, v25;
	v20 =	vcvt.s32.f32 v20;
	v22 =	vld.idx.msk [tilespmem:v22+s9+$0x0], $0xffff;
	v46 =	vsub.s32 v63, v10  }
0x3b3: {  	s13 =	simm.s32 $0xC380;
	v40 =	vor.u32 v25, v2;
	vm1 =	vmand vm7, vm8;
	v49 =	vsub.s32 $0x0, v46;
	v52 =	vld.idx.msk [tilespmem:v32+s9+$0x0], $0xffff  }
0x3b4: {  	v43 =	vld.idx.msk [tilespmem:v23+s13+$0x0], $0xffff;
	v21 =	vnsel vm1, $0x0, v40;
	s23 =	sor.u32 s16, s22;
	v51 =	vmin.u32 v46, v49;
	v53 =	vsub.s32 v42, v15  }
0x3b5: {  	vm8 =	vne.s32 v18, v7;
	vm7 =	veq.s32 v9, v34;
	[tilespmem:s23+$0x0] =	vst v21;
	v54 =	vsub.s32 $0x0, v53;
	v23 =	vld.idx.msk [tilespmem:v44+s13+$0x0], $0xffff  }
0x3b6: {  	v47 =	vand.u32 $0x80000000, v20;
	v50 =	vsel vm7, $0x0, v0;
	v56 =	vld.idx.msk [tilespmem:v63+s9+$0x0], $0xffff;
	s24 =	sld [smem:$0x7CB];
	v29 =	vmin.u32 v53, v54  }
0x3b7: {  	v9 =	vor.u32 v47, v2;
	vm3 =	vmand vm7, vm8;
	v24 =	vcvt.s32.f32 v39;
	v60 =	vld.idx.msk [tilespmem:v42+s9+$0x0], $0xffff  }
0x3b8: {  	vm1 =	veq.s32 v4, v22;
	v9 =	vnsel vm3, $0x0, v9;
	vm9 =	veq.s32 v17, v52  }
0x3b9: {  	s30 =	sor.u32 $0x1D200, s25;
	vm10 =	vne.s32 v32, v14;
	v59 =	vand.u32 $0x80000000, v24;
	s12 =	rddreg [dreg:$0x18];
	[tilespmem:s24+$0x1C300] =	vst v50;
	v18 =	vld.idx.msk [tilespmem:v51+s13+$0x0], $0xffff;
	v22 =	vsel vm9, $0x0, v0  }
0x3ba: {  	s15 =	sor.u32 s26, s30;
	s31 =	sadd.s32 $0x1DE00, s25;
	s1 =	sor.u32 s1, s2;
	v7 =	vor.u32 v59, v2;
	vm2 =	vmand vm9, vm10;
	[tilespmem:s3+$0x1C300] =	vst v22;
	v61 =	vnsel vm9, $0x0, v23  }
0x3bb: {  	s17 =	sor.u32 s26, s31;
	s0 =	sor.u32 $0x380, s1;
	v21 =	vcvt.s32.f32 v46;
	vm11 =	veq.s32 v12, v56;
	v7 =	vnsel vm2, $0x0, v7;
	v62 =	vld.idx.msk [tilespmem:v29+s13+$0x0], $0xffff;
	[tilespmem:s15+$0x0] =	vst v61  }
0x3bc: {  	v4 =	vld [tilespmem:s0+$0x19300];
	vm12 =	vne.s32 v63, v10;
	v31 =	vsel vm11, $0x0, v0;
	vm14 =	veq.s32 v16, v60;
	s1 =	sld [smem:$0x7D4];
	[tilespmem:s17+$0x0] =	vst v7  }
0x3bd: {  	v35 =	vcvt.s32.f32 v53;
	v29 =	vand.u32 $0x80000000, v21;
	v24 =	vsel vm14, $0x0, v0;
	[tilespmem:s4+$0x1C300] =	vst v31  }
0x3be: {  	s19 =	sor.u32 s8, s10;
	v63 =	vld.idx.msk [tilespmem:v8+s13+$0x0], $0xffff;
	vm13 =	vmand vm11, vm12;
	v8 =	vor.u32 v29, v2;
	v18 =	vnsel vm11, $0x0, v18;
	[tilespmem:s6+$0x1C300] =	vst v24  }
0x3bf: {  	s22 =	sor.u32 s8, s5;
	vm15 =	vne.s32 v42, v15;
	v23 =	vand.u32 $0x80000000, v35;
	v8 =	vnsel vm13, $0x0, v8;
	[tilespmem:s19+$0x0] =	vst v18  }
0x3c0: {  	s2 =	sor.u32 s18, s30;
	v48 =	vld [tilespmem:s12+$0x19300];
	vm3 =	vmand vm14, vm15;
	v23 =	vor.u32 v23, v2;
	[tilespmem:s22+$0x0] =	vst v8;
	v22 =	vnsel vm14, $0x0, v62  }
0x3c1: {  	v55 =	vsub.s32 v4, v11;
	s24 =	sor.u32 s18, s31;
	v23 =	vnsel vm3, $0x0, v23;
	s1 =	sor.u32 s1, s14;
	s5 =	rddreg [dreg:$0x13];
	[tilespmem:s2+$0x0] =	vst v22  }
0x3c2: {  	v57 =	vsub.s32 $0x0, v55;
	s1 =	sor.u32 $0x380, s1;
	[tilespmem:s24+$0x0] =	vst v23  }
0x3c3: {  	v33 =	vmin.u32 v55, v57;
	v32 =	vld [tilespmem:s1+$0x19300];
	s6 =	sld [smem:$0x7CC];
	_ =	sdelay $0x1  }
0x3c4: {  	s23 =	sor.u32 $0x1D280, s21;
	v37 =	vld.idx.msk [tilespmem:v4+s9+$0x0], $0xffff;
	v58 =	vsub.s32 v48, v6  }
0x3c5: {  	v45 =	vand.u32 $0x80000000, v30;
	v19 =	vnsel vm7, $0x0, v43;
	v36 =	vsub.s32 $0x0, v58;
	v38 =	vld [tilespmem:s5+$0x19300];
	s31 =	sor.u32 s6, s23  }
0x3c6: {  	vm0 =	vmand vm1, vm0;
	s30 =	sadd.s32 $0x1DE80, s21;
	v39 =	vor.u32 v45, v2;
	v18 =	vmin.u32 v58, v36;
	[tilespmem:s31+$0x0] =	vst v19  }
0x3c7: {  	v42 =	vsel vm1, $0x0, v0;
	v47 =	vcvt.s32.f32 v55;
	v40 =	vld.idx.msk [tilespmem:v33+s13+$0x0], $0xffff;
	s7 =	sor.u32 s6, s30;
	v41 =	vsub.s32 v32, v14;
	s10 =	rddreg [dreg:$0x14]  }
0x3c8: {  	vm7 =	vne.s32 v4, v11;
	vm5 =	vne.s32 v48, v6;
	[tilespmem:s7+$0x0] =	vst v9;
	v44 =	vsub.s32 $0x0, v41;
	v45 =	vld [tilespmem:s10+$0x19300]  }
0x3c9: {  	v6 =	vand.u32 $0x80000000, v47;
	v43 =	vcvt.s32.f32 v58;
	v46 =	vld.idx.msk [tilespmem:v48+s9+$0x0], $0xffff;
	[tilespmem:s20+$0x1C300] =	vst v42;
	v48 =	vmin.u32 v41, v44  }
0x3ca: {  	v7 =	vnsel vm1, $0x0, v63;
	vm6 =	veq.s32 v13, v37;
	v50 =	vsub.s32 v38, v10;
	s3 =	rddreg [dreg:$0x19]  }
0x3cb: {  	v6 =	vor.u32 v6, v2;
	v52 =	vsel vm6, $0x0, v0;
	v4 =	vld.idx.msk [tilespmem:v18+s13+$0x0], $0xffff;
	v51 =	vsub.s32 $0x0, v50;
	[tilespmem:s3+$0x0] =	vst v7  }
0x3cc: {  	s11 =	sor.u32 $0x1D280, s28;
	v49 =	vand.u32 $0x80000000, v43;
	v22 =	vnsel vm0, $0x0, v39;
	v7 =	vmin.u32 v50, v51;
	s3 =	rddreg [dreg:$0x1a];
	v53 =	vld.idx.msk [tilespmem:v32+s9+$0x0], $0xffff;
	[tilespmem:s0+$0x1C300] =	vst v52  }
0x3cd: {  	s15 =	sor.u32 s29, s11;
	vm1 =	vmand vm6, vm7;
	s14 =	sadd.s32 $0x1DE80, s28;
	v54 =	vnsel vm6, $0x0, v40;
	[tilespmem:s3+$0x0] =	vst v22;
	v55 =	vsub.s32 v45, v15  }
0x3ce: {  	s17 =	sor.u32 s29, s14;
	vm8 =	veq.s32 v5, v46;
	v5 =	vnsel vm1, $0x0, v6;
	[tilespmem:s15+$0x0] =	vst v54;
	v56 =	vld.idx.msk [tilespmem:v48+s13+$0x0], $0xffff;
	v57 =	vsub.s32 $0x0, v55  }
0x3cf: {  	vm0 =	vmand vm8, vm5;
	v58 =	vld.idx.msk [tilespmem:v38+s9+$0x0], $0xffff;
	[tilespmem:s17+$0x0] =	vst v5;
	v5 =	vsel vm8, $0x0, v0;
	v9 =	vmin.u32 v55, v57  }
0x3d0: {  	s19 =	sor.u32 s16, s23;
	v4 =	vnsel vm8, $0x0, v4;
	v59 =	vcvt.s32.f32 v41;
	[tilespmem:s12+$0x1C300] =	vst v5;
	v5 =	vor.u32 v49, v2  }
0x3d1: {  	s20 =	sor.u32 s16, s30;
	vm10 =	vne.s32 v32, v14;
	[tilespmem:s19+$0x0] =	vst v4;
	v4 =	vnsel vm0, $0x0, v5;
	v7 =	vld.idx.msk [tilespmem:v7+s13+$0x0], $0xffff;
	vm9 =	veq.s32 v17, v53  }
0x3d2: {  	s21 =	sor.u32 $0x1D280, s25;
	v5 =	vcvt.s32.f32 v50;
	[tilespmem:s20+$0x0] =	vst v4;
	v4 =	vand.u32 $0x80000000, v59;
	v60 =	vsel vm9, $0x0, v0;
	v61 =	vld.idx.msk [tilespmem:v45+s9+$0x0], $0xffff  }
0x3d3: {  	s22 =	sadd.s32 $0x1DE80, s25;
	s23 =	sor.u32 s26, s21;
	v4 =	vor.u32 v4, v2;
	vm0 =	vmand vm9, vm10;
	[tilespmem:s1+$0x1C300] =	vst v60;
	v6 =	vnsel vm9, $0x0, v56  }
0x3d4: {  	s24 =	sor.u32 s26, s22;
	vm11 =	vne.s32 v38, v10;
	vm12 =	veq.s32 v12, v58;
	v4 =	vnsel vm0, $0x0, v4;
	[tilespmem:s23+$0x0] =	vst v6;
	v62 =	vld.idx.msk [tilespmem:v9+s13+$0x0], $0xffff  }
0x3d5: {  	v63 =	vcvt.s32.f32 v55;
	[tilespmem:s24+$0x0] =	vst v4;
	v4 =	vand.u32 $0x80000000, v5;
	v5 =	vsel vm12, $0x0, v0  }
0x3d6: {  	s25 =	sor.u32 s8, s11;
	vm13 =	vmand vm12, vm11;
	[tilespmem:s5+$0x1C300] =	vst v5;
	v4 =	vor.u32 v4, v2;
	v5 =	vnsel vm12, $0x0, v7  }
0x3d7: {  	s26 =	sor.u32 s8, s14;
	vm14 =	veq.s32 v16, v61;
	[tilespmem:s25+$0x0] =	vst v5;
	v4 =	vnsel vm13, $0x0, v4  }
0x3d8: {  	vm15 =	vne.s32 v45, v15;
	v5 =	vsel vm14, $0x0, v0;
	[tilespmem:s26+$0x0] =	vst v4;
	v4 =	vand.u32 $0x80000000, v63  }
0x3d9: {  	s0 =	sor.u32 s18, s21;
	vm1 =	vmand vm14, vm15;
	[tilespmem:s10+$0x1C300] =	vst v5;
	v4 =	vor.u32 v4, v2;
	v5 =	vnsel vm14, $0x0, v62  }
0x3da: {  	s28 =	sor.u32 s18, s22;
	[tilespmem:s0+$0x0] =	vst v5;
	v4 =	vnsel vm1, $0x0, v4  }
0x3db: {  	[tilespmem:s28+$0x0] =	vst v4  }
0x3dc: {  	s0 =	sld [smem:$0x7F3]  }
.Ltmp4:
0x3dd: {  	s1 =	sld [smem:$0x7DA];
	(pc) =	sbr.rel @p3 .LBB2_8-.Ltmp4, $4  }
0x3de: {  	_ = 	snop  }
0x3df: {  	s4 =	simm.s32 $0x0;
	s29 =	simm.s32 $0xC00  }
0x3e0: {  	s31 =	simm.s32 $0x1C300;
	s30 =	simm.s32 $0x187000;
	s0 =	sadd.s32 s1, s0  }
0x3e1: {  	[hbm4b:s0+s29] =	stream.strided.scatter [tilespmem:s31], [sflag:$0x6], $0x2400, s30, s29, $0x38;
	[tilespmem:$0x1E700] =	vst v63  }
0x3e2: {  	s0 =	sld [smem:$0x7F7]  }
0x3e3: {  	s1 =	sld [smem:$0x7ED]  }
.Ltmp5:
0x3e4: {  	_ = 	snop;
	(pc) =	sbr.rel .LBB2_2-.Ltmp5, $4  }
0x3e5: {  	s30 =	sld [smem:$0x7EA]  }
0x3e6: {  	s29 =	simm.s32 $0x19300;
	s31 =	rddreg [dreg:$0x5];
	s0 =	sadd.s32 s1, s0  }
0x3e7: {  	[tilespmem:s29], [sflag:$0x4] =	stream.linear.gather [hbm4b:s0+s4], $0xC00, $0x38;
	[tilespmem:$0x1E700] =	vst v63  }
0x3e8: {  	s1 =	sadd.s32 $0x1, s30;
	s0 =	sadd.s32 $0x300, s31  }
.LBB2_8:
0x3e9: {  	s0 =	simm.s32 $0x5  }
0x3ea: {  	_ =	swait.ge [sflag:s0], $0x2400  }
.Ltmp6:
0x3eb: {  	[sflag:s0] =	ssyncset.done $0x0;
	(pc) =	sbr.rel @p0 .LBB2_12-.Ltmp6, $4  }
0x3ec: {  	s31 =	simm.s32 $0x6;
	[sflag:s0] =	ssyncadd.s32 $0xFFFFDC00  }
0x3ed: {  	_ =	swait.ge [sflag:s31], $0x2400  }
0x3ee: {  	[sflag:s31] =	ssyncset.done $0x0  }
0x3ef: {  	[sflag:s31] =	ssyncadd.s32 $0xFFFFDC00  }
0x3f0: {  	s1 =	sld [smem:$0x7F9];
	_ =	sdelay $0x1  }
0x3f1: {  	s0 =	simm.s32 $0x0;
	s2 =	simm.s32 $0x18700;
	s28 =	simm.s32 $0x7  }
0x3f2: {  	[tilespmem:s2], [sflag:$0x7] =	stream.linear.gather [hbm4b:s1+s0], $0x400, $0x38;
	[tilespmem:$0x1E700] =	vst v63  }
0x3f3: {  	_ =	swait.ge [sflag:s28], $0x400  }
0x3f4: {  	s10 =	sld [smem:$0x7FD];
	_ =	sdelay $0x1  }
0x3f5: {  	[sflag:s28] =	ssyncset.done $0x0  }
0x3f6: {  	s0 =	simm.s32 $0x0;
	[sflag:s28] =	ssyncadd.s32 $0xFFFFFC00;
	s29 =	sadd.s32 $0xFFFFFFE0, s10  }
0x3f7: {  	v5 =	vld [tilespmem:s0+$0x18710];
	s30 =	sadd.s32 $0xC030, s29  }
0x3f8: {  	v4 =	vmov s30  }
0x3f9: {  	v4 =	vbroadcast v4, $0x0;
	_ =	sdelay $0x1  }
0x3fa: {  	v12 =	vor.u32 v1, v4  }
0x3fb: {  	v8 =	vld [tilespmem:s0+$0x18700];
	v7 =	vsub.s32 v5, v12  }
0x3fc: {  	v10 =	vld.idx.msk [tilespmem:v3+s0+$0xC010 ss:$0x1], $0xffff;
	s1 =	sadd.s32 $0xC020, s29;
	v4 =	vsub.s32 $0x0, v7  }
0x3fd: {  	s4 =	simm.s32 $0x0;
	v15 =	vld [tilespmem:s0+$0x18790];
	v6 =	vmov s1;
	v9 =	vmin.u32 v7, v4  }
0x3fe: {  	v11 =	vld.idx.msk [tilespmem:v5+s4+$0x0], $0xffff;
	v4 =	vbroadcast v6, $0x0;
	_ =	sdelay $0x1  }
0x3ff: {  	v6 =	vor.u32 v1, v4  }
0x400: {  	v7 =	vcvt.s32.f32 v7;
	v13 =	vsub.s32 v8, v6  }
0x401: {  	vm1 =	vne.s32 v5, v12;
	v18 =	vsub.s32 v15, v12;
	v14 =	vsub.s32 $0x0, v13;
	v9 =	vld.idx.msk [tilespmem:v9+s13+$0x0], $0xffff  }
0x402: {  	v19 =	vld.idx.msk [tilespmem:v8+s4+$0x0], $0xffff;
	v7 =	vand.u32 $0x80000000, v7;
	vm0 =	veq.s32 v10, v11;
	v14 =	vmin.u32 v13, v14  }
0x403: {  	v4 =	vld.idx.msk [tilespmem:v3+s0+$0xC000 ss:$0x1], $0xffff;
	v5 =	vor.u32 v7, v2;
	v11 =	vsel vm0, $0x0, v0;
	vm1 =	vmand vm0, vm1  }
0x404: {  	v20 =	vsub.s32 $0x0, v18;
	[tilespmem:s0+$0x19F10] =	vst v11;
	v11 =	vnsel vm1, $0x0, v5  }
0x405: {  	v16 =	vld [tilespmem:s0+$0x18780];
	[tilespmem:s0+$0x1B710] =	vst v11;
	v11 =	vmin.u32 v18, v20  }
0x406: {  	v9 =	vnsel vm0, $0x0, v9  }
0x407: {  	v13 =	vcvt.s32.f32 v13;
	v20 =	vld.idx.msk [tilespmem:v14+s13+$0x0], $0xffff;
	[tilespmem:s0+$0x1AB10] =	vst v9  }
0x408: {  	vm1 =	veq.s32 v4, v19;
	v21 =	vld.idx.msk [tilespmem:v15+s4+$0x0], $0xffff  }
0x409: {  	v13 =	vand.u32 $0x80000000, v13;
	v18 =	vcvt.s32.f32 v18;
	v22 =	vsel vm1, $0x0, v0;
	v9 =	vld [tilespmem:s0+$0x18810]  }
0x40a: {  	v13 =	vor.u32 v13, v2;
	vm0 =	vne.s32 v8, v6;
	v8 =	vsub.s32 v16, v6;
	v11 =	vld.idx.msk [tilespmem:v11+s13+$0x0], $0xffff  }
0x40b: {  	v18 =	vand.u32 $0x80000000, v18;
	v19 =	vsub.s32 $0x0, v8;
	vm0 =	vmand vm1, vm0  }
0x40c: {  	[tilespmem:s0+$0x19F00] =	vst v22;
	v18 =	vor.u32 v18, v2;
	v19 =	vmin.u32 v8, v19;
	v22 =	vnsel vm0, $0x0, v13  }
0x40d: {  	v17 =	vld [tilespmem:s0+$0x18800];
	vm0 =	vne.s32 v15, v12;
	[tilespmem:s0+$0x1B700] =	vst v22;
	v20 =	vnsel vm1, $0x0, v20;
	vm1 =	veq.s32 v10, v21  }
0x40e: {  	v14 =	vld [tilespmem:s0+$0x18980];
	v8 =	vcvt.s32.f32 v8;
	[tilespmem:s0+$0x1AB00] =	vst v20;
	v20 =	vsub.s32 v9, v12;
	v21 =	vsel vm1, $0x0, v0  }
0x40f: {  	v15 =	vsub.s32 $0x0, v20;
	v11 =	vnsel vm1, $0x0, v11;
	vm0 =	vmand vm1, vm0;
	[tilespmem:s0+$0x19F90] =	vst v21;
	v21 =	vld.idx.msk [tilespmem:v16+s4+$0x0], $0xffff  }
0x410: {  	v7 =	vld [tilespmem:s0+$0x18880];
	v15 =	vmin.u32 v20, v15;
	[tilespmem:s0+$0x1AB90] =	vst v11;
	v11 =	vnsel vm0, $0x0, v18  }
0x411: {  	v8 =	vand.u32 $0x80000000, v8;
	v18 =	vld.idx.msk [tilespmem:v19+s13+$0x0], $0xffff;
	[tilespmem:s0+$0x1B790] =	vst v11  }
0x412: {  	vm2 =	vne.s32 v17, v6;
	v8 =	vor.u32 v8, v2;
	v19 =	vld.idx.msk [tilespmem:v9+s4+$0x0], $0xffff  }
0x413: {  	vm4 =	vne.s32 v14, v6;
	vm0 =	vne.s32 v16, v6;
	v16 =	vsub.s32 v17, v6;
	v11 =	vld [tilespmem:s0+$0x18890]  }
0x414: {  	v20 =	vcvt.s32.f32 v20;
	v22 =	vsub.s32 $0x0, v16;
	vm1 =	veq.s32 v4, v21  }
0x415: {  	v23 =	vcvt.s32.f32 v16;
	v22 =	vmin.u32 v16, v22;
	v15 =	vld.idx.msk [tilespmem:v15+s13+$0x0], $0xffff;
	v24 =	vsel vm1, $0x0, v0  }
0x416: {  	v21 =	vsub.s32 v7, v6;
	vm0 =	vmand vm1, vm0;
	v18 =	vnsel vm1, $0x0, v18;
	[tilespmem:s0+$0x19F80] =	vst v24  }
0x417: {  	vm1 =	vne.s32 v9, v12;
	v8 =	vnsel vm0, $0x0, v8;
	vm0 =	veq.s32 v10, v19;
	[tilespmem:s0+$0x1AB80] =	vst v18  }
0x418: {  	v5 =	vld [tilespmem:s0+$0x18900];
	v18 =	vand.u32 $0x80000000, v20;
	v20 =	vcvt.s32.f32 v21;
	[tilespmem:s0+$0x1B780] =	vst v8;
	v8 =	vsub.s32 v11, v12  }
0x419: {  	v19 =	vsel vm0, $0x0, v0;
	v18 =	vor.u32 v18, v2;
	v9 =	vsub.s32 $0x0, v8;
	v17 =	vld.idx.msk [tilespmem:v17+s4+$0x0], $0xffff  }
0x41a: {  	[tilespmem:s0+$0x1A010] =	vst v19;
	v15 =	vnsel vm0, $0x0, v15;
	vm0 =	vmand vm0, vm1;
	v19 =	vand.u32 $0x80000000, v23  }
0x41b: {  	vm1 =	vne.s32 v7, v6;
	v20 =	vand.u32 $0x80000000, v20;
	v9 =	vmin.u32 v8, v9  }
0x41c: {  	v22 =	vld.idx.msk [tilespmem:v22+s13+$0x0], $0xffff;
	[tilespmem:s0+$0x1AC10] =	vst v15;
	v15 =	vnsel vm0, $0x0, v18;
	v18 =	vor.u32 v19, v2;
	v19 =	vsub.s32 $0x0, v21  }
0x41d: {  	v23 =	vld [tilespmem:s0+$0x18910];
	v20 =	vor.u32 v20, v2;
	[tilespmem:s0+$0x1B810] =	vst v15;
	v15 =	vmin.u32 v21, v19;
	v19 =	vsub.s32 v5, v6  }
0x41e: {  	v8 =	vcvt.s32.f32 v8;
	v21 =	vsub.s32 $0x0, v19;
	v25 =	vld.idx.msk [tilespmem:v11+s4+$0x0], $0xffff;
	vm3 =	veq.s32 v4, v17  }
0x41f: {  	v24 =	vcvt.s32.f32 v19;
	v17 =	vsel vm3, $0x0, v0;
	vm2 =	vmand vm3, vm2  }
0x420: {  	v8 =	vand.u32 $0x80000000, v8;
	v19 =	vmin.u32 v19, v21;
	v9 =	vld.idx.msk [tilespmem:v9+s13+$0x0], $0xffff;
	[tilespmem:s0+$0x1A000] =	vst v17;
	v17 =	vnsel vm2, $0x0, v18  }
0x421: {  	v21 =	vand.u32 $0x80000000, v24;
	v24 =	vsub.s32 v14, v6;
	v18 =	vnsel vm3, $0x0, v22;
	[tilespmem:s0+$0x1B800] =	vst v17  }
0x422: {  	v13 =	vld [tilespmem:s0+$0x18A00];
	vm0 =	vne.s32 v5, v6;
	v8 =	vor.u32 v8, v2;
	v22 =	vcvt.s32.f32 v24;
	[tilespmem:s0+$0x1AC00] =	vst v18  }
0x423: {  	v26 =	vsub.s32 v23, v12;
	vm3 =	vne.s32 v11, v12;
	vm2 =	veq.s32 v10, v25;
	v7 =	vld.idx.msk [tilespmem:v7+s4+$0x0], $0xffff  }
0x424: {  	v11 =	vsub.s32 $0x0, v26;
	v17 =	vsel vm2, $0x0, v0;
	v18 =	vand.u32 $0x80000000, v22  }
0x425: {  	v22 =	vld.idx.msk [tilespmem:v15+s13+$0x0], $0xffff;
	[tilespmem:s0+$0x1A090] =	vst v17;
	v17 =	vsub.s32 $0x0, v24;
	v9 =	vnsel vm2, $0x0, v9;
	vm2 =	vmand vm2, vm3  }
0x426: {  	v16 =	vld [tilespmem:s0+$0x18A80];
	v11 =	vmin.u32 v26, v11;
	v17 =	vmin.u32 v24, v17;
	[tilespmem:s0+$0x1AC90] =	vst v9;
	v8 =	vnsel vm2, $0x0, v8  }
0x427: {  	v24 =	vld [tilespmem:s0+$0x18990];
	v9 =	vor.u32 v21, v2;
	v21 =	vor.u32 v18, v2;
	[tilespmem:s0+$0x1B890] =	vst v8;
	v8 =	vsub.s32 v13, v6  }
0x428: {  	vm2 =	vne.s32 v13, v6;
	v15 =	vsub.s32 $0x0, v8;
	vm3 =	veq.s32 v4, v7  }
0x429: {  	v18 =	vcvt.s32.f32 v8;
	v7 =	vld.idx.msk [tilespmem:v23+s4+$0x0], $0xffff;
	v25 =	vsel vm3, $0x0, v0;
	vm1 =	vmand vm3, vm1  }
0x42a: {  	v15 =	vmin.u32 v8, v15;
	v22 =	vnsel vm3, $0x0, v22;
	vm3 =	vne.s32 v23, v12;
	[tilespmem:s0+$0x1A080] =	vst v25  }
0x42b: {  	v11 =	vld.idx.msk [tilespmem:v11+s13+$0x0], $0xffff;
	v8 =	vand.u32 $0x80000000, v18;
	v20 =	vnsel vm1, $0x0, v20;
	[tilespmem:s0+$0x1AC80] =	vst v22;
	v22 =	vcvt.s32.f32 v26  }
0x42c: {  	v27 =	vsub.s32 v24, v12;
	v18 =	vor.u32 v8, v2;
	v8 =	vsub.s32 v16, v6;
	[tilespmem:s0+$0x1B880] =	vst v20  }
0x42d: {  	s31 =	sadd.s32 $0x0, s10;
	s1 =	simm.s32 $0x20;
	v20 =	vsub.s32 $0x0, v8;
	v25 =	vcvt.s32.f32 v8;
	v26 =	vld.idx.msk [tilespmem:v5+s4+$0x0], $0xffff;
	v5 =	vsub.s32 $0x0, v27  }
0x42e: {  	s3 =	sadd.s32 $0xC030, s31;
	v29 =	vld [tilespmem:s1+$0x18700];
	vm1 =	veq.s32 v10, v7;
	v7 =	vand.u32 $0x80000000, v22;
	v23 =	vmin.u32 v27, v5  }
0x42f: {  	v38 =	vld [tilespmem:s1+$0x18790];
	v20 =	vmin.u32 v8, v20;
	v8 =	vmov s3;
	v22 =	vsel vm1, $0x0, v0  }
0x430: {  	v19 =	vld.idx.msk [tilespmem:v19+s13+$0x0], $0xffff;
	v7 =	vor.u32 v7, v2;
	v11 =	vnsel vm1, $0x0, v11;
	vm1 =	vmand vm1, vm3  }
0x431: {  	s2 =	sadd.s32 $0xC020, s31;
	v58 =	vld [tilespmem:s1+$0x18810];
	v27 =	vcvt.s32.f32 v27;
	[tilespmem:s0+$0x1A110] =	vst v22;
	v22 =	vand.u32 $0x80000000, v25;
	v7 =	vnsel vm1, $0x0, v7  }
0x432: {  	v25 =	vld [tilespmem:s1+$0x18710];
	vm1 =	vne.s32 v16, v6;
	v6 =	vbroadcast v8, $0x0;
	[tilespmem:s0+$0x1B910] =	vst v7;
	v7 =	vmov s2  }
0x433: {  	[tilespmem:s0+$0x1AD10] =	vst v11;
	v11 =	vld [tilespmem:s0+$0x18A10];
	v5 =	vor.u32 v22, v2;
	vm3 =	veq.s32 v4, v26;
	v7 =	vbroadcast v7, $0x0  }
0x434: {  	v30 =	vld [tilespmem:s1+$0x18780];
	v6 =	vor.u32 v1, v6;
	vm0 =	vmand vm3, vm0;
	v28 =	vsel vm3, $0x0, v0  }
0x435: {  	v8 =	vld.idx.msk [tilespmem:v24+s4+$0x0], $0xffff;
	v19 =	vnsel vm3, $0x0, v19;
	vm3 =	vne.s32 v24, v12;
	v24 =	vand.u32 $0x80000000, v27  }
0x436: {  	v45 =	vsub.s32 v58, v6;
	vm7 =	vne.s32 v38, v6;
	vm9 =	vne.s32 v58, v6  }
0x437: {  	v26 =	vnsel vm0, $0x0, v9;
	v22 =	vor.u32 v1, v7;
	vm0 =	vmmov vm1  }
0x438: {  	v9 =	vld.idx.msk [tilespmem:v23+s13+$0x0], $0xffff;
	v24 =	vor.u32 v24, v2;
	v23 =	vsub.s32 v25, v6;
	v32 =	vsub.s32 v11, v12  }
0x439: {  	v34 =	vsub.s32 v29, v22;
	v36 =	vsub.s32 v30, v22;
	v7 =	vsub.s32 $0x0, v23  }
0x43a: {  	v31 =	vmin.u32 v23, v7;
	vm1 =	veq.s32 v10, v8;
	v8 =	vsub.s32 $0x0, v32  }
0x43b: {  	v35 =	vcvt.s32.f32 v34;
	v27 =	vsel vm1, $0x0, v0;
	v33 =	vmin.u32 v32, v8;
	v8 =	vld.idx.msk [tilespmem:v3+s1+$0xC010 ss:$0x1], $0xffff  }
0x43c: {  	vm6 =	vne.s32 v25, v6;
	v53 =	vcvt.s32.f32 v36;
	v23 =	vcvt.s32.f32 v23;
	[tilespmem:s0+$0x1A190] =	vst v27;
	v27 =	vld.idx.msk [tilespmem:v25+s4+$0x0], $0xffff  }
0x43d: {  	v7 =	vld.idx.msk [tilespmem:v3+s1+$0xC000 ss:$0x1], $0xffff;
	v35 =	vand.u32 $0x80000000, v35;
	v9 =	vnsel vm1, $0x0, v9;
	vm1 =	vmand vm1, vm3  }
0x43e: {  	v32 =	vcvt.s32.f32 v32;
	vm3 =	vne.s32 v29, v22;
	v25 =	vld [tilespmem:s0+$0x18A90];
	[tilespmem:s0+$0x1AD90] =	vst v9;
	v9 =	vnsel vm1, $0x0, v24  }
0x43f: {  	v35 =	vor.u32 v35, v2;
	v23 =	vand.u32 $0x80000000, v23;
	v24 =	vsub.s32 $0x0, v34;
	[tilespmem:s0+$0x1B990] =	vst v9;
	v31 =	vld.idx.msk [tilespmem:v31+s13+$0x0], $0xffff  }
0x440: {  	vm1 =	vne.s32 v30, v22;
	v23 =	vor.u32 v23, v2;
	v9 =	vmin.u32 v34, v24;
	v37 =	vld.idx.msk [tilespmem:v11+s4+$0x0], $0xffff  }
0x441: {  	v24 =	vsub.s32 $0x0, v36;
	v34 =	vand.u32 $0x80000000, v53;
	v33 =	vld.idx.msk [tilespmem:v33+s13+$0x0], $0xffff;
	vm5 =	veq.s32 v8, v27  }
0x442: {  	v29 =	vld.idx.msk [tilespmem:v29+s4+$0x0], $0xffff;
	v36 =	vmin.u32 v36, v24;
	v34 =	vor.u32 v34, v2;
	vm6 =	vmand vm5, vm6  }
0x443: {  	v63 =	vsub.s32 v25, v12;
	v24 =	vsel vm5, $0x0, v0;
	v23 =	vnsel vm6, $0x0, v23  }
0x444: {  	[tilespmem:s0+$0x1A100] =	vst v28;
	v27 =	vld [tilespmem:s1+$0x18800];
	vm6 =	vne.s32 v11, v12;
	v11 =	vnsel vm5, $0x0, v31;
	v31 =	vsub.s32 v38, v6  }
0x445: {  	v44 =	vsub.s32 $0x0, v63;
	[tilespmem:s1+$0x19F10] =	vst v24;
	vm5 =	veq.s32 v10, v37;
	v54 =	vsub.s32 $0x0, v31  }
0x446: {  	v9 =	vld.idx.msk [tilespmem:v9+s13+$0x0], $0xffff;
	[tilespmem:s1+$0x1AB10] =	vst v11;
	v11 =	vand.u32 $0x80000000, v32;
	v55 =	vsel vm5, $0x0, v0;
	v56 =	vnsel vm5, $0x0, v33  }
0x447: {  	v24 =	vld [tilespmem:s1+$0x18880];
	[tilespmem:s1+$0x1B710] =	vst v23;
	vm5 =	vmand vm5, vm6;
	vm6 =	veq.s32 v7, v29;
	v39 =	vor.u32 v11, v2  }
0x448: {  	[tilespmem:s0+$0x1A210] =	vst v55;
	v29 =	vmin.u32 v31, v54;
	v59 =	vsel vm6, $0x0, v0;
	vm3 =	vmand vm6, vm3  }
0x449: {  	[tilespmem:s0+$0x1AE10] =	vst v56;
	v60 =	vld.idx.msk [tilespmem:v38+s4+$0x0], $0xffff;
	v61 =	vsub.s32 v27, v22;
	v57 =	vnsel vm5, $0x0, v39;
	v35 =	vnsel vm3, $0x0, v35  }
0x44a: {  	v40 =	vsub.s32 $0x0, v61;
	v41 =	vcvt.s32.f32 v61;
	vm3 =	vne.s32 v25, v12;
	[tilespmem:s0+$0x1BA10] =	vst v57  }
0x44b: {  	[tilespmem:s1+$0x19F00] =	vst v59;
	v9 =	vnsel vm6, $0x0, v9;
	vm6 =	vne.s32 v27, v22;
	v37 =	vmin.u32 v61, v40;
	v62 =	vld.idx.msk [tilespmem:v25+s4+$0x0], $0xffff  }
0x44c: {  	v11 =	vld [tilespmem:s1+$0x18980];
	v12 =	vsub.s32 v24, v22;
	[tilespmem:s1+$0x1B700] =	vst v35;
	v40 =	vcvt.s32.f32 v63;
	v35 =	vcvt.s32.f32 v45  }
0x44d: {  	[tilespmem:s1+$0x1AB00] =	vst v9;
	v25 =	vand.u32 $0x80000000, v41;
	v41 =	vmin.u32 v63, v44;
	v47 =	vcvt.s32.f32 v12;
	v29 =	vld.idx.msk [tilespmem:v29+s13+$0x0], $0xffff  }
0x44e: {  	[tilespmem:s0+$0x1B900] =	vst v26;
	v26 =	vld.idx.msk [tilespmem:v30+s4+$0x0], $0xffff;
	v30 =	vcvt.s32.f32 v31;
	v31 =	vsub.s32 $0x0, v45;
	vm8 =	veq.s32 v8, v60  }
0x44f: {  	[tilespmem:s0+$0x1AD00] =	vst v19;
	v28 =	vld.idx.msk [tilespmem:v36+s13+$0x0], $0xffff;
	v25 =	vor.u32 v25, v2;
	v53 =	vand.u32 $0x80000000, v35;
	v19 =	vsel vm8, $0x0, v0  }
0x450: {  	v56 =	vld [tilespmem:s1+$0x18910];
	vm7 =	vmand vm8, vm7;
	vm5 =	veq.s32 v10, v62;
	v10 =	vand.u32 $0x80000000, v40  }
0x451: {  	v14 =	vld.idx.msk [tilespmem:v14+s4+$0x0], $0xffff;
	v46 =	vor.u32 v10, v2;
	v10 =	vand.u32 $0x80000000, v30;
	vm3 =	vmand vm5, vm3  }
0x452: {  	[tilespmem:s1+$0x19F90] =	vst v19;
	v10 =	vor.u32 v10, v2;
	v19 =	vnsel vm8, $0x0, v29;
	v29 =	vmin.u32 v45, v31  }
0x453: {  	v23 =	vld [tilespmem:s1+$0x18900];
	v30 =	vnsel vm3, $0x0, v46;
	vm3 =	veq.s32 v7, v26;
	[tilespmem:s1+$0x1AB90] =	vst v19;
	v19 =	vnsel vm7, $0x0, v10  }
0x454: {  	v55 =	vld.idx.msk [tilespmem:v17+s13+$0x0], $0xffff;
	v50 =	vsub.s32 v11, v22;
	v17 =	vor.u32 v53, v2;
	v26 =	vnsel vm3, $0x0, v28;
	[tilespmem:s1+$0x1B790] =	vst v19  }
0x455: {  	v61 =	vsub.s32 v56, v6;
	vm1 =	vmand vm3, vm1;
	v28 =	vld [tilespmem:s1+$0x18890];
	v19 =	vsel vm3, $0x0, v0;
	[tilespmem:s1+$0x1AB80] =	vst v26  }
0x456: {  	v31 =	vsub.s32 $0x0, v12;
	vm8 =	veq.s32 v4, v14;
	[tilespmem:s1+$0x19F80] =	vst v19;
	v19 =	vnsel vm1, $0x0, v34;
	v48 =	vld.idx.msk [tilespmem:v58+s4+$0x0], $0xffff  }
0x457: {  	vm2 =	vmmov vm2;
	v12 =	vmin.u32 v12, v31;
	vm7 =	vne.s32 v24, v22;
	[tilespmem:s1+$0x1B780] =	vst v19;
	v29 =	vld.idx.msk [tilespmem:v29+s13+$0x0], $0xffff  }
0x458: {  	v57 =	vsel vm8, $0x0, v0;
	vm4 =	vmand vm8, vm4;
	v26 =	vand.u32 $0x80000000, v47;
	v27 =	vld.idx.msk [tilespmem:v27+s4+$0x0], $0xffff  }
0x459: {  	vm3 =	vne.s32 v23, v22;
	v21 =	vnsel vm4, $0x0, v21;
	v19 =	vsub.s32 v23, v22  }
0x45a: {  	v31 =	vsub.s32 $0x0, v19;
	v49 =	vcvt.s32.f32 v19;
	v51 =	vsub.s32 v28, v6  }
0x45b: {  	v9 =	vld [tilespmem:s1+$0x18A00];
	v31 =	vmin.u32 v19, v31;
	v52 =	vsub.s32 $0x0, v51;
	vm1 =	veq.s32 v8, v48  }
0x45c: {  	[tilespmem:s0+$0x1A180] =	vst v57;
	v14 =	vld.idx.msk [tilespmem:v37+s13+$0x0], $0xffff;
	v19 =	vand.u32 $0x80000000, v49;
	v33 =	vmin.u32 v51, v52;
	v54 =	vsel vm1, $0x0, v0  }
0x45d: {  	[tilespmem:s1+$0x1A010] =	vst v54;
	v29 =	vnsel vm1, $0x0, v29;
	vm1 =	vmand vm1, vm9;
	vm15 =	veq.s32 v7, v27  }
0x45e: {  	v27 =	vsub.s32 $0x0, v50;
	[tilespmem:s1+$0x1AC10] =	vst v29;
	v17 =	vnsel vm1, $0x0, v17;
	v29 =	vsel vm15, $0x0, v0  }
0x45f: {  	vm1 =	vmand vm15, vm6;
	[tilespmem:s1+$0x1B810] =	vst v17;
	v17 =	vmin.u32 v50, v27;
	v27 =	vcvt.s32.f32 v50  }
0x460: {  	v26 =	vor.u32 v26, v2;
	v19 =	vor.u32 v19, v2;
	v25 =	vnsel vm1, $0x0, v25;
	[tilespmem:s1+$0x1A000] =	vst v29;
	v29 =	vld.idx.msk [tilespmem:v28+s4+$0x0], $0xffff  }
0x461: {  	v10 =	vld [tilespmem:s1+$0x18A80];
	v14 =	vnsel vm15, $0x0, v14;
	vm6 =	vne.s32 v9, v22;
	[tilespmem:s1+$0x1B800] =	vst v25;
	v25 =	vand.u32 $0x80000000, v27  }
0x462: {  	v58 =	vsel vm5, $0x0, v0;
	[tilespmem:s1+$0x1AC00] =	vst v14;
	v33 =	vld.idx.msk [tilespmem:v33+s13+$0x0], $0xffff;
	v14 =	vor.u32 v25, v2;
	v25 =	vsub.s32 v9, v22  }
0x463: {  	[tilespmem:s0+$0x1B980] =	vst v21;
	vm1 =	vne.s32 v11, v22;
	v27 =	vnsel vm8, $0x0, v55;
	v24 =	vld.idx.msk [tilespmem:v24+s4+$0x0], $0xffff;
	v21 =	vsub.s32 $0x0, v25  }
0x464: {  	v60 =	vld.idx.msk [tilespmem:v12+s13+$0x0], $0xffff;
	vm8 =	vne.s32 v28, v6;
	[tilespmem:s0+$0x1AD80] =	vst v27;
	v12 =	vmin.u32 v25, v21;
	v21 =	vcvt.s32.f32 v51  }
0x465: {  	v27 =	vsub.s32 $0x0, v61;
	v59 =	vcvt.s32.f32 v25;
	v13 =	vld.idx.msk [tilespmem:v13+s4+$0x0], $0xffff;
	vm4 =	veq.s32 v8, v29  }
0x466: {  	v27 =	vmin.u32 v61, v27;
	v25 =	vld.idx.msk [tilespmem:v41+s13+$0x0], $0xffff;
	[tilespmem:s0+$0x1BA90] =	vst v30;
	v21 =	vand.u32 $0x80000000, v21;
	v28 =	vsel vm4, $0x0, v0  }
0x467: {  	v29 =	vld.idx.msk [tilespmem:v15+s13+$0x0], $0xffff;
	v15 =	vor.u32 v21, v2;
	[tilespmem:s1+$0x1A090] =	vst v28;
	v21 =	vnsel vm4, $0x0, v33;
	vm4 =	vmand vm4, vm8  }
0x468: {  	vm8 =	veq.s32 v7, v24;
	v28 =	vand.u32 $0x80000000, v59;
	[tilespmem:s1+$0x1AC90] =	vst v21;
	v15 =	vnsel vm4, $0x0, v15  }
0x469: {  	v21 =	vsel vm8, $0x0, v0;
	v30 =	vnsel vm8, $0x0, v60;
	vm4 =	vmand vm8, vm7;
	[tilespmem:s1+$0x1B890] =	vst v15  }
0x46a: {  	v24 =	vld [tilespmem:s1+$0x18990];
	[tilespmem:s1+$0x1A080] =	vst v21;
	v21 =	vnsel vm4, $0x0, v26;
	v15 =	vor.u32 v28, v2;
	v28 =	vsub.s32 v10, v22  }
0x46b: {  	vm4 =	veq.s32 v4, v13;
	v62 =	vld.idx.msk [tilespmem:v56+s4+$0x0], $0xffff;
	[tilespmem:s1+$0x1B880] =	vst v21;
	v21 =	vsub.s32 $0x0, v28;
	v63 =	vcvt.s32.f32 v28  }
0x46c: {  	[tilespmem:s1+$0x1AC80] =	vst v30;
	v30 =	vsel vm4, $0x0, v0;
	v29 =	vnsel vm4, $0x0, v29;
	vm2 =	vmand vm4, vm2  }
0x46d: {  	v26 =	vld.idx.msk [tilespmem:v27+s13+$0x0], $0xffff;
	vm4 =	vne.s32 v10, v22;
	v22 =	vcvt.s32.f32 v61;
	v13 =	vmin.u32 v28, v21;
	[tilespmem:s0+$0x1A200] =	vst v30  }
0x46e: {  	v28 =	vnsel vm2, $0x0, v18;
	v27 =	vld.idx.msk [tilespmem:v23+s4+$0x0], $0xffff;
	[tilespmem:s0+$0x1AE00] =	vst v29;
	vm2 =	vmmov vm6;
	v21 =	vand.u32 $0x80000000, v63  }
0x46f: {  	[tilespmem:s0+$0x1BA00] =	vst v28;
	v23 =	vsub.s32 v24, v6;
	v18 =	vor.u32 v21, v2;
	v21 =	vnsel vm5, $0x0, v25;
	v25 =	vld.idx.msk [tilespmem:v31+s13+$0x0], $0xffff  }
0x470: {  	[tilespmem:s0+$0x1A290] =	vst v58;
	vm6 =	vne.s32 v56, v6;
	v28 =	vsub.s32 $0x0, v23;
	v16 =	vld.idx.msk [tilespmem:v16+s4+$0x0], $0xffff;
	vm5 =	veq.s32 v8, v62  }
0x471: {  	s3 =	simm.s32 $0x100;
	s2 =	simm.s32 $0x20;
	v22 =	vand.u32 $0x80000000, v22;
	v20 =	vld.idx.msk [tilespmem:v20+s13+$0x0], $0xffff;
	[tilespmem:s0+$0x1AE90] =	vst v21;
	v28 =	vmin.u32 v23, v28;
	v29 =	vsel vm5, $0x0, v0  }
.LBB2_10:
0x472: {  	s4 =	sadd.s32 s2, s10;
	s5 =	sshra.s32 s3, $0x2;
	v21 =	vor.u32 v22, v2;
	[tilespmem:s1+$0x1A110] =	vst v29;
	v22 =	vnsel vm5, $0x0, v26;
	vm5 =	vmand vm5, vm6  }
0x473: {  	vm6 =	veq.s32 v7, v27;
	s6 =	sadd.s32 $0xC020, s4;
	s4 =	sadd.s32 $0xC030, s4;
	v26 =	vld [tilespmem:s5+$0x18710];
	[tilespmem:s1+$0x1AD10] =	vst v22;
	v21 =	vnsel vm5, $0x0, v21  }
0x474: {  	vm3 =	vmand vm6, vm3;
	v22 =	vmov s6;
	v27 =	vmov s4;
	[tilespmem:s1+$0x1B910] =	vst v21;
	v21 =	vld [tilespmem:s1+$0x18A10];
	s4 =	simm.s32 $0x0  }
0x475: {  	v19 =	vnsel vm3, $0x0, v19;
	v22 =	vbroadcast v22, $0x0;
	v27 =	vbroadcast v27, $0x0;
	v29 =	vld.idx.msk [tilespmem:v24+s4+$0x0], $0xffff  }
0x476: {  	v31 =	vsel vm6, $0x0, v0;
	v25 =	vnsel vm6, $0x0, v25;
	vm3 =	veq.s32 v4, v16;
	v4 =	vmovc v7;
	v30 =	vld [tilespmem:s5+$0x18700];
	[tilespmem:s1+$0x1B900] =	vst v19  }
0x477: {  	vm0 =	vmand vm3, vm0;
	v16 =	vor.u32 v1, v22;
	v22 =	vor.u32 v1, v27;
	[tilespmem:s1+$0x1A100] =	vst v31;
	v27 =	vld.idx.msk [tilespmem:v28+s13+$0x0], $0xffff  }
0x478: {  	v31 =	vsel vm3, $0x0, v0;
	v19 =	vnsel vm0, $0x0, v5;
	v5 =	vmovc v18;
	v7 =	vld.idx.msk [tilespmem:v3+s5+$0xC000 ss:$0x1], $0xffff;
	v28 =	vsub.s32 v26, v22;
	[tilespmem:s1+$0x1AD00] =	vst v25  }
0x479: {  	v32 =	vnsel vm3, $0x0, v20;
	vm0 =	vmmov vm4;
	v25 =	vld [tilespmem:s5+$0x18780];
	v18 =	vsub.s32 $0x0, v28;
	[tilespmem:s0+$0x1BA80] =	vst v19  }
0x47a: {  	v23 =	vcvt.s32.f32 v23;
	v33 =	vsub.s32 v21, v6;
	v19 =	vld [tilespmem:s5+$0x18800];
	v18 =	vmin.u32 v28, v18;
	[tilespmem:s0+$0x1A280] =	vst v31  }
0x47b: {  	vm4 =	vne.s32 v24, v6;
	vm3 =	veq.s32 v8, v29;
	v24 =	vsub.s32 $0x0, v33;
	v20 =	vld [tilespmem:s5+$0x18880];
	[tilespmem:s0+$0x1AE80] =	vst v32;
	s0 =	smov.u32 s1;
	s1 =	smov.u32 s5  }
0x47c: {  	v23 =	vand.u32 $0x80000000, v23;
	v31 =	vsel vm3, $0x0, v0;
	v24 =	vmin.u32 v33, v24;
	v29 =	vld.idx.msk [tilespmem:v3+s1+$0xC010 ss:$0x1], $0xffff  }
0x47d: {  	s2 =	sadd.s32 $0x20, s2;
	v23 =	vor.u32 v23, v2;
	v27 =	vnsel vm3, $0x0, v27;
	vm3 =	vmand vm3, vm4;
	v32 =	vld.idx.msk [tilespmem:v26+s4+$0x0], $0xffff;
	[tilespmem:s0+$0x1A190] =	vst v31  }
0x47e: {  	p2 =	slt.u32 s2, $0x60;
	v34 =	vsub.s32 v30, v16;
	vm4 =	vne.s32 v30, v16;
	v23 =	vnsel vm3, $0x0, v23;
	v31 =	vld.idx.msk [tilespmem:v30+s4+$0x0], $0xffff;
	[tilespmem:s0+$0x1AD90] =	vst v27  }
0x47f: {  	v27 =	vsub.s32 $0x0, v34;
	v30 =	vcvt.s32.f32 v34;
	v35 =	vsub.s32 v25, v16;
	v36 =	vld.idx.msk [tilespmem:v18+s13+$0x0], $0xffff;
	[tilespmem:s0+$0x1B990] =	vst v23  }
0x480: {  	v23 =	vmin.u32 v34, v27;
	v18 =	vsub.s32 $0x0, v35;
	v27 =	vcvt.s32.f32 v35;
	v34 =	vld.idx.msk [tilespmem:v21+s4+$0x0], $0xffff  }
0x481: {  	v30 =	vand.u32 $0x80000000, v30;
	v35 =	vmin.u32 v35, v18;
	v18 =	vcvt.s32.f32 v28;
	v28 =	vld [tilespmem:s1+$0x18790]  }
0x482: {  	vm3 =	vne.s32 v25, v16;
	v30 =	vor.u32 v30, v2;
	v27 =	vand.u32 $0x80000000, v27;
	v37 =	vld.idx.msk [tilespmem:v24+s13+$0x0], $0xffff  }
0x483: {  	vm6 =	vne.s32 v26, v22;
	vm5 =	veq.s32 v29, v32;
	v24 =	vand.u32 $0x80000000, v18;
	v26 =	vld [tilespmem:s0+$0x18A90]  }
0x484: {  	v24 =	vor.u32 v24, v2;
	v32 =	vsel vm5, $0x0, v0;
	vm6 =	vmand vm5, vm6;
	v18 =	vld [tilespmem:s1+$0x18900]  }
0x485: {  	v24 =	vnsel vm6, $0x0, v24;
	vm6 =	vne.s32 v21, v6;
	v23 =	vld.idx.msk [tilespmem:v23+s13+$0x0], $0xffff;
	[tilespmem:s1+$0x19F10] =	vst v32;
	v32 =	vcvt.s32.f32 v33  }
0x486: {  	v33 =	vnsel vm5, $0x0, v36;
	vm5 =	veq.s32 v8, v34;
	v21 =	vld [tilespmem:s1+$0x18980];
	[tilespmem:s1+$0x1B710] =	vst v24;
	v36 =	vsub.s32 v28, v22  }
0x487: {  	[tilespmem:s1+$0x1AB10] =	vst v33;
	v33 =	vsub.s32 $0x0, v36;
	v34 =	vld.idx.msk [tilespmem:v11+s4+$0x0], $0xffff;
	v11 =	vand.u32 $0x80000000, v32;
	v32 =	vsel vm5, $0x0, v0  }
0x488: {  	v24 =	vld.idx.msk [tilespmem:v17+s13+$0x0], $0xffff;
	v11 =	vor.u32 v11, v2;
	[tilespmem:s0+$0x1A210] =	vst v32;
	v17 =	vnsel vm5, $0x0, v37;
	vm5 =	vmand vm5, vm6  }
0x489: {  	vm6 =	veq.s32 v7, v31;
	v31 =	vmin.u32 v36, v33;
	v32 =	vld [tilespmem:s1+$0x18810];
	[tilespmem:s0+$0x1AE10] =	vst v17;
	v39 =	vnsel vm5, $0x0, v11  }
0x48a: {  	v27 =	vor.u32 v27, v2;
	v17 =	vsel vm6, $0x0, v0;
	vm4 =	vmand vm6, vm4;
	v33 =	vld.idx.msk [tilespmem:v28+s4+$0x0], $0xffff;
	[tilespmem:s0+$0x1BA10] =	vst v39  }
0x48b: {  	v37 =	vsub.s32 v19, v16;
	v30 =	vnsel vm4, $0x0, v30;
	[tilespmem:s1+$0x19F00] =	vst v17;
	v17 =	vnsel vm6, $0x0, v23;
	v38 =	vld.idx.msk [tilespmem:v26+s4+$0x0], $0xffff;
	v11 =	vmovc v21  }
0x48c: {  	v39 =	vcvt.s32.f32 v37;
	vm4 =	vne.s32 v19, v16;
	[tilespmem:s1+$0x1AB00] =	vst v17;
	v17 =	vsub.s32 $0x0, v37;
	v23 =	vld [tilespmem:s1+$0x18A00]  }
0x48d: {  	[tilespmem:s1+$0x1B700] =	vst v30;
	v17 =	vmin.u32 v37, v17;
	v30 =	vsub.s32 v20, v16;
	v21 =	vld [tilespmem:s1+$0x18A80];
	v37 =	vsub.s32 v26, v6  }
0x48e: {  	vm6 =	vne.s32 v26, v6;
	v39 =	vand.u32 $0x80000000, v39;
	v6 =	vmovc v22;
	v31 =	vld.idx.msk [tilespmem:v31+s13+$0x0], $0xffff;
	v40 =	vsub.s32 $0x0, v37  }
0x48f: {  	v26 =	vsub.s32 v32, v6;
	v25 =	vld.idx.msk [tilespmem:v25+s4+$0x0], $0xffff;
	v22 =	vmin.u32 v37, v40;
	v37 =	vcvt.s32.f32 v37  }
0x490: {  	v36 =	vcvt.s32.f32 v36;
	vm7 =	vne.s32 v28, v6;
	v28 =	vsub.s32 $0x0, v26;
	v35 =	vld.idx.msk [tilespmem:v35+s13+$0x0], $0xffff  }
0x491: {  	vm8 =	veq.s32 v29, v33;
	vm5 =	veq.s32 v8, v38;
	v8 =	vmovc v29;
	v33 =	vand.u32 $0x80000000, v37  }
0x492: {  	v29 =	vsel vm8, $0x0, v0;
	vm6 =	vmand vm5, vm6;
	v33 =	vor.u32 v33, v2  }
0x493: {  	v36 =	vand.u32 $0x80000000, v36;
	v28 =	vmin.u32 v26, v28;
	[tilespmem:s1+$0x19F90] =	vst v29;
	v29 =	vnsel vm6, $0x0, v33  }
0x494: {  	v33 =	vor.u32 v36, v2;
	v31 =	vnsel vm8, $0x0, v31;
	vm6 =	vmand vm8, vm7;
	v22 =	vld.idx.msk [tilespmem:v22+s13+$0x0], $0xffff;
	[tilespmem:s0+$0x1BA90] =	vst v29  }
0x495: {  	vm7 =	veq.s32 v7, v25;
	v25 =	vor.u32 v39, v2;
	v29 =	vnsel vm6, $0x0, v33;
	[tilespmem:s1+$0x1AB90] =	vst v31  }
0x496: {  	v31 =	vsel vm7, $0x0, v0;
	v33 =	vnsel vm7, $0x0, v35;
	vm3 =	vmand vm7, vm3;
	[tilespmem:s1+$0x1B790] =	vst v29;
	v29 =	vld [tilespmem:s1+$0x18890]  }
0x497: {  	v35 =	vcvt.s32.f32 v30;
	v27 =	vnsel vm3, $0x0, v27;
	[tilespmem:s1+$0x19F80] =	vst v31;
	v31 =	vsub.s32 $0x0, v30;
	v36 =	vld.idx.msk [tilespmem:v32+s4+$0x0], $0xffff  }
0x498: {  	vm6 =	vne.s32 v20, v16;
	[tilespmem:s1+$0x1B780] =	vst v27;
	v27 =	vmin.u32 v30, v31;
	v30 =	vsub.s32 v18, v16  }
0x499: {  	v31 =	vand.u32 $0x80000000, v35;
	[tilespmem:s1+$0x1AB80] =	vst v33;
	v33 =	vsub.s32 $0x0, v30;
	v35 =	vcvt.s32.f32 v30;
	v28 =	vld.idx.msk [tilespmem:v28+s13+$0x0], $0xffff  }
0x49a: {  	vm3 =	vne.s32 v18, v16;
	v31 =	vor.u32 v31, v2;
	v37 =	vld.idx.msk [tilespmem:v19+s4+$0x0], $0xffff;
	v30 =	vmin.u32 v30, v33  }
0x49b: {  	vm7 =	veq.s32 v4, v34;
	v33 =	vsub.s32 v11, v16;
	v17 =	vld.idx.msk [tilespmem:v17+s13+$0x0], $0xffff;
	v19 =	vand.u32 $0x80000000, v35  }
0x49c: {  	v26 =	vcvt.s32.f32 v26;
	v34 =	vsub.s32 v29, v6;
	v19 =	vor.u32 v19, v2  }
0x49d: {  	vm9 =	vne.s32 v32, v6;
	vm8 =	veq.s32 v8, v36;
	v32 =	vsub.s32 $0x0, v34  }
0x49e: {  	v26 =	vand.u32 $0x80000000, v26;
	v35 =	vsel vm8, $0x0, v0;
	v32 =	vmin.u32 v34, v32  }
0x49f: {  	v26 =	vor.u32 v26, v2;
	v28 =	vnsel vm8, $0x0, v28;
	vm8 =	vmand vm8, vm9;
	[tilespmem:s1+$0x1A010] =	vst v35  }
0x4a0: {  	vm9 =	veq.s32 v7, v37;
	v35 =	vsub.s32 $0x0, v33;
	v26 =	vnsel vm8, $0x0, v26;
	[tilespmem:s1+$0x1AC10] =	vst v28  }
0x4a1: {  	v28 =	vsel vm9, $0x0, v0;
	v36 =	vnsel vm9, $0x0, v17;
	vm4 =	vmand vm9, vm4;
	[tilespmem:s1+$0x1B810] =	vst v26;
	v37 =	vld [tilespmem:s1+$0x18910]  }
0x4a2: {  	v17 =	vmin.u32 v33, v35;
	v25 =	vnsel vm4, $0x0, v25;
	v26 =	vcvt.s32.f32 v33;
	[tilespmem:s1+$0x1A000] =	vst v28;
	v28 =	vld.idx.msk [tilespmem:v29+s4+$0x0], $0xffff  }
0x4a3: {  	vm4 =	vmand vm7, vm1;
	vm1 =	vne.s32 v11, v16;
	[tilespmem:s1+$0x1B800] =	vst v25;
	v25 =	vsel vm7, $0x0, v0  }
0x4a4: {  	v24 =	vnsel vm7, $0x0, v24;
	v33 =	vnsel vm4, $0x0, v14;
	v26 =	vand.u32 $0x80000000, v26;
	[tilespmem:s1+$0x1AC00] =	vst v36;
	v32 =	vld.idx.msk [tilespmem:v32+s13+$0x0], $0xffff  }
0x4a5: {  	v14 =	vor.u32 v26, v2;
	v26 =	vsub.s32 v23, v16;
	v20 =	vld.idx.msk [tilespmem:v20+s4+$0x0], $0xffff;
	[tilespmem:s0+$0x1B980] =	vst v33;
	v33 =	vsel vm5, $0x0, v0  }
0x4a6: {  	vm7 =	vne.s32 v23, v16;
	v35 =	vsub.s32 $0x0, v26;
	v36 =	vcvt.s32.f32 v26;
	v27 =	vld.idx.msk [tilespmem:v27+s13+$0x0], $0xffff;
	[tilespmem:s0+$0x1A180] =	vst v25  }
0x4a7: {  	v25 =	vmin.u32 v26, v35;
	v26 =	vcvt.s32.f32 v34;
	v34 =	vsub.s32 v37, v6;
	[tilespmem:s0+$0x1AD80] =	vst v24  }
0x4a8: {  	vm8 =	vne.s32 v29, v6;
	vm4 =	veq.s32 v8, v28;
	v24 =	vsub.s32 $0x0, v34;
	v28 =	vld.idx.msk [tilespmem:v9+s4+$0x0], $0xffff;
	[tilespmem:s0+$0x1A290] =	vst v33  }
0x4a9: {  	v26 =	vand.u32 $0x80000000, v26;
	v29 =	vsel vm4, $0x0, v0;
	v33 =	vmin.u32 v34, v24;
	v9 =	vmovc v23;
	v35 =	vld.idx.msk [tilespmem:v12+s13+$0x0], $0xffff;
	v12 =	vmovc v25  }
0x4aa: {  	v23 =	vor.u32 v26, v2;
	v24 =	vnsel vm4, $0x0, v32;
	vm4 =	vmand vm4, vm8;
	[tilespmem:s1+$0x1A090] =	vst v29  }
0x4ab: {  	vm8 =	veq.s32 v7, v20;
	v20 =	vand.u32 $0x80000000, v36;
	v23 =	vnsel vm4, $0x0, v23;
	[tilespmem:s1+$0x1AC90] =	vst v24  }
0x4ac: {  	v25 =	vsel vm8, $0x0, v0;
	v26 =	vnsel vm8, $0x0, v27;
	vm4 =	vmand vm8, vm6;
	[tilespmem:s1+$0x1B890] =	vst v23;
	v24 =	vld [tilespmem:s1+$0x18990]  }
0x4ad: {  	v20 =	vor.u32 v20, v2;
	v23 =	vnsel vm4, $0x0, v31;
	[tilespmem:s1+$0x1A080] =	vst v25;
	v25 =	vsub.s32 v21, v16;
	v29 =	vld.idx.msk [tilespmem:v37+s4+$0x0], $0xffff  }
0x4ae: {  	vm4 =	veq.s32 v4, v28;
	[tilespmem:s1+$0x1B880] =	vst v23;
	v23 =	vsub.s32 $0x0, v25;
	v31 =	vcvt.s32.f32 v25  }
0x4af: {  	v28 =	vsel vm4, $0x0, v0;
	v32 =	vnsel vm4, $0x0, v35;
	vm2 =	vmand vm4, vm2;
	[tilespmem:s1+$0x1AC80] =	vst v26;
	v26 =	vld.idx.msk [tilespmem:v33+s13+$0x0], $0xffff  }
.Ltmp7:
0x4b0: {  	v33 =	vmin.u32 v25, v23;
	v23 =	vnsel vm2, $0x0, v15;
	v15 =	vmovc v20;
	v27 =	vld.idx.msk [tilespmem:v18+s4+$0x0], $0xffff;
	v18 =	vand.u32 $0x80000000, v31;
	[tilespmem:s0+$0x1A200] =	vst v28;
	(pc) =	sbr.rel @p2 .LBB2_10-.Ltmp7, $4  }
0x4b1: {  	vm4 =	vne.s32 v21, v16;
	v20 =	vnsel vm5, $0x0, v22;
	v25 =	vld.idx.msk [tilespmem:v30+s13+$0x0], $0xffff;
	v18 =	vor.u32 v18, v2;
	[tilespmem:s0+$0x1BA00] =	vst v23  }
0x4b2: {  	v22 =	vcvt.s32.f32 v34;
	vm2 =	vmmov vm7;
	v23 =	vsub.s32 v24, v6;
	[tilespmem:s0+$0x1AE00] =	vst v32  }
0x4b3: {  	vm6 =	vne.s32 v37, v6;
	vm5 =	veq.s32 v8, v29;
	v28 =	vsub.s32 $0x0, v23;
	v16 =	vld.idx.msk [tilespmem:v10+s4+$0x0], $0xffff;
	[tilespmem:s0+$0x1AE90] =	vst v20  }
0x4b4: {  	s3 =	sadd.s32 $0x80, s3;
	v22 =	vand.u32 $0x80000000, v22;
	v29 =	vsel vm5, $0x0, v0;
	v28 =	vmin.u32 v23, v28;
	v10 =	vmovc v21;
	v20 =	vld.idx.msk [tilespmem:v13+s13+$0x0], $0xffff;
	v13 =	vmovc v33  }
0x4b5: {  	_ = 	snop  }
0x4b6: {  	v21 =	vor.u32 v22, v2;
	[tilespmem:s1+$0x1A110] =	vst v29;
	v36 =	vnsel vm5, $0x0, v26;
	vm11 =	vmand vm5, vm6  }
0x4b7: {  	vm12 =	veq.s32 v7, v27;
	[tilespmem:s1+$0x1AD10] =	vst v36;
	v21 =	vnsel vm11, $0x0, v21  }
0x4b8: {  	v37 =	vld [tilespmem:s1+$0x18A10];
	s2 =	simm.s32 $0x0;
	v38 =	vsel vm12, $0x0, v0;
	[tilespmem:s1+$0x1B910] =	vst v21  }
0x4b9: {  	vm3 =	vmand vm12, vm3;
	v39 =	vnsel vm12, $0x0, v25;
	[tilespmem:s1+$0x1A100] =	vst v38;
	v22 =	vld.idx.msk [tilespmem:v24+s2+$0x0], $0xffff  }
0x4ba: {  	v19 =	vnsel vm3, $0x0, v19;
	[tilespmem:s1+$0x1AD00] =	vst v39  }
0x4bb: {  	[tilespmem:s1+$0x1B900] =	vst v19;
	v40 =	vld.idx.msk [tilespmem:v28+s13+$0x0], $0xffff  }
0x4bc: {  	v41 =	vcvt.s32.f32 v23;
	v11 =	vld.idx.msk [tilespmem:v11+s2+$0x0], $0xffff  }
0x4bd: {  	vm14 =	vne.s32 v24, v6  }
0x4be: {  	v19 =	vand.u32 $0x80000000, v41;
	v17 =	vld.idx.msk [tilespmem:v17+s13+$0x0], $0xffff;
	v42 =	vsub.s32 v37, v6;
	vm13 =	veq.s32 v8, v22  }
0x4bf: {  	v19 =	vor.u32 v19, v2;
	v43 =	vsub.s32 $0x0, v42;
	v44 =	vsel vm13, $0x0, v0  }
0x4c0: {  	v22 =	vmin.u32 v42, v43;
	v45 =	vnsel vm13, $0x0, v40;
	vm3 =	vmand vm13, vm14;
	[tilespmem:s1+$0x1A190] =	vst v44  }
0x4c1: {  	vm15 =	veq.s32 v7, v11;
	[tilespmem:s1+$0x1AD90] =	vst v45;
	v46 =	vnsel vm3, $0x0, v19  }
0x4c2: {  	v49 =	vsel vm15, $0x0, v0;
	[tilespmem:s1+$0x1B990] =	vst v46  }
0x4c3: {  	vm1 =	vmand vm15, vm1;
	v17 =	vnsel vm15, $0x0, v17;
	[tilespmem:s1+$0x1A180] =	vst v49;
	v48 =	vld.idx.msk [tilespmem:v37+s2+$0x0], $0xffff  }
0x4c4: {  	v51 =	vld [tilespmem:s1+$0x18A90];
	v47 =	vnsel vm1, $0x0, v14;
	[tilespmem:s1+$0x1AD80] =	vst v17  }
0x4c5: {  	[tilespmem:s1+$0x1B980] =	vst v47;
	v50 =	vld.idx.msk [tilespmem:v22+s13+$0x0], $0xffff  }
0x4c6: {  	v9 =	vld.idx.msk [tilespmem:v9+s2+$0x0], $0xffff  }
0x4c7: {  	v52 =	vcvt.s32.f32 v42  }
0x4c8: {  	v12 =	vld.idx.msk [tilespmem:v12+s13+$0x0], $0xffff;
	vm8 =	veq.s32 v8, v48  }
0x4c9: {  	vm9 =	vne.s32 v37, v6;
	v53 =	vand.u32 $0x80000000, v52;
	v54 =	vsel vm8, $0x0, v0  }
0x4ca: {  	v14 =	vor.u32 v53, v2;
	v11 =	vnsel vm8, $0x0, v50;
	vm1 =	vmand vm8, vm9;
	[tilespmem:s1+$0x1A210] =	vst v54  }
0x4cb: {  	vm10 =	veq.s32 v7, v9;
	[tilespmem:s1+$0x1AE10] =	vst v11;
	v56 =	vnsel vm1, $0x0, v14  }
0x4cc: {  	v55 =	vsub.s32 v51, v6;
	v59 =	vsel vm10, $0x0, v0;
	[tilespmem:s1+$0x1BA10] =	vst v56  }
0x4cd: {  	v57 =	vsub.s32 $0x0, v55;
	vm2 =	vmand vm10, vm2;
	v12 =	vnsel vm10, $0x0, v12;
	[tilespmem:s1+$0x1A200] =	vst v59  }
0x4ce: {  	v58 =	vmin.u32 v55, v57;
	v61 =	vnsel vm2, $0x0, v15;
	[tilespmem:s1+$0x1AE00] =	vst v12;
	v60 =	vld.idx.msk [tilespmem:v51+s2+$0x0], $0xffff  }
0x4cf: {  	[tilespmem:s1+$0x1BA00] =	vst v61  }
0x4d0: {  	vm11 =	veq.s32 v4, v16;
	v10 =	vld.idx.msk [tilespmem:v10+s2+$0x0], $0xffff  }
0x4d1: {  	vm0 =	vmand vm11, vm0;
	v4 =	vcvt.s32.f32 v55  }
0x4d2: {  	v62 =	vsel vm11, $0x0, v0;
	v5 =	vnsel vm0, $0x0, v5  }
0x4d3: {  	vm12 =	vne.s32 v51, v6;
	[tilespmem:s0+$0x1A280] =	vst v62;
	v4 =	vand.u32 $0x80000000, v4;
	v9 =	vld.idx.msk [tilespmem:v58+s13+$0x0], $0xffff;
	vm13 =	veq.s32 v8, v60  }
0x4d4: {  	[tilespmem:s0+$0x1BA80] =	vst v5;
	v5 =	vnsel vm11, $0x0, v20;
	v4 =	vor.u32 v4, v2;
	vm0 =	vmand vm13, vm12  }
0x4d5: {  	[tilespmem:s0+$0x1AE80] =	vst v5;
	v5 =	vld.idx.msk [tilespmem:v13+s13+$0x0], $0xffff;
	vm15 =	veq.s32 v7, v10;
	v4 =	vnsel vm0, $0x0, v4  }
0x4d6: {  	v63 =	vsel vm15, $0x0, v0;
	[tilespmem:s1+$0x1BA90] =	vst v4  }
0x4d7: {  	vm14 =	vmmov vm4;
	v4 =	vsel vm13, $0x0, v0;
	[tilespmem:s1+$0x1A280] =	vst v63  }
0x4d8: {  	vm0 =	vmand vm15, vm14;
	[tilespmem:s1+$0x1A290] =	vst v4;
	v4 =	vnsel vm13, $0x0, v9  }
.Ltmp8:
0x4d9: {  	[tilespmem:s1+$0x1AE90] =	vst v4;
	v4 =	vnsel vm0, $0x0, v18;
	(pc) =	sbr.rel .LBB2_16-.Ltmp8, $3  }
0x4da: {  	[tilespmem:s1+$0x1BA80] =	vst v4;
	v4 =	vnsel vm15, $0x0, v5  }
0x4db: {  	[tilespmem:s1+$0x1AE80] =	vst v4  }
0x4dc: {  	s0 =	sld [smem:$0x7F8];
	_ =	sdelay $0x1  }
.LBB2_12:
.Ltmp9:
0x4dd: {  	(pc) =	sbr.rel @p1 .LBB2_17-.Ltmp9, $2  }
0x4de: {  	_ =	sdelay $0x2  }
0x4df: {  	s1 =	sld [smem:$0x7EF]  }
0x4e0: {  	s0 =	sld [smem:$0x7FB];
	_ =	sdelay $0x1  }
0x4e1: {  	s1 =	simm.s32 $0x18700;
	s7 =	simm.s32 $0x0;
	s23 =	simm.s32 $0x7  }
0x4e2: {  	[tilespmem:s1], [sflag:$0x7] =	stream.linear.gather [hbm4b:s0+s7], $0x400, $0x38;
	[tilespmem:$0x1E700] =	vst v63  }
0x4e3: {  	_ =	swait.ge [sflag:s23], $0x400  }
0x4e4: {  	[sflag:s23] =	ssyncset.done $0x0  }
0x4e5: {  	s6 =	simm.s32 $0x18900;
	[sflag:s23] =	ssyncadd.s32 $0xFFFFFC00  }
0x4e6: {  	v4 =	vld [tilespmem:s6+$0xFFFFFE10];
	_ =	sdelay $0x4  }
0x4e7: {  	v5 =	vld [tilespmem:s6+$0xFFFFFE00];
	vm0 =	vgt.s32 v4, $0x0  }
0x4e8: {  	s24 =	simm.s32 $0xC310;
	v4 =	vnsel vm0, $0x0, v4  }
0x4e9: {  	v14 =	vor.u32 s24, v1;
	v4 =	vmin.u32 v4, $0xC34F  }
0x4ea: {  	v6 =	vsub.s32 v4, v14  }
0x4eb: {  	v7 =	vsub.s32 $0x0, v6  }
0x4ec: {  	s25 =	simm.s32 $0xC300;
	vm0 =	vgt.s32 v5, $0x0;
	v7 =	vmin.u32 v6, v7  }
0x4ed: {  	s26 =	simm.s32 $0xC300;
	v15 =	vld [tilespmem:s25+$0x10];
	v5 =	vnsel vm0, $0x0, v5  }
0x4ee: {  	v12 =	vor.u32 s26, v1;
	v5 =	vmin.u32 v5, $0xC34F;
	v8 =	vld.idx.msk [tilespmem:v4+s7+$0x0], $0xffff  }
0x4ef: {  	v9 =	vsub.s32 v5, v12  }
0x4f0: {  	v10 =	vsub.s32 $0x0, v9  }
0x4f1: {  	v6 =	vcvt.s32.f32 v6;
	v10 =	vmin.u32 v9, v10;
	v7 =	vld.idx.msk [tilespmem:v7+s13+$0x0], $0xffff;
	_ =	sdelay $0x1  }
0x4f2: {  	v13 =	vld [tilespmem:s25+$0x0];
	vm1 =	vne.s32 v4, v14;
	v6 =	vand.u32 $0x80000000, v6;
	vm0 =	veq.s32 v15, v8  }
0x4f3: {  	s0 =	simm.s32 $0x1AD00;
	v11 =	vld.idx.msk [tilespmem:v5+s7+$0x0], $0xffff;
	v4 =	vor.u32 v6, v2;
	v6 =	vsel vm0, $0x0, v0;
	vm1 =	vmand vm0, vm1  }
0x4f4: {  	[tilespmem:s0+$0xFFFFF210] =	vst v6;
	v4 =	vnsel vm1, $0x0, v4  }
0x4f5: {  	v6 =	vld.idx.msk [tilespmem:v10+s13+$0x0], $0xffff;
	v7 =	vnsel vm0, $0x0, v7;
	[tilespmem:s0+$0xA10] =	vst v4  }
0x4f6: {  	[tilespmem:s0+$0xFFFFFE10] =	vst v7  }
0x4f7: {  	v4 =	vcvt.s32.f32 v9;
	v7 =	vld [tilespmem:s6+$0xFFFFFE90]  }
0x4f8: {  	vm0 =	veq.s32 v13, v11  }
0x4f9: {  	vm1 =	vne.s32 v5, v12;
	v5 =	vsel vm0, $0x0, v0;
	v4 =	vand.u32 $0x80000000, v4  }
0x4fa: {  	vm1 =	vmand vm0, vm1;
	[tilespmem:s0+$0xFFFFF200] =	vst v5;
	v4 =	vor.u32 v4, v2;
	v5 =	vnsel vm0, $0x0, v6  }
0x4fb: {  	v4 =	vnsel vm1, $0x0, v4;
	[tilespmem:s0+$0xFFFFFE00] =	vst v5  }
0x4fc: {  	[tilespmem:s0+$0xA00] =	vst v4;
	vm0 =	vgt.s32 v7, $0x0  }
0x4fd: {  	v4 =	vld [tilespmem:s6+$0xFFFFFE80];
	v5 =	vnsel vm0, $0x0, v7  }
0x4fe: {  	v5 =	vmin.u32 v5, $0xC34F  }
0x4ff: {  	v6 =	vsub.s32 v5, v14  }
0x500: {  	v7 =	vsub.s32 $0x0, v6  }
0x501: {  	v7 =	vmin.u32 v6, v7  }
0x502: {  	vm0 =	vgt.s32 v4, $0x0  }
0x503: {  	v4 =	vnsel vm0, $0x0, v4;
	v8 =	vld.idx.msk [tilespmem:v5+s7+$0x0], $0xffff  }
0x504: {  	v4 =	vmin.u32 v4, $0xC34F  }
0x505: {  	v9 =	vsub.s32 v4, v12  }
0x506: {  	v6 =	vcvt.s32.f32 v6;
	v10 =	vsub.s32 $0x0, v9;
	v7 =	vld.idx.msk [tilespmem:v7+s13+$0x0], $0xffff  }
0x507: {  	v10 =	vmin.u32 v9, v10  }
0x508: {  	vm1 =	vne.s32 v5, v14;
	v6 =	vand.u32 $0x80000000, v6;
	vm0 =	veq.s32 v15, v8  }
0x509: {  	v6 =	vor.u32 v6, v2;
	v5 =	vld.idx.msk [tilespmem:v4+s7+$0x0], $0xffff;
	v8 =	vsel vm0, $0x0, v0;
	vm1 =	vmand vm0, vm1  }
0x50a: {  	[tilespmem:s0+$0xFFFFF290] =	vst v8;
	v6 =	vnsel vm1, $0x0, v6  }
0x50b: {  	v7 =	vnsel vm0, $0x0, v7;
	[tilespmem:s0+$0xA90] =	vst v6  }
0x50c: {  	v8 =	vld.idx.msk [tilespmem:v10+s13+$0x0], $0xffff;
	v6 =	vcvt.s32.f32 v9;
	[tilespmem:s0+$0xFFFFFE90] =	vst v7  }
0x50d: {  	v7 =	vld [tilespmem:s6+$0xFFFFFF10]  }
0x50e: {  	vm0 =	vne.s32 v4, v12;
	vm1 =	veq.s32 v13, v5;
	v4 =	vand.u32 $0x80000000, v6  }
0x50f: {  	v5 =	vsel vm1, $0x0, v0;
	vm0 =	vmand vm1, vm0;
	v4 =	vor.u32 v4, v2  }
0x510: {  	[tilespmem:s0+$0xFFFFF280] =	vst v5;
	v4 =	vnsel vm0, $0x0, v4  }
0x511: {  	v5 =	vnsel vm1, $0x0, v8;
	[tilespmem:s0+$0xA80] =	vst v4  }
0x512: {  	[tilespmem:s0+$0xFFFFFE80] =	vst v5;
	vm0 =	vgt.s32 v7, $0x0  }
0x513: {  	v5 =	vld [tilespmem:s6+$0xFFFFFF00];
	v4 =	vnsel vm0, $0x0, v7  }
0x514: {  	v4 =	vmin.u32 v4, $0xC34F  }
0x515: {  	v6 =	vsub.s32 v4, v14  }
0x516: {  	v7 =	vsub.s32 $0x0, v6  }
0x517: {  	v7 =	vmin.u32 v6, v7  }
0x518: {  	vm0 =	vgt.s32 v5, $0x0  }
0x519: {  	v5 =	vnsel vm0, $0x0, v5;
	v8 =	vld.idx.msk [tilespmem:v4+s7+$0x0], $0xffff  }
0x51a: {  	v5 =	vmin.u32 v5, $0xC34F  }
0x51b: {  	v9 =	vsub.s32 v5, v12  }
0x51c: {  	v6 =	vcvt.s32.f32 v6;
	v10 =	vsub.s32 $0x0, v9;
	v7 =	vld.idx.msk [tilespmem:v7+s13+$0x0], $0xffff  }
0x51d: {  	v10 =	vmin.u32 v9, v10  }
0x51e: {  	vm0 =	vne.s32 v4, v14;
	v6 =	vand.u32 $0x80000000, v6;
	vm1 =	veq.s32 v15, v8  }
0x51f: {  	v4 =	vor.u32 v6, v2;
	v6 =	vsel vm1, $0x0, v0;
	vm0 =	vmand vm1, vm0  }
0x520: {  	v8 =	vld.idx.msk [tilespmem:v5+s7+$0x0], $0xffff;
	[tilespmem:s0+$0xFFFFF310] =	vst v6;
	v4 =	vnsel vm0, $0x0, v4  }
0x521: {  	v6 =	vnsel vm1, $0x0, v7;
	[tilespmem:s0+$0xB10] =	vst v4  }
0x522: {  	v4 =	vld.idx.msk [tilespmem:v10+s13+$0x0], $0xffff;
	[tilespmem:s0+$0xFFFFFF10] =	vst v6  }
0x523: {  	v6 =	vcvt.s32.f32 v9;
	v7 =	vld [tilespmem:s6+$0xFFFFFF90];
	_ =	sdelay $0x1  }
0x524: {  	vm0 =	vne.s32 v5, v12;
	vm1 =	veq.s32 v13, v8;
	v5 =	vand.u32 $0x80000000, v6  }
0x525: {  	v6 =	vsel vm1, $0x0, v0;
	vm0 =	vmand vm1, vm0;
	v5 =	vor.u32 v5, v2  }
0x526: {  	[tilespmem:s0+$0xFFFFF300] =	vst v6;
	v5 =	vnsel vm0, $0x0, v5  }
0x527: {  	s2 =	simm.s32 $0x18920;
	v4 =	vnsel vm1, $0x0, v4;
	[tilespmem:s0+$0xB00] =	vst v5;
	vm0 =	vgt.s32 v7, $0x0  }
0x528: {  	[tilespmem:s0+$0xFFFFFF00] =	vst v4;
	v5 =	vld [tilespmem:s2+$0xFFFFFE10];
	v4 =	vnsel vm0, $0x0, v7  }
0x529: {  	v6 =	vld [tilespmem:s6+$0xFFFFFF80];
	v7 =	vmin.u32 v4, $0xC34F  }
0x52a: {  	v4 =	vsub.s32 v7, v14  }
0x52b: {  	v9 =	vsub.s32 $0x0, v4  }
0x52c: {  	v8 =	vld [tilespmem:s2+$0xFFFFFE00];
	v9 =	vmin.u32 v4, v9  }
0x52d: {  	vm0 =	vgt.s32 v5, $0x0  }
0x52e: {  	s28 =	simm.s32 $0xC330;
	vm1 =	vgt.s32 v6, $0x0;
	v10 =	vnsel vm0, $0x0, v5;
	v11 =	vld.idx.msk [tilespmem:v7+s7+$0x0], $0xffff  }
0x52f: {  	v5 =	vor.u32 s28, v1;
	v6 =	vnsel vm1, $0x0, v6;
	v10 =	vmin.u32 v10, $0xC34F  }
0x530: {  	s29 =	simm.s32 $0xC320;
	v18 =	vcvt.s32.f32 v4;
	v6 =	vmin.u32 v6, $0xC34F;
	v16 =	vsub.s32 v10, v5  }
0x531: {  	vm0 =	vgt.s32 v8, $0x0;
	v4 =	vor.u32 s29, v1;
	v17 =	vsub.s32 $0x0, v16;
	v9 =	vld.idx.msk [tilespmem:v9+s13+$0x0], $0xffff  }
0x532: {  	v8 =	vnsel vm0, $0x0, v8;
	v18 =	vand.u32 $0x80000000, v18;
	v17 =	vmin.u32 v16, v17  }
0x533: {  	vm0 =	vne.s32 v7, v14;
	v8 =	vmin.u32 v8, $0xC34F;
	vm1 =	veq.s32 v15, v11  }
0x534: {  	v7 =	vor.u32 v18, v2;
	v18 =	vld.idx.msk [tilespmem:v10+s7+$0x0], $0xffff;
	v11 =	vsel vm1, $0x0, v0;
	vm0 =	vmand vm1, vm0  }
0x535: {  	s30 =	simm.s32 $0xC320;
	v19 =	vsub.s32 v8, v4;
	v21 =	vld.idx.msk [tilespmem:v6+s7+$0x0], $0xffff;
	[tilespmem:s0+$0xFFFFF390] =	vst v11;
	v11 =	vnsel vm0, $0x0, v7  }
0x536: {  	v20 =	vsub.s32 v6, v12;
	v22 =	vsub.s32 $0x0, v19;
	v7 =	vld [tilespmem:s30+$0x10];
	v9 =	vnsel vm1, $0x0, v9;
	[tilespmem:s0+$0xB90] =	vst v11  }
0x537: {  	v16 =	vcvt.s32.f32 v16;
	v22 =	vmin.u32 v19, v22;
	v17 =	vld.idx.msk [tilespmem:v17+s13+$0x0], $0xffff;
	v11 =	vsub.s32 $0x0, v20;
	[tilespmem:s0+$0xFFFFFF90] =	vst v9  }
0x538: {  	vm3 =	vne.s32 v10, v5;
	v9 =	vmin.u32 v20, v11;
	v11 =	vld [tilespmem:s6+$0x10]  }
0x539: {  	v16 =	vand.u32 $0x80000000, v16;
	v23 =	vld.idx.msk [tilespmem:v8+s7+$0x0], $0xffff;
	vm1 =	vne.s32 v8, v4;
	v8 =	vcvt.s32.f32 v20  }
0x53a: {  	v19 =	vcvt.s32.f32 v19;
	v10 =	vor.u32 v16, v2;
	vm0 =	vne.s32 v6, v12;
	v6 =	vld [tilespmem:s30+$0x0]  }
0x53b: {  	vm4 =	veq.s32 v13, v21;
	v8 =	vand.u32 $0x80000000, v8;
	vm2 =	veq.s32 v7, v18  }
0x53c: {  	s1 =	simm.s32 $0x1AD20;
	v18 =	vand.u32 $0x80000000, v19;
	v19 =	vld.idx.msk [tilespmem:v22+s13+$0x0], $0xffff;
	v16 =	vsel vm2, $0x0, v0;
	vm3 =	vmand vm2, vm3  }
0x53d: {  	[tilespmem:s1+$0xFFFFF210] =	vst v16;
	v10 =	vnsel vm3, $0x0, v10;
	v16 =	vnsel vm2, $0x0, v17;
	vm2 =	vgt.s32 v11, $0x0  }
0x53e: {  	vm0 =	vmand vm4, vm0;
	v8 =	vor.u32 v8, v2;
	v9 =	vld.idx.msk [tilespmem:v9+s13+$0x0], $0xffff;
	[tilespmem:s1+$0xA10] =	vst v10;
	v10 =	vnsel vm2, $0x0, v11  }
0x53f: {  	v8 =	vnsel vm0, $0x0, v8;
	vm0 =	veq.s32 v6, v23;
	[tilespmem:s1+$0xFFFFFE10] =	vst v16;
	v10 =	vmin.u32 v10, $0xC34F  }
0x540: {  	vm1 =	vmand vm0, vm1;
	[tilespmem:s0+$0xB80] =	vst v8;
	v8 =	vsel vm0, $0x0, v0;
	v11 =	vld [tilespmem:s2+$0xFFFFFE90];
	v17 =	vsub.s32 v10, v14  }
0x541: {  	v16 =	vor.u32 v18, v2;
	[tilespmem:s1+$0xFFFFF200] =	vst v8;
	v8 =	vnsel vm0, $0x0, v19;
	v18 =	vsub.s32 $0x0, v17  }
0x542: {  	v16 =	vnsel vm1, $0x0, v16;
	[tilespmem:s1+$0xFFFFFE00] =	vst v8;
	v8 =	vmin.u32 v17, v18  }
0x543: {  	[tilespmem:s1+$0xA00] =	vst v16;
	v9 =	vnsel vm4, $0x0, v9  }
0x544: {  	v16 =	vsel vm4, $0x0, v0;
	[tilespmem:s0+$0xFFFFFF80] =	vst v9;
	v9 =	vld.idx.msk [tilespmem:v10+s7+$0x0], $0xffff  }
0x545: {  	[tilespmem:s0+$0xFFFFF380] =	vst v16;
	v18 =	vld [tilespmem:s2+$0xFFFFFE80];
	vm0 =	vgt.s32 v11, $0x0  }
0x546: {  	v16 =	vld [tilespmem:s6+$0x0];
	v11 =	vnsel vm0, $0x0, v11  }
0x547: {  	v17 =	vcvt.s32.f32 v17;
	v11 =	vmin.u32 v11, $0xC34F;
	v8 =	vld.idx.msk [tilespmem:v8+s13+$0x0], $0xffff  }
0x548: {  	vm1 =	vne.s32 v10, v14;
	v19 =	vsub.s32 v11, v5  }
0x549: {  	v20 =	vsub.s32 $0x0, v19;
	vm0 =	veq.s32 v15, v9;
	v9 =	vand.u32 $0x80000000, v17  }
0x54a: {  	v9 =	vor.u32 v9, v2;
	v10 =	vsel vm0, $0x0, v0;
	vm1 =	vmand vm0, vm1  }
0x54b: {  	v17 =	vmin.u32 v19, v20;
	[tilespmem:s0+$0xFFFFF410] =	vst v10;
	v9 =	vnsel vm1, $0x0, v9  }
0x54c: {  	vm2 =	vgt.s32 v16, $0x0;
	vm1 =	vgt.s32 v18, $0x0;
	v8 =	vnsel vm0, $0x0, v8;
	[tilespmem:s0+$0xC10] =	vst v9  }
0x54d: {  	v16 =	vnsel vm2, $0x0, v16;
	v10 =	vld.idx.msk [tilespmem:v11+s7+$0x0], $0xffff;
	v9 =	vnsel vm1, $0x0, v18;
	[tilespmem:s0+$0x10] =	vst v8  }
0x54e: {  	v19 =	vcvt.s32.f32 v19;
	v8 =	vmin.u32 v9, $0xC34F;
	v9 =	vmin.u32 v16, $0xC34F;
	v16 =	vld [tilespmem:s6+$0x90]  }
0x54f: {  	v18 =	vsub.s32 v8, v4  }
0x550: {  	v19 =	vand.u32 $0x80000000, v19;
	v20 =	vsub.s32 v9, v12;
	v17 =	vld.idx.msk [tilespmem:v17+s13+$0x0], $0xffff;
	v62 =	vsub.s32 $0x0, v18  }
0x551: {  	vm1 =	vne.s32 v11, v5;
	v63 =	vsub.s32 $0x0, v20;
	v21 =	vmin.u32 v18, v62  }
0x552: {  	v22 =	vmin.u32 v20, v63;
	vm0 =	veq.s32 v7, v10;
	v10 =	vor.u32 v19, v2  }
0x553: {  	v11 =	vsel vm0, $0x0, v0;
	vm1 =	vmand vm0, vm1;
	v19 =	vld.idx.msk [tilespmem:v8+s7+$0x0], $0xffff;
	vm2 =	vgt.s32 v16, $0x0  }
0x554: {  	[tilespmem:s1+$0xFFFFF290] =	vst v11;
	v10 =	vnsel vm1, $0x0, v10;
	v11 =	vnsel vm2, $0x0, v16  }
0x555: {  	v17 =	vnsel vm0, $0x0, v17;
	[tilespmem:s1+$0xA90] =	vst v10;
	v16 =	vld.idx.msk [tilespmem:v9+s7+$0x0], $0xffff;
	v10 =	vmin.u32 v11, $0xC34F  }
0x556: {  	v20 =	vcvt.s32.f32 v20;
	[tilespmem:s1+$0xFFFFFE90] =	vst v17;
	v11 =	vcvt.s32.f32 v18;
	v18 =	vld.idx.msk [tilespmem:v21+s13+$0x0], $0xffff;
	v17 =	vsub.s32 v10, v14  }
0x557: {  	vm0 =	vne.s32 v8, v4;
	vm2 =	vne.s32 v9, v12;
	v24 =	vld [tilespmem:s2+$0xFFFFFF10];
	v25 =	vsub.s32 $0x0, v17  }
0x558: {  	v8 =	vand.u32 $0x80000000, v11;
	v11 =	vld.idx.msk [tilespmem:v22+s13+$0x0], $0xffff;
	vm1 =	veq.s32 v6, v19;
	v26 =	vmin.u32 v17, v25  }
0x559: {  	v8 =	vor.u32 v8, v2;
	v9 =	vsel vm1, $0x0, v0;
	vm0 =	vmand vm1, vm0  }
0x55a: {  	v20 =	vand.u32 $0x80000000, v20;
	[tilespmem:s1+$0xFFFFF280] =	vst v9;
	v8 =	vnsel vm0, $0x0, v8;
	v19 =	vld.idx.msk [tilespmem:v10+s7+$0x0], $0xffff  }
0x55b: {  	v20 =	vor.u32 v20, v2;
	vm3 =	veq.s32 v13, v16;
	v9 =	vnsel vm1, $0x0, v18;
	[tilespmem:s1+$0xA80] =	vst v8  }
0x55c: {  	v16 =	vcvt.s32.f32 v17;
	vm1 =	vgt.s32 v24, $0x0;
	v17 =	vsel vm3, $0x0, v0;
	[tilespmem:s1+$0xFFFFFE80] =	vst v9  }
0x55d: {  	vm0 =	vmand vm3, vm2;
	v9 =	vnsel vm1, $0x0, v24;
	[tilespmem:s0+$0xFFFFF400] =	vst v17;
	v8 =	vnsel vm3, $0x0, v11;
	v11 =	vld.idx.msk [tilespmem:v26+s13+$0x0], $0xffff  }
0x55e: {  	v18 =	vnsel vm0, $0x0, v20;
	v16 =	vand.u32 $0x80000000, v16;
	v9 =	vmin.u32 v9, $0xC34F;
	[tilespmem:s0+$0x0] =	vst v8;
	v8 =	vld [tilespmem:s2+$0xFFFFFF00]  }
0x55f: {  	vm1 =	vne.s32 v10, v14;
	[tilespmem:s0+$0xC00] =	vst v18;
	v10 =	vor.u32 v16, v2;
	vm0 =	veq.s32 v15, v19  }
0x560: {  	v17 =	vsub.s32 v9, v5;
	v18 =	vld [tilespmem:s6+$0x80];
	v16 =	vsel vm0, $0x0, v0;
	vm1 =	vmand vm0, vm1  }
0x561: {  	[tilespmem:s0+$0xFFFFF490] =	vst v16;
	v10 =	vnsel vm1, $0x0, v10;
	v16 =	vsub.s32 $0x0, v17  }
0x562: {  	v11 =	vnsel vm0, $0x0, v11;
	[tilespmem:s0+$0xC90] =	vst v10;
	v10 =	vmin.u32 v17, v16  }
0x563: {  	vm0 =	vgt.s32 v8, $0x0;
	v16 =	vld.idx.msk [tilespmem:v9+s7+$0x0], $0xffff;
	[tilespmem:s0+$0x90] =	vst v11  }
0x564: {  	v8 =	vnsel vm0, $0x0, v8;
	v11 =	vld [tilespmem:s6+$0x110]  }
0x565: {  	v17 =	vcvt.s32.f32 v17;
	vm0 =	vgt.s32 v18, $0x0;
	v8 =	vmin.u32 v8, $0xC34F  }
0x566: {  	vm1 =	vne.s32 v9, v5;
	v18 =	vnsel vm0, $0x0, v18;
	v19 =	vsub.s32 v8, v4  }
0x567: {  	v17 =	vand.u32 $0x80000000, v17;
	vm0 =	vne.s32 v8, v4;
	v20 =	vsub.s32 $0x0, v19;
	v10 =	vld.idx.msk [tilespmem:v10+s13+$0x0], $0xffff  }
0x568: {  	v18 =	vmin.u32 v18, $0xC34F;
	v9 =	vor.u32 v17, v2;
	v20 =	vmin.u32 v19, v20  }
0x569: {  	v17 =	vcvt.s32.f32 v19;
	vm3 =	veq.s32 v7, v16;
	vm2 =	vgt.s32 v11, $0x0  }
0x56a: {  	v16 =	vsel vm3, $0x0, v0;
	vm1 =	vmand vm3, vm1;
	v8 =	vld.idx.msk [tilespmem:v8+s7+$0x0], $0xffff;
	v11 =	vnsel vm2, $0x0, v11  }
0x56b: {  	v19 =	vsub.s32 v18, v12;
	[tilespmem:s1+$0xFFFFF310] =	vst v16;
	v9 =	vnsel vm1, $0x0, v9;
	v11 =	vmin.u32 v11, $0xC34F  }
0x56c: {  	v27 =	vsub.s32 $0x0, v19;
	[tilespmem:s1+$0xB10] =	vst v9;
	v16 =	vsub.s32 v11, v14;
	v10 =	vnsel vm3, $0x0, v10  }
0x56d: {  	v20 =	vld.idx.msk [tilespmem:v20+s13+$0x0], $0xffff;
	v9 =	vsub.s32 $0x0, v16;
	[tilespmem:s1+$0xFFFFFF10] =	vst v10;
	v10 =	vcvt.s32.f32 v19;
	v19 =	vmin.u32 v19, v27  }
0x56e: {  	v28 =	vld.idx.msk [tilespmem:v18+s7+$0x0], $0xffff;
	v9 =	vmin.u32 v16, v9  }
0x56f: {  	v17 =	vand.u32 $0x80000000, v17;
	vm1 =	veq.s32 v6, v8;
	v8 =	vld [tilespmem:s2+$0xFFFFFF90]  }
0x570: {  	s3 =	simm.s32 $0x18940;
	v17 =	vor.u32 v17, v2;
	v29 =	vsel vm1, $0x0, v0;
	vm0 =	vmand vm1, vm0;
	v30 =	vld.idx.msk [tilespmem:v11+s7+$0x0], $0xffff  }
0x571: {  	vm3 =	vne.s32 v11, v14;
	v16 =	vcvt.s32.f32 v16;
	[tilespmem:s1+$0xFFFFF300] =	vst v29;
	v17 =	vnsel vm0, $0x0, v17;
	v11 =	vld [tilespmem:s3+$0xFFFFFE10]  }
0x572: {  	vm0 =	vne.s32 v18, v12;
	v20 =	vnsel vm1, $0x0, v20;
	[tilespmem:s1+$0xB00] =	vst v17;
	v18 =	vld.idx.msk [tilespmem:v19+s13+$0x0], $0xffff  }
0x573: {  	v10 =	vand.u32 $0x80000000, v10;
	v16 =	vand.u32 $0x80000000, v16;
	[tilespmem:s1+$0xFFFFFF00] =	vst v20;
	v9 =	vld.idx.msk [tilespmem:v9+s13+$0x0], $0xffff  }
0x574: {  	v10 =	vor.u32 v10, v2;
	vm1 =	veq.s32 v13, v28;
	v16 =	vor.u32 v16, v2;
	v17 =	vld [tilespmem:s2+$0xFFFFFF80]  }
0x575: {  	v31 =	vld [tilespmem:s3+$0xFFFFFE00];
	v19 =	vsel vm1, $0x0, v0;
	vm0 =	vmand vm1, vm0;
	vm2 =	vgt.s32 v8, $0x0  }
0x576: {  	v10 =	vnsel vm0, $0x0, v10;
	v8 =	vnsel vm2, $0x0, v8;
	vm2 =	veq.s32 v15, v30  }
0x577: {  	v32 =	vmin.u32 v8, $0xC34F;
	v20 =	vsel vm2, $0x0, v0;
	vm3 =	vmand vm2, vm3  }
0x578: {  	v8 =	vnsel vm3, $0x0, v16;
	v16 =	vsub.s32 v32, v5;
	v18 =	vnsel vm1, $0x0, v18  }
0x579: {  	s4 =	simm.s32 $0xC340;
	[tilespmem:s0+$0xFFFFF510] =	vst v20;
	vm1 =	vgt.s32 v11, $0x0;
	vm0 =	vgt.s32 v17, $0x0;
	v9 =	vnsel vm2, $0x0, v9  }
0x57a: {  	[tilespmem:s0+$0xD10] =	vst v8;
	v20 =	vsub.s32 $0x0, v16;
	v8 =	vor.u32 s4, v1;
	vm2 =	vgt.s32 v31, $0x0  }
0x57b: {  	s31 =	simm.s32 $0xC350;
	[tilespmem:s0+$0xFFFFF480] =	vst v19;
	v11 =	vnsel vm1, $0x0, v11;
	v17 =	vnsel vm0, $0x0, v17;
	v20 =	vmin.u32 v16, v20  }
0x57c: {  	[tilespmem:s0+$0x110] =	vst v9;
	v21 =	vnsel vm2, $0x0, v31;
	v9 =	vor.u32 s31, v1;
	v27 =	vmin.u32 v11, $0xC34F  }
0x57d: {  	[tilespmem:s0+$0xC80] =	vst v10;
	v16 =	vcvt.s32.f32 v16;
	v17 =	vmin.u32 v17, $0xC34F;
	v33 =	vld [tilespmem:s6+$0x190];
	v11 =	vmin.u32 v21, $0xC34F  }
0x57e: {  	v26 =	vld.idx.msk [tilespmem:v32+s7+$0x0], $0xffff;
	v34 =	vsub.s32 v27, v9;
	vm8 =	vne.s32 v27, v9;
	v24 =	vsub.s32 v17, v4  }
0x57f: {  	[tilespmem:s0+$0x80] =	vst v18;
	vm0 =	vne.s32 v17, v4;
	v28 =	vsub.s32 $0x0, v34;
	v29 =	vsub.s32 v11, v8  }
0x580: {  	v30 =	vld [tilespmem:s6+$0x100];
	v10 =	vand.u32 $0x80000000, v16;
	v21 =	vcvt.s32.f32 v34;
	v25 =	vsub.s32 $0x0, v24  }
0x581: {  	v28 =	vmin.u32 v34, v28;
	v10 =	vor.u32 v10, v2;
	v25 =	vmin.u32 v24, v25;
	v20 =	vld.idx.msk [tilespmem:v20+s13+$0x0], $0xffff  }
0x582: {  	v37 =	vsub.s32 $0x0, v29;
	v21 =	vand.u32 $0x80000000, v21;
	v36 =	vld.idx.msk [tilespmem:v27+s7+$0x0], $0xffff;
	vm1 =	vgt.s32 v33, $0x0  }
0x583: {  	v17 =	vld.idx.msk [tilespmem:v17+s7+$0x0], $0xffff;
	vm2 =	veq.s32 v7, v26;
	v23 =	vnsel vm1, $0x0, v33;
	vm1 =	vne.s32 v32, v5  }
0x584: {  	s4 =	simm.s32 $0xC340;
	v21 =	vor.u32 v21, v2;
	v40 =	vld.idx.msk [tilespmem:v11+s7+$0x0], $0xffff;
	v18 =	vsel vm2, $0x0, v0;
	vm1 =	vmand vm2, vm1  }
0x585: {  	vm5 =	vgt.s32 v30, $0x0;
	v26 =	vmin.u32 v29, v37;
	[tilespmem:s1+$0xFFFFF390] =	vst v18;
	v18 =	vnsel vm1, $0x0, v10;
	v10 =	vld [tilespmem:s4+$0x10]  }
0x586: {  	v44 =	vnsel vm5, $0x0, v30;
	v16 =	vmin.u32 v23, $0xC34F;
	v43 =	vld.idx.msk [tilespmem:v25+s13+$0x0], $0xffff;
	v20 =	vnsel vm2, $0x0, v20;
	[tilespmem:s1+$0xB90] =	vst v18  }
0x587: {  	v29 =	vcvt.s32.f32 v29;
	v19 =	vsub.s32 v16, v14;
	v25 =	vmin.u32 v44, $0xC34F;
	v18 =	vld.idx.msk [tilespmem:v28+s13+$0x0], $0xffff;
	[tilespmem:s1+$0xFFFFFF90] =	vst v20  }
0x588: {  	v35 =	vsub.s32 $0x0, v19;
	vm2 =	vne.s32 v11, v8;
	v45 =	vsub.s32 v25, v12;
	v39 =	vld [tilespmem:s2+$0x10]  }
0x589: {  	v11 =	vld [tilespmem:s4+$0x0];
	v22 =	vmin.u32 v19, v35;
	vm1 =	veq.s32 v6, v17;
	v17 =	vcvt.s32.f32 v24  }
0x58a: {  	v20 =	vand.u32 $0x80000000, v29;
	v38 =	vsel vm1, $0x0, v0;
	vm3 =	veq.s32 v10, v36  }
0x58b: {  	s5 =	simm.s32 $0x1AD40;
	v26 =	vld.idx.msk [tilespmem:v26+s13+$0x0], $0xffff;
	v19 =	vcvt.s32.f32 v19;
	vm0 =	vmand vm1, vm0;
	[tilespmem:s1+$0xFFFFF380] =	vst v38;
	v42 =	vsel vm3, $0x0, v0  }
0x58c: {  	v17 =	vand.u32 $0x80000000, v17;
	vm4 =	vmand vm3, vm8;
	v18 =	vnsel vm3, $0x0, v18;
	[tilespmem:s5+$0xFFFFF210] =	vst v42  }
0x58d: {  	v17 =	vor.u32 v17, v2;
	v21 =	vnsel vm4, $0x0, v21;
	[tilespmem:s5+$0xFFFFFE10] =	vst v18;
	vm3 =	vgt.s32 v39, $0x0  }
0x58e: {  	v41 =	vld.idx.msk [tilespmem:v16+s7+$0x0], $0xffff;
	v17 =	vnsel vm0, $0x0, v17;
	vm0 =	veq.s32 v11, v40;
	[tilespmem:s5+$0xA10] =	vst v21;
	v18 =	vnsel vm3, $0x0, v39  }
0x58f: {  	v48 =	vsub.s32 $0x0, v45;
	[tilespmem:s1+$0xB80] =	vst v17;
	v17 =	vsel vm0, $0x0, v0;
	v27 =	vld [tilespmem:s3+$0xFFFFFE90];
	v18 =	vmin.u32 v18, $0xC34F  }
0x590: {  	v20 =	vor.u32 v20, v2;
	[tilespmem:s5+$0xFFFFF200] =	vst v17;
	v17 =	vnsel vm0, $0x0, v26;
	v46 =	vsub.s32 v18, v5  }
0x591: {  	v19 =	vand.u32 $0x80000000, v19;
	v21 =	vnsel vm1, $0x0, v43;
	[tilespmem:s5+$0xFFFFFE00] =	vst v17;
	v47 =	vsub.s32 $0x0, v46  }
0x592: {  	v49 =	vcvt.s32.f32 v45;
	v19 =	vor.u32 v19, v2;
	v22 =	vld.idx.msk [tilespmem:v22+s13+$0x0], $0xffff;
	[tilespmem:s1+$0xFFFFFF80] =	vst v21;
	v17 =	vmin.u32 v46, v47  }
0x593: {  	vm1 =	vne.s32 v25, v12;
	vm3 =	vmand vm0, vm2;
	vm2 =	veq.s32 v15, v41;
	v53 =	vld [tilespmem:s2+$0x0]  }
0x594: {  	v20 =	vnsel vm3, $0x0, v20;
	v55 =	vcvt.s32.f32 v46;
	vm0 =	vgt.s32 v27, $0x0;
	v50 =	vld.idx.msk [tilespmem:v18+s7+$0x0], $0xffff  }
0x595: {  	[tilespmem:s5+$0xA00] =	vst v20;
	v20 =	vmin.u32 v45, v48;
	vm9 =	vne.s32 v18, v5;
	v52 =	vnsel vm0, $0x0, v27  }
0x596: {  	v51 =	vld [tilespmem:s3+$0xFFFFFE80];
	v57 =	vand.u32 $0x80000000, v55;
	vm0 =	vne.s32 v16, v14;
	v16 =	vmin.u32 v52, $0xC34F  }
0x597: {  	v15 =	vnsel vm2, $0x0, v22;
	v14 =	vand.u32 $0x80000000, v49;
	v18 =	vor.u32 v57, v2;
	v17 =	vld.idx.msk [tilespmem:v17+s13+$0x0], $0xffff  }
0x598: {  	vm11 =	vgt.s32 v53, $0x0;
	vm0 =	vmand vm2, vm0;
	v54 =	vsub.s32 v16, v9  }
0x599: {  	v56 =	vor.u32 v14, v2;
	v14 =	vsub.s32 $0x0, v54;
	vm3 =	veq.s32 v7, v50  }
0x59a: {  	v25 =	vld.idx.msk [tilespmem:v25+s7+$0x0], $0xffff;
	v59 =	vmin.u32 v54, v14;
	v58 =	vsel vm3, $0x0, v0;
	vm4 =	vmand vm3, vm9  }
0x59b: {  	vm10 =	vgt.s32 v51, $0x0;
	v24 =	vcvt.s32.f32 v54;
	v60 =	vld.idx.msk [tilespmem:v16+s7+$0x0], $0xffff;
	[tilespmem:s1+$0xFFFFF410] =	vst v58;
	v14 =	vnsel vm4, $0x0, v18  }
0x59c: {  	v22 =	vnsel vm11, $0x0, v53;
	v18 =	vld.idx.msk [tilespmem:v20+s13+$0x0], $0xffff;
	v20 =	vnsel vm10, $0x0, v51;
	v17 =	vnsel vm3, $0x0, v17;
	[tilespmem:s1+$0xC10] =	vst v14  }
0x59d: {  	vm12 =	vne.s32 v16, v9;
	v24 =	vand.u32 $0x80000000, v24;
	v20 =	vmin.u32 v20, $0xC34F;
	[tilespmem:s1+$0x10] =	vst v17  }
0x59e: {  	v19 =	vnsel vm0, $0x0, v19;
	v36 =	vor.u32 v24, v2;
	v61 =	vsub.s32 v20, v8;
	v62 =	vld [tilespmem:s2+$0x90]  }
0x59f: {  	v14 =	vsel vm2, $0x0, v0;
	v17 =	vmin.u32 v22, $0xC34F;
	v26 =	vld.idx.msk [tilespmem:v59+s13+$0x0], $0xffff;
	v33 =	vsub.s32 $0x0, v61  }
0x5a0: {  	vm2 =	veq.s32 v13, v25;
	v63 =	vsub.s32 v17, v4;
	v28 =	vmin.u32 v61, v33  }
0x5a1: {  	v35 =	vsub.s32 $0x0, v63;
	vm3 =	veq.s32 v10, v60;
	v18 =	vnsel vm2, $0x0, v18  }
0x5a2: {  	v30 =	vmin.u32 v63, v35;
	vm4 =	vmand vm3, vm12;
	[tilespmem:s0+$0x100] =	vst v18;
	v18 =	vsel vm3, $0x0, v0  }
0x5a3: {  	vm1 =	vmand vm2, vm1;
	v16 =	vld.idx.msk [tilespmem:v20+s7+$0x0], $0xffff;
	[tilespmem:s5+$0xFFFFF290] =	vst v18;
	v18 =	vnsel vm4, $0x0, v36;
	vm13 =	vgt.s32 v62, $0x0  }
0x5a4: {  	v22 =	vcvt.s32.f32 v61;
	v37 =	vld.idx.msk [tilespmem:v17+s7+$0x0], $0xffff;
	v26 =	vnsel vm3, $0x0, v26;
	[tilespmem:s5+$0xA90] =	vst v18;
	v38 =	vnsel vm13, $0x0, v62  }
0x5a5: {  	v34 =	vsel vm2, $0x0, v0;
	v40 =	vnsel vm1, $0x0, v56;
	[tilespmem:s5+$0xFFFFFE90] =	vst v26;
	v39 =	vld.idx.msk [tilespmem:v28+s13+$0x0], $0xffff;
	v18 =	vmin.u32 v38, $0xC34F  }
0x5a6: {  	[tilespmem:s0+$0xFFFFF500] =	vst v34;
	v25 =	vcvt.s32.f32 v63;
	v22 =	vand.u32 $0x80000000, v22;
	v41 =	vld [tilespmem:s3+$0xFFFFFF10];
	v21 =	vsub.s32 v18, v5  }
0x5a7: {  	[tilespmem:s0+$0xD00] =	vst v40;
	vm2 =	vne.s32 v20, v8;
	v22 =	vor.u32 v22, v2;
	v20 =	vld.idx.msk [tilespmem:v30+s13+$0x0], $0xffff;
	v42 =	vsub.s32 $0x0, v21  }
0x5a8: {  	v25 =	vand.u32 $0x80000000, v25;
	v26 =	vld [tilespmem:s6+$0x180];
	vm1 =	veq.s32 v11, v16;
	v16 =	vmin.u32 v21, v42  }
0x5a9: {  	vm3 =	vne.s32 v17, v4;
	v43 =	vsel vm1, $0x0, v0;
	vm2 =	vmand vm1, vm2  }
0x5aa: {  	v44 =	vor.u32 v25, v2;
	vm14 =	veq.s32 v6, v37;
	[tilespmem:s5+$0xFFFFF280] =	vst v43;
	v17 =	vnsel vm2, $0x0, v22;
	v45 =	vld.idx.msk [tilespmem:v18+s7+$0x0], $0xffff  }
0x5ab: {  	v24 =	vsel vm14, $0x0, v0;
	v23 =	vnsel vm1, $0x0, v39;
	[tilespmem:s5+$0xA80] =	vst v17;
	vm1 =	vmand vm14, vm3  }
0x5ac: {  	vm2 =	vgt.s32 v41, $0x0;
	[tilespmem:s5+$0xFFFFFE80] =	vst v23;
	v17 =	vnsel vm14, $0x0, v20;
	v20 =	vnsel vm1, $0x0, v44  }
0x5ad: {  	v46 =	vnsel vm2, $0x0, v41;
	vm1 =	vgt.s32 v26, $0x0;
	[tilespmem:s1+$0xC00] =	vst v20;
	v20 =	vcvt.s32.f32 v21;
	v16 =	vld.idx.msk [tilespmem:v16+s13+$0x0], $0xffff  }
0x5ae: {  	[tilespmem:s1+$0x0] =	vst v17;
	v17 =	vld [tilespmem:s3+$0xFFFFFF00];
	v22 =	vmin.u32 v46, $0xC34F;
	v47 =	vnsel vm1, $0x0, v26;
	vm1 =	vne.s32 v18, v5  }
0x5af: {  	[tilespmem:s1+$0xFFFFF400] =	vst v24;
	v48 =	vsub.s32 v22, v9;
	v20 =	vand.u32 $0x80000000, v20;
	vm0 =	veq.s32 v7, v45  }
0x5b0: {  	v24 =	vld [tilespmem:s2+$0x80];
	v18 =	vor.u32 v20, v2;
	v20 =	vsel vm0, $0x0, v0;
	vm1 =	vmand vm0, vm1  }
0x5b1: {  	v49 =	vsub.s32 $0x0, v48;
	[tilespmem:s1+$0xFFFFF490] =	vst v20;
	v18 =	vnsel vm1, $0x0, v18  }
0x5b2: {  	v21 =	vmin.u32 v47, $0xC34F;
	v25 =	vmin.u32 v48, v49;
	v16 =	vnsel vm0, $0x0, v16;
	[tilespmem:s1+$0xC90] =	vst v18  }
0x5b3: {  	v23 =	vcvt.s32.f32 v48;
	v20 =	vsub.s32 v21, v12;
	vm1 =	vgt.s32 v17, $0x0;
	[tilespmem:s1+$0x90] =	vst v16  }
0x5b4: {  	v17 =	vnsel vm1, $0x0, v17;
	v18 =	vcvt.s32.f32 v20;
	v16 =	vsub.s32 $0x0, v20;
	v50 =	vld [tilespmem:s2+$0x110]  }
0x5b5: {  	vm1 =	vgt.s32 v24, $0x0;
	v17 =	vmin.u32 v17, $0xC34F;
	v16 =	vmin.u32 v20, v16;
	v20 =	vld.idx.msk [tilespmem:v22+s7+$0x0], $0xffff  }
0x5b6: {  	v23 =	vand.u32 $0x80000000, v23;
	v24 =	vnsel vm1, $0x0, v24;
	vm1 =	vne.s32 v22, v9  }
0x5b7: {  	v25 =	vld.idx.msk [tilespmem:v25+s13+$0x0], $0xffff;
	v51 =	vsub.s32 v17, v8;
	vm0 =	vne.s32 v17, v8;
	v24 =	vmin.u32 v24, $0xC34F  }
0x5b8: {  	[tilespmem:s0+$0xFFFFF590] =	vst v14;
	v56 =	vld.idx.msk [tilespmem:v21+s7+$0x0], $0xffff;
	v14 =	vand.u32 $0x80000000, v18;
	v52 =	vsub.s32 $0x0, v51;
	v54 =	vsub.s32 v24, v4  }
0x5b9: {  	v53 =	vcvt.s32.f32 v51;
	v27 =	vmin.u32 v51, v52;
	v55 =	vsub.s32 $0x0, v54  }
0x5ba: {  	v31 =	vcvt.s32.f32 v54;
	v17 =	vld.idx.msk [tilespmem:v17+s7+$0x0], $0xffff;
	vm2 =	vgt.s32 v50, $0x0;
	vm3 =	veq.s32 v10, v20  }
0x5bb: {  	[tilespmem:s0+$0x190] =	vst v15;
	v20 =	vor.u32 v23, v2;
	v57 =	vnsel vm2, $0x0, v50;
	v15 =	vsel vm3, $0x0, v0  }
0x5bc: {  	v58 =	vld.idx.msk [tilespmem:v24+s7+$0x0], $0xffff;
	vm1 =	vmand vm3, vm1;
	v25 =	vnsel vm3, $0x0, v25;
	v23 =	vmin.u32 v57, $0xC34F;
	[tilespmem:s5+$0xFFFFF310] =	vst v15  }
0x5bd: {  	vm15 =	veq.s32 v13, v56;
	v16 =	vld.idx.msk [tilespmem:v16+s13+$0x0], $0xffff;
	v15 =	vnsel vm1, $0x0, v20;
	[tilespmem:s5+$0xFFFFFF10] =	vst v25;
	v20 =	vsub.s32 v23, v5  }
0x5be: {  	v29 =	vand.u32 $0x80000000, v53;
	v27 =	vld.idx.msk [tilespmem:v27+s13+$0x0], $0xffff;
	[tilespmem:s5+$0xB10] =	vst v15;
	v15 =	vmin.u32 v54, v55;
	v59 =	vsub.s32 $0x0, v20  }
0x5bf: {  	v60 =	vand.u32 $0x80000000, v31;
	vm3 =	veq.s32 v11, v17;
	v17 =	vld [tilespmem:s3+$0xFFFFFF90];
	v61 =	vmin.u32 v20, v59  }
0x5c0: {  	[tilespmem:s0+$0xD90] =	vst v19;
	v29 =	vor.u32 v29, v2;
	v19 =	vor.u32 v60, v2;
	vm2 =	vne.s32 v24, v4  }
0x5c1: {  	v13 =	vsel vm3, $0x0, v0;
	vm0 =	vmand vm3, vm0;
	vm1 =	veq.s32 v6, v58  }
0x5c2: {  	v20 =	vcvt.s32.f32 v20;
	v63 =	vnsel vm15, $0x0, v16;
	[tilespmem:s5+$0xFFFFF300] =	vst v13;
	v13 =	vnsel vm0, $0x0, v29;
	v62 =	vld.idx.msk [tilespmem:v23+s7+$0x0], $0xffff  }
0x5c3: {  	vm0 =	vne.s32 v21, v12;
	vm2 =	vmand vm1, vm2;
	v12 =	vnsel vm3, $0x0, v27;
	[tilespmem:s5+$0xB00] =	vst v13;
	v15 =	vld.idx.msk [tilespmem:v15+s13+$0x0], $0xffff  }
0x5c4: {  	[tilespmem:s5+$0xFFFFFF00] =	vst v12;
	v12 =	vnsel vm2, $0x0, v19;
	v19 =	vor.u32 v14, v2;
	vm2 =	vgt.s32 v17, $0x0;
	v14 =	vld.idx.msk [tilespmem:v61+s13+$0x0], $0xffff  }
0x5c5: {  	[tilespmem:s0+$0x180] =	vst v63;
	v13 =	vsel vm1, $0x0, v0;
	v18 =	vnsel vm2, $0x0, v17;
	v17 =	vld [tilespmem:s3+$0xFFFFFF80]  }
0x5c6: {  	vm0 =	vmand vm15, vm0;
	v16 =	vand.u32 $0x80000000, v20;
	[tilespmem:s1+$0xFFFFF480] =	vst v13;
	v13 =	vsel vm15, $0x0, v0  }
0x5c7: {  	s6 =	simm.s32 $0x40;
	s7 =	simm.s32 $0x18960;
	[tilespmem:s1+$0xC80] =	vst v12;
	v12 =	vnsel vm0, $0x0, v19;
	vm2 =	vne.s32 v23, v5;
	vm0 =	veq.s32 v7, v62  }
.LBB2_14:
0x5c8: {  	v19 =	vld [tilespmem:s7+$0xFFFFFE10];
	v16 =	vor.u32 v16, v2;
	v20 =	vsel vm0, $0x0, v0;
	vm2 =	vmand vm0, vm2;
	[tilespmem:s0+$0xD80] =	vst v12  }
0x5c9: {  	v18 =	vmin.u32 v18, $0xC34F;
	v15 =	vnsel vm1, $0x0, v15;
	v21 =	vld [tilespmem:s7+$0xFFFFFE00];
	[tilespmem:s1+$0xFFFFF510] =	vst v20;
	v12 =	vnsel vm2, $0x0, v16  }
0x5ca: {  	v16 =	vsub.s32 v18, v9;
	v14 =	vnsel vm0, $0x0, v14;
	vm1 =	vgt.s32 v17, $0x0;
	[tilespmem:s1+$0xD10] =	vst v12  }
0x5cb: {  	s8 =	sadd.s32 $0xC320, s6;
	v20 =	vsub.s32 $0x0, v16;
	v17 =	vnsel vm1, $0x0, v17;
	[tilespmem:s1+$0x110] =	vst v14  }
0x5cc: {  	v12 =	vor.u32 s8, v1;
	v20 =	vmin.u32 v16, v20;
	v17 =	vmin.u32 v17, $0xC34F;
	[tilespmem:s1+$0x80] =	vst v15;
	v15 =	vld [tilespmem:s2+$0x190]  }
0x5cd: {  	s9 =	simm.s32 $0x0;
	vm1 =	vgt.s32 v19, $0x0;
	v22 =	vsub.s32 v17, v8;
	vm0 =	vne.s32 v17, v8;
	v23 =	vld [tilespmem:s2+$0x100];
	[tilespmem:s0+$0xFFFFF580] =	vst v13;
	s0 =	smov.u32 s1;
	s1 =	smov.u32 s5  }
0x5ce: {  	s8 =	sadd.s32 $0xC330, s6;
	vm2 =	vgt.s32 v21, $0x0;
	v13 =	vnsel vm1, $0x0, v19;
	v19 =	vsub.s32 $0x0, v22;
	v24 =	vld.idx.msk [tilespmem:v18+s9+$0x0], $0xffff  }
0x5cf: {  	v14 =	vor.u32 s8, v1;
	v21 =	vnsel vm2, $0x0, v21;
	v25 =	vmin.u32 v13, $0xC34F  }
0x5d0: {  	v19 =	vmin.u32 v22, v19;
	v13 =	vmin.u32 v21, $0xC34F;
	v21 =	vsub.s32 v25, v14  }
0x5d1: {  	s6 =	sadd.s32 $0x20, s6;
	v16 =	vcvt.s32.f32 v16;
	v26 =	vsub.s32 $0x0, v21;
	v20 =	vld.idx.msk [tilespmem:v20+s13+$0x0], $0xffff;
	vm1 =	vgt.s32 v15, $0x0  }
0x5d2: {  	p2 =	slt.u32 s6, $0x60;
	v27 =	vsub.s32 v13, v12;
	v26 =	vmin.u32 v21, v26;
	v17 =	vld.idx.msk [tilespmem:v17+s9+$0x0], $0xffff;
	v15 =	vnsel vm1, $0x0, v15  }
0x5d3: {  	v16 =	vand.u32 $0x80000000, v16;
	vm1 =	vne.s32 v18, v9;
	v15 =	vmin.u32 v15, $0xC34F  }
0x5d4: {  	v16 =	vor.u32 v16, v2;
	vm2 =	veq.s32 v10, v24;
	v18 =	vsub.s32 v15, v5  }
0x5d5: {  	v28 =	vsel vm2, $0x0, v0;
	vm1 =	vmand vm2, vm1;
	v24 =	vld.idx.msk [tilespmem:v13+s9+$0x0], $0xffff;
	v29 =	vsub.s32 $0x0, v18  }
0x5d6: {  	s4 =	sadd.s32 $0x20, s4;
	v30 =	vsub.s32 $0x0, v27;
	v16 =	vnsel vm1, $0x0, v16;
	v31 =	vld.idx.msk [tilespmem:v25+s9+$0x0], $0xffff;
	[tilespmem:s5+$0xFFFFF390] =	vst v28;
	v28 =	vmin.u32 v18, v29  }
0x5d7: {  	v29 =	vmin.u32 v27, v30;
	v27 =	vcvt.s32.f32 v27;
	v20 =	vnsel vm2, $0x0, v20;
	v30 =	vld [tilespmem:s4+$0x10];
	[tilespmem:s5+$0xB90] =	vst v16  }
0x5d8: {  	vm2 =	vne.s32 v13, v12;
	v13 =	vcvt.s32.f32 v22;
	vm1 =	veq.s32 v11, v17;
	v16 =	vld.idx.msk [tilespmem:v26+s13+$0x0], $0xffff;
	[tilespmem:s5+$0xFFFFFF90] =	vst v20  }
0x5d9: {  	v17 =	vand.u32 $0x80000000, v27;
	v20 =	vsel vm1, $0x0, v0;
	vm0 =	vmand vm1, vm0;
	v22 =	vld [tilespmem:s3+$0x10]  }
0x5da: {  	v21 =	vcvt.s32.f32 v21;
	v13 =	vand.u32 $0x80000000, v13;
	v17 =	vor.u32 v17, v2;
	v26 =	vld.idx.msk [tilespmem:v15+s9+$0x0], $0xffff  }
0x5db: {  	vm3 =	vgt.s32 v23, $0x0;
	v18 =	vcvt.s32.f32 v18;
	v27 =	vor.u32 v13, v2;
	v28 =	vld.idx.msk [tilespmem:v28+s13+$0x0], $0xffff  }
0x5dc: {  	vm5 =	vne.s32 v25, v14;
	v21 =	vand.u32 $0x80000000, v21;
	v13 =	vld [tilespmem:s4+$0x0];
	vm4 =	veq.s32 v30, v31  }
0x5dd: {  	v21 =	vor.u32 v21, v2;
	s5 =	sadd.s32 $0x20, s5;
	v25 =	vld.idx.msk [tilespmem:v29+s13+$0x0], $0xffff;
	v29 =	vsel vm4, $0x0, v0;
	vm5 =	vmand vm4, vm5  }
0x5de: {  	v23 =	vnsel vm3, $0x0, v23;
	v27 =	vnsel vm0, $0x0, v27;
	[tilespmem:s5+$0xFFFFF210] =	vst v29;
	v21 =	vnsel vm5, $0x0, v21;
	v19 =	vld.idx.msk [tilespmem:v19+s13+$0x0], $0xffff  }
0x5df: {  	v16 =	vnsel vm4, $0x0, v16;
	vm0 =	vgt.s32 v22, $0x0;
	[tilespmem:s5+$0xA10] =	vst v21;
	v21 =	vmin.u32 v23, $0xC34F  }
0x5e0: {  	[tilespmem:s5+$0xFFFFFE10] =	vst v16;
	v16 =	vnsel vm0, $0x0, v22;
	v22 =	vsub.s32 v21, v4;
	vm0 =	veq.s32 v7, v26;
	v7 =	vmovc v10  }
0x5e1: {  	v10 =	vmovc v30;
	vm3 =	veq.s32 v13, v24;
	v23 =	vld [tilespmem:s7+$0xFFFFFE90];
	[tilespmem:s1+$0xB80] =	vst v27;
	v16 =	vmin.u32 v16, $0xC34F;
	v24 =	vnsel vm0, $0x0, v28  }
0x5e2: {  	v26 =	vsel vm3, $0x0, v0;
	vm2 =	vmand vm3, vm2;
	v27 =	vsub.s32 v16, v9;
	[tilespmem:s0+$0x190] =	vst v24  }
0x5e3: {  	v24 =	vnsel vm3, $0x0, v25;
	[tilespmem:s5+$0xFFFFF200] =	vst v26;
	v17 =	vnsel vm2, $0x0, v17;
	v25 =	vsub.s32 $0x0, v27  }
0x5e4: {  	v19 =	vnsel vm1, $0x0, v19;
	v26 =	vsub.s32 $0x0, v22;
	[tilespmem:s5+$0xFFFFFE00] =	vst v24;
	v24 =	vmin.u32 v27, v25;
	v25 =	vld.idx.msk [tilespmem:v21+s9+$0x0], $0xffff  }
0x5e5: {  	vm1 =	vne.s32 v21, v4;
	[tilespmem:s5+$0xA00] =	vst v17;
	v17 =	vmin.u32 v22, v26;
	v22 =	vcvt.s32.f32 v22  }
0x5e6: {  	v18 =	vand.u32 $0x80000000, v18;
	vm3 =	vne.s32 v15, v5;
	v5 =	vmovc v9;
	vm2 =	vgt.s32 v23, $0x0;
	[tilespmem:s1+$0xFFFFFF80] =	vst v19;
	v19 =	vld.idx.msk [tilespmem:v16+s9+$0x0], $0xffff  }
0x5e7: {  	v9 =	vmovc v14;
	v15 =	vld [tilespmem:s7+$0xFFFFFE80];
	v21 =	vnsel vm2, $0x0, v23;
	[tilespmem:s1+$0xFFFFF380] =	vst v20;
	v20 =	vand.u32 $0x80000000, v22;
	vm2 =	vmand vm0, vm3  }
0x5e8: {  	v18 =	vor.u32 v18, v2;
	v14 =	vmin.u32 v21, $0xC34F;
	v21 =	vld [tilespmem:s3+$0x0];
	v20 =	vor.u32 v20, v2  }
0x5e9: {  	v18 =	vnsel vm2, $0x0, v18;
	v22 =	vsub.s32 v14, v9;
	v23 =	vld.idx.msk [tilespmem:v24+s13+$0x0], $0xffff;
	v24 =	vsel vm0, $0x0, v0  }
0x5ea: {  	v27 =	vcvt.s32.f32 v27;
	vm2 =	veq.s32 v6, v25;
	v26 =	vsub.s32 $0x0, v22;
	v17 =	vld.idx.msk [tilespmem:v17+s13+$0x0], $0xffff;
	[tilespmem:s0+$0xD90] =	vst v18  }
0x5eb: {  	v25 =	vsel vm2, $0x0, v0;
	vm0 =	vmand vm2, vm1;
	v18 =	vmin.u32 v22, v26;
	[tilespmem:s0+$0xFFFFF590] =	vst v24  }
0x5ec: {  	vm3 =	vne.s32 v16, v5;
	vm1 =	veq.s32 v7, v19;
	v19 =	vand.u32 $0x80000000, v27;
	[tilespmem:s0+$0xFFFFF500] =	vst v25  }
0x5ed: {  	v16 =	vor.u32 v19, v2;
	v19 =	vsel vm1, $0x0, v0;
	vm3 =	vmand vm1, vm3  }
0x5ee: {  	vm4 =	vgt.s32 v15, $0x0;
	vm5 =	vgt.s32 v21, $0x0;
	v16 =	vnsel vm3, $0x0, v16;
	[tilespmem:s1+$0xFFFFF410] =	vst v19  }
0x5ef: {  	v15 =	vnsel vm4, $0x0, v15;
	v21 =	vnsel vm5, $0x0, v21;
	v23 =	vnsel vm1, $0x0, v23;
	v19 =	vld.idx.msk [tilespmem:v14+s9+$0x0], $0xffff;
	[tilespmem:s1+$0xC10] =	vst v16  }
0x5f0: {  	v15 =	vmin.u32 v15, $0xC34F;
	v16 =	vmin.u32 v21, $0xC34F;
	v17 =	vnsel vm2, $0x0, v17;
	[tilespmem:s1+$0x10] =	vst v23  }
0x5f1: {  	v21 =	vsub.s32 v15, v12;
	vm1 =	vne.s32 v15, v12;
	v23 =	vsub.s32 v16, v8;
	v24 =	vld [tilespmem:s3+$0x90];
	[tilespmem:s0+$0x100] =	vst v17  }
0x5f2: {  	v22 =	vcvt.s32.f32 v22;
	v25 =	vcvt.s32.f32 v21;
	v17 =	vsub.s32 $0x0, v21;
	v18 =	vld.idx.msk [tilespmem:v18+s13+$0x0], $0xffff  }
0x5f3: {  	v26 =	vcvt.s32.f32 v23;
	v17 =	vmin.u32 v21, v17;
	v21 =	vsub.s32 $0x0, v23  }
0x5f4: {  	v22 =	vand.u32 $0x80000000, v22;
	v25 =	vand.u32 $0x80000000, v25;
	v21 =	vmin.u32 v23, v21  }
0x5f5: {  	vm3 =	vne.s32 v14, v9;
	vm2 =	veq.s32 v10, v19;
	v19 =	vor.u32 v22, v2;
	v15 =	vld.idx.msk [tilespmem:v15+s9+$0x0], $0xffff  }
0x5f6: {  	v14 =	vsel vm2, $0x0, v0;
	vm3 =	vmand vm2, vm3;
	v22 =	vld.idx.msk [tilespmem:v16+s9+$0x0], $0xffff;
	vm4 =	vgt.s32 v24, $0x0  }
0x5f7: {  	v23 =	vor.u32 v25, v2;
	[tilespmem:s5+$0xFFFFF290] =	vst v14;
	v14 =	vnsel vm3, $0x0, v19;
	v19 =	vnsel vm4, $0x0, v24  }
0x5f8: {  	v18 =	vnsel vm2, $0x0, v18;
	v17 =	vld.idx.msk [tilespmem:v17+s13+$0x0], $0xffff;
	[tilespmem:s5+$0xA90] =	vst v14;
	v14 =	vand.u32 $0x80000000, v26;
	v19 =	vmin.u32 v19, $0xC34F  }
0x5f9: {  	v20 =	vnsel vm0, $0x0, v20;
	vm2 =	vne.s32 v16, v8;
	[tilespmem:s5+$0xFFFFFE90] =	vst v18;
	v18 =	vld.idx.msk [tilespmem:v21+s13+$0x0], $0xffff;
	v16 =	vsub.s32 v19, v5  }
0x5fa: {  	v14 =	vor.u32 v14, v2;
	v21 =	vld [tilespmem:s7+$0xFFFFFF10];
	v24 =	vsub.s32 $0x0, v16;
	[tilespmem:s0+$0xD00] =	vst v20  }
0x5fb: {  	vm0 =	veq.s32 v13, v15;
	v15 =	vmin.u32 v16, v24;
	v20 =	vld [tilespmem:s2+$0x180];
	s2 =	smov.u32 s3;
	s3 =	smov.u32 s7  }
0x5fc: {  	v24 =	vsel vm0, $0x0, v0;
	vm1 =	vmand vm0, vm1;
	vm3 =	veq.s32 v11, v22  }
0x5fd: {  	v22 =	vnsel vm1, $0x0, v23;
	v23 =	vsel vm3, $0x0, v0;
	vm1 =	vmand vm3, vm2;
	[tilespmem:s5+$0xFFFFF280] =	vst v24;
	v24 =	vld.idx.msk [tilespmem:v19+s9+$0x0], $0xffff  }
0x5fe: {  	v17 =	vnsel vm0, $0x0, v17;
	v14 =	vnsel vm1, $0x0, v14;
	[tilespmem:s5+$0xA80] =	vst v22  }
0x5ff: {  	[tilespmem:s5+$0xFFFFFE80] =	vst v17;
	vm0 =	vgt.s32 v21, $0x0;
	v17 =	vnsel vm3, $0x0, v18  }
0x600: {  	v18 =	vnsel vm0, $0x0, v21;
	[tilespmem:s1+$0x0] =	vst v17;
	v15 =	vld.idx.msk [tilespmem:v15+s13+$0x0], $0xffff;
	vm0 =	vgt.s32 v20, $0x0  }
0x601: {  	v17 =	vld [tilespmem:s7+$0xFFFFFF00];
	v18 =	vmin.u32 v18, $0xC34F;
	[tilespmem:s1+$0xC00] =	vst v14;
	v14 =	vcvt.s32.f32 v16;
	v16 =	vnsel vm0, $0x0, v20  }
0x602: {  	v20 =	vsub.s32 v18, v9;
	[tilespmem:s1+$0xFFFFF400] =	vst v23;
	v16 =	vmin.u32 v16, $0xC34F  }
0x603: {  	vm1 =	vne.s32 v19, v5;
	vm0 =	veq.s32 v7, v24;
	v21 =	vld [tilespmem:s2+$0x80];
	v14 =	vand.u32 $0x80000000, v14  }
0x604: {  	v19 =	vsel vm0, $0x0, v0;
	vm1 =	vmand vm0, vm1;
	v14 =	vor.u32 v14, v2  }
0x605: {  	v22 =	vsub.s32 $0x0, v20;
	[tilespmem:s1+$0xFFFFF490] =	vst v19;
	v14 =	vnsel vm1, $0x0, v14;
	v19 =	vsub.s32 v16, v4  }
0x606: {  	v22 =	vmin.u32 v20, v22;
	v15 =	vnsel vm0, $0x0, v15;
	vm1 =	vgt.s32 v17, $0x0;
	[tilespmem:s1+$0xC90] =	vst v14  }
0x607: {  	v23 =	vcvt.s32.f32 v19;
	v14 =	vnsel vm1, $0x0, v17;
	v17 =	vld.idx.msk [tilespmem:v18+s9+$0x0], $0xffff;
	[tilespmem:s1+$0x90] =	vst v15;
	v15 =	vsub.s32 $0x0, v19  }
0x608: {  	v14 =	vmin.u32 v14, $0xC34F;
	vm1 =	vgt.s32 v21, $0x0;
	v24 =	vld [tilespmem:s2+$0x110];
	v15 =	vmin.u32 v19, v15  }
0x609: {  	v19 =	vsub.s32 v14, v12;
	vm0 =	vne.s32 v14, v12;
	v21 =	vnsel vm1, $0x0, v21;
	v25 =	vld.idx.msk [tilespmem:v16+s9+$0x0], $0xffff  }
0x60a: {  	v26 =	vsub.s32 $0x0, v19;
	v27 =	vcvt.s32.f32 v19;
	v21 =	vmin.u32 v21, $0xC34F  }
0x60b: {  	v20 =	vcvt.s32.f32 v20;
	v19 =	vmin.u32 v19, v26;
	v22 =	vld.idx.msk [tilespmem:v22+s13+$0x0], $0xffff;
	v26 =	vsub.s32 v21, v8  }
0x60c: {  	v27 =	vand.u32 $0x80000000, v27;
	v28 =	vsub.s32 $0x0, v26;
	v29 =	vcvt.s32.f32 v26  }
0x60d: {  	v20 =	vand.u32 $0x80000000, v20;
	vm1 =	vne.s32 v18, v9;
	v14 =	vld.idx.msk [tilespmem:v14+s9+$0x0], $0xffff;
	vm2 =	vgt.s32 v24, $0x0  }
0x60e: {  	vm3 =	veq.s32 v10, v17;
	v17 =	vor.u32 v20, v2;
	v18 =	vnsel vm2, $0x0, v24;
	v20 =	vld.idx.msk [tilespmem:v15+s13+$0x0], $0xffff  }
0x60f: {  	vm1 =	vmand vm3, vm1;
	v15 =	vsel vm3, $0x0, v0;
	v24 =	vld.idx.msk [tilespmem:v21+s9+$0x0], $0xffff;
	v30 =	vmin.u32 v18, $0xC34F  }
0x610: {  	v18 =	vld.idx.msk [tilespmem:v19+s13+$0x0], $0xffff;
	v19 =	vor.u32 v27, v2;
	[tilespmem:s5+$0xFFFFF310] =	vst v15;
	v15 =	vnsel vm1, $0x0, v17;
	v27 =	vsub.s32 v30, v5  }
0x611: {  	v17 =	vnsel vm3, $0x0, v22;
	[tilespmem:s5+$0xB10] =	vst v15;
	v15 =	vmin.u32 v26, v28;
	v22 =	vsub.s32 $0x0, v27  }
0x612: {  	vm3 =	vne.s32 v21, v8;
	[tilespmem:s5+$0xFFFFFF10] =	vst v17;
	v17 =	vand.u32 $0x80000000, v29;
	v21 =	vmin.u32 v27, v22  }
0x613: {  	vm2 =	veq.s32 v6, v25;
	v6 =	vmovc v11;
	vm4 =	veq.s32 v13, v14;
	v22 =	vld [tilespmem:s7+$0xFFFFFF90];
	v14 =	vor.u32 v17, v2  }
0x614: {  	v23 =	vand.u32 $0x80000000, v23;
	v11 =	vmovc v13;
	v17 =	vsel vm4, $0x0, v0;
	vm0 =	vmand vm4, vm0;
	v25 =	vld.idx.msk [tilespmem:v30+s9+$0x0], $0xffff  }
0x615: {  	v13 =	vnsel vm0, $0x0, v19;
	vm1 =	veq.s32 v6, v24;
	vm0 =	vne.s32 v16, v4;
	v4 =	vmovc v8;
	[tilespmem:s5+$0xFFFFF300] =	vst v17  }
.Ltmp10:
0x616: {  	v8 =	vmovc v12;
	v16 =	vnsel vm4, $0x0, v18;
	vm3 =	vmand vm1, vm3;
	[tilespmem:s5+$0xB00] =	vst v13;
	v15 =	vld.idx.msk [tilespmem:v15+s13+$0x0], $0xffff;
	v13 =	vsel vm1, $0x0, v0;
	(pc) =	sbr.rel @p2 .LBB2_14-.Ltmp10, $4  }
0x617: {  	vm0 =	vmand vm2, vm0;
	v12 =	vnsel vm3, $0x0, v14;
	[tilespmem:s5+$0xFFFFFF00] =	vst v16;
	v14 =	vld.idx.msk [tilespmem:v21+s13+$0x0], $0xffff;
	v16 =	vor.u32 v23, v2  }
0x618: {  	v20 =	vnsel vm2, $0x0, v20;
	v19 =	vcvt.s32.f32 v27;
	v17 =	vld [tilespmem:s7+$0xFFFFFF80];
	vm3 =	vgt.s32 v22, $0x0;
	[tilespmem:s1+$0xC80] =	vst v12  }
0x619: {  	v12 =	vnsel vm0, $0x0, v16;
	v18 =	vnsel vm3, $0x0, v22;
	[tilespmem:s1+$0xFFFFF480] =	vst v13;
	v13 =	vsel vm2, $0x0, v0  }
0x61a: {  	s7 =	sadd.s32 $0x20, s7;
	v16 =	vand.u32 $0x80000000, v19;
	vm0 =	veq.s32 v7, v25;
	vm2 =	vne.s32 v30, v5;
	[tilespmem:s0+$0x180] =	vst v20  }
0x61b: {  	v18 =	vmin.u32 v18, $0xC34F  }
0x61c: {  	v19 =	vsub.s32 v18, v9  }
0x61d: {  	vm3 =	vgt.s32 v17, $0x0;
	v20 =	vsub.s32 $0x0, v19  }
0x61e: {  	v17 =	vnsel vm3, $0x0, v17;
	v20 =	vmin.u32 v19, v20  }
0x61f: {  	s4 =	simm.s32 $0x0;
	v17 =	vmin.u32 v17, $0xC34F  }
0x620: {  	v21 =	vsub.s32 v17, v8;
	v23 =	vld.idx.msk [tilespmem:v18+s4+$0x0], $0xffff  }
0x621: {  	v22 =	vsub.s32 $0x0, v21  }
0x622: {  	v22 =	vmin.u32 v21, v22  }
0x623: {  	v19 =	vcvt.s32.f32 v19;
	v20 =	vld.idx.msk [tilespmem:v20+s13+$0x0], $0xffff  }
0x624: {  	vm4 =	vne.s32 v18, v9;
	v24 =	vld.idx.msk [tilespmem:v17+s4+$0x0], $0xffff  }
0x625: {  	vm10 =	vne.s32 v17, v8;
	v52 =	vand.u32 $0x80000000, v19;
	vm5 =	veq.s32 v10, v23  }
0x626: {  	v17 =	vor.u32 v52, v2;
	v55 =	vsel vm5, $0x0, v0;
	vm4 =	vmand vm5, vm4  }
0x627: {  	v53 =	vcvt.s32.f32 v21;
	v54 =	vld.idx.msk [tilespmem:v22+s13+$0x0], $0xffff;
	[tilespmem:s5+$0xFFFFF390] =	vst v55;
	v17 =	vnsel vm4, $0x0, v17  }
0x628: {  	v20 =	vnsel vm5, $0x0, v20;
	[tilespmem:s5+$0xB90] =	vst v17  }
0x629: {  	v18 =	vand.u32 $0x80000000, v53;
	vm11 =	veq.s32 v11, v24;
	[tilespmem:s5+$0xFFFFFF90] =	vst v20  }
0x62a: {  	v56 =	vor.u32 v18, v2;
	vm3 =	vmand vm11, vm10;
	v58 =	vsel vm11, $0x0, v0;
	v59 =	vld [tilespmem:s3+$0x10]  }
0x62b: {  	v17 =	vnsel vm3, $0x0, v56;
	[tilespmem:s5+$0xFFFFF380] =	vst v58  }
0x62c: {  	[tilespmem:s5+$0xB80] =	vst v17;
	v57 =	vnsel vm11, $0x0, v54  }
0x62d: {  	[tilespmem:s5+$0xFFFFFF80] =	vst v57  }
0x62e: {  	v17 =	vld [tilespmem:s3+$0x0]  }
0x62f: {  	vm12 =	vgt.s32 v59, $0x0  }
0x630: {  	v60 =	vnsel vm12, $0x0, v59  }
0x631: {  	v18 =	vmin.u32 v60, $0xC34F  }
0x632: {  	v61 =	vsub.s32 v18, v9  }
0x633: {  	vm13 =	vgt.s32 v17, $0x0;
	v62 =	vsub.s32 $0x0, v61  }
0x634: {  	v17 =	vnsel vm13, $0x0, v17;
	v20 =	vmin.u32 v61, v62  }
0x635: {  	v17 =	vmin.u32 v17, $0xC34F  }
0x636: {  	v63 =	vsub.s32 v17, v8;
	v28 =	vld.idx.msk [tilespmem:v18+s4+$0x0], $0xffff  }
0x637: {  	v27 =	vsub.s32 $0x0, v63  }
0x638: {  	v22 =	vmin.u32 v63, v27  }
0x639: {  	v19 =	vcvt.s32.f32 v61;
	v20 =	vld.idx.msk [tilespmem:v20+s13+$0x0], $0xffff  }
0x63a: {  	v29 =	vld.idx.msk [tilespmem:v17+s4+$0x0], $0xffff  }
0x63b: {  	vm15 =	vne.s32 v18, v9;
	v19 =	vand.u32 $0x80000000, v19;
	vm14 =	veq.s32 v10, v28  }
0x63c: {  	v30 =	vor.u32 v19, v2;
	v31 =	vsel vm14, $0x0, v0;
	vm4 =	vmand vm14, vm15  }
0x63d: {  	v21 =	vcvt.s32.f32 v63;
	v22 =	vld.idx.msk [tilespmem:v22+s13+$0x0], $0xffff;
	[tilespmem:s5+$0xFFFFF410] =	vst v31;
	v18 =	vnsel vm4, $0x0, v30  }
0x63e: {  	v32 =	vnsel vm14, $0x0, v20;
	[tilespmem:s5+$0xC10] =	vst v18  }
0x63f: {  	vm8 =	vne.s32 v17, v8;
	v33 =	vand.u32 $0x80000000, v21;
	vm9 =	veq.s32 v11, v29;
	[tilespmem:s5+$0x10] =	vst v32  }
0x640: {  	v34 =	vor.u32 v33, v2;
	vm3 =	vmand vm9, vm8;
	v19 =	vld [tilespmem:s3+$0x90];
	v36 =	vsel vm9, $0x0, v0  }
0x641: {  	v17 =	vnsel vm3, $0x0, v34;
	[tilespmem:s5+$0xFFFFF400] =	vst v36  }
0x642: {  	v35 =	vnsel vm9, $0x0, v22;
	[tilespmem:s5+$0xC00] =	vst v17  }
0x643: {  	[tilespmem:s5+$0x0] =	vst v35  }
0x644: {  	v17 =	vld [tilespmem:s3+$0x80]  }
0x645: {  	vm10 =	vgt.s32 v19, $0x0  }
0x646: {  	v37 =	vnsel vm10, $0x0, v19  }
0x647: {  	v18 =	vmin.u32 v37, $0xC34F  }
0x648: {  	v38 =	vsub.s32 v18, v9  }
0x649: {  	vm11 =	vgt.s32 v17, $0x0;
	v39 =	vsub.s32 $0x0, v38  }
0x64a: {  	v17 =	vnsel vm11, $0x0, v17;
	v20 =	vmin.u32 v38, v39  }
0x64b: {  	v17 =	vmin.u32 v17, $0xC34F  }
0x64c: {  	v40 =	vld.idx.msk [tilespmem:v18+s4+$0x0], $0xffff;
	v41 =	vsub.s32 v17, v8  }
0x64d: {  	v42 =	vsub.s32 $0x0, v41  }
0x64e: {  	v23 =	vmin.u32 v41, v42  }
0x64f: {  	v19 =	vcvt.s32.f32 v38;
	v20 =	vld.idx.msk [tilespmem:v20+s13+$0x0], $0xffff  }
0x650: {  	v15 =	vnsel vm1, $0x0, v15;
	v43 =	vld.idx.msk [tilespmem:v17+s4+$0x0], $0xffff  }
0x651: {  	[tilespmem:s1+$0x80] =	vst v15;
	vm13 =	vne.s32 v18, v9;
	v44 =	vand.u32 $0x80000000, v19;
	vm12 =	veq.s32 v10, v40  }
0x652: {  	v45 =	vld [tilespmem:s2+$0x100];
	v15 =	vor.u32 v44, v2;
	vm3 =	vmand vm12, vm13;
	v21 =	vsel vm12, $0x0, v0  }
0x653: {  	v46 =	vcvt.s32.f32 v41;
	v15 =	vnsel vm3, $0x0, v15;
	v47 =	vld.idx.msk [tilespmem:v23+s13+$0x0], $0xffff;
	[tilespmem:s5+$0xFFFFF490] =	vst v21  }
0x654: {  	v48 =	vnsel vm12, $0x0, v20;
	[tilespmem:s5+$0xC90] =	vst v15  }
0x655: {  	vm14 =	vne.s32 v17, v8;
	v19 =	vand.u32 $0x80000000, v46;
	vm15 =	veq.s32 v11, v43;
	[tilespmem:s5+$0x90] =	vst v48  }
0x656: {  	v49 =	vor.u32 v19, v2;
	vm5 =	vmand vm15, vm14;
	v17 =	vld [tilespmem:s3+$0x110];
	v50 =	vsel vm15, $0x0, v0  }
0x657: {  	vm6 =	vgt.s32 v45, $0x0;
	v15 =	vnsel vm5, $0x0, v49;
	[tilespmem:s5+$0xFFFFF480] =	vst v50  }
0x658: {  	v18 =	vnsel vm6, $0x0, v45;
	[tilespmem:s5+$0xC80] =	vst v15;
	v51 =	vnsel vm15, $0x0, v47  }
0x659: {  	v52 =	vmin.u32 v18, $0xC34F;
	[tilespmem:s5+$0x80] =	vst v51  }
0x65a: {  	v54 =	vsub.s32 v52, v4;
	v53 =	vld [tilespmem:s3+$0x100]  }
0x65b: {  	v16 =	vor.u32 v16, v2;
	v55 =	vsub.s32 $0x0, v54;
	vm7 =	vgt.s32 v17, $0x0  }
0x65c: {  	v14 =	vnsel vm0, $0x0, v14;
	v20 =	vmin.u32 v54, v55;
	v17 =	vnsel vm7, $0x0, v17  }
0x65d: {  	[tilespmem:s1+$0x110] =	vst v14;
	v57 =	vsel vm0, $0x0, v0;
	vm9 =	vmand vm0, vm2;
	v17 =	vmin.u32 v17, $0xC34F  }
0x65e: {  	[tilespmem:s1+$0xFFFFF510] =	vst v57;
	v16 =	vnsel vm9, $0x0, v16;
	v58 =	vld.idx.msk [tilespmem:v52+s4+$0x0], $0xffff;
	v56 =	vsub.s32 v17, v9  }
0x65f: {  	[tilespmem:s1+$0xD10] =	vst v16;
	vm8 =	vgt.s32 v53, $0x0;
	v59 =	vsub.s32 $0x0, v56  }
0x660: {  	v28 =	vld [tilespmem:s2+$0x190];
	v19 =	vcvt.s32.f32 v54;
	v18 =	vnsel vm8, $0x0, v53;
	v24 =	vmin.u32 v56, v59  }
0x661: {  	v20 =	vld.idx.msk [tilespmem:v20+s13+$0x0], $0xffff;
	v18 =	vmin.u32 v18, $0xC34F  }
0x662: {  	vm10 =	vne.s32 v52, v4;
	v62 =	vand.u32 $0x80000000, v19;
	v60 =	vsub.s32 v18, v8;
	v61 =	vld.idx.msk [tilespmem:v17+s4+$0x0], $0xffff  }
0x663: {  	v14 =	vor.u32 v62, v2;
	vm11 =	veq.s32 v6, v58;
	v25 =	vsub.s32 $0x0, v60  }
0x664: {  	v29 =	vsel vm11, $0x0, v0;
	vm0 =	vmand vm11, vm10;
	v63 =	vmin.u32 v60, v25  }
0x665: {  	[tilespmem:s1+$0xFFFFF500] =	vst v29;
	v14 =	vnsel vm0, $0x0, v14;
	v21 =	vcvt.s32.f32 v56;
	v30 =	vld.idx.msk [tilespmem:v24+s13+$0x0], $0xffff  }
0x666: {  	vm14 =	vgt.s32 v28, $0x0;
	[tilespmem:s1+$0xD00] =	vst v14;
	v31 =	vnsel vm11, $0x0, v20;
	v32 =	vld.idx.msk [tilespmem:v18+s4+$0x0], $0xffff  }
0x667: {  	vm13 =	vne.s32 v17, v9;
	[tilespmem:s1+$0x100] =	vst v31;
	v33 =	vand.u32 $0x80000000, v21;
	vm12 =	veq.s32 v10, v61  }
0x668: {  	v37 =	vld [tilespmem:s2+$0x180];
	v34 =	vor.u32 v33, v2;
	v35 =	vsel vm12, $0x0, v0;
	vm1 =	vmand vm12, vm13  }
0x669: {  	v40 =	vnsel vm14, $0x0, v28;
	v39 =	vcvt.s32.f32 v60;
	v36 =	vld.idx.msk [tilespmem:v63+s13+$0x0], $0xffff;
	[tilespmem:s5+$0xFFFFF510] =	vst v35;
	v14 =	vnsel vm1, $0x0, v34  }
0x66a: {  	v42 =	vmin.u32 v40, $0xC34F;
	v38 =	vnsel vm12, $0x0, v30;
	[tilespmem:s5+$0xD10] =	vst v14  }
0x66b: {  	vm4 =	vne.s32 v18, v8;
	v14 =	vand.u32 $0x80000000, v39;
	[tilespmem:s5+$0x110] =	vst v38;
	vm15 =	veq.s32 v11, v32  }
0x66c: {  	v14 =	vor.u32 v14, v2;
	v17 =	vld [tilespmem:s3+$0x190];
	v41 =	vsel vm15, $0x0, v0;
	vm1 =	vmand vm15, vm4  }
0x66d: {  	[tilespmem:s5+$0xFFFFF500] =	vst v41;
	v14 =	vnsel vm1, $0x0, v14  }
0x66e: {  	vm5 =	vgt.s32 v37, $0x0;
	v16 =	vnsel vm15, $0x0, v36;
	[tilespmem:s5+$0xD00] =	vst v14  }
0x66f: {  	v15 =	vnsel vm5, $0x0, v37;
	[tilespmem:s5+$0x100] =	vst v16  }
0x670: {  	v15 =	vmin.u32 v15, $0xC34F;
	v45 =	vld [tilespmem:s3+$0x180]  }
0x671: {  	v48 =	vld.idx.msk [tilespmem:v42+s4+$0x0], $0xffff;
	v46 =	vsub.s32 v15, v4;
	vm6 =	vgt.s32 v17, $0x0  }
0x672: {  	v43 =	vsub.s32 v42, v5;
	v47 =	vsub.s32 $0x0, v46;
	v17 =	vnsel vm6, $0x0, v17  }
0x673: {  	v44 =	vsub.s32 $0x0, v43;
	v21 =	vmin.u32 v46, v47;
	v17 =	vmin.u32 v17, $0xC34F  }
0x674: {  	v14 =	vmin.u32 v43, v44;
	v49 =	vsub.s32 v17, v9  }
0x675: {  	vm9 =	vne.s32 v42, v5;
	v51 =	vld.idx.msk [tilespmem:v15+s4+$0x0], $0xffff;
	v50 =	vsub.s32 $0x0, v49;
	vm7 =	vgt.s32 v45, $0x0  }
0x676: {  	vm8 =	veq.s32 v7, v48;
	v24 =	vmin.u32 v49, v50;
	v19 =	vnsel vm7, $0x0, v45  }
0x677: {  	v58 =	vsel vm8, $0x0, v0;
	v16 =	vcvt.s32.f32 v43;
	v19 =	vmin.u32 v19, $0xC34F  }
0x678: {  	vm11 =	vne.s32 v15, v4;
	v54 =	vcvt.s32.f32 v46;
	v5 =	vld.idx.msk [tilespmem:v21+s13+$0x0], $0xffff;
	v26 =	vsub.s32 v19, v8  }
0x679: {  	[tilespmem:s0+$0xD80] =	vst v12;
	vm1 =	vmand vm8, vm9;
	v53 =	vand.u32 $0x80000000, v16;
	v14 =	vld.idx.msk [tilespmem:v14+s13+$0x0], $0xffff;
	v52 =	vsub.s32 $0x0, v26  }
0x67a: {  	[tilespmem:s0+$0xFFFFF580] =	vst v13;
	v16 =	vand.u32 $0x80000000, v54;
	vm10 =	veq.s32 v6, v51;
	v55 =	vld.idx.msk [tilespmem:v17+s4+$0x0], $0xffff;
	v7 =	vmin.u32 v26, v52  }
0x67b: {  	v12 =	vor.u32 v53, v2;
	v4 =	vor.u32 v16, v2;
	v61 =	vsel vm10, $0x0, v0;
	[tilespmem:s1+$0xFFFFF590] =	vst v58;
	v57 =	vld.idx.msk [tilespmem:v24+s13+$0x0], $0xffff  }
0x67c: {  	v12 =	vnsel vm1, $0x0, v12;
	vm1 =	vmand vm10, vm11;
	[tilespmem:s1+$0xFFFFF580] =	vst v61;
	v59 =	vcvt.s32.f32 v49;
	v60 =	vld.idx.msk [tilespmem:v19+s4+$0x0], $0xffff  }
0x67d: {  	[tilespmem:s1+$0xD90] =	vst v12;
	v5 =	vnsel vm10, $0x0, v5;
	v4 =	vnsel vm1, $0x0, v4  }
0x67e: {  	vm13 =	vne.s32 v17, v9;
	[tilespmem:s1+$0x180] =	vst v5;
	v6 =	vand.u32 $0x80000000, v59;
	v62 =	vcvt.s32.f32 v26  }
0x67f: {  	[tilespmem:s1+$0xD80] =	vst v4;
	v56 =	vnsel vm8, $0x0, v14;
	v6 =	vor.u32 v6, v2;
	vm12 =	veq.s32 v10, v55;
	v5 =	vld.idx.msk [tilespmem:v7+s13+$0x0], $0xffff  }
0x680: {  	vm15 =	vne.s32 v19, v8;
	[tilespmem:s1+$0x190] =	vst v56;
	v63 =	vand.u32 $0x80000000, v62;
	v4 =	vnsel vm12, $0x0, v57  }
0x681: {  	vm1 =	vmand vm12, vm13;
	[tilespmem:s5+$0x190] =	vst v4;
	v4 =	vsel vm12, $0x0, v0;
	vm14 =	veq.s32 v11, v60  }
0x682: {  	v6 =	vnsel vm1, $0x0, v6;
	[tilespmem:s5+$0xFFFFF590] =	vst v4;
	v4 =	vor.u32 v63, v2;
	vm1 =	vmand vm14, vm15  }
0x683: {  	[tilespmem:s5+$0xD90] =	vst v6;
	v4 =	vnsel vm1, $0x0, v4  }
.Ltmp11:
0x684: {  	v5 =	vnsel vm14, $0x0, v5;
	[tilespmem:s5+$0xD80] =	vst v4;
	(pc) =	sbr.rel .LBB2_16-.Ltmp11, $3  }
0x685: {  	[tilespmem:s5+$0x180] =	vst v5;
	v5 =	vsel vm14, $0x0, v0  }
0x686: {  	[tilespmem:s5+$0xFFFFF580] =	vst v5  }
0x687: {  	s0 =	sld [smem:$0x7FA];
	_ =	sdelay $0x1  }
.LBB2_18:
0x688: {  	_ =	sfence.sel $0x180000  }
0x689: {  	[bflag:$0x0] =	sbarrier.arrive $0xFFFF  }
0x68a: {  	_ =	strace $0x90000047  }
0x68b: {  	s0 =	stileid.u32;
	[bflag:$0x2] =	sbarrier.arrive $0xFFFF  }
0x68c: {  	p0 =	sne.s32 s0, $0x0;
	s0 =	rddreg [dreg:$0x4]  }
0x68d: {  	s0 =	sadd.s32 @!p0 $0x100000, s0  }
0x68e: {  	[sflag:s0] =	ssyncadd.tile.s32 @!p0 $0x1;
	_ =	shalt  }
.Lfunc_end2:
_tile_overlayer_lowered:
.L_overlay_start_2:
0x68f: {  	(tag) =	ssettag $0x2  }
0x690: {  	s0 =	rddreg [dreg:$0x0];
	s2 =	stileid.u32  }
0x691: {  	s1 =	rddreg [dreg:$0x1];
	p0 =	sne.s32 s2, $0x0  }
0x692: {  	s3 =	rddreg [dreg:$0x2];
	[bflag:$0x3] =	sbarrier.arrive $0xFFFF;
	s2 =	simm.s32 @!p0 $0x1C07  }
0x693: {  	[timem:s3], [sflag:s2] =	dma.local @!p0 [hbm:s0], s1  }
0x694: {  	s0 =	simm.s32 @!p0 $0x7  }
0x695: {  	_ =	swait.ge @!p0 [sflag:s0], s1  }
0x696: {  	s1 =	ssub.s32 @!p0 $0x0, s1;
	[sflag:s0] =	ssyncset.done @!p0 $0x0  }
0x697: {  	[sflag:s0] =	ssyncadd.s32 @!p0 s1  }
0x698: {  	[bflag:$0x3] =	sbarrier.arrive $0xFFFF  }
0x699: {  	_ =	shalt  }

</sc_bundles>
